<compile_context>
chip_gen: v7x
topology: tpu7x:2x2x1
jax: 0.10.2.dev20260603
libtpu: 0.0.44.dev20260713+nightly
codegen_flags: <defaults>
</compile_context>

<pallas_src>
import jax
import jax.numpy as jnp
from jax import lax
from jax.experimental import pallas as pl
from jax.experimental.pallas import tpu as pltpu
from jax.experimental.pallas import tpu_sc as plsc

DIM = 64
SEQ = 50
BATCH = 16384
NC, NS = 2, 16
NW = NC * NS
B_PER_W = BATCH // NW
VREGS_B = B_PER_W // 16


def _sc_body(idx_hbm, coef_hbm, out_hbm, idx_v, coef_v, xf_v, stage_v, sem):
    wid = lax.axis_index("s") * NC + lax.axis_index("c")
    b0 = wid * B_PER_W

    pltpu.sync_copy(idx_hbm.at[pl.ds(b0, B_PER_W)], idx_v)
    pltpu.sync_copy(coef_hbm, coef_v)

    iota = lax.iota(jnp.int32, 16)

    def compute_plane(t, buf):
        @plsc.parallel_loop(0, VREGS_B, unroll=4)
        def stage_x(vb):
            bidx = vb * 16 + iota
            x = plsc.load_gather(idx_v, [bidx, jnp.full((16,), t, jnp.int32)])
            xf_v[pl.ds(vb * 16, 16)] = x.astype(jnp.float32)

        @plsc.parallel_loop(0, DIM, unroll=2)
        def col(c):
            a = coef_v[c, pl.ds(0, 16)]
            b = coef_v[c, pl.ds(16, 16)]
            q = coef_v[c, pl.ds(32, 16)]
            ch = c // 8
            cl = c % 8
            for vb in range(VREGS_B):
                x = xf_v[pl.ds(vb * 16, 16)]
                stage_v[buf, ch, vb // 8, cl,
                        pl.ds((vb % 8) * 16, 16)] = a + x * (b + x * q)

    bh0 = wid * (B_PER_W // 128)

    def run():
        def body(i, carry):
            for par in range(2):
                t = 2 * i + par

                @pl.when(t >= 2)
                def _():
                    pltpu.make_async_copy(
                        stage_v.at[par],
                        out_hbm.at[t - 2, :, pl.ds(bh0, B_PER_W // 128)],
                        sem).wait()

                compute_plane(t, par)
                pltpu.async_copy(
                    stage_v.at[par],
                    out_hbm.at[t, :, pl.ds(bh0, B_PER_W // 128)], sem)
            return carry

        lax.fori_loop(0, SEQ // 2, body, 0)
        for t in (SEQ - 2, SEQ - 1):
            pltpu.make_async_copy(
                stage_v.at[t % 2],
                out_hbm.at[t, :, pl.ds(bh0, B_PER_W // 128)], sem).wait()

    run()


@jax.jit
def _embed(discard_data, table):
    a = table[0]
    q = (table[2] - 2.0 * table[1] + table[0]) * 0.5
    b = table[1] - table[0] - q
    coef = jnp.stack([a, b, q], axis=1)
    coef = jnp.repeat(coef, 16, axis=1)
    mesh = plsc.VectorSubcoreMesh(core_axis_name="c", subcore_axis_name="s")
    out = pl.kernel(
        _sc_body,
        out_type=jax.ShapeDtypeStruct((SEQ, DIM // 8, BATCH // 128, 8, 128),
                                      jnp.float32),
        mesh=mesh,
        compiler_params=pltpu.CompilerParams(needs_layout_passes=False,
                                             use_tc_tiling_on_sc=False),
        scratch_types=[
            pltpu.VMEM((B_PER_W, SEQ), jnp.int32),
            pltpu.VMEM((DIM, 48), jnp.float32),
            pltpu.VMEM((B_PER_W,), jnp.float32),
            pltpu.VMEM((2, DIM // 8, B_PER_W // 128, 8, 128), jnp.float32),
            pltpu.SemaphoreType.DMA,
        ],
    )(discard_data, coef)
    out = jnp.transpose(out, (2, 4, 0, 1, 3))
    return out.reshape(BATCH, SEQ, DIM)


def kernel(discard_data, table):
    return _embed(discard_data, table)

# --- scband reference (transcript-rebuilt; emitter-appended) ---
"""Pipeline reference for scband-discard-data-embedding-35150012350804 (READ-ONLY COPY).

The authoritative reference and input builder live on the scoring server;
editing this copy changes nothing except your own understanding.
"""

import jax, jax.numpy as jnp
import numpy as np

DIM_OUT = 64
NUM_EMB = 3

def setup_inputs(seed: int = 0) -> dict:
    key = jax.random.key(seed)
    k1, k2 = jax.random.split(key)
    discard_data = jax.random.randint(k1, (16384, 50), 0, NUM_EMB, dtype=jnp.int64 if jax.config.jax_enable_x64 else jnp.int32)
    # nn.Embedding default init: N(0, 1)
    table = jax.random.normal(k2, (NUM_EMB, DIM_OUT), dtype=jnp.float32)
    return {"discard_data": discard_data, "table": table}

def reference(discard_data, table):
    # Faithful translation of nn.Embedding lookup: out[b, t, :] = table[discard_data[b, t], :]
    return jnp.take(table, discard_data, axis=0)

if __name__ == "__main__":
    import jax
    _d = setup_inputs()
    print(jax.jit(kernel)(*tuple(_d.values())))

</pallas_src>

<mosaic_0001>
#map = affine_map<(d0, d1) -> (0, 0)>
#map1 = affine_map<(d0, d1) -> (0, 0, 0, 0, 0)>
module attributes {stable_mosaic.version = 14 : i64} {
  func.func @_sc_body(%arg0: i32, %arg1: i32, %arg2: memref<16384x50xi32, #tpu.memory_space<hbm>>, %arg3: memref<64x48xf32, #tpu.memory_space<hbm>>, %arg4: memref<50x8x128x8x128xf32, #tpu.memory_space<hbm>>, %arg5: memref<512x50xi32, #tpu.memory_space<vmem>>, %arg6: memref<64x48xf32, #tpu.memory_space<vmem>>, %arg7: memref<512xf32, #tpu.memory_space<vmem>>, %arg8: memref<2x8x4x8x128xf32, #tpu.memory_space<vmem>>, %arg9: memref<!tpu.dma_semaphore, #tpu.memory_space<semaphore_mem>>) attributes {dimension_semantics = [#tpu.dimension_semantics<core_parallel>, #tpu.dimension_semantics<subcore_parallel>], iteration_bounds = array<i64: 2, 16>, scalar_prefetch = 0 : i64, scratch_operands = 5 : i64, tpu.core_type = #tpu.core_type<sc_vector_subcore>, window_params = [{transform_indices = #map}, {transform_indices = #map}, {transform_indices = #map1}]} {
    %mul3A = arith.constant 2 : i32
    %mul3A_0 = arith.muli %arg1, %mul3A : i32
    %add3A = arith.addi %mul3A_0, %arg0 : i32
    %mul3A_1 = arith.constant 512 : i32
    %mul3A_2 = arith.muli %add3A, %mul3A_1 : i32
    "tpu.region"() ({
      %run_scoped3A = tpu.sem_alloc : memref<!tpu.dma_semaphore, #tpu.memory_space<semaphore_mem>>
      %dma_start3A = arith.constant 0 : i32
      %dma_start3A_57 = tpu.memref_slice %arg2[%mul3A_2, %dma_start3A] : memref<16384x50xi32, #tpu.memory_space<hbm>> -> memref<512x50xi32, #tpu.memory_space<hbm>>
      %dma_start3A_58 = arith.constant 0 : i32
      %dma_start3A_59 = tpu.memref_slice %arg2[%mul3A_2, %dma_start3A_58] : memref<16384x50xi32, #tpu.memory_space<hbm>> -> memref<512x50xi32, #tpu.memory_space<hbm>>
      tpu.enqueue_dma source(%dma_start3A_59 : memref<512x50xi32, #tpu.memory_space<hbm>>) target(%arg5 : memref<512x50xi32, #tpu.memory_space<vmem>>) target_semaphore(%run_scoped3A : memref<!tpu.dma_semaphore, #tpu.memory_space<semaphore_mem>>)
      %dma_wait3A_60 = arith.constant 0 : i32
      %dma_wait3A_61 = tpu.memref_slice %arg2[%mul3A_2, %dma_wait3A_60] : memref<16384x50xi32, #tpu.memory_space<hbm>> -> memref<512x50xi32, #tpu.memory_space<hbm>>
      %dma_wait3A_62 = arith.constant 0 : i32
      %dma_wait3A_63 = tpu.memref_slice %arg2[%mul3A_2, %dma_wait3A_62] : memref<16384x50xi32, #tpu.memory_space<hbm>> -> memref<512x50xi32, #tpu.memory_space<hbm>>
      tpu.wait_dma2 semaphore(%run_scoped3A : memref<!tpu.dma_semaphore, #tpu.memory_space<semaphore_mem>>) src(%dma_wait3A_63 : memref<512x50xi32, #tpu.memory_space<hbm>>) dst(%arg5 : memref<512x50xi32, #tpu.memory_space<vmem>>)
      tpu.yield
    }) : () -> ()
    "tpu.region"() ({
      %run_scoped3A = tpu.sem_alloc : memref<!tpu.dma_semaphore, #tpu.memory_space<semaphore_mem>>
      tpu.enqueue_dma source(%arg3 : memref<64x48xf32, #tpu.memory_space<hbm>>) target(%arg6 : memref<64x48xf32, #tpu.memory_space<vmem>>) target_semaphore(%run_scoped3A : memref<!tpu.dma_semaphore, #tpu.memory_space<semaphore_mem>>)
      tpu.wait_dma2 semaphore(%run_scoped3A : memref<!tpu.dma_semaphore, #tpu.memory_space<semaphore_mem>>) src(%arg3 : memref<64x48xf32, #tpu.memory_space<hbm>>) dst(%arg6 : memref<64x48xf32, #tpu.memory_space<vmem>>)
      tpu.yield
    }) : () -> ()
    %iota3A = tpu.iota {dimensions = array<i32: 0>} : vector<16xi32>
    %mul3A_3 = arith.constant 4 : i32
    %mul3A_4 = arith.muli %add3A, %mul3A_3 : i32
    %scan3A = arith.constant 0 : i32
    %scan3A_5 = arith.constant 0 : i32
    %scan3A_6 = arith.constant 25 : i32
    %scan3A_7 = arith.addi %scan3A_5, %scan3A_6 : i32
    %scan3A_8 = arith.constant 1 : i32
    scf.for %scan3A_57 = %scan3A_5 to %scan3A_7 step %scan3A_8  : i32 {
      %mul3A_58 = arith.constant 2 : i32
      %mul3A_59 = arith.muli %mul3A_58, %scan3A_57 : i32
      %add3A_60 = arith.constant 0 : i32
      %add3A_61 = arith.addi %mul3A_59, %add3A_60 : i32
      %ge3A = arith.constant 2 : i32
      %ge3A_62 = arith.cmpi sge, %add3A_61, %ge3A : i32
      %convert_element_type3A = arith.extui %ge3A_62 : i1 to i32
      %cond3A = arith.constant 0 : i32
      %cond3A_63 = arith.cmpi ne, %convert_element_type3A, %cond3A : i32
      scf.if %cond3A_63 {
        %sub3A = arith.constant 2 : i32
        %sub3A_129 = arith.subi %add3A_61, %sub3A : i32
        %dma_wait3A_130 = arith.constant 0 : i32
        %dma_wait3A_131 = arith.constant 0 : i32
        %dma_wait3A_132 = arith.constant 0 : i32
        %dma_wait3A_133 = arith.constant 0 : i32
        %dma_wait3A_134 = arith.constant 0 : i32
        %dma_wait3A_135 = tpu.memref_slice %arg8[%dma_wait3A_130, %dma_wait3A_131, %dma_wait3A_132, %dma_wait3A_133, %dma_wait3A_134] : memref<2x8x4x8x128xf32, #tpu.memory_space<vmem>> -> memref<1x8x4x8x128xf32, #tpu.memory_space<vmem>>
        %dma_wait3A_136 = tpu.memref_squeeze %dma_wait3A_135 : memref<1x8x4x8x128xf32, #tpu.memory_space<vmem>> -> memref<8x4x8x128xf32, #tpu.memory_space<vmem>>
        %dma_wait3A_137 = arith.constant 0 : i32
        %dma_wait3A_138 = arith.constant 0 : i32
        %dma_wait3A_139 = arith.constant 0 : i32
        %dma_wait3A_140 = tpu.memref_slice %arg4[%sub3A_129, %dma_wait3A_137, %mul3A_4, %dma_wait3A_138, %dma_wait3A_139] : memref<50x8x128x8x128xf32, #tpu.memory_space<hbm>> -> memref<1x8x4x8x128xf32, #tpu.memory_space<hbm>>
        %dma_wait3A_141 = tpu.memref_squeeze %dma_wait3A_140 : memref<1x8x4x8x128xf32, #tpu.memory_space<hbm>> -> memref<8x4x8x128xf32, #tpu.memory_space<hbm>>
        %dma_wait3A_142 = arith.constant 0 : i32
        %dma_wait3A_143 = arith.constant 0 : i32
        %dma_wait3A_144 = arith.constant 0 : i32
        %dma_wait3A_145 = tpu.memref_slice %arg4[%sub3A_129, %dma_wait3A_142, %mul3A_4, %dma_wait3A_143, %dma_wait3A_144] : memref<50x8x128x8x128xf32, #tpu.memory_space<hbm>> -> memref<1x8x4x8x128xf32, #tpu.memory_space<hbm>>
        %dma_wait3A_146 = tpu.memref_squeeze %dma_wait3A_145 : memref<1x8x4x8x128xf32, #tpu.memory_space<hbm>> -> memref<8x4x8x128xf32, #tpu.memory_space<hbm>>
        %dma_wait3A_147 = arith.constant 0 : i32
        %dma_wait3A_148 = arith.constant 0 : i32
        %dma_wait3A_149 = arith.constant 0 : i32
        %dma_wait3A_150 = arith.constant 0 : i32
        %dma_wait3A_151 = tpu.memref_slice %arg8[%dma_wait3A_130, %dma_wait3A_147, %dma_wait3A_148, %dma_wait3A_149, %dma_wait3A_150] : memref<2x8x4x8x128xf32, #tpu.memory_space<vmem>> -> memref<1x8x4x8x128xf32, #tpu.memory_space<vmem>>
        %dma_wait3A_152 = tpu.memref_squeeze %dma_wait3A_151 : memref<1x8x4x8x128xf32, #tpu.memory_space<vmem>> -> memref<8x4x8x128xf32, #tpu.memory_space<vmem>>
        tpu.wait_dma2 semaphore(%arg9 : memref<!tpu.dma_semaphore, #tpu.memory_space<semaphore_mem>>) src(%dma_wait3A_152 : memref<8x4x8x128xf32, #tpu.memory_space<vmem>>) dst(%dma_wait3A_146 : memref<8x4x8x128xf32, #tpu.memory_space<hbm>>)
      } else {
      }
      %parallel_loop3A = arith.constant 0 : i32
      %parallel_loop3A_64 = arith.constant 32 : i32
      %parallel_loop3A_65 = arith.constant 1 : i32
      scf.for %parallel_loop3A_129 = %parallel_loop3A to %parallel_loop3A_64 step %parallel_loop3A_65  : i32 {
        %parallel_loop3A_130 = arith.constant 16 : i32
        %parallel_loop3A_131 = arith.muli %parallel_loop3A_129, %parallel_loop3A_130 : i32
        %parallel_loop3A_132 = vector.broadcast %parallel_loop3A_131 : i32 to vector<16xi32>
        %parallel_loop3A_133 = arith.addi %parallel_loop3A_132, %iota3A : vector<16xi32>
        %parallel_loop3A_134 = vector.broadcast %add3A_61 : i32 to vector<16xi32>
        %parallel_loop3A_135 = tpu.vector_load_idx %arg5[%parallel_loop3A_133, %parallel_loop3A_134] : memref<512x50xi32, #tpu.memory_space<vmem>>[vector<16xi32>, vector<16xi32>], vector<16xi32>,
        %parallel_loop3A_136 = arith.sitofp %parallel_loop3A_135 : vector<16xi32> to vector<16xf32>
        %parallel_loop3A_137 = arith.constant 16 : i32
        %parallel_loop3A_138 = arith.muli %parallel_loop3A_129, %parallel_loop3A_137 : i32
        %parallel_loop3A_139 = arith.index_cast %parallel_loop3A_138 : i32 to index
        %parallel_loop3A_140 = tpu.vector_load %arg7[%parallel_loop3A_139] {strides = array<i32>} : memref<512xf32, #tpu.memory_space<vmem>>, vector<16xf32>,
        tpu.vector_store %arg7[%parallel_loop3A_139], %parallel_loop3A_136 {strides = array<i32>} : memref<512xf32, #tpu.memory_space<vmem>>, vector<16xf32>,
      } {sc.loop_unroll_factor = 4 : i64, sc.parallel_access}
      %parallel_loop3A_66 = arith.constant 0 : i32
      %parallel_loop3A_67 = arith.constant 64 : i32
      %parallel_loop3A_68 = arith.constant 1 : i32
      scf.for %parallel_loop3A_129 = %parallel_loop3A_66 to %parallel_loop3A_67 step %parallel_loop3A_68  : i32 {
        %parallel_loop3A_130 = arith.index_cast %parallel_loop3A_129 : i32 to index
        %parallel_loop3A_131 = arith.constant 0 : index
        %parallel_loop3A_132 = tpu.vector_load %arg6[%parallel_loop3A_130, %parallel_loop3A_131] {strides = array<i32>} : memref<64x48xf32, #tpu.memory_space<vmem>>, vector<16xf32>,
        %parallel_loop3A_133 = arith.index_cast %parallel_loop3A_129 : i32 to index
        %parallel_loop3A_134 = arith.constant 16 : index
        %parallel_loop3A_135 = tpu.vector_load %arg6[%parallel_loop3A_133, %parallel_loop3A_134] {strides = array<i32>} : memref<64x48xf32, #tpu.memory_space<vmem>>, vector<16xf32>,
        %parallel_loop3A_136 = arith.index_cast %parallel_loop3A_129 : i32 to index
        %parallel_loop3A_137 = arith.constant 32 : index
        %parallel_loop3A_138 = tpu.vector_load %arg6[%parallel_loop3A_136, %parallel_loop3A_137] {strides = array<i32>} : memref<64x48xf32, #tpu.memory_space<vmem>>, vector<16xf32>,
        %parallel_loop3A_139 = arith.constant 8 : i32
        %parallel_loop3A_140 = arith.divsi %parallel_loop3A_129, %parallel_loop3A_139 : i32
        %parallel_loop3A_141 = arith.constant 0 : i32
        %parallel_loop3A_142 = arith.cmpi sgt, %parallel_loop3A_129, %parallel_loop3A_141 : i32
        %parallel_loop3A_143 = arith.extui %parallel_loop3A_142 : i1 to i32
        %parallel_loop3A_144 = arith.constant 0 : i32
        %parallel_loop3A_145 = arith.cmpi slt, %parallel_loop3A_129, %parallel_loop3A_144 : i32
        %parallel_loop3A_146 = arith.extui %parallel_loop3A_145 : i1 to i32
        %parallel_loop3A_147 = arith.subi %parallel_loop3A_143, %parallel_loop3A_146 : i32
        %parallel_loop3A_148 = arith.constant 0 : i32
        %parallel_loop3A_149 = arith.cmpi sgt, %parallel_loop3A_139, %parallel_loop3A_148 : i32
        %parallel_loop3A_150 = arith.extui %parallel_loop3A_149 : i1 to i32
        %parallel_loop3A_151 = arith.constant 0 : i32
        %parallel_loop3A_152 = arith.cmpi slt, %parallel_loop3A_139, %parallel_loop3A_151 : i32
        %parallel_loop3A_153 = arith.extui %parallel_loop3A_152 : i1 to i32
        %parallel_loop3A_154 = arith.subi %parallel_loop3A_150, %parallel_loop3A_153 : i32
        %parallel_loop3A_155 = arith.cmpi ne, %parallel_loop3A_147, %parallel_loop3A_154 : i32
        %parallel_loop3A_156 = arith.remsi %parallel_loop3A_129, %parallel_loop3A_139 : i32
        %parallel_loop3A_157 = arith.constant 0 : i32
        %parallel_loop3A_158 = arith.cmpi ne, %parallel_loop3A_156, %parallel_loop3A_157 : i32
        %parallel_loop3A_159 = arith.andi %parallel_loop3A_155, %parallel_loop3A_158 : i1
        %parallel_loop3A_160 = arith.constant 1 : i32
        %parallel_loop3A_161 = arith.subi %parallel_loop3A_140, %parallel_loop3A_160 : i32
        %parallel_loop3A_162 = arith.select %parallel_loop3A_159, %parallel_loop3A_161, %parallel_loop3A_140 : i32
        %parallel_loop3A_163 = arith.constant 8 : i32
        %parallel_loop3A_164 = arith.constant 0 : i32
        %parallel_loop3A_165 = arith.cmpi eq, %parallel_loop3A_163, %parallel_loop3A_164 : i32
        %parallel_loop3A_166 = arith.constant 1 : i32
        %parallel_loop3A_167 = arith.select %parallel_loop3A_165, %parallel_loop3A_166, %parallel_loop3A_163 : i32
        %parallel_loop3A_168 = arith.remsi %parallel_loop3A_129, %parallel_loop3A_167 : i32
        %parallel_loop3A_169 = arith.constant 0 : i32
        %parallel_loop3A_170 = arith.cmpi ne, %parallel_loop3A_168, %parallel_loop3A_169 : i32
        %parallel_loop3A_171 = arith.constant 0 : i32
        %parallel_loop3A_172 = arith.cmpi slt, %parallel_loop3A_168, %parallel_loop3A_171 : i32
        %parallel_loop3A_173 = arith.constant 0 : i32
        %parallel_loop3A_174 = arith.cmpi slt, %parallel_loop3A_167, %parallel_loop3A_173 : i32
        %parallel_loop3A_175 = arith.xori %parallel_loop3A_172, %parallel_loop3A_174 : i1
        %parallel_loop3A_176 = arith.andi %parallel_loop3A_175, %parallel_loop3A_170 : i1
        %parallel_loop3A_177 = arith.addi %parallel_loop3A_168, %parallel_loop3A_167 : i32
        %parallel_loop3A_178 = arith.select %parallel_loop3A_176, %parallel_loop3A_177, %parallel_loop3A_168 : i32
        %parallel_loop3A_179 = arith.constant 0 : index
        %parallel_loop3A_180 = tpu.vector_load %arg7[%parallel_loop3A_179] {strides = array<i32>} : memref<512xf32, #tpu.memory_space<vmem>>, vector<16xf32>,
        %parallel_loop3A_181 = arith.mulf %parallel_loop3A_180, %parallel_loop3A_138 : vector<16xf32>
        %parallel_loop3A_182 = arith.addf %parallel_loop3A_135, %parallel_loop3A_181 : vector<16xf32>
        %parallel_loop3A_183 = arith.mulf %parallel_loop3A_180, %parallel_loop3A_182 : vector<16xf32>
        %parallel_loop3A_184 = arith.addf %parallel_loop3A_132, %parallel_loop3A_183 : vector<16xf32>
        %parallel_loop3A_185 = arith.constant 0 : i32
        %parallel_loop3A_186 = arith.constant 0 : i32
        %parallel_loop3A_187 = arith.index_cast %parallel_loop3A_185 : i32 to index
        %parallel_loop3A_188 = arith.index_cast %parallel_loop3A_162 : i32 to index
        %parallel_loop3A_189 = arith.index_cast %parallel_loop3A_186 : i32 to index
        %parallel_loop3A_190 = arith.index_cast %parallel_loop3A_178 : i32 to index
        %parallel_loop3A_191 = arith.constant 0 : index
        %parallel_loop3A_192 = tpu.vector_load %arg8[%parallel_loop3A_187, %parallel_loop3A_188, %parallel_loop3A_189, %parallel_loop3A_190, %parallel_loop3A_191] {strides = array<i32>} : memref<2x8x4x8x128xf32, #tpu.memory_space<vmem>>, vector<16xf32>,
        tpu.vector_store %arg8[%parallel_loop3A_187, %parallel_loop3A_188, %parallel_loop3A_189, %parallel_loop3A_190, %parallel_loop3A_191], %parallel_loop3A_184 {strides = array<i32>} : memref<2x8x4x8x128xf32, #tpu.memory_space<vmem>>, vector<16xf32>,
        %parallel_loop3A_193 = arith.constant 16 : index
        %parallel_loop3A_194 = tpu.vector_load %arg7[%parallel_loop3A_193] {strides = array<i32>} : memref<512xf32, #tpu.memory_space<vmem>>, vector<16xf32>,
        %parallel_loop3A_195 = arith.mulf %parallel_loop3A_194, %parallel_loop3A_138 : vector<16xf32>
        %parallel_loop3A_196 = arith.addf %parallel_loop3A_135, %parallel_loop3A_195 : vector<16xf32>
        %parallel_loop3A_197 = arith.mulf %parallel_loop3A_194, %parallel_loop3A_196 : vector<16xf32>
        %parallel_loop3A_198 = arith.addf %parallel_loop3A_132, %parallel_loop3A_197 : vector<16xf32>
        %parallel_loop3A_199 = arith.constant 0 : i32
        %parallel_loop3A_200 = arith.constant 0 : i32
        %parallel_loop3A_201 = arith.index_cast %parallel_loop3A_199 : i32 to index
        %parallel_loop3A_202 = arith.index_cast %parallel_loop3A_162 : i32 to index
        %parallel_loop3A_203 = arith.index_cast %parallel_loop3A_200 : i32 to index
        %parallel_loop3A_204 = arith.index_cast %parallel_loop3A_178 : i32 to index
        %parallel_loop3A_205 = arith.constant 16 : index
        %parallel_loop3A_206 = tpu.vector_load %arg8[%parallel_loop3A_201, %parallel_loop3A_202, %parallel_loop3A_203, %parallel_loop3A_204, %parallel_loop3A_205] {strides = array<i32>} : memref<2x8x4x8x128xf32, #tpu.memory_space<vmem>>, vector<16xf32>,
        tpu.vector_store %arg8[%parallel_loop3A_201, %parallel_loop3A_202, %parallel_loop3A_203, %parallel_loop3A_204, %parallel_loop3A_205], %parallel_loop3A_198 {strides = array<i32>} : memref<2x8x4x8x128xf32, #tpu.memory_space<vmem>>, vector<16xf32>,
        %parallel_loop3A_207 = arith.constant 32 : index
        %parallel_loop3A_208 = tpu.vector_load %arg7[%parallel_loop3A_207] {strides = array<i32>} : memref<512xf32, #tpu.memory_space<vmem>>, vector<16xf32>,
        %parallel_loop3A_209 = arith.mulf %parallel_loop3A_208, %parallel_loop3A_138 : vector<16xf32>
        %parallel_loop3A_210 = arith.addf %parallel_loop3A_135, %parallel_loop3A_209 : vector<16xf32>
        %parallel_loop3A_211 = arith.mulf %parallel_loop3A_208, %parallel_loop3A_210 : vector<16xf32>
        %parallel_loop3A_212 = arith.addf %parallel_loop3A_132, %parallel_loop3A_211 : vector<16xf32>
        %parallel_loop3A_213 = arith.constant 0 : i32
        %parallel_loop3A_214 = arith.constant 0 : i32
        %parallel_loop3A_215 = arith.index_cast %parallel_loop3A_213 : i32 to index
        %parallel_loop3A_216 = arith.index_cast %parallel_loop3A_162 : i32 to index
        %parallel_loop3A_217 = arith.index_cast %parallel_loop3A_214 : i32 to index
        %parallel_loop3A_218 = arith.index_cast %parallel_loop3A_178 : i32 to index
        %parallel_loop3A_219 = arith.constant 32 : index
        %parallel_loop3A_220 = tpu.vector_load %arg8[%parallel_loop3A_215, %parallel_loop3A_216, %parallel_loop3A_217, %parallel_loop3A_218, %parallel_loop3A_219] {strides = array<i32>} : memref<2x8x4x8x128xf32, #tpu.memory_space<vmem>>, vector<16xf32>,
        tpu.vector_store %arg8[%parallel_loop3A_215, %parallel_loop3A_216, %parallel_loop3A_217, %parallel_loop3A_218, %parallel_loop3A_219], %parallel_loop3A_212 {strides = array<i32>} : memref<2x8x4x8x128xf32, #tpu.memory_space<vmem>>, vector<16xf32>,
        %parallel_loop3A_221 = arith.constant 48 : index
        %parallel_loop3A_222 = tpu.vector_load %arg7[%parallel_loop3A_221] {strides = array<i32>} : memref<512xf32, #tpu.memory_space<vmem>>, vector<16xf32>,
        %parallel_loop3A_223 = arith.mulf %parallel_loop3A_222, %parallel_loop3A_138 : vector<16xf32>
        %parallel_loop3A_224 = arith.addf %parallel_loop3A_135, %parallel_loop3A_223 : vector<16xf32>
        %parallel_loop3A_225 = arith.mulf %parallel_loop3A_222, %parallel_loop3A_224 : vector<16xf32>
        %parallel_loop3A_226 = arith.addf %parallel_loop3A_132, %parallel_loop3A_225 : vector<16xf32>
        %parallel_loop3A_227 = arith.constant 0 : i32
        %parallel_loop3A_228 = arith.constant 0 : i32
        %parallel_loop3A_229 = arith.index_cast %parallel_loop3A_227 : i32 to index
        %parallel_loop3A_230 = arith.index_cast %parallel_loop3A_162 : i32 to index
        %parallel_loop3A_231 = arith.index_cast %parallel_loop3A_228 : i32 to index
        %parallel_loop3A_232 = arith.index_cast %parallel_loop3A_178 : i32 to index
        %parallel_loop3A_233 = arith.constant 48 : index
        %parallel_loop3A_234 = tpu.vector_load %arg8[%parallel_loop3A_229, %parallel_loop3A_230, %parallel_loop3A_231, %parallel_loop3A_232, %parallel_loop3A_233] {strides = array<i32>} : memref<2x8x4x8x128xf32, #tpu.memory_space<vmem>>, vector<16xf32>,
        tpu.vector_store %arg8[%parallel_loop3A_229, %parallel_loop3A_230, %parallel_loop3A_231, %parallel_loop3A_232, %parallel_loop3A_233], %parallel_loop3A_226 {strides = array<i32>} : memref<2x8x4x8x128xf32, #tpu.memory_space<vmem>>, vector<16xf32>,
        %parallel_loop3A_235 = arith.constant 64 : index
        %parallel_loop3A_236 = tpu.vector_load %arg7[%parallel_loop3A_235] {strides = array<i32>} : memref<512xf32, #tpu.memory_space<vmem>>, vector<16xf32>,
        %parallel_loop3A_237 = arith.mulf %parallel_loop3A_236, %parallel_loop3A_138 : vector<16xf32>
        %parallel_loop3A_238 = arith.addf %parallel_loop3A_135, %parallel_loop3A_237 : vector<16xf32>
        %parallel_loop3A_239 = arith.mulf %parallel_loop3A_236, %parallel_loop3A_238 : vector<16xf32>
        %parallel_loop3A_240 = arith.addf %parallel_loop3A_132, %parallel_loop3A_239 : vector<16xf32>
        %parallel_loop3A_241 = arith.constant 0 : i32
        %parallel_loop3A_242 = arith.constant 0 : i32
        %parallel_loop3A_243 = arith.index_cast %parallel_loop3A_241 : i32 to index
        %parallel_loop3A_244 = arith.index_cast %parallel_loop3A_162 : i32 to index
        %parallel_loop3A_245 = arith.index_cast %parallel_loop3A_242 : i32 to index
        %parallel_loop3A_246 = arith.index_cast %parallel_loop3A_178 : i32 to index
        %parallel_loop3A_247 = arith.constant 64 : index
        %parallel_loop3A_248 = tpu.vector_load %arg8[%parallel_loop3A_243, %parallel_loop3A_244, %parallel_loop3A_245, %parallel_loop3A_246, %parallel_loop3A_247] {strides = array<i32>} : memref<2x8x4x8x128xf32, #tpu.memory_space<vmem>>, vector<16xf32>,
        tpu.vector_store %arg8[%parallel_loop3A_243, %parallel_loop3A_244, %parallel_loop3A_245, %parallel_loop3A_246, %parallel_loop3A_247], %parallel_loop3A_240 {strides = array<i32>} : memref<2x8x4x8x128xf32, #tpu.memory_space<vmem>>, vector<16xf32>,
        %parallel_loop3A_249 = arith.constant 80 : index
        %parallel_loop3A_250 = tpu.vector_load %arg7[%parallel_loop3A_249] {strides = array<i32>} : memref<512xf32, #tpu.memory_space<vmem>>, vector<16xf32>,
        %parallel_loop3A_251 = arith.mulf %parallel_loop3A_250, %parallel_loop3A_138 : vector<16xf32>
        %parallel_loop3A_252 = arith.addf %parallel_loop3A_135, %parallel_loop3A_251 : vector<16xf32>
        %parallel_loop3A_253 = arith.mulf %parallel_loop3A_250, %parallel_loop3A_252 : vector<16xf32>
        %parallel_loop3A_254 = arith.addf %parallel_loop3A_132, %parallel_loop3A_253 : vector<16xf32>
        %parallel_loop3A_255 = arith.constant 0 : i32
        %parallel_loop3A_256 = arith.constant 0 : i32
        %parallel_loop3A_257 = arith.index_cast %parallel_loop3A_255 : i32 to index
        %parallel_loop3A_258 = arith.index_cast %parallel_loop3A_162 : i32 to index
        %parallel_loop3A_259 = arith.index_cast %parallel_loop3A_256 : i32 to index
        %parallel_loop3A_260 = arith.index_cast %parallel_loop3A_178 : i32 to index
        %parallel_loop3A_261 = arith.constant 80 : index
        %parallel_loop3A_262 = tpu.vector_load %arg8[%parallel_loop3A_257, %parallel_loop3A_258, %parallel_loop3A_259, %parallel_loop3A_260, %parallel_loop3A_261] {strides = array<i32>} : memref<2x8x4x8x128xf32, #tpu.memory_space<vmem>>, vector<16xf32>,
        tpu.vector_store %arg8[%parallel_loop3A_257, %parallel_loop3A_258, %parallel_loop3A_259, %parallel_loop3A_260, %parallel_loop3A_261], %parallel_loop3A_254 {strides = array<i32>} : memref<2x8x4x8x128xf32, #tpu.memory_space<vmem>>, vector<16xf32>,
        %parallel_loop3A_263 = arith.constant 96 : index
        %parallel_loop3A_264 = tpu.vector_load %arg7[%parallel_loop3A_263] {strides = array<i32>} : memref<512xf32, #tpu.memory_space<vmem>>, vector<16xf32>,
        %parallel_loop3A_265 = arith.mulf %parallel_loop3A_264, %parallel_loop3A_138 : vector<16xf32>
        %parallel_loop3A_266 = arith.addf %parallel_loop3A_135, %parallel_loop3A_265 : vector<16xf32>
        %parallel_loop3A_267 = arith.mulf %parallel_loop3A_264, %parallel_loop3A_266 : vector<16xf32>
        %parallel_loop3A_268 = arith.addf %parallel_loop3A_132, %parallel_loop3A_267 : vector<16xf32>
        %parallel_loop3A_269 = arith.constant 0 : i32
        %parallel_loop3A_270 = arith.constant 0 : i32
        %parallel_loop3A_271 = arith.index_cast %parallel_loop3A_269 : i32 to index
        %parallel_loop3A_272 = arith.index_cast %parallel_loop3A_162 : i32 to index
        %parallel_loop3A_273 = arith.index_cast %parallel_loop3A_270 : i32 to index
        %parallel_loop3A_274 = arith.index_cast %parallel_loop3A_178 : i32 to index
        %parallel_loop3A_275 = arith.constant 96 : index
        %parallel_loop3A_276 = tpu.vector_load %arg8[%parallel_loop3A_271, %parallel_loop3A_272, %parallel_loop3A_273, %parallel_loop3A_274, %parallel_loop3A_275] {strides = array<i32>} : memref<2x8x4x8x128xf32, #tpu.memory_space<vmem>>, vector<16xf32>,
        tpu.vector_store %arg8[%parallel_loop3A_271, %parallel_loop3A_272, %parallel_loop3A_273, %parallel_loop3A_274, %parallel_loop3A_275], %parallel_loop3A_268 {strides = array<i32>} : memref<2x8x4x8x128xf32, #tpu.memory_space<vmem>>, vector<16xf32>,
        %parallel_loop3A_277 = arith.constant 112 : index
        %parallel_loop3A_278 = tpu.vector_load %arg7[%parallel_loop3A_277] {strides = array<i32>} : memref<512xf32, #tpu.memory_space<vmem>>, vector<16xf32>,
        %parallel_loop3A_279 = arith.mulf %parallel_loop3A_278, %parallel_loop3A_138 : vector<16xf32>
        %parallel_loop3A_280 = arith.addf %parallel_loop3A_135, %parallel_loop3A_279 : vector<16xf32>
        %parallel_loop3A_281 = arith.mulf %parallel_loop3A_278, %parallel_loop3A_280 : vector<16xf32>
        %parallel_loop3A_282 = arith.addf %parallel_loop3A_132, %parallel_loop3A_281 : vector<16xf32>
        %parallel_loop3A_283 = arith.constant 0 : i32
        %parallel_loop3A_284 = arith.constant 0 : i32
        %parallel_loop3A_285 = arith.index_cast %parallel_loop3A_283 : i32 to index
        %parallel_loop3A_286 = arith.index_cast %parallel_loop3A_162 : i32 to index
        %parallel_loop3A_287 = arith.index_cast %parallel_loop3A_284 : i32 to index
        %parallel_loop3A_288 = arith.index_cast %parallel_loop3A_178 : i32 to index
        %parallel_loop3A_289 = arith.constant 112 : index
        %parallel_loop3A_290 = tpu.vector_load %arg8[%parallel_loop3A_285, %parallel_loop3A_286, %parallel_loop3A_287, %parallel_loop3A_288, %parallel_loop3A_289] {strides = array<i32>} : memref<2x8x4x8x128xf32, #tpu.memory_space<vmem>>, vector<16xf32>,
        tpu.vector_store %arg8[%parallel_loop3A_285, %parallel_loop3A_286, %parallel_loop3A_287, %parallel_loop3A_288, %parallel_loop3A_289], %parallel_loop3A_282 {strides = array<i32>} : memref<2x8x4x8x128xf32, #tpu.memory_space<vmem>>, vector<16xf32>,
        %parallel_loop3A_291 = arith.constant 128 : index
        %parallel_loop3A_292 = tpu.vector_load %arg7[%parallel_loop3A_291] {strides = array<i32>} : memref<512xf32, #tpu.memory_space<vmem>>, vector<16xf32>,
        %parallel_loop3A_293 = arith.mulf %parallel_loop3A_292, %parallel_loop3A_138 : vector<16xf32>
        %parallel_loop3A_294 = arith.addf %parallel_loop3A_135, %parallel_loop3A_293 : vector<16xf32>
        %parallel_loop3A_295 = arith.mulf %parallel_loop3A_292, %parallel_loop3A_294 : vector<16xf32>
        %parallel_loop3A_296 = arith.addf %parallel_loop3A_132, %parallel_loop3A_295 : vector<16xf32>
        %parallel_loop3A_297 = arith.constant 0 : i32
        %parallel_loop3A_298 = arith.constant 1 : i32
        %parallel_loop3A_299 = arith.index_cast %parallel_loop3A_297 : i32 to index
        %parallel_loop3A_300 = arith.index_cast %parallel_loop3A_162 : i32 to index
        %parallel_loop3A_301 = arith.index_cast %parallel_loop3A_298 : i32 to index
        %parallel_loop3A_302 = arith.index_cast %parallel_loop3A_178 : i32 to index
        %parallel_loop3A_303 = arith.constant 0 : index
        %parallel_loop3A_304 = tpu.vector_load %arg8[%parallel_loop3A_299, %parallel_loop3A_300, %parallel_loop3A_301, %parallel_loop3A_302, %parallel_loop3A_303] {strides = array<i32>} : memref<2x8x4x8x128xf32, #tpu.memory_space<vmem>>, vector<16xf32>,
        tpu.vector_store %arg8[%parallel_loop3A_299, %parallel_loop3A_300, %parallel_loop3A_301, %parallel_loop3A_302, %parallel_loop3A_303], %parallel_loop3A_296 {strides = array<i32>} : memref<2x8x4x8x128xf32, #tpu.memory_space<vmem>>, vector<16xf32>,
        %parallel_loop3A_305 = arith.constant 144 : index
        %parallel_loop3A_306 = tpu.vector_load %arg7[%parallel_loop3A_305] {strides = array<i32>} : memref<512xf32, #tpu.memory_space<vmem>>, vector<16xf32>,
        %parallel_loop3A_307 = arith.mulf %parallel_loop3A_306, %parallel_loop3A_138 : vector<16xf32>
        %parallel_loop3A_308 = arith.addf %parallel_loop3A_135, %parallel_loop3A_307 : vector<16xf32>
        %parallel_loop3A_309 = arith.mulf %parallel_loop3A_306, %parallel_loop3A_308 : vector<16xf32>
        %parallel_loop3A_310 = arith.addf %parallel_loop3A_132, %parallel_loop3A_309 : vector<16xf32>
        %parallel_loop3A_311 = arith.constant 0 : i32
        %parallel_loop3A_312 = arith.constant 1 : i32
        %parallel_loop3A_313 = arith.index_cast %parallel_loop3A_311 : i32 to index
        %parallel_loop3A_314 = arith.index_cast %parallel_loop3A_162 : i32 to index
        %parallel_loop3A_315 = arith.index_cast %parallel_loop3A_312 : i32 to index
        %parallel_loop3A_316 = arith.index_cast %parallel_loop3A_178 : i32 to index
        %parallel_loop3A_317 = arith.constant 16 : index
        %parallel_loop3A_318 = tpu.vector_load %arg8[%parallel_loop3A_313, %parallel_loop3A_314, %parallel_loop3A_315, %parallel_loop3A_316, %parallel_loop3A_317] {strides = array<i32>} : memref<2x8x4x8x128xf32, #tpu.memory_space<vmem>>, vector<16xf32>,
        tpu.vector_store %arg8[%parallel_loop3A_313, %parallel_loop3A_314, %parallel_loop3A_315, %parallel_loop3A_316, %parallel_loop3A_317], %parallel_loop3A_310 {strides = array<i32>} : memref<2x8x4x8x128xf32, #tpu.memory_space<vmem>>, vector<16xf32>,
        %parallel_loop3A_319 = arith.constant 160 : index
        %parallel_loop3A_320 = tpu.vector_load %arg7[%parallel_loop3A_319] {strides = array<i32>} : memref<512xf32, #tpu.memory_space<vmem>>, vector<16xf32>,
        %parallel_loop3A_321 = arith.mulf %parallel_loop3A_320, %parallel_loop3A_138 : vector<16xf32>
        %parallel_loop3A_322 = arith.addf %parallel_loop3A_135, %parallel_loop3A_321 : vector<16xf32>
        %parallel_loop3A_323 = arith.mulf %parallel_loop3A_320, %parallel_loop3A_322 : vector<16xf32>
        %parallel_loop3A_324 = arith.addf %parallel_loop3A_132, %parallel_loop3A_323 : vector<16xf32>
        %parallel_loop3A_325 = arith.constant 0 : i32
        %parallel_loop3A_326 = arith.constant 1 : i32
        %parallel_loop3A_327 = arith.index_cast %parallel_loop3A_325 : i32 to index
        %parallel_loop3A_328 = arith.index_cast %parallel_loop3A_162 : i32 to index
        %parallel_loop3A_329 = arith.index_cast %parallel_loop3A_326 : i32 to index
        %parallel_loop3A_330 = arith.index_cast %parallel_loop3A_178 : i32 to index
        %parallel_loop3A_331 = arith.constant 32 : index
        %parallel_loop3A_332 = tpu.vector_load %arg8[%parallel_loop3A_327, %parallel_loop3A_328, %parallel_loop3A_329, %parallel_loop3A_330, %parallel_loop3A_331] {strides = array<i32>} : memref<2x8x4x8x128xf32, #tpu.memory_space<vmem>>, vector<16xf32>,
        tpu.vector_store %arg8[%parallel_loop3A_327, %parallel_loop3A_328, %parallel_loop3A_329, %parallel_loop3A_330, %parallel_loop3A_331], %parallel_loop3A_324 {strides = array<i32>} : memref<2x8x4x8x128xf32, #tpu.memory_space<vmem>>, vector<16xf32>,
        %parallel_loop3A_333 = arith.constant 176 : index
        %parallel_loop3A_334 = tpu.vector_load %arg7[%parallel_loop3A_333] {strides = array<i32>} : memref<512xf32, #tpu.memory_space<vmem>>, vector<16xf32>,
        %parallel_loop3A_335 = arith.mulf %parallel_loop3A_334, %parallel_loop3A_138 : vector<16xf32>
        %parallel_loop3A_336 = arith.addf %parallel_loop3A_135, %parallel_loop3A_335 : vector<16xf32>
        %parallel_loop3A_337 = arith.mulf %parallel_loop3A_334, %parallel_loop3A_336 : vector<16xf32>
        %parallel_loop3A_338 = arith.addf %parallel_loop3A_132, %parallel_loop3A_337 : vector<16xf32>
        %parallel_loop3A_339 = arith.constant 0 : i32
        %parallel_loop3A_340 = arith.constant 1 : i32
        %parallel_loop3A_341 = arith.index_cast %parallel_loop3A_339 : i32 to index
        %parallel_loop3A_342 = arith.index_cast %parallel_loop3A_162 : i32 to index
        %parallel_loop3A_343 = arith.index_cast %parallel_loop3A_340 : i32 to index
        %parallel_loop3A_344 = arith.index_cast %parallel_loop3A_178 : i32 to index
        %parallel_loop3A_345 = arith.constant 48 : index
        %parallel_loop3A_346 = tpu.vector_load %arg8[%parallel_loop3A_341, %parallel_loop3A_342, %parallel_loop3A_343, %parallel_loop3A_344, %parallel_loop3A_345] {strides = array<i32>} : memref<2x8x4x8x128xf32, #tpu.memory_space<vmem>>, vector<16xf32>,
        tpu.vector_store %arg8[%parallel_loop3A_341, %parallel_loop3A_342, %parallel_loop3A_343, %parallel_loop3A_344, %parallel_loop3A_345], %parallel_loop3A_338 {strides = array<i32>} : memref<2x8x4x8x128xf32, #tpu.memory_space<vmem>>, vector<16xf32>,
        %parallel_loop3A_347 = arith.constant 192 : index
        %parallel_loop3A_348 = tpu.vector_load %arg7[%parallel_loop3A_347] {strides = array<i32>} : memref<512xf32, #tpu.memory_space<vmem>>, vector<16xf32>,
        %parallel_loop3A_349 = arith.mulf %parallel_loop3A_348, %parallel_loop3A_138 : vector<16xf32>
        %parallel_loop3A_350 = arith.addf %parallel_loop3A_135, %parallel_loop3A_349 : vector<16xf32>
        %parallel_loop3A_351 = arith.mulf %parallel_loop3A_348, %parallel_loop3A_350 : vector<16xf32>
        %parallel_loop3A_352 = arith.addf %parallel_loop3A_132, %parallel_loop3A_351 : vector<16xf32>
        %parallel_loop3A_353 = arith.constant 0 : i32
        %parallel_loop3A_354 = arith.constant 1 : i32
        %parallel_loop3A_355 = arith.index_cast %parallel_loop3A_353 : i32 to index
        %parallel_loop3A_356 = arith.index_cast %parallel_loop3A_162 : i32 to index
        %parallel_loop3A_357 = arith.index_cast %parallel_loop3A_354 : i32 to index
        %parallel_loop3A_358 = arith.index_cast %parallel_loop3A_178 : i32 to index
        %parallel_loop3A_359 = arith.constant 64 : index
        %parallel_loop3A_360 = tpu.vector_load %arg8[%parallel_loop3A_355, %parallel_loop3A_356, %parallel_loop3A_357, %parallel_loop3A_358, %parallel_loop3A_359] {strides = array<i32>} : memref<2x8x4x8x128xf32, #tpu.memory_space<vmem>>, vector<16xf32>,
        tpu.vector_store %arg8[%parallel_loop3A_355, %parallel_loop3A_356, %parallel_loop3A_357, %parallel_loop3A_358, %parallel_loop3A_359], %parallel_loop3A_352 {strides = array<i32>} : memref<2x8x4x8x128xf32, #tpu.memory_space<vmem>>, vector<16xf32>,
        %parallel_loop3A_361 = arith.constant 208 : index
        %parallel_loop3A_362 = tpu.vector_load %arg7[%parallel_loop3A_361] {strides = array<i32>} : memref<512xf32, #tpu.memory_space<vmem>>, vector<16xf32>,
        %parallel_loop3A_363 = arith.mulf %parallel_loop3A_362, %parallel_loop3A_138 : vector<16xf32>
        %parallel_loop3A_364 = arith.addf %parallel_loop3A_135, %parallel_loop3A_363 : vector<16xf32>
        %parallel_loop3A_365 = arith.mulf %parallel_loop3A_362, %parallel_loop3A_364 : vector<16xf32>
        %parallel_loop3A_366 = arith.addf %parallel_loop3A_132, %parallel_loop3A_365 : vector<16xf32>
        %parallel_loop3A_367 = arith.constant 0 : i32
        %parallel_loop3A_368 = arith.constant 1 : i32
        %parallel_loop3A_369 = arith.index_cast %parallel_loop3A_367 : i32 to index
        %parallel_loop3A_370 = arith.index_cast %parallel_loop3A_162 : i32 to index
        %parallel_loop3A_371 = arith.index_cast %parallel_loop3A_368 : i32 to index
        %parallel_loop3A_372 = arith.index_cast %parallel_loop3A_178 : i32 to index
        %parallel_loop3A_373 = arith.constant 80 : index
        %parallel_loop3A_374 = tpu.vector_load %arg8[%parallel_loop3A_369, %parallel_loop3A_370, %parallel_loop3A_371, %parallel_loop3A_372, %parallel_loop3A_373] {strides = array<i32>} : memref<2x8x4x8x128xf32, #tpu.memory_space<vmem>>, vector<16xf32>,
        tpu.vector_store %arg8[%parallel_loop3A_369, %parallel_loop3A_370, %parallel_loop3A_371, %parallel_loop3A_372, %parallel_loop3A_373], %parallel_loop3A_366 {strides = array<i32>} : memref<2x8x4x8x128xf32, #tpu.memory_space<vmem>>, vector<16xf32>,
        %parallel_loop3A_375 = arith.constant 224 : index
        %parallel_loop3A_376 = tpu.vector_load %arg7[%parallel_loop3A_375] {strides = array<i32>} : memref<512xf32, #tpu.memory_space<vmem>>, vector<16xf32>,
        %parallel_loop3A_377 = arith.mulf %parallel_loop3A_376, %parallel_loop3A_138 : vector<16xf32>
        %parallel_loop3A_378 = arith.addf %parallel_loop3A_135, %parallel_loop3A_377 : vector<16xf32>
        %parallel_loop3A_379 = arith.mulf %parallel_loop3A_376, %parallel_loop3A_378 : vector<16xf32>
        %parallel_loop3A_380 = arith.addf %parallel_loop3A_132, %parallel_loop3A_379 : vector<16xf32>
        %parallel_loop3A_381 = arith.constant 0 : i32
        %parallel_loop3A_382 = arith.constant 1 : i32
        %parallel_loop3A_383 = arith.index_cast %parallel_loop3A_381 : i32 to index
        %parallel_loop3A_384 = arith.index_cast %parallel_loop3A_162 : i32 to index
        %parallel_loop3A_385 = arith.index_cast %parallel_loop3A_382 : i32 to index
        %parallel_loop3A_386 = arith.index_cast %parallel_loop3A_178 : i32 to index
        %parallel_loop3A_387 = arith.constant 96 : index
        %parallel_loop3A_388 = tpu.vector_load %arg8[%parallel_loop3A_383, %parallel_loop3A_384, %parallel_loop3A_385, %parallel_loop3A_386, %parallel_loop3A_387] {strides = array<i32>} : memref<2x8x4x8x128xf32, #tpu.memory_space<vmem>>, vector<16xf32>,
        tpu.vector_store %arg8[%parallel_loop3A_383, %parallel_loop3A_384, %parallel_loop3A_385, %parallel_loop3A_386, %parallel_loop3A_387], %parallel_loop3A_380 {strides = array<i32>} : memref<2x8x4x8x128xf32, #tpu.memory_space<vmem>>, vector<16xf32>,
        %parallel_loop3A_389 = arith.constant 240 : index
        %parallel_loop3A_390 = tpu.vector_load %arg7[%parallel_loop3A_389] {strides = array<i32>} : memref<512xf32, #tpu.memory_space<vmem>>, vector<16xf32>,
        %parallel_loop3A_391 = arith.mulf %parallel_loop3A_390, %parallel_loop3A_138 : vector<16xf32>
        %parallel_loop3A_392 = arith.addf %parallel_loop3A_135, %parallel_loop3A_391 : vector<16xf32>
        %parallel_loop3A_393 = arith.mulf %parallel_loop3A_390, %parallel_loop3A_392 : vector<16xf32>
        %parallel_loop3A_394 = arith.addf %parallel_loop3A_132, %parallel_loop3A_393 : vector<16xf32>
        %parallel_loop3A_395 = arith.constant 0 : i32
        %parallel_loop3A_396 = arith.constant 1 : i32
        %parallel_loop3A_397 = arith.index_cast %parallel_loop3A_395 : i32 to index
        %parallel_loop3A_398 = arith.index_cast %parallel_loop3A_162 : i32 to index
        %parallel_loop3A_399 = arith.index_cast %parallel_loop3A_396 : i32 to index
        %parallel_loop3A_400 = arith.index_cast %parallel_loop3A_178 : i32 to index
        %parallel_loop3A_401 = arith.constant 112 : index
        %parallel_loop3A_402 = tpu.vector_load %arg8[%parallel_loop3A_397, %parallel_loop3A_398, %parallel_loop3A_399, %parallel_loop3A_400, %parallel_loop3A_401] {strides = array<i32>} : memref<2x8x4x8x128xf32, #tpu.memory_space<vmem>>, vector<16xf32>,
        tpu.vector_store %arg8[%parallel_loop3A_397, %parallel_loop3A_398, %parallel_loop3A_399, %parallel_loop3A_400, %parallel_loop3A_401], %parallel_loop3A_394 {strides = array<i32>} : memref<2x8x4x8x128xf32, #tpu.memory_space<vmem>>, vector<16xf32>,
        %parallel_loop3A_403 = arith.constant 256 : index
        %parallel_loop3A_404 = tpu.vector_load %arg7[%parallel_loop3A_403] {strides = array<i32>} : memref<512xf32, #tpu.memory_space<vmem>>, vector<16xf32>,
        %parallel_loop3A_405 = arith.mulf %parallel_loop3A_404, %parallel_loop3A_138 : vector<16xf32>
        %parallel_loop3A_406 = arith.addf %parallel_loop3A_135, %parallel_loop3A_405 : vector<16xf32>
        %parallel_loop3A_407 = arith.mulf %parallel_loop3A_404, %parallel_loop3A_406 : vector<16xf32>
        %parallel_loop3A_408 = arith.addf %parallel_loop3A_132, %parallel_loop3A_407 : vector<16xf32>
        %parallel_loop3A_409 = arith.constant 0 : i32
        %parallel_loop3A_410 = arith.constant 2 : i32
        %parallel_loop3A_411 = arith.index_cast %parallel_loop3A_409 : i32 to index
        %parallel_loop3A_412 = arith.index_cast %parallel_loop3A_162 : i32 to index
        %parallel_loop3A_413 = arith.index_cast %parallel_loop3A_410 : i32 to index
        %parallel_loop3A_414 = arith.index_cast %parallel_loop3A_178 : i32 to index
        %parallel_loop3A_415 = arith.constant 0 : index
        %parallel_loop3A_416 = tpu.vector_load %arg8[%parallel_loop3A_411, %parallel_loop3A_412, %parallel_loop3A_413, %parallel_loop3A_414, %parallel_loop3A_415] {strides = array<i32>} : memref<2x8x4x8x128xf32, #tpu.memory_space<vmem>>, vector<16xf32>,
        tpu.vector_store %arg8[%parallel_loop3A_411, %parallel_loop3A_412, %parallel_loop3A_413, %parallel_loop3A_414, %parallel_loop3A_415], %parallel_loop3A_408 {strides = array<i32>} : memref<2x8x4x8x128xf32, #tpu.memory_space<vmem>>, vector<16xf32>,
        %parallel_loop3A_417 = arith.constant 272 : index
        %parallel_loop3A_418 = tpu.vector_load %arg7[%parallel_loop3A_417] {strides = array<i32>} : memref<512xf32, #tpu.memory_space<vmem>>, vector<16xf32>,
        %parallel_loop3A_419 = arith.mulf %parallel_loop3A_418, %parallel_loop3A_138 : vector<16xf32>
        %parallel_loop3A_420 = arith.addf %parallel_loop3A_135, %parallel_loop3A_419 : vector<16xf32>
        %parallel_loop3A_421 = arith.mulf %parallel_loop3A_418, %parallel_loop3A_420 : vector<16xf32>
        %parallel_loop3A_422 = arith.addf %parallel_loop3A_132, %parallel_loop3A_421 : vector<16xf32>
        %parallel_loop3A_423 = arith.constant 0 : i32
        %parallel_loop3A_424 = arith.constant 2 : i32
        %parallel_loop3A_425 = arith.index_cast %parallel_loop3A_423 : i32 to index
        %parallel_loop3A_426 = arith.index_cast %parallel_loop3A_162 : i32 to index
        %parallel_loop3A_427 = arith.index_cast %parallel_loop3A_424 : i32 to index
        %parallel_loop3A_428 = arith.index_cast %parallel_loop3A_178 : i32 to index
        %parallel_loop3A_429 = arith.constant 16 : index
        %parallel_loop3A_430 = tpu.vector_load %arg8[%parallel_loop3A_425, %parallel_loop3A_426, %parallel_loop3A_427, %parallel_loop3A_428, %parallel_loop3A_429] {strides = array<i32>} : memref<2x8x4x8x128xf32, #tpu.memory_space<vmem>>, vector<16xf32>,
        tpu.vector_store %arg8[%parallel_loop3A_425, %parallel_loop3A_426, %parallel_loop3A_427, %parallel_loop3A_428, %parallel_loop3A_429], %parallel_loop3A_422 {strides = array<i32>} : memref<2x8x4x8x128xf32, #tpu.memory_space<vmem>>, vector<16xf32>,
        %parallel_loop3A_431 = arith.constant 288 : index
        %parallel_loop3A_432 = tpu.vector_load %arg7[%parallel_loop3A_431] {strides = array<i32>} : memref<512xf32, #tpu.memory_space<vmem>>, vector<16xf32>,
        %parallel_loop3A_433 = arith.mulf %parallel_loop3A_432, %parallel_loop3A_138 : vector<16xf32>
        %parallel_loop3A_434 = arith.addf %parallel_loop3A_135, %parallel_loop3A_433 : vector<16xf32>
        %parallel_loop3A_435 = arith.mulf %parallel_loop3A_432, %parallel_loop3A_434 : vector<16xf32>
        %parallel_loop3A_436 = arith.addf %parallel_loop3A_132, %parallel_loop3A_435 : vector<16xf32>
        %parallel_loop3A_437 = arith.constant 0 : i32
        %parallel_loop3A_438 = arith.constant 2 : i32
        %parallel_loop3A_439 = arith.index_cast %parallel_loop3A_437 : i32 to index
        %parallel_loop3A_440 = arith.index_cast %parallel_loop3A_162 : i32 to index
        %parallel_loop3A_441 = arith.index_cast %parallel_loop3A_438 : i32 to index
        %parallel_loop3A_442 = arith.index_cast %parallel_loop3A_178 : i32 to index
        %parallel_loop3A_443 = arith.constant 32 : index
        %parallel_loop3A_444 = tpu.vector_load %arg8[%parallel_loop3A_439, %parallel_loop3A_440, %parallel_loop3A_441, %parallel_loop3A_442, %parallel_loop3A_443] {strides = array<i32>} : memref<2x8x4x8x128xf32, #tpu.memory_space<vmem>>, vector<16xf32>,
        tpu.vector_store %arg8[%parallel_loop3A_439, %parallel_loop3A_440, %parallel_loop3A_441, %parallel_loop3A_442, %parallel_loop3A_443], %parallel_loop3A_436 {strides = array<i32>} : memref<2x8x4x8x128xf32, #tpu.memory_space<vmem>>, vector<16xf32>,
        %parallel_loop3A_445 = arith.constant 304 : index
        %parallel_loop3A_446 = tpu.vector_load %arg7[%parallel_loop3A_445] {strides = array<i32>} : memref<512xf32, #tpu.memory_space<vmem>>, vector<16xf32>,
        %parallel_loop3A_447 = arith.mulf %parallel_loop3A_446, %parallel_loop3A_138 : vector<16xf32>
        %parallel_loop3A_448 = arith.addf %parallel_loop3A_135, %parallel_loop3A_447 : vector<16xf32>
        %parallel_loop3A_449 = arith.mulf %parallel_loop3A_446, %parallel_loop3A_448 : vector<16xf32>
        %parallel_loop3A_450 = arith.addf %parallel_loop3A_132, %parallel_loop3A_449 : vector<16xf32>
        %parallel_loop3A_451 = arith.constant 0 : i32
        %parallel_loop3A_452 = arith.constant 2 : i32
        %parallel_loop3A_453 = arith.index_cast %parallel_loop3A_451 : i32 to index
        %parallel_loop3A_454 = arith.index_cast %parallel_loop3A_162 : i32 to index
        %parallel_loop3A_455 = arith.index_cast %parallel_loop3A_452 : i32 to index
        %parallel_loop3A_456 = arith.index_cast %parallel_loop3A_178 : i32 to index
        %parallel_loop3A_457 = arith.constant 48 : index
        %parallel_loop3A_458 = tpu.vector_load %arg8[%parallel_loop3A_453, %parallel_loop3A_454, %parallel_loop3A_455, %parallel_loop3A_456, %parallel_loop3A_457] {strides = array<i32>} : memref<2x8x4x8x128xf32, #tpu.memory_space<vmem>>, vector<16xf32>,
        tpu.vector_store %arg8[%parallel_loop3A_453, %parallel_loop3A_454, %parallel_loop3A_455, %parallel_loop3A_456, %parallel_loop3A_457], %parallel_loop3A_450 {strides = array<i32>} : memref<2x8x4x8x128xf32, #tpu.memory_space<vmem>>, vector<16xf32>,
        %parallel_loop3A_459 = arith.constant 320 : index
        %parallel_loop3A_460 = tpu.vector_load %arg7[%parallel_loop3A_459] {strides = array<i32>} : memref<512xf32, #tpu.memory_space<vmem>>, vector<16xf32>,
        %parallel_loop3A_461 = arith.mulf %parallel_loop3A_460, %parallel_loop3A_138 : vector<16xf32>
        %parallel_loop3A_462 = arith.addf %parallel_loop3A_135, %parallel_loop3A_461 : vector<16xf32>
        %parallel_loop3A_463 = arith.mulf %parallel_loop3A_460, %parallel_loop3A_462 : vector<16xf32>
        %parallel_loop3A_464 = arith.addf %parallel_loop3A_132, %parallel_loop3A_463 : vector<16xf32>
        %parallel_loop3A_465 = arith.constant 0 : i32
        %parallel_loop3A_466 = arith.constant 2 : i32
        %parallel_loop3A_467 = arith.index_cast %parallel_loop3A_465 : i32 to index
        %parallel_loop3A_468 = arith.index_cast %parallel_loop3A_162 : i32 to index
        %parallel_loop3A_469 = arith.index_cast %parallel_loop3A_466 : i32 to index
        %parallel_loop3A_470 = arith.index_cast %parallel_loop3A_178 : i32 to index
        %parallel_loop3A_471 = arith.constant 64 : index
        %parallel_loop3A_472 = tpu.vector_load %arg8[%parallel_loop3A_467, %parallel_loop3A_468, %parallel_loop3A_469, %parallel_loop3A_470, %parallel_loop3A_471] {strides = array<i32>} : memref<2x8x4x8x128xf32, #tpu.memory_space<vmem>>, vector<16xf32>,
        tpu.vector_store %arg8[%parallel_loop3A_467, %parallel_loop3A_468, %parallel_loop3A_469, %parallel_loop3A_470, %parallel_loop3A_471], %parallel_loop3A_464 {strides = array<i32>} : memref<2x8x4x8x128xf32, #tpu.memory_space<vmem>>, vector<16xf32>,
        %parallel_loop3A_473 = arith.constant 336 : index
        %parallel_loop3A_474 = tpu.vector_load %arg7[%parallel_loop3A_473] {strides = array<i32>} : memref<512xf32, #tpu.memory_space<vmem>>, vector<16xf32>,
        %parallel_loop3A_475 = arith.mulf %parallel_loop3A_474, %parallel_loop3A_138 : vector<16xf32>
        %parallel_loop3A_476 = arith.addf %parallel_loop3A_135, %parallel_loop3A_475 : vector<16xf32>
        %parallel_loop3A_477 = arith.mulf %parallel_loop3A_474, %parallel_loop3A_476 : vector<16xf32>
        %parallel_loop3A_478 = arith.addf %parallel_loop3A_132, %parallel_loop3A_477 : vector<16xf32>
        %parallel_loop3A_479 = arith.constant 0 : i32
        %parallel_loop3A_480 = arith.constant 2 : i32
        %parallel_loop3A_481 = arith.index_cast %parallel_loop3A_479 : i32 to index
        %parallel_loop3A_482 = arith.index_cast %parallel_loop3A_162 : i32 to index
        %parallel_loop3A_483 = arith.index_cast %parallel_loop3A_480 : i32 to index
        %parallel_loop3A_484 = arith.index_cast %parallel_loop3A_178 : i32 to index
        %parallel_loop3A_485 = arith.constant 80 : index
        %parallel_loop3A_486 = tpu.vector_load %arg8[%parallel_loop3A_481, %parallel_loop3A_482, %parallel_loop3A_483, %parallel_loop3A_484, %parallel_loop3A_485] {strides = array<i32>} : memref<2x8x4x8x128xf32, #tpu.memory_space<vmem>>, vector<16xf32>,
        tpu.vector_store %arg8[%parallel_loop3A_481, %parallel_loop3A_482, %parallel_loop3A_483, %parallel_loop3A_484, %parallel_loop3A_485], %parallel_loop3A_478 {strides = array<i32>} : memref<2x8x4x8x128xf32, #tpu.memory_space<vmem>>, vector<16xf32>,
        %parallel_loop3A_487 = arith.constant 352 : index
        %parallel_loop3A_488 = tpu.vector_load %arg7[%parallel_loop3A_487] {strides = array<i32>} : memref<512xf32, #tpu.memory_space<vmem>>, vector<16xf32>,
        %parallel_loop3A_489 = arith.mulf %parallel_loop3A_488, %parallel_loop3A_138 : vector<16xf32>
        %parallel_loop3A_490 = arith.addf %parallel_loop3A_135, %parallel_loop3A_489 : vector<16xf32>
        %parallel_loop3A_491 = arith.mulf %parallel_loop3A_488, %parallel_loop3A_490 : vector<16xf32>
        %parallel_loop3A_492 = arith.addf %parallel_loop3A_132, %parallel_loop3A_491 : vector<16xf32>
        %parallel_loop3A_493 = arith.constant 0 : i32
        %parallel_loop3A_494 = arith.constant 2 : i32
        %parallel_loop3A_495 = arith.index_cast %parallel_loop3A_493 : i32 to index
        %parallel_loop3A_496 = arith.index_cast %parallel_loop3A_162 : i32 to index
        %parallel_loop3A_497 = arith.index_cast %parallel_loop3A_494 : i32 to index
        %parallel_loop3A_498 = arith.index_cast %parallel_loop3A_178 : i32 to index
        %parallel_loop3A_499 = arith.constant 96 : index
        %parallel_loop3A_500 = tpu.vector_load %arg8[%parallel_loop3A_495, %parallel_loop3A_496, %parallel_loop3A_497, %parallel_loop3A_498, %parallel_loop3A_499] {strides = array<i32>} : memref<2x8x4x8x128xf32, #tpu.memory_space<vmem>>, vector<16xf32>,
        tpu.vector_store %arg8[%parallel_loop3A_495, %parallel_loop3A_496, %parallel_loop3A_497, %parallel_loop3A_498, %parallel_loop3A_499], %parallel_loop3A_492 {strides = array<i32>} : memref<2x8x4x8x128xf32, #tpu.memory_space<vmem>>, vector<16xf32>,
        %parallel_loop3A_501 = arith.constant 368 : index
        %parallel_loop3A_502 = tpu.vector_load %arg7[%parallel_loop3A_501] {strides = array<i32>} : memref<512xf32, #tpu.memory_space<vmem>>, vector<16xf32>,
        %parallel_loop3A_503 = arith.mulf %parallel_loop3A_502, %parallel_loop3A_138 : vector<16xf32>
        %parallel_loop3A_504 = arith.addf %parallel_loop3A_135, %parallel_loop3A_503 : vector<16xf32>
        %parallel_loop3A_505 = arith.mulf %parallel_loop3A_502, %parallel_loop3A_504 : vector<16xf32>
        %parallel_loop3A_506 = arith.addf %parallel_loop3A_132, %parallel_loop3A_505 : vector<16xf32>
        %parallel_loop3A_507 = arith.constant 0 : i32
        %parallel_loop3A_508 = arith.constant 2 : i32
        %parallel_loop3A_509 = arith.index_cast %parallel_loop3A_507 : i32 to index
        %parallel_loop3A_510 = arith.index_cast %parallel_loop3A_162 : i32 to index
        %parallel_loop3A_511 = arith.index_cast %parallel_loop3A_508 : i32 to index
        %parallel_loop3A_512 = arith.index_cast %parallel_loop3A_178 : i32 to index
        %parallel_loop3A_513 = arith.constant 112 : index
        %parallel_loop3A_514 = tpu.vector_load %arg8[%parallel_loop3A_509, %parallel_loop3A_510, %parallel_loop3A_511, %parallel_loop3A_512, %parallel_loop3A_513] {strides = array<i32>} : memref<2x8x4x8x128xf32, #tpu.memory_space<vmem>>, vector<16xf32>,
        tpu.vector_store %arg8[%parallel_loop3A_509, %parallel_loop3A_510, %parallel_loop3A_511, %parallel_loop3A_512, %parallel_loop3A_513], %parallel_loop3A_506 {strides = array<i32>} : memref<2x8x4x8x128xf32, #tpu.memory_space<vmem>>, vector<16xf32>,
        %parallel_loop3A_515 = arith.constant 384 : index
        %parallel_loop3A_516 = tpu.vector_load %arg7[%parallel_loop3A_515] {strides = array<i32>} : memref<512xf32, #tpu.memory_space<vmem>>, vector<16xf32>,
        %parallel_loop3A_517 = arith.mulf %parallel_loop3A_516, %parallel_loop3A_138 : vector<16xf32>
        %parallel_loop3A_518 = arith.addf %parallel_loop3A_135, %parallel_loop3A_517 : vector<16xf32>
        %parallel_loop3A_519 = arith.mulf %parallel_loop3A_516, %parallel_loop3A_518 : vector<16xf32>
        %parallel_loop3A_520 = arith.addf %parallel_loop3A_132, %parallel_loop3A_519 : vector<16xf32>
        %parallel_loop3A_521 = arith.constant 0 : i32
        %parallel_loop3A_522 = arith.constant 3 : i32
        %parallel_loop3A_523 = arith.index_cast %parallel_loop3A_521 : i32 to index
        %parallel_loop3A_524 = arith.index_cast %parallel_loop3A_162 : i32 to index
        %parallel_loop3A_525 = arith.index_cast %parallel_loop3A_522 : i32 to index
        %parallel_loop3A_526 = arith.index_cast %parallel_loop3A_178 : i32 to index
        %parallel_loop3A_527 = arith.constant 0 : index
        %parallel_loop3A_528 = tpu.vector_load %arg8[%parallel_loop3A_523, %parallel_loop3A_524, %parallel_loop3A_525, %parallel_loop3A_526, %parallel_loop3A_527] {strides = array<i32>} : memref<2x8x4x8x128xf32, #tpu.memory_space<vmem>>, vector<16xf32>,
        tpu.vector_store %arg8[%parallel_loop3A_523, %parallel_loop3A_524, %parallel_loop3A_525, %parallel_loop3A_526, %parallel_loop3A_527], %parallel_loop3A_520 {strides = array<i32>} : memref<2x8x4x8x128xf32, #tpu.memory_space<vmem>>, vector<16xf32>,
        %parallel_loop3A_529 = arith.constant 400 : index
        %parallel_loop3A_530 = tpu.vector_load %arg7[%parallel_loop3A_529] {strides = array<i32>} : memref<512xf32, #tpu.memory_space<vmem>>, vector<16xf32>,
        %parallel_loop3A_531 = arith.mulf %parallel_loop3A_530, %parallel_loop3A_138 : vector<16xf32>
        %parallel_loop3A_532 = arith.addf %parallel_loop3A_135, %parallel_loop3A_531 : vector<16xf32>
        %parallel_loop3A_533 = arith.mulf %parallel_loop3A_530, %parallel_loop3A_532 : vector<16xf32>
        %parallel_loop3A_534 = arith.addf %parallel_loop3A_132, %parallel_loop3A_533 : vector<16xf32>
        %parallel_loop3A_535 = arith.constant 0 : i32
        %parallel_loop3A_536 = arith.constant 3 : i32
        %parallel_loop3A_537 = arith.index_cast %parallel_loop3A_535 : i32 to index
        %parallel_loop3A_538 = arith.index_cast %parallel_loop3A_162 : i32 to index
        %parallel_loop3A_539 = arith.index_cast %parallel_loop3A_536 : i32 to index
        %parallel_loop3A_540 = arith.index_cast %parallel_loop3A_178 : i32 to index
        %parallel_loop3A_541 = arith.constant 16 : index
        %parallel_loop3A_542 = tpu.vector_load %arg8[%parallel_loop3A_537, %parallel_loop3A_538, %parallel_loop3A_539, %parallel_loop3A_540, %parallel_loop3A_541] {strides = array<i32>} : memref<2x8x4x8x128xf32, #tpu.memory_space<vmem>>, vector<16xf32>,
        tpu.vector_store %arg8[%parallel_loop3A_537, %parallel_loop3A_538, %parallel_loop3A_539, %parallel_loop3A_540, %parallel_loop3A_541], %parallel_loop3A_534 {strides = array<i32>} : memref<2x8x4x8x128xf32, #tpu.memory_space<vmem>>, vector<16xf32>,
        %parallel_loop3A_543 = arith.constant 416 : index
        %parallel_loop3A_544 = tpu.vector_load %arg7[%parallel_loop3A_543] {strides = array<i32>} : memref<512xf32, #tpu.memory_space<vmem>>, vector<16xf32>,
        %parallel_loop3A_545 = arith.mulf %parallel_loop3A_544, %parallel_loop3A_138 : vector<16xf32>
        %parallel_loop3A_546 = arith.addf %parallel_loop3A_135, %parallel_loop3A_545 : vector<16xf32>
        %parallel_loop3A_547 = arith.mulf %parallel_loop3A_544, %parallel_loop3A_546 : vector<16xf32>
        %parallel_loop3A_548 = arith.addf %parallel_loop3A_132, %parallel_loop3A_547 : vector<16xf32>
        %parallel_loop3A_549 = arith.constant 0 : i32
        %parallel_loop3A_550 = arith.constant 3 : i32
        %parallel_loop3A_551 = arith.index_cast %parallel_loop3A_549 : i32 to index
        %parallel_loop3A_552 = arith.index_cast %parallel_loop3A_162 : i32 to index
        %parallel_loop3A_553 = arith.index_cast %parallel_loop3A_550 : i32 to index
        %parallel_loop3A_554 = arith.index_cast %parallel_loop3A_178 : i32 to index
        %parallel_loop3A_555 = arith.constant 32 : index
        %parallel_loop3A_556 = tpu.vector_load %arg8[%parallel_loop3A_551, %parallel_loop3A_552, %parallel_loop3A_553, %parallel_loop3A_554, %parallel_loop3A_555] {strides = array<i32>} : memref<2x8x4x8x128xf32, #tpu.memory_space<vmem>>, vector<16xf32>,
        tpu.vector_store %arg8[%parallel_loop3A_551, %parallel_loop3A_552, %parallel_loop3A_553, %parallel_loop3A_554, %parallel_loop3A_555], %parallel_loop3A_548 {strides = array<i32>} : memref<2x8x4x8x128xf32, #tpu.memory_space<vmem>>, vector<16xf32>,
        %parallel_loop3A_557 = arith.constant 432 : index
        %parallel_loop3A_558 = tpu.vector_load %arg7[%parallel_loop3A_557] {strides = array<i32>} : memref<512xf32, #tpu.memory_space<vmem>>, vector<16xf32>,
        %parallel_loop3A_559 = arith.mulf %parallel_loop3A_558, %parallel_loop3A_138 : vector<16xf32>
        %parallel_loop3A_560 = arith.addf %parallel_loop3A_135, %parallel_loop3A_559 : vector<16xf32>
        %parallel_loop3A_561 = arith.mulf %parallel_loop3A_558, %parallel_loop3A_560 : vector<16xf32>
        %parallel_loop3A_562 = arith.addf %parallel_loop3A_132, %parallel_loop3A_561 : vector<16xf32>
        %parallel_loop3A_563 = arith.constant 0 : i32
        %parallel_loop3A_564 = arith.constant 3 : i32
        %parallel_loop3A_565 = arith.index_cast %parallel_loop3A_563 : i32 to index
        %parallel_loop3A_566 = arith.index_cast %parallel_loop3A_162 : i32 to index
        %parallel_loop3A_567 = arith.index_cast %parallel_loop3A_564 : i32 to index
        %parallel_loop3A_568 = arith.index_cast %parallel_loop3A_178 : i32 to index
        %parallel_loop3A_569 = arith.constant 48 : index
        %parallel_loop3A_570 = tpu.vector_load %arg8[%parallel_loop3A_565, %parallel_loop3A_566, %parallel_loop3A_567, %parallel_loop3A_568, %parallel_loop3A_569] {strides = array<i32>} : memref<2x8x4x8x128xf32, #tpu.memory_space<vmem>>, vector<16xf32>,
        tpu.vector_store %arg8[%parallel_loop3A_565, %parallel_loop3A_566, %parallel_loop3A_567, %parallel_loop3A_568, %parallel_loop3A_569], %parallel_loop3A_562 {strides = array<i32>} : memref<2x8x4x8x128xf32, #tpu.memory_space<vmem>>, vector<16xf32>,
        %parallel_loop3A_571 = arith.constant 448 : index
        %parallel_loop3A_572 = tpu.vector_load %arg7[%parallel_loop3A_571] {strides = array<i32>} : memref<512xf32, #tpu.memory_space<vmem>>, vector<16xf32>,
        %parallel_loop3A_573 = arith.mulf %parallel_loop3A_572, %parallel_loop3A_138 : vector<16xf32>
        %parallel_loop3A_574 = arith.addf %parallel_loop3A_135, %parallel_loop3A_573 : vector<16xf32>
        %parallel_loop3A_575 = arith.mulf %parallel_loop3A_572, %parallel_loop3A_574 : vector<16xf32>
        %parallel_loop3A_576 = arith.addf %parallel_loop3A_132, %parallel_loop3A_575 : vector<16xf32>
        %parallel_loop3A_577 = arith.constant 0 : i32
        %parallel_loop3A_578 = arith.constant 3 : i32
        %parallel_loop3A_579 = arith.index_cast %parallel_loop3A_577 : i32 to index
        %parallel_loop3A_580 = arith.index_cast %parallel_loop3A_162 : i32 to index
        %parallel_loop3A_581 = arith.index_cast %parallel_loop3A_578 : i32 to index
        %parallel_loop3A_582 = arith.index_cast %parallel_loop3A_178 : i32 to index
        %parallel_loop3A_583 = arith.constant 64 : index
        %parallel_loop3A_584 = tpu.vector_load %arg8[%parallel_loop3A_579, %parallel_loop3A_580, %parallel_loop3A_581, %parallel_loop3A_582, %parallel_loop3A_583] {strides = array<i32>} : memref<2x8x4x8x128xf32, #tpu.memory_space<vmem>>, vector<16xf32>,
        tpu.vector_store %arg8[%parallel_loop3A_579, %parallel_loop3A_580, %parallel_loop3A_581, %parallel_loop3A_582, %parallel_loop3A_583], %parallel_loop3A_576 {strides = array<i32>} : memref<2x8x4x8x128xf32, #tpu.memory_space<vmem>>, vector<16xf32>,
        %parallel_loop3A_585 = arith.constant 464 : index
        %parallel_loop3A_586 = tpu.vector_load %arg7[%parallel_loop3A_585] {strides = array<i32>} : memref<512xf32, #tpu.memory_space<vmem>>, vector<16xf32>,
        %parallel_loop3A_587 = arith.mulf %parallel_loop3A_586, %parallel_loop3A_138 : vector<16xf32>
        %parallel_loop3A_588 = arith.addf %parallel_loop3A_135, %parallel_loop3A_587 : vector<16xf32>
        %parallel_loop3A_589 = arith.mulf %parallel_loop3A_586, %parallel_loop3A_588 : vector<16xf32>
        %parallel_loop3A_590 = arith.addf %parallel_loop3A_132, %parallel_loop3A_589 : vector<16xf32>
        %parallel_loop3A_591 = arith.constant 0 : i32
        %parallel_loop3A_592 = arith.constant 3 : i32
        %parallel_loop3A_593 = arith.index_cast %parallel_loop3A_591 : i32 to index
        %parallel_loop3A_594 = arith.index_cast %parallel_loop3A_162 : i32 to index
        %parallel_loop3A_595 = arith.index_cast %parallel_loop3A_592 : i32 to index
        %parallel_loop3A_596 = arith.index_cast %parallel_loop3A_178 : i32 to index
        %parallel_loop3A_597 = arith.constant 80 : index
        %parallel_loop3A_598 = tpu.vector_load %arg8[%parallel_loop3A_593, %parallel_loop3A_594, %parallel_loop3A_595, %parallel_loop3A_596, %parallel_loop3A_597] {strides = array<i32>} : memref<2x8x4x8x128xf32, #tpu.memory_space<vmem>>, vector<16xf32>,
        tpu.vector_store %arg8[%parallel_loop3A_593, %parallel_loop3A_594, %parallel_loop3A_595, %parallel_loop3A_596, %parallel_loop3A_597], %parallel_loop3A_590 {strides = array<i32>} : memref<2x8x4x8x128xf32, #tpu.memory_space<vmem>>, vector<16xf32>,
        %parallel_loop3A_599 = arith.constant 480 : index
        %parallel_loop3A_600 = tpu.vector_load %arg7[%parallel_loop3A_599] {strides = array<i32>} : memref<512xf32, #tpu.memory_space<vmem>>, vector<16xf32>,
        %parallel_loop3A_601 = arith.mulf %parallel_loop3A_600, %parallel_loop3A_138 : vector<16xf32>
        %parallel_loop3A_602 = arith.addf %parallel_loop3A_135, %parallel_loop3A_601 : vector<16xf32>
        %parallel_loop3A_603 = arith.mulf %parallel_loop3A_600, %parallel_loop3A_602 : vector<16xf32>
        %parallel_loop3A_604 = arith.addf %parallel_loop3A_132, %parallel_loop3A_603 : vector<16xf32>
        %parallel_loop3A_605 = arith.constant 0 : i32
        %parallel_loop3A_606 = arith.constant 3 : i32
        %parallel_loop3A_607 = arith.index_cast %parallel_loop3A_605 : i32 to index
        %parallel_loop3A_608 = arith.index_cast %parallel_loop3A_162 : i32 to index
        %parallel_loop3A_609 = arith.index_cast %parallel_loop3A_606 : i32 to index
        %parallel_loop3A_610 = arith.index_cast %parallel_loop3A_178 : i32 to index
        %parallel_loop3A_611 = arith.constant 96 : index
        %parallel_loop3A_612 = tpu.vector_load %arg8[%parallel_loop3A_607, %parallel_loop3A_608, %parallel_loop3A_609, %parallel_loop3A_610, %parallel_loop3A_611] {strides = array<i32>} : memref<2x8x4x8x128xf32, #tpu.memory_space<vmem>>, vector<16xf32>,
        tpu.vector_store %arg8[%parallel_loop3A_607, %parallel_loop3A_608, %parallel_loop3A_609, %parallel_loop3A_610, %parallel_loop3A_611], %parallel_loop3A_604 {strides = array<i32>} : memref<2x8x4x8x128xf32, #tpu.memory_space<vmem>>, vector<16xf32>,
        %parallel_loop3A_613 = arith.constant 496 : index
        %parallel_loop3A_614 = tpu.vector_load %arg7[%parallel_loop3A_613] {strides = array<i32>} : memref<512xf32, #tpu.memory_space<vmem>>, vector<16xf32>,
        %parallel_loop3A_615 = arith.mulf %parallel_loop3A_614, %parallel_loop3A_138 : vector<16xf32>
        %parallel_loop3A_616 = arith.addf %parallel_loop3A_135, %parallel_loop3A_615 : vector<16xf32>
        %parallel_loop3A_617 = arith.mulf %parallel_loop3A_614, %parallel_loop3A_616 : vector<16xf32>
        %parallel_loop3A_618 = arith.addf %parallel_loop3A_132, %parallel_loop3A_617 : vector<16xf32>
        %parallel_loop3A_619 = arith.constant 0 : i32
        %parallel_loop3A_620 = arith.constant 3 : i32
        %parallel_loop3A_621 = arith.index_cast %parallel_loop3A_619 : i32 to index
        %parallel_loop3A_622 = arith.index_cast %parallel_loop3A_162 : i32 to index
        %parallel_loop3A_623 = arith.index_cast %parallel_loop3A_620 : i32 to index
        %parallel_loop3A_624 = arith.index_cast %parallel_loop3A_178 : i32 to index
        %parallel_loop3A_625 = arith.constant 112 : index
        %parallel_loop3A_626 = tpu.vector_load %arg8[%parallel_loop3A_621, %parallel_loop3A_622, %parallel_loop3A_623, %parallel_loop3A_624, %parallel_loop3A_625] {strides = array<i32>} : memref<2x8x4x8x128xf32, #tpu.memory_space<vmem>>, vector<16xf32>,
        tpu.vector_store %arg8[%parallel_loop3A_621, %parallel_loop3A_622, %parallel_loop3A_623, %parallel_loop3A_624, %parallel_loop3A_625], %parallel_loop3A_618 {strides = array<i32>} : memref<2x8x4x8x128xf32, #tpu.memory_space<vmem>>, vector<16xf32>,
      } {sc.loop_unroll_factor = 2 : i64, sc.parallel_access}
      %dma_start3A = arith.constant 0 : i32
      %dma_start3A_69 = arith.constant 0 : i32
      %dma_start3A_70 = arith.constant 0 : i32
      %dma_start3A_71 = arith.constant 0 : i32
      %dma_start3A_72 = arith.constant 0 : i32
      %dma_start3A_73 = tpu.memref_slice %arg8[%dma_start3A, %dma_start3A_69, %dma_start3A_70, %dma_start3A_71, %dma_start3A_72] : memref<2x8x4x8x128xf32, #tpu.memory_space<vmem>> -> memref<1x8x4x8x128xf32, #tpu.memory_space<vmem>>
      %dma_start3A_74 = tpu.memref_squeeze %dma_start3A_73 : memref<1x8x4x8x128xf32, #tpu.memory_space<vmem>> -> memref<8x4x8x128xf32, #tpu.memory_space<vmem>>
      %dma_start3A_75 = arith.constant 0 : i32
      %dma_start3A_76 = arith.constant 0 : i32
      %dma_start3A_77 = arith.constant 0 : i32
      %dma_start3A_78 = tpu.memref_slice %arg4[%add3A_61, %dma_start3A_75, %mul3A_4, %dma_start3A_76, %dma_start3A_77] : memref<50x8x128x8x128xf32, #tpu.memory_space<hbm>> -> memref<1x8x4x8x128xf32, #tpu.memory_space<hbm>>
      %dma_start3A_79 = tpu.memref_squeeze %dma_start3A_78 : memref<1x8x4x8x128xf32, #tpu.memory_space<hbm>> -> memref<8x4x8x128xf32, #tpu.memory_space<hbm>>
      %dma_start3A_80 = arith.constant 0 : i32
      %dma_start3A_81 = arith.constant 0 : i32
      %dma_start3A_82 = arith.constant 0 : i32
      %dma_start3A_83 = tpu.memref_slice %arg4[%add3A_61, %dma_start3A_80, %mul3A_4, %dma_start3A_81, %dma_start3A_82] : memref<50x8x128x8x128xf32, #tpu.memory_space<hbm>> -> memref<1x8x4x8x128xf32, #tpu.memory_space<hbm>>
      %dma_start3A_84 = tpu.memref_squeeze %dma_start3A_83 : memref<1x8x4x8x128xf32, #tpu.memory_space<hbm>> -> memref<8x4x8x128xf32, #tpu.memory_space<hbm>>
      %dma_start3A_85 = arith.constant 0 : i32
      %dma_start3A_86 = arith.constant 0 : i32
      %dma_start3A_87 = arith.constant 0 : i32
      %dma_start3A_88 = arith.constant 0 : i32
      %dma_start3A_89 = tpu.memref_slice %arg8[%dma_start3A, %dma_start3A_85, %dma_start3A_86, %dma_start3A_87, %dma_start3A_88] : memref<2x8x4x8x128xf32, #tpu.memory_space<vmem>> -> memref<1x8x4x8x128xf32, #tpu.memory_space<vmem>>
      %dma_start3A_90 = tpu.memref_squeeze %dma_start3A_89 : memref<1x8x4x8x128xf32, #tpu.memory_space<vmem>> -> memref<8x4x8x128xf32, #tpu.memory_space<vmem>>
      tpu.enqueue_dma source(%dma_start3A_90 : memref<8x4x8x128xf32, #tpu.memory_space<vmem>>) target(%dma_start3A_84 : memref<8x4x8x128xf32, #tpu.memory_space<hbm>>) target_semaphore(%arg9 : memref<!tpu.dma_semaphore, #tpu.memory_space<semaphore_mem>>)
      %mul3A_91 = arith.constant 2 : i32
      %mul3A_92 = arith.muli %mul3A_91, %scan3A_57 : i32
      %add3A_93 = arith.constant 1 : i32
      %add3A_94 = arith.addi %mul3A_92, %add3A_93 : i32
      %ge3A_95 = arith.constant 2 : i32
      %ge3A_96 = arith.cmpi sge, %add3A_94, %ge3A_95 : i32
      %convert_element_type3A_97 = arith.extui %ge3A_96 : i1 to i32
      %cond3A_98 = arith.constant 0 : i32
      %cond3A_99 = arith.cmpi ne, %convert_element_type3A_97, %cond3A_98 : i32
      scf.if %cond3A_99 {
        %sub3A = arith.constant 2 : i32
        %sub3A_129 = arith.subi %add3A_94, %sub3A : i32
        %dma_wait3A_130 = arith.constant 1 : i32
        %dma_wait3A_131 = arith.constant 0 : i32
        %dma_wait3A_132 = arith.constant 0 : i32
        %dma_wait3A_133 = arith.constant 0 : i32
        %dma_wait3A_134 = arith.constant 0 : i32
        %dma_wait3A_135 = tpu.memref_slice %arg8[%dma_wait3A_130, %dma_wait3A_131, %dma_wait3A_132, %dma_wait3A_133, %dma_wait3A_134] : memref<2x8x4x8x128xf32, #tpu.memory_space<vmem>> -> memref<1x8x4x8x128xf32, #tpu.memory_space<vmem>>
        %dma_wait3A_136 = tpu.memref_squeeze %dma_wait3A_135 : memref<1x8x4x8x128xf32, #tpu.memory_space<vmem>> -> memref<8x4x8x128xf32, #tpu.memory_space<vmem>>
        %dma_wait3A_137 = arith.constant 0 : i32
        %dma_wait3A_138 = arith.constant 0 : i32
        %dma_wait3A_139 = arith.constant 0 : i32
        %dma_wait3A_140 = tpu.memref_slice %arg4[%sub3A_129, %dma_wait3A_137, %mul3A_4, %dma_wait3A_138, %dma_wait3A_139] : memref<50x8x128x8x128xf32, #tpu.memory_space<hbm>> -> memref<1x8x4x8x128xf32, #tpu.memory_space<hbm>>
        %dma_wait3A_141 = tpu.memref_squeeze %dma_wait3A_140 : memref<1x8x4x8x128xf32, #tpu.memory_space<hbm>> -> memref<8x4x8x128xf32, #tpu.memory_space<hbm>>
        %dma_wait3A_142 = arith.constant 0 : i32
        %dma_wait3A_143 = arith.constant 0 : i32
        %dma_wait3A_144 = arith.constant 0 : i32
        %dma_wait3A_145 = tpu.memref_slice %arg4[%sub3A_129, %dma_wait3A_142, %mul3A_4, %dma_wait3A_143, %dma_wait3A_144] : memref<50x8x128x8x128xf32, #tpu.memory_space<hbm>> -> memref<1x8x4x8x128xf32, #tpu.memory_space<hbm>>
        %dma_wait3A_146 = tpu.memref_squeeze %dma_wait3A_145 : memref<1x8x4x8x128xf32, #tpu.memory_space<hbm>> -> memref<8x4x8x128xf32, #tpu.memory_space<hbm>>
        %dma_wait3A_147 = arith.constant 0 : i32
        %dma_wait3A_148 = arith.constant 0 : i32
        %dma_wait3A_149 = arith.constant 0 : i32
        %dma_wait3A_150 = arith.constant 0 : i32
        %dma_wait3A_151 = tpu.memref_slice %arg8[%dma_wait3A_130, %dma_wait3A_147, %dma_wait3A_148, %dma_wait3A_149, %dma_wait3A_150] : memref<2x8x4x8x128xf32, #tpu.memory_space<vmem>> -> memref<1x8x4x8x128xf32, #tpu.memory_space<vmem>>
        %dma_wait3A_152 = tpu.memref_squeeze %dma_wait3A_151 : memref<1x8x4x8x128xf32, #tpu.memory_space<vmem>> -> memref<8x4x8x128xf32, #tpu.memory_space<vmem>>
        tpu.wait_dma2 semaphore(%arg9 : memref<!tpu.dma_semaphore, #tpu.memory_space<semaphore_mem>>) src(%dma_wait3A_152 : memref<8x4x8x128xf32, #tpu.memory_space<vmem>>) dst(%dma_wait3A_146 : memref<8x4x8x128xf32, #tpu.memory_space<hbm>>)
      } else {
      }
      %parallel_loop3A_100 = arith.constant 0 : i32
      %parallel_loop3A_101 = arith.constant 32 : i32
      %parallel_loop3A_102 = arith.constant 1 : i32
      scf.for %parallel_loop3A_129 = %parallel_loop3A_100 to %parallel_loop3A_101 step %parallel_loop3A_102  : i32 {
        %parallel_loop3A_130 = arith.constant 16 : i32
        %parallel_loop3A_131 = arith.muli %parallel_loop3A_129, %parallel_loop3A_130 : i32
        %parallel_loop3A_132 = vector.broadcast %parallel_loop3A_131 : i32 to vector<16xi32>
        %parallel_loop3A_133 = arith.addi %parallel_loop3A_132, %iota3A : vector<16xi32>
        %parallel_loop3A_134 = vector.broadcast %add3A_94 : i32 to vector<16xi32>
        %parallel_loop3A_135 = tpu.vector_load_idx %arg5[%parallel_loop3A_133, %parallel_loop3A_134] : memref<512x50xi32, #tpu.memory_space<vmem>>[vector<16xi32>, vector<16xi32>], vector<16xi32>,
        %parallel_loop3A_136 = arith.sitofp %parallel_loop3A_135 : vector<16xi32> to vector<16xf32>
        %parallel_loop3A_137 = arith.constant 16 : i32
        %parallel_loop3A_138 = arith.muli %parallel_loop3A_129, %parallel_loop3A_137 : i32
        %parallel_loop3A_139 = arith.index_cast %parallel_loop3A_138 : i32 to index
        %parallel_loop3A_140 = tpu.vector_load %arg7[%parallel_loop3A_139] {strides = array<i32>} : memref<512xf32, #tpu.memory_space<vmem>>, vector<16xf32>,
        tpu.vector_store %arg7[%parallel_loop3A_139], %parallel_loop3A_136 {strides = array<i32>} : memref<512xf32, #tpu.memory_space<vmem>>, vector<16xf32>,
      } {sc.loop_unroll_factor = 4 : i64, sc.parallel_access}
      %parallel_loop3A_103 = arith.constant 0 : i32
      %parallel_loop3A_104 = arith.constant 64 : i32
      %parallel_loop3A_105 = arith.constant 1 : i32
      scf.for %parallel_loop3A_129 = %parallel_loop3A_103 to %parallel_loop3A_104 step %parallel_loop3A_105  : i32 {
        %parallel_loop3A_130 = arith.index_cast %parallel_loop3A_129 : i32 to index
        %parallel_loop3A_131 = arith.constant 0 : index
        %parallel_loop3A_132 = tpu.vector_load %arg6[%parallel_loop3A_130, %parallel_loop3A_131] {strides = array<i32>} : memref<64x48xf32, #tpu.memory_space<vmem>>, vector<16xf32>,
        %parallel_loop3A_133 = arith.index_cast %parallel_loop3A_129 : i32 to index
        %parallel_loop3A_134 = arith.constant 16 : index
        %parallel_loop3A_135 = tpu.vector_load %arg6[%parallel_loop3A_133, %parallel_loop3A_134] {strides = array<i32>} : memref<64x48xf32, #tpu.memory_space<vmem>>, vector<16xf32>,
        %parallel_loop3A_136 = arith.index_cast %parallel_loop3A_129 : i32 to index
        %parallel_loop3A_137 = arith.constant 32 : index
        %parallel_loop3A_138 = tpu.vector_load %arg6[%parallel_loop3A_136, %parallel_loop3A_137] {strides = array<i32>} : memref<64x48xf32, #tpu.memory_space<vmem>>, vector<16xf32>,
        %parallel_loop3A_139 = arith.constant 8 : i32
        %parallel_loop3A_140 = arith.divsi %parallel_loop3A_129, %parallel_loop3A_139 : i32
        %parallel_loop3A_141 = arith.constant 0 : i32
        %parallel_loop3A_142 = arith.cmpi sgt, %parallel_loop3A_129, %parallel_loop3A_141 : i32
        %parallel_loop3A_143 = arith.extui %parallel_loop3A_142 : i1 to i32
        %parallel_loop3A_144 = arith.constant 0 : i32
        %parallel_loop3A_145 = arith.cmpi slt, %parallel_loop3A_129, %parallel_loop3A_144 : i32
        %parallel_loop3A_146 = arith.extui %parallel_loop3A_145 : i1 to i32
        %parallel_loop3A_147 = arith.subi %parallel_loop3A_143, %parallel_loop3A_146 : i32
        %parallel_loop3A_148 = arith.constant 0 : i32
        %parallel_loop3A_149 = arith.cmpi sgt, %parallel_loop3A_139, %parallel_loop3A_148 : i32
        %parallel_loop3A_150 = arith.extui %parallel_loop3A_149 : i1 to i32
        %parallel_loop3A_151 = arith.constant 0 : i32
        %parallel_loop3A_152 = arith.cmpi slt, %parallel_loop3A_139, %parallel_loop3A_151 : i32
        %parallel_loop3A_153 = arith.extui %parallel_loop3A_152 : i1 to i32
        %parallel_loop3A_154 = arith.subi %parallel_loop3A_150, %parallel_loop3A_153 : i32
        %parallel_loop3A_155 = arith.cmpi ne, %parallel_loop3A_147, %parallel_loop3A_154 : i32
        %parallel_loop3A_156 = arith.remsi %parallel_loop3A_129, %parallel_loop3A_139 : i32
        %parallel_loop3A_157 = arith.constant 0 : i32
        %parallel_loop3A_158 = arith.cmpi ne, %parallel_loop3A_156, %parallel_loop3A_157 : i32
        %parallel_loop3A_159 = arith.andi %parallel_loop3A_155, %parallel_loop3A_158 : i1
        %parallel_loop3A_160 = arith.constant 1 : i32
        %parallel_loop3A_161 = arith.subi %parallel_loop3A_140, %parallel_loop3A_160 : i32
        %parallel_loop3A_162 = arith.select %parallel_loop3A_159, %parallel_loop3A_161, %parallel_loop3A_140 : i32
        %parallel_loop3A_163 = arith.constant 8 : i32
        %parallel_loop3A_164 = arith.constant 0 : i32
        %parallel_loop3A_165 = arith.cmpi eq, %parallel_loop3A_163, %parallel_loop3A_164 : i32
        %parallel_loop3A_166 = arith.constant 1 : i32
        %parallel_loop3A_167 = arith.select %parallel_loop3A_165, %parallel_loop3A_166, %parallel_loop3A_163 : i32
        %parallel_loop3A_168 = arith.remsi %parallel_loop3A_129, %parallel_loop3A_167 : i32
        %parallel_loop3A_169 = arith.constant 0 : i32
        %parallel_loop3A_170 = arith.cmpi ne, %parallel_loop3A_168, %parallel_loop3A_169 : i32
        %parallel_loop3A_171 = arith.constant 0 : i32
        %parallel_loop3A_172 = arith.cmpi slt, %parallel_loop3A_168, %parallel_loop3A_171 : i32
        %parallel_loop3A_173 = arith.constant 0 : i32
        %parallel_loop3A_174 = arith.cmpi slt, %parallel_loop3A_167, %parallel_loop3A_173 : i32
        %parallel_loop3A_175 = arith.xori %parallel_loop3A_172, %parallel_loop3A_174 : i1
        %parallel_loop3A_176 = arith.andi %parallel_loop3A_175, %parallel_loop3A_170 : i1
        %parallel_loop3A_177 = arith.addi %parallel_loop3A_168, %parallel_loop3A_167 : i32
        %parallel_loop3A_178 = arith.select %parallel_loop3A_176, %parallel_loop3A_177, %parallel_loop3A_168 : i32
        %parallel_loop3A_179 = arith.constant 0 : index
        %parallel_loop3A_180 = tpu.vector_load %arg7[%parallel_loop3A_179] {strides = array<i32>} : memref<512xf32, #tpu.memory_space<vmem>>, vector<16xf32>,
        %parallel_loop3A_181 = arith.mulf %parallel_loop3A_180, %parallel_loop3A_138 : vector<16xf32>
        %parallel_loop3A_182 = arith.addf %parallel_loop3A_135, %parallel_loop3A_181 : vector<16xf32>
        %parallel_loop3A_183 = arith.mulf %parallel_loop3A_180, %parallel_loop3A_182 : vector<16xf32>
        %parallel_loop3A_184 = arith.addf %parallel_loop3A_132, %parallel_loop3A_183 : vector<16xf32>
        %parallel_loop3A_185 = arith.constant 1 : i32
        %parallel_loop3A_186 = arith.constant 0 : i32
        %parallel_loop3A_187 = arith.index_cast %parallel_loop3A_185 : i32 to index
        %parallel_loop3A_188 = arith.index_cast %parallel_loop3A_162 : i32 to index
        %parallel_loop3A_189 = arith.index_cast %parallel_loop3A_186 : i32 to index
        %parallel_loop3A_190 = arith.index_cast %parallel_loop3A_178 : i32 to index
        %parallel_loop3A_191 = arith.constant 0 : index
        %parallel_loop3A_192 = tpu.vector_load %arg8[%parallel_loop3A_187, %parallel_loop3A_188, %parallel_loop3A_189, %parallel_loop3A_190, %parallel_loop3A_191] {strides = array<i32>} : memref<2x8x4x8x128xf32, #tpu.memory_space<vmem>>, vector<16xf32>,
        tpu.vector_store %arg8[%parallel_loop3A_187, %parallel_loop3A_188, %parallel_loop3A_189, %parallel_loop3A_190, %parallel_loop3A_191], %parallel_loop3A_184 {strides = array<i32>} : memref<2x8x4x8x128xf32, #tpu.memory_space<vmem>>, vector<16xf32>,
        %parallel_loop3A_193 = arith.constant 16 : index
        %parallel_loop3A_194 = tpu.vector_load %arg7[%parallel_loop3A_193] {strides = array<i32>} : memref<512xf32, #tpu.memory_space<vmem>>, vector<16xf32>,
        %parallel_loop3A_195 = arith.mulf %parallel_loop3A_194, %parallel_loop3A_138 : vector<16xf32>
        %parallel_loop3A_196 = arith.addf %parallel_loop3A_135, %parallel_loop3A_195 : vector<16xf32>
        %parallel_loop3A_197 = arith.mulf %parallel_loop3A_194, %parallel_loop3A_196 : vector<16xf32>
        %parallel_loop3A_198 = arith.addf %parallel_loop3A_132, %parallel_loop3A_197 : vector<16xf32>
        %parallel_loop3A_199 = arith.constant 1 : i32
        %parallel_loop3A_200 = arith.constant 0 : i32
        %parallel_loop3A_201 = arith.index_cast %parallel_loop3A_199 : i32 to index
        %parallel_loop3A_202 = arith.index_cast %parallel_loop3A_162 : i32 to index
        %parallel_loop3A_203 = arith.index_cast %parallel_loop3A_200 : i32 to index
        %parallel_loop3A_204 = arith.index_cast %parallel_loop3A_178 : i32 to index
        %parallel_loop3A_205 = arith.constant 16 : index
        %parallel_loop3A_206 = tpu.vector_load %arg8[%parallel_loop3A_201, %parallel_loop3A_202, %parallel_loop3A_203, %parallel_loop3A_204, %parallel_loop3A_205] {strides = array<i32>} : memref<2x8x4x8x128xf32, #tpu.memory_space<vmem>>, vector<16xf32>,
        tpu.vector_store %arg8[%parallel_loop3A_201, %parallel_loop3A_202, %parallel_loop3A_203, %parallel_loop3A_204, %parallel_loop3A_205], %parallel_loop3A_198 {strides = array<i32>} : memref<2x8x4x8x128xf32, #tpu.memory_space<vmem>>, vector<16xf32>,
        %parallel_loop3A_207 = arith.constant 32 : index
        %parallel_loop3A_208 = tpu.vector_load %arg7[%parallel_loop3A_207] {strides = array<i32>} : memref<512xf32, #tpu.memory_space<vmem>>, vector<16xf32>,
        %parallel_loop3A_209 = arith.mulf %parallel_loop3A_208, %parallel_loop3A_138 : vector<16xf32>
        %parallel_loop3A_210 = arith.addf %parallel_loop3A_135, %parallel_loop3A_209 : vector<16xf32>
        %parallel_loop3A_211 = arith.mulf %parallel_loop3A_208, %parallel_loop3A_210 : vector<16xf32>
        %parallel_loop3A_212 = arith.addf %parallel_loop3A_132, %parallel_loop3A_211 : vector<16xf32>
        %parallel_loop3A_213 = arith.constant 1 : i32
        %parallel_loop3A_214 = arith.constant 0 : i32
        %parallel_loop3A_215 = arith.index_cast %parallel_loop3A_213 : i32 to index
        %parallel_loop3A_216 = arith.index_cast %parallel_loop3A_162 : i32 to index
        %parallel_loop3A_217 = arith.index_cast %parallel_loop3A_214 : i32 to index
        %parallel_loop3A_218 = arith.index_cast %parallel_loop3A_178 : i32 to index
        %parallel_loop3A_219 = arith.constant 32 : index
        %parallel_loop3A_220 = tpu.vector_load %arg8[%parallel_loop3A_215, %parallel_loop3A_216, %parallel_loop3A_217, %parallel_loop3A_218, %parallel_loop3A_219] {strides = array<i32>} : memref<2x8x4x8x128xf32, #tpu.memory_space<vmem>>, vector<16xf32>,
        tpu.vector_store %arg8[%parallel_loop3A_215, %parallel_loop3A_216, %parallel_loop3A_217, %parallel_loop3A_218, %parallel_loop3A_219], %parallel_loop3A_212 {strides = array<i32>} : memref<2x8x4x8x128xf32, #tpu.memory_space<vmem>>, vector<16xf32>,
        %parallel_loop3A_221 = arith.constant 48 : index
        %parallel_loop3A_222 = tpu.vector_load %arg7[%parallel_loop3A_221] {strides = array<i32>} : memref<512xf32, #tpu.memory_space<vmem>>, vector<16xf32>,
        %parallel_loop3A_223 = arith.mulf %parallel_loop3A_222, %parallel_loop3A_138 : vector<16xf32>
        %parallel_loop3A_224 = arith.addf %parallel_loop3A_135, %parallel_loop3A_223 : vector<16xf32>
        %parallel_loop3A_225 = arith.mulf %parallel_loop3A_222, %parallel_loop3A_224 : vector<16xf32>
        %parallel_loop3A_226 = arith.addf %parallel_loop3A_132, %parallel_loop3A_225 : vector<16xf32>
        %parallel_loop3A_227 = arith.constant 1 : i32
        %parallel_loop3A_228 = arith.constant 0 : i32
        %parallel_loop3A_229 = arith.index_cast %parallel_loop3A_227 : i32 to index
        %parallel_loop3A_230 = arith.index_cast %parallel_loop3A_162 : i32 to index
        %parallel_loop3A_231 = arith.index_cast %parallel_loop3A_228 : i32 to index
        %parallel_loop3A_232 = arith.index_cast %parallel_loop3A_178 : i32 to index
        %parallel_loop3A_233 = arith.constant 48 : index
        %parallel_loop3A_234 = tpu.vector_load %arg8[%parallel_loop3A_229, %parallel_loop3A_230, %parallel_loop3A_231, %parallel_loop3A_232, %parallel_loop3A_233] {strides = array<i32>} : memref<2x8x4x8x128xf32, #tpu.memory_space<vmem>>, vector<16xf32>,
        tpu.vector_store %arg8[%parallel_loop3A_229, %parallel_loop3A_230, %parallel_loop3A_231, %parallel_loop3A_232, %parallel_loop3A_233], %parallel_loop3A_226 {strides = array<i32>} : memref<2x8x4x8x128xf32, #tpu.memory_space<vmem>>, vector<16xf32>,
        %parallel_loop3A_235 = arith.constant 64 : index
        %parallel_loop3A_236 = tpu.vector_load %arg7[%parallel_loop3A_235] {strides = array<i32>} : memref<512xf32, #tpu.memory_space<vmem>>, vector<16xf32>,
        %parallel_loop3A_237 = arith.mulf %parallel_loop3A_236, %parallel_loop3A_138 : vector<16xf32>
        %parallel_loop3A_238 = arith.addf %parallel_loop3A_135, %parallel_loop3A_237 : vector<16xf32>
        %parallel_loop3A_239 = arith.mulf %parallel_loop3A_236, %parallel_loop3A_238 : vector<16xf32>
        %parallel_loop3A_240 = arith.addf %parallel_loop3A_132, %parallel_loop3A_239 : vector<16xf32>
        %parallel_loop3A_241 = arith.constant 1 : i32
        %parallel_loop3A_242 = arith.constant 0 : i32
        %parallel_loop3A_243 = arith.index_cast %parallel_loop3A_241 : i32 to index
        %parallel_loop3A_244 = arith.index_cast %parallel_loop3A_162 : i32 to index
        %parallel_loop3A_245 = arith.index_cast %parallel_loop3A_242 : i32 to index
        %parallel_loop3A_246 = arith.index_cast %parallel_loop3A_178 : i32 to index
        %parallel_loop3A_247 = arith.constant 64 : index
        %parallel_loop3A_248 = tpu.vector_load %arg8[%parallel_loop3A_243, %parallel_loop3A_244, %parallel_loop3A_245, %parallel_loop3A_246, %parallel_loop3A_247] {strides = array<i32>} : memref<2x8x4x8x128xf32, #tpu.memory_space<vmem>>, vector<16xf32>,
        tpu.vector_store %arg8[%parallel_loop3A_243, %parallel_loop3A_244, %parallel_loop3A_245, %parallel_loop3A_246, %parallel_loop3A_247], %parallel_loop3A_240 {strides = array<i32>} : memref<2x8x4x8x128xf32, #tpu.memory_space<vmem>>, vector<16xf32>,
        %parallel_loop3A_249 = arith.constant 80 : index
        %parallel_loop3A_250 = tpu.vector_load %arg7[%parallel_loop3A_249] {strides = array<i32>} : memref<512xf32, #tpu.memory_space<vmem>>, vector<16xf32>,
        %parallel_loop3A_251 = arith.mulf %parallel_loop3A_250, %parallel_loop3A_138 : vector<16xf32>
        %parallel_loop3A_252 = arith.addf %parallel_loop3A_135, %parallel_loop3A_251 : vector<16xf32>
        %parallel_loop3A_253 = arith.mulf %parallel_loop3A_250, %parallel_loop3A_252 : vector<16xf32>
        %parallel_loop3A_254 = arith.addf %parallel_loop3A_132, %parallel_loop3A_253 : vector<16xf32>
        %parallel_loop3A_255 = arith.constant 1 : i32
        %parallel_loop3A_256 = arith.constant 0 : i32
        %parallel_loop3A_257 = arith.index_cast %parallel_loop3A_255 : i32 to index
        %parallel_loop3A_258 = arith.index_cast %parallel_loop3A_162 : i32 to index
        %parallel_loop3A_259 = arith.index_cast %parallel_loop3A_256 : i32 to index
        %parallel_loop3A_260 = arith.index_cast %parallel_loop3A_178 : i32 to index
        %parallel_loop3A_261 = arith.constant 80 : index
        %parallel_loop3A_262 = tpu.vector_load %arg8[%parallel_loop3A_257, %parallel_loop3A_258, %parallel_loop3A_259, %parallel_loop3A_260, %parallel_loop3A_261] {strides = array<i32>} : memref<2x8x4x8x128xf32, #tpu.memory_space<vmem>>, vector<16xf32>,
        tpu.vector_store %arg8[%parallel_loop3A_257, %parallel_loop3A_258, %parallel_loop3A_259, %parallel_loop3A_260, %parallel_loop3A_261], %parallel_loop3A_254 {strides = array<i32>} : memref<2x8x4x8x128xf32, #tpu.memory_space<vmem>>, vector<16xf32>,
        %parallel_loop3A_263 = arith.constant 96 : index
        %parallel_loop3A_264 = tpu.vector_load %arg7[%parallel_loop3A_263] {strides = array<i32>} : memref<512xf32, #tpu.memory_space<vmem>>, vector<16xf32>,
        %parallel_loop3A_265 = arith.mulf %parallel_loop3A_264, %parallel_loop3A_138 : vector<16xf32>
        %parallel_loop3A_266 = arith.addf %parallel_loop3A_135, %parallel_loop3A_265 : vector<16xf32>
        %parallel_loop3A_267 = arith.mulf %parallel_loop3A_264, %parallel_loop3A_266 : vector<16xf32>
        %parallel_loop3A_268 = arith.addf %parallel_loop3A_132, %parallel_loop3A_267 : vector<16xf32>
        %parallel_loop3A_269 = arith.constant 1 : i32
        %parallel_loop3A_270 = arith.constant 0 : i32
        %parallel_loop3A_271 = arith.index_cast %parallel_loop3A_269 : i32 to index
        %parallel_loop3A_272 = arith.index_cast %parallel_loop3A_162 : i32 to index
        %parallel_loop3A_273 = arith.index_cast %parallel_loop3A_270 : i32 to index
        %parallel_loop3A_274 = arith.index_cast %parallel_loop3A_178 : i32 to index
        %parallel_loop3A_275 = arith.constant 96 : index
        %parallel_loop3A_276 = tpu.vector_load %arg8[%parallel_loop3A_271, %parallel_loop3A_272, %parallel_loop3A_273, %parallel_loop3A_274, %parallel_loop3A_275] {strides = array<i32>} : memref<2x8x4x8x128xf32, #tpu.memory_space<vmem>>, vector<16xf32>,
        tpu.vector_store %arg8[%parallel_loop3A_271, %parallel_loop3A_272, %parallel_loop3A_273, %parallel_loop3A_274, %parallel_loop3A_275], %parallel_loop3A_268 {strides = array<i32>} : memref<2x8x4x8x128xf32, #tpu.memory_space<vmem>>, vector<16xf32>,
        %parallel_loop3A_277 = arith.constant 112 : index
        %parallel_loop3A_278 = tpu.vector_load %arg7[%parallel_loop3A_277] {strides = array<i32>} : memref<512xf32, #tpu.memory_space<vmem>>, vector<16xf32>,
        %parallel_loop3A_279 = arith.mulf %parallel_loop3A_278, %parallel_loop3A_138 : vector<16xf32>
        %parallel_loop3A_280 = arith.addf %parallel_loop3A_135, %parallel_loop3A_279 : vector<16xf32>
        %parallel_loop3A_281 = arith.mulf %parallel_loop3A_278, %parallel_loop3A_280 : vector<16xf32>
        %parallel_loop3A_282 = arith.addf %parallel_loop3A_132, %parallel_loop3A_281 : vector<16xf32>
        %parallel_loop3A_283 = arith.constant 1 : i32
        %parallel_loop3A_284 = arith.constant 0 : i32
        %parallel_loop3A_285 = arith.index_cast %parallel_loop3A_283 : i32 to index
        %parallel_loop3A_286 = arith.index_cast %parallel_loop3A_162 : i32 to index
        %parallel_loop3A_287 = arith.index_cast %parallel_loop3A_284 : i32 to index
        %parallel_loop3A_288 = arith.index_cast %parallel_loop3A_178 : i32 to index
        %parallel_loop3A_289 = arith.constant 112 : index
        %parallel_loop3A_290 = tpu.vector_load %arg8[%parallel_loop3A_285, %parallel_loop3A_286, %parallel_loop3A_287, %parallel_loop3A_288, %parallel_loop3A_289] {strides = array<i32>} : memref<2x8x4x8x128xf32, #tpu.memory_space<vmem>>, vector<16xf32>,
        tpu.vector_store %arg8[%parallel_loop3A_285, %parallel_loop3A_286, %parallel_loop3A_287, %parallel_loop3A_288, %parallel_loop3A_289], %parallel_loop3A_282 {strides = array<i32>} : memref<2x8x4x8x128xf32, #tpu.memory_space<vmem>>, vector<16xf32>,
        %parallel_loop3A_291 = arith.constant 128 : index
        %parallel_loop3A_292 = tpu.vector_load %arg7[%parallel_loop3A_291] {strides = array<i32>} : memref<512xf32, #tpu.memory_space<vmem>>, vector<16xf32>,
        %parallel_loop3A_293 = arith.mulf %parallel_loop3A_292, %parallel_loop3A_138 : vector<16xf32>
        %parallel_loop3A_294 = arith.addf %parallel_loop3A_135, %parallel_loop3A_293 : vector<16xf32>
        %parallel_loop3A_295 = arith.mulf %parallel_loop3A_292, %parallel_loop3A_294 : vector<16xf32>
        %parallel_loop3A_296 = arith.addf %parallel_loop3A_132, %parallel_loop3A_295 : vector<16xf32>
        %parallel_loop3A_297 = arith.constant 1 : i32
        %parallel_loop3A_298 = arith.constant 1 : i32
        %parallel_loop3A_299 = arith.index_cast %parallel_loop3A_297 : i32 to index
        %parallel_loop3A_300 = arith.index_cast %parallel_loop3A_162 : i32 to index
        %parallel_loop3A_301 = arith.index_cast %parallel_loop3A_298 : i32 to index
        %parallel_loop3A_302 = arith.index_cast %parallel_loop3A_178 : i32 to index
        %parallel_loop3A_303 = arith.constant 0 : index
        %parallel_loop3A_304 = tpu.vector_load %arg8[%parallel_loop3A_299, %parallel_loop3A_300, %parallel_loop3A_301, %parallel_loop3A_302, %parallel_loop3A_303] {strides = array<i32>} : memref<2x8x4x8x128xf32, #tpu.memory_space<vmem>>, vector<16xf32>,
        tpu.vector_store %arg8[%parallel_loop3A_299, %parallel_loop3A_300, %parallel_loop3A_301, %parallel_loop3A_302, %parallel_loop3A_303], %parallel_loop3A_296 {strides = array<i32>} : memref<2x8x4x8x128xf32, #tpu.memory_space<vmem>>, vector<16xf32>,
        %parallel_loop3A_305 = arith.constant 144 : index
        %parallel_loop3A_306 = tpu.vector_load %arg7[%parallel_loop3A_305] {strides = array<i32>} : memref<512xf32, #tpu.memory_space<vmem>>, vector<16xf32>,
        %parallel_loop3A_307 = arith.mulf %parallel_loop3A_306, %parallel_loop3A_138 : vector<16xf32>
        %parallel_loop3A_308 = arith.addf %parallel_loop3A_135, %parallel_loop3A_307 : vector<16xf32>
        %parallel_loop3A_309 = arith.mulf %parallel_loop3A_306, %parallel_loop3A_308 : vector<16xf32>
        %parallel_loop3A_310 = arith.addf %parallel_loop3A_132, %parallel_loop3A_309 : vector<16xf32>
        %parallel_loop3A_311 = arith.constant 1 : i32
        %parallel_loop3A_312 = arith.constant 1 : i32
        %parallel_loop3A_313 = arith.index_cast %parallel_loop3A_311 : i32 to index
        %parallel_loop3A_314 = arith.index_cast %parallel_loop3A_162 : i32 to index
        %parallel_loop3A_315 = arith.index_cast %parallel_loop3A_312 : i32 to index
        %parallel_loop3A_316 = arith.index_cast %parallel_loop3A_178 : i32 to index
        %parallel_loop3A_317 = arith.constant 16 : index
        %parallel_loop3A_318 = tpu.vector_load %arg8[%parallel_loop3A_313, %parallel_loop3A_314, %parallel_loop3A_315, %parallel_loop3A_316, %parallel_loop3A_317] {strides = array<i32>} : memref<2x8x4x8x128xf32, #tpu.memory_space<vmem>>, vector<16xf32>,
        tpu.vector_store %arg8[%parallel_loop3A_313, %parallel_loop3A_314, %parallel_loop3A_315, %parallel_loop3A_316, %parallel_loop3A_317], %parallel_loop3A_310 {strides = array<i32>} : memref<2x8x4x8x128xf32, #tpu.memory_space<vmem>>, vector<16xf32>,
        %parallel_loop3A_319 = arith.constant 160 : index
        %parallel_loop3A_320 = tpu.vector_load %arg7[%parallel_loop3A_319] {strides = array<i32>} : memref<512xf32, #tpu.memory_space<vmem>>, vector<16xf32>,
        %parallel_loop3A_321 = arith.mulf %parallel_loop3A_320, %parallel_loop3A_138 : vector<16xf32>
        %parallel_loop3A_322 = arith.addf %parallel_loop3A_135, %parallel_loop3A_321 : vector<16xf32>
        %parallel_loop3A_323 = arith.mulf %parallel_loop3A_320, %parallel_loop3A_322 : vector<16xf32>
        %parallel_loop3A_324 = arith.addf %parallel_loop3A_132, %parallel_loop3A_323 : vector<16xf32>
        %parallel_loop3A_325 = arith.constant 1 : i32
        %parallel_loop3A_326 = arith.constant 1 : i32
        %parallel_loop3A_327 = arith.index_cast %parallel_loop3A_325 : i32 to index
        %parallel_loop3A_328 = arith.index_cast %parallel_loop3A_162 : i32 to index
        %parallel_loop3A_329 = arith.index_cast %parallel_loop3A_326 : i32 to index
        %parallel_loop3A_330 = arith.index_cast %parallel_loop3A_178 : i32 to index
        %parallel_loop3A_331 = arith.constant 32 : index
        %parallel_loop3A_332 = tpu.vector_load %arg8[%parallel_loop3A_327, %parallel_loop3A_328, %parallel_loop3A_329, %parallel_loop3A_330, %parallel_loop3A_331] {strides = array<i32>} : memref<2x8x4x8x128xf32, #tpu.memory_space<vmem>>, vector<16xf32>,
        tpu.vector_store %arg8[%parallel_loop3A_327, %parallel_loop3A_328, %parallel_loop3A_329, %parallel_loop3A_330, %parallel_loop3A_331], %parallel_loop3A_324 {strides = array<i32>} : memref<2x8x4x8x128xf32, #tpu.memory_space<vmem>>, vector<16xf32>,
        %parallel_loop3A_333 = arith.constant 176 : index
        %parallel_loop3A_334 = tpu.vector_load %arg7[%parallel_loop3A_333] {strides = array<i32>} : memref<512xf32, #tpu.memory_space<vmem>>, vector<16xf32>,
        %parallel_loop3A_335 = arith.mulf %parallel_loop3A_334, %parallel_loop3A_138 : vector<16xf32>
        %parallel_loop3A_336 = arith.addf %parallel_loop3A_135, %parallel_loop3A_335 : vector<16xf32>
        %parallel_loop3A_337 = arith.mulf %parallel_loop3A_334, %parallel_loop3A_336 : vector<16xf32>
        %parallel_loop3A_338 = arith.addf %parallel_loop3A_132, %parallel_loop3A_337 : vector<16xf32>
        %parallel_loop3A_339 = arith.constant 1 : i32
        %parallel_loop3A_340 = arith.constant 1 : i32
        %parallel_loop3A_341 = arith.index_cast %parallel_loop3A_339 : i32 to index
        %parallel_loop3A_342 = arith.index_cast %parallel_loop3A_162 : i32 to index
        %parallel_loop3A_343 = arith.index_cast %parallel_loop3A_340 : i32 to index
        %parallel_loop3A_344 = arith.index_cast %parallel_loop3A_178 : i32 to index
        %parallel_loop3A_345 = arith.constant 48 : index
        %parallel_loop3A_346 = tpu.vector_load %arg8[%parallel_loop3A_341, %parallel_loop3A_342, %parallel_loop3A_343, %parallel_loop3A_344, %parallel_loop3A_345] {strides = array<i32>} : memref<2x8x4x8x128xf32, #tpu.memory_space<vmem>>, vector<16xf32>,
        tpu.vector_store %arg8[%parallel_loop3A_341, %parallel_loop3A_342, %parallel_loop3A_343, %parallel_loop3A_344, %parallel_loop3A_345], %parallel_loop3A_338 {strides = array<i32>} : memref<2x8x4x8x128xf32, #tpu.memory_space<vmem>>, vector<16xf32>,
        %parallel_loop3A_347 = arith.constant 192 : index
        %parallel_loop3A_348 = tpu.vector_load %arg7[%parallel_loop3A_347] {strides = array<i32>} : memref<512xf32, #tpu.memory_space<vmem>>, vector<16xf32>,
        %parallel_loop3A_349 = arith.mulf %parallel_loop3A_348, %parallel_loop3A_138 : vector<16xf32>
        %parallel_loop3A_350 = arith.addf %parallel_loop3A_135, %parallel_loop3A_349 : vector<16xf32>
        %parallel_loop3A_351 = arith.mulf %parallel_loop3A_348, %parallel_loop3A_350 : vector<16xf32>
        %parallel_loop3A_352 = arith.addf %parallel_loop3A_132, %parallel_loop3A_351 : vector<16xf32>
        %parallel_loop3A_353 = arith.constant 1 : i32
        %parallel_loop3A_354 = arith.constant 1 : i32
        %parallel_loop3A_355 = arith.index_cast %parallel_loop3A_353 : i32 to index
        %parallel_loop3A_356 = arith.index_cast %parallel_loop3A_162 : i32 to index
        %parallel_loop3A_357 = arith.index_cast %parallel_loop3A_354 : i32 to index
        %parallel_loop3A_358 = arith.index_cast %parallel_loop3A_178 : i32 to index
        %parallel_loop3A_359 = arith.constant 64 : index
        %parallel_loop3A_360 = tpu.vector_load %arg8[%parallel_loop3A_355, %parallel_loop3A_356, %parallel_loop3A_357, %parallel_loop3A_358, %parallel_loop3A_359] {strides = array<i32>} : memref<2x8x4x8x128xf32, #tpu.memory_space<vmem>>, vector<16xf32>,
        tpu.vector_store %arg8[%parallel_loop3A_355, %parallel_loop3A_356, %parallel_loop3A_357, %parallel_loop3A_358, %parallel_loop3A_359], %parallel_loop3A_352 {strides = array<i32>} : memref<2x8x4x8x128xf32, #tpu.memory_space<vmem>>, vector<16xf32>,
        %parallel_loop3A_361 = arith.constant 208 : index
        %parallel_loop3A_362 = tpu.vector_load %arg7[%parallel_loop3A_361] {strides = array<i32>} : memref<512xf32, #tpu.memory_space<vmem>>, vector<16xf32>,
        %parallel_loop3A_363 = arith.mulf %parallel_loop3A_362, %parallel_loop3A_138 : vector<16xf32>
        %parallel_loop3A_364 = arith.addf %parallel_loop3A_135, %parallel_loop3A_363 : vector<16xf32>
        %parallel_loop3A_365 = arith.mulf %parallel_loop3A_362, %parallel_loop3A_364 : vector<16xf32>
        %parallel_loop3A_366 = arith.addf %parallel_loop3A_132, %parallel_loop3A_365 : vector<16xf32>
        %parallel_loop3A_367 = arith.constant 1 : i32
        %parallel_loop3A_368 = arith.constant 1 : i32
        %parallel_loop3A_369 = arith.index_cast %parallel_loop3A_367 : i32 to index
        %parallel_loop3A_370 = arith.index_cast %parallel_loop3A_162 : i32 to index
        %parallel_loop3A_371 = arith.index_cast %parallel_loop3A_368 : i32 to index
        %parallel_loop3A_372 = arith.index_cast %parallel_loop3A_178 : i32 to index
        %parallel_loop3A_373 = arith.constant 80 : index
        %parallel_loop3A_374 = tpu.vector_load %arg8[%parallel_loop3A_369, %parallel_loop3A_370, %parallel_loop3A_371, %parallel_loop3A_372, %parallel_loop3A_373] {strides = array<i32>} : memref<2x8x4x8x128xf32, #tpu.memory_space<vmem>>, vector<16xf32>,
        tpu.vector_store %arg8[%parallel_loop3A_369, %parallel_loop3A_370, %parallel_loop3A_371, %parallel_loop3A_372, %parallel_loop3A_373], %parallel_loop3A_366 {strides = array<i32>} : memref<2x8x4x8x128xf32, #tpu.memory_space<vmem>>, vector<16xf32>,
        %parallel_loop3A_375 = arith.constant 224 : index
        %parallel_loop3A_376 = tpu.vector_load %arg7[%parallel_loop3A_375] {strides = array<i32>} : memref<512xf32, #tpu.memory_space<vmem>>, vector<16xf32>,
        %parallel_loop3A_377 = arith.mulf %parallel_loop3A_376, %parallel_loop3A_138 : vector<16xf32>
        %parallel_loop3A_378 = arith.addf %parallel_loop3A_135, %parallel_loop3A_377 : vector<16xf32>
        %parallel_loop3A_379 = arith.mulf %parallel_loop3A_376, %parallel_loop3A_378 : vector<16xf32>
        %parallel_loop3A_380 = arith.addf %parallel_loop3A_132, %parallel_loop3A_379 : vector<16xf32>
        %parallel_loop3A_381 = arith.constant 1 : i32
        %parallel_loop3A_382 = arith.constant 1 : i32
        %parallel_loop3A_383 = arith.index_cast %parallel_loop3A_381 : i32 to index
        %parallel_loop3A_384 = arith.index_cast %parallel_loop3A_162 : i32 to index
        %parallel_loop3A_385 = arith.index_cast %parallel_loop3A_382 : i32 to index
        %parallel_loop3A_386 = arith.index_cast %parallel_loop3A_178 : i32 to index
        %parallel_loop3A_387 = arith.constant 96 : index
        %parallel_loop3A_388 = tpu.vector_load %arg8[%parallel_loop3A_383, %parallel_loop3A_384, %parallel_loop3A_385, %parallel_loop3A_386, %parallel_loop3A_387] {strides = array<i32>} : memref<2x8x4x8x128xf32, #tpu.memory_space<vmem>>, vector<16xf32>,
        tpu.vector_store %arg8[%parallel_loop3A_383, %parallel_loop3A_384, %parallel_loop3A_385, %parallel_loop3A_386, %parallel_loop3A_387], %parallel_loop3A_380 {strides = array<i32>} : memref<2x8x4x8x128xf32, #tpu.memory_space<vmem>>, vector<16xf32>,
        %parallel_loop3A_389 = arith.constant 240 : index
        %parallel_loop3A_390 = tpu.vector_load %arg7[%parallel_loop3A_389] {strides = array<i32>} : memref<512xf32, #tpu.memory_space<vmem>>, vector<16xf32>,
        %parallel_loop3A_391 = arith.mulf %parallel_loop3A_390, %parallel_loop3A_138 : vector<16xf32>
        %parallel_loop3A_392 = arith.addf %parallel_loop3A_135, %parallel_loop3A_391 : vector<16xf32>
        %parallel_loop3A_393 = arith.mulf %parallel_loop3A_390, %parallel_loop3A_392 : vector<16xf32>
        %parallel_loop3A_394 = arith.addf %parallel_loop3A_132, %parallel_loop3A_393 : vector<16xf32>
        %parallel_loop3A_395 = arith.constant 1 : i32
        %parallel_loop3A_396 = arith.constant 1 : i32
        %parallel_loop3A_397 = arith.index_cast %parallel_loop3A_395 : i32 to index
        %parallel_loop3A_398 = arith.index_cast %parallel_loop3A_162 : i32 to index
        %parallel_loop3A_399 = arith.index_cast %parallel_loop3A_396 : i32 to index
        %parallel_loop3A_400 = arith.index_cast %parallel_loop3A_178 : i32 to index
        %parallel_loop3A_401 = arith.constant 112 : index
        %parallel_loop3A_402 = tpu.vector_load %arg8[%parallel_loop3A_397, %parallel_loop3A_398, %parallel_loop3A_399, %parallel_loop3A_400, %parallel_loop3A_401] {strides = array<i32>} : memref<2x8x4x8x128xf32, #tpu.memory_space<vmem>>, vector<16xf32>,
        tpu.vector_store %arg8[%parallel_loop3A_397, %parallel_loop3A_398, %parallel_loop3A_399, %parallel_loop3A_400, %parallel_loop3A_401], %parallel_loop3A_394 {strides = array<i32>} : memref<2x8x4x8x128xf32, #tpu.memory_space<vmem>>, vector<16xf32>,
        %parallel_loop3A_403 = arith.constant 256 : index
        %parallel_loop3A_404 = tpu.vector_load %arg7[%parallel_loop3A_403] {strides = array<i32>} : memref<512xf32, #tpu.memory_space<vmem>>, vector<16xf32>,
        %parallel_loop3A_405 = arith.mulf %parallel_loop3A_404, %parallel_loop3A_138 : vector<16xf32>
        %parallel_loop3A_406 = arith.addf %parallel_loop3A_135, %parallel_loop3A_405 : vector<16xf32>
        %parallel_loop3A_407 = arith.mulf %parallel_loop3A_404, %parallel_loop3A_406 : vector<16xf32>
        %parallel_loop3A_408 = arith.addf %parallel_loop3A_132, %parallel_loop3A_407 : vector<16xf32>
        %parallel_loop3A_409 = arith.constant 1 : i32
        %parallel_loop3A_410 = arith.constant 2 : i32
        %parallel_loop3A_411 = arith.index_cast %parallel_loop3A_409 : i32 to index
        %parallel_loop3A_412 = arith.index_cast %parallel_loop3A_162 : i32 to index
        %parallel_loop3A_413 = arith.index_cast %parallel_loop3A_410 : i32 to index
        %parallel_loop3A_414 = arith.index_cast %parallel_loop3A_178 : i32 to index
        %parallel_loop3A_415 = arith.constant 0 : index
        %parallel_loop3A_416 = tpu.vector_load %arg8[%parallel_loop3A_411, %parallel_loop3A_412, %parallel_loop3A_413, %parallel_loop3A_414, %parallel_loop3A_415] {strides = array<i32>} : memref<2x8x4x8x128xf32, #tpu.memory_space<vmem>>, vector<16xf32>,
        tpu.vector_store %arg8[%parallel_loop3A_411, %parallel_loop3A_412, %parallel_loop3A_413, %parallel_loop3A_414, %parallel_loop3A_415], %parallel_loop3A_408 {strides = array<i32>} : memref<2x8x4x8x128xf32, #tpu.memory_space<vmem>>, vector<16xf32>,
        %parallel_loop3A_417 = arith.constant 272 : index
        %parallel_loop3A_418 = tpu.vector_load %arg7[%parallel_loop3A_417] {strides = array<i32>} : memref<512xf32, #tpu.memory_space<vmem>>, vector<16xf32>,
        %parallel_loop3A_419 = arith.mulf %parallel_loop3A_418, %parallel_loop3A_138 : vector<16xf32>
        %parallel_loop3A_420 = arith.addf %parallel_loop3A_135, %parallel_loop3A_419 : vector<16xf32>
        %parallel_loop3A_421 = arith.mulf %parallel_loop3A_418, %parallel_loop3A_420 : vector<16xf32>
        %parallel_loop3A_422 = arith.addf %parallel_loop3A_132, %parallel_loop3A_421 : vector<16xf32>
        %parallel_loop3A_423 = arith.constant 1 : i32
        %parallel_loop3A_424 = arith.constant 2 : i32
        %parallel_loop3A_425 = arith.index_cast %parallel_loop3A_423 : i32 to index
        %parallel_loop3A_426 = arith.index_cast %parallel_loop3A_162 : i32 to index
        %parallel_loop3A_427 = arith.index_cast %parallel_loop3A_424 : i32 to index
        %parallel_loop3A_428 = arith.index_cast %parallel_loop3A_178 : i32 to index
        %parallel_loop3A_429 = arith.constant 16 : index
        %parallel_loop3A_430 = tpu.vector_load %arg8[%parallel_loop3A_425, %parallel_loop3A_426, %parallel_loop3A_427, %parallel_loop3A_428, %parallel_loop3A_429] {strides = array<i32>} : memref<2x8x4x8x128xf32, #tpu.memory_space<vmem>>, vector<16xf32>,
        tpu.vector_store %arg8[%parallel_loop3A_425, %parallel_loop3A_426, %parallel_loop3A_427, %parallel_loop3A_428, %parallel_loop3A_429], %parallel_loop3A_422 {strides = array<i32>} : memref<2x8x4x8x128xf32, #tpu.memory_space<vmem>>, vector<16xf32>,
        %parallel_loop3A_431 = arith.constant 288 : index
        %parallel_loop3A_432 = tpu.vector_load %arg7[%parallel_loop3A_431] {strides = array<i32>} : memref<512xf32, #tpu.memory_space<vmem>>, vector<16xf32>,
        %parallel_loop3A_433 = arith.mulf %parallel_loop3A_432, %parallel_loop3A_138 : vector<16xf32>
        %parallel_loop3A_434 = arith.addf %parallel_loop3A_135, %parallel_loop3A_433 : vector<16xf32>
        %parallel_loop3A_435 = arith.mulf %parallel_loop3A_432, %parallel_loop3A_434 : vector<16xf32>
        %parallel_loop3A_436 = arith.addf %parallel_loop3A_132, %parallel_loop3A_435 : vector<16xf32>
        %parallel_loop3A_437 = arith.constant 1 : i32
        %parallel_loop3A_438 = arith.constant 2 : i32
        %parallel_loop3A_439 = arith.index_cast %parallel_loop3A_437 : i32 to index
        %parallel_loop3A_440 = arith.index_cast %parallel_loop3A_162 : i32 to index
        %parallel_loop3A_441 = arith.index_cast %parallel_loop3A_438 : i32 to index
        %parallel_loop3A_442 = arith.index_cast %parallel_loop3A_178 : i32 to index
        %parallel_loop3A_443 = arith.constant 32 : index
        %parallel_loop3A_444 = tpu.vector_load %arg8[%parallel_loop3A_439, %parallel_loop3A_440, %parallel_loop3A_441, %parallel_loop3A_442, %parallel_loop3A_443] {strides = array<i32>} : memref<2x8x4x8x128xf32, #tpu.memory_space<vmem>>, vector<16xf32>,
        tpu.vector_store %arg8[%parallel_loop3A_439, %parallel_loop3A_440, %parallel_loop3A_441, %parallel_loop3A_442, %parallel_loop3A_443], %parallel_loop3A_436 {strides = array<i32>} : memref<2x8x4x8x128xf32, #tpu.memory_space<vmem>>, vector<16xf32>,
        %parallel_loop3A_445 = arith.constant 304 : index
        %parallel_loop3A_446 = tpu.vector_load %arg7[%parallel_loop3A_445] {strides = array<i32>} : memref<512xf32, #tpu.memory_space<vmem>>, vector<16xf32>,
        %parallel_loop3A_447 = arith.mulf %parallel_loop3A_446, %parallel_loop3A_138 : vector<16xf32>
        %parallel_loop3A_448 = arith.addf %parallel_loop3A_135, %parallel_loop3A_447 : vector<16xf32>
        %parallel_loop3A_449 = arith.mulf %parallel_loop3A_446, %parallel_loop3A_448 : vector<16xf32>
        %parallel_loop3A_450 = arith.addf %parallel_loop3A_132, %parallel_loop3A_449 : vector<16xf32>
        %parallel_loop3A_451 = arith.constant 1 : i32
        %parallel_loop3A_452 = arith.constant 2 : i32
        %parallel_loop3A_453 = arith.index_cast %parallel_loop3A_451 : i32 to index
        %parallel_loop3A_454 = arith.index_cast %parallel_loop3A_162 : i32 to index
        %parallel_loop3A_455 = arith.index_cast %parallel_loop3A_452 : i32 to index
        %parallel_loop3A_456 = arith.index_cast %parallel_loop3A_178 : i32 to index
        %parallel_loop3A_457 = arith.constant 48 : index
        %parallel_loop3A_458 = tpu.vector_load %arg8[%parallel_loop3A_453, %parallel_loop3A_454, %parallel_loop3A_455, %parallel_loop3A_456, %parallel_loop3A_457] {strides = array<i32>} : memref<2x8x4x8x128xf32, #tpu.memory_space<vmem>>, vector<16xf32>,
        tpu.vector_store %arg8[%parallel_loop3A_453, %parallel_loop3A_454, %parallel_loop3A_455, %parallel_loop3A_456, %parallel_loop3A_457], %parallel_loop3A_450 {strides = array<i32>} : memref<2x8x4x8x128xf32, #tpu.memory_space<vmem>>, vector<16xf32>,
        %parallel_loop3A_459 = arith.constant 320 : index
        %parallel_loop3A_460 = tpu.vector_load %arg7[%parallel_loop3A_459] {strides = array<i32>} : memref<512xf32, #tpu.memory_space<vmem>>, vector<16xf32>,
        %parallel_loop3A_461 = arith.mulf %parallel_loop3A_460, %parallel_loop3A_138 : vector<16xf32>
        %parallel_loop3A_462 = arith.addf %parallel_loop3A_135, %parallel_loop3A_461 : vector<16xf32>
        %parallel_loop3A_463 = arith.mulf %parallel_loop3A_460, %parallel_loop3A_462 : vector<16xf32>
        %parallel_loop3A_464 = arith.addf %parallel_loop3A_132, %parallel_loop3A_463 : vector<16xf32>
        %parallel_loop3A_465 = arith.constant 1 : i32
        %parallel_loop3A_466 = arith.constant 2 : i32
        %parallel_loop3A_467 = arith.index_cast %parallel_loop3A_465 : i32 to index
        %parallel_loop3A_468 = arith.index_cast %parallel_loop3A_162 : i32 to index
        %parallel_loop3A_469 = arith.index_cast %parallel_loop3A_466 : i32 to index
        %parallel_loop3A_470 = arith.index_cast %parallel_loop3A_178 : i32 to index
        %parallel_loop3A_471 = arith.constant 64 : index
        %parallel_loop3A_472 = tpu.vector_load %arg8[%parallel_loop3A_467, %parallel_loop3A_468, %parallel_loop3A_469, %parallel_loop3A_470, %parallel_loop3A_471] {strides = array<i32>} : memref<2x8x4x8x128xf32, #tpu.memory_space<vmem>>, vector<16xf32>,
        tpu.vector_store %arg8[%parallel_loop3A_467, %parallel_loop3A_468, %parallel_loop3A_469, %parallel_loop3A_470, %parallel_loop3A_471], %parallel_loop3A_464 {strides = array<i32>} : memref<2x8x4x8x128xf32, #tpu.memory_space<vmem>>, vector<16xf32>,
        %parallel_loop3A_473 = arith.constant 336 : index
        %parallel_loop3A_474 = tpu.vector_load %arg7[%parallel_loop3A_473] {strides = array<i32>} : memref<512xf32, #tpu.memory_space<vmem>>, vector<16xf32>,
        %parallel_loop3A_475 = arith.mulf %parallel_loop3A_474, %parallel_loop3A_138 : vector<16xf32>
        %parallel_loop3A_476 = arith.addf %parallel_loop3A_135, %parallel_loop3A_475 : vector<16xf32>
        %parallel_loop3A_477 = arith.mulf %parallel_loop3A_474, %parallel_loop3A_476 : vector<16xf32>
        %parallel_loop3A_478 = arith.addf %parallel_loop3A_132, %parallel_loop3A_477 : vector<16xf32>
        %parallel_loop3A_479 = arith.constant 1 : i32
        %parallel_loop3A_480 = arith.constant 2 : i32
        %parallel_loop3A_481 = arith.index_cast %parallel_loop3A_479 : i32 to index
        %parallel_loop3A_482 = arith.index_cast %parallel_loop3A_162 : i32 to index
        %parallel_loop3A_483 = arith.index_cast %parallel_loop3A_480 : i32 to index
        %parallel_loop3A_484 = arith.index_cast %parallel_loop3A_178 : i32 to index
        %parallel_loop3A_485 = arith.constant 80 : index
        %parallel_loop3A_486 = tpu.vector_load %arg8[%parallel_loop3A_481, %parallel_loop3A_482, %parallel_loop3A_483, %parallel_loop3A_484, %parallel_loop3A_485] {strides = array<i32>} : memref<2x8x4x8x128xf32, #tpu.memory_space<vmem>>, vector<16xf32>,
        tpu.vector_store %arg8[%parallel_loop3A_481, %parallel_loop3A_482, %parallel_loop3A_483, %parallel_loop3A_484, %parallel_loop3A_485], %parallel_loop3A_478 {strides = array<i32>} : memref<2x8x4x8x128xf32, #tpu.memory_space<vmem>>, vector<16xf32>,
        %parallel_loop3A_487 = arith.constant 352 : index
        %parallel_loop3A_488 = tpu.vector_load %arg7[%parallel_loop3A_487] {strides = array<i32>} : memref<512xf32, #tpu.memory_space<vmem>>, vector<16xf32>,
        %parallel_loop3A_489 = arith.mulf %parallel_loop3A_488, %parallel_loop3A_138 : vector<16xf32>
        %parallel_loop3A_490 = arith.addf %parallel_loop3A_135, %parallel_loop3A_489 : vector<16xf32>
        %parallel_loop3A_491 = arith.mulf %parallel_loop3A_488, %parallel_loop3A_490 : vector<16xf32>
        %parallel_loop3A_492 = arith.addf %parallel_loop3A_132, %parallel_loop3A_491 : vector<16xf32>
        %parallel_loop3A_493 = arith.constant 1 : i32
        %parallel_loop3A_494 = arith.constant 2 : i32
        %parallel_loop3A_495 = arith.index_cast %parallel_loop3A_493 : i32 to index
        %parallel_loop3A_496 = arith.index_cast %parallel_loop3A_162 : i32 to index
        %parallel_loop3A_497 = arith.index_cast %parallel_loop3A_494 : i32 to index
        %parallel_loop3A_498 = arith.index_cast %parallel_loop3A_178 : i32 to index
        %parallel_loop3A_499 = arith.constant 96 : index
        %parallel_loop3A_500 = tpu.vector_load %arg8[%parallel_loop3A_495, %parallel_loop3A_496, %parallel_loop3A_497, %parallel_loop3A_498, %parallel_loop3A_499] {strides = array<i32>} : memref<2x8x4x8x128xf32, #tpu.memory_space<vmem>>, vector<16xf32>,
        tpu.vector_store %arg8[%parallel_loop3A_495, %parallel_loop3A_496, %parallel_loop3A_497, %parallel_loop3A_498, %parallel_loop3A_499], %parallel_loop3A_492 {strides = array<i32>} : memref<2x8x4x8x128xf32, #tpu.memory_space<vmem>>, vector<16xf32>,
        %parallel_loop3A_501 = arith.constant 368 : index
        %parallel_loop3A_502 = tpu.vector_load %arg7[%parallel_loop3A_501] {strides = array<i32>} : memref<512xf32, #tpu.memory_space<vmem>>, vector<16xf32>,
        %parallel_loop3A_503 = arith.mulf %parallel_loop3A_502, %parallel_loop3A_138 : vector<16xf32>
        %parallel_loop3A_504 = arith.addf %parallel_loop3A_135, %parallel_loop3A_503 : vector<16xf32>
        %parallel_loop3A_505 = arith.mulf %parallel_loop3A_502, %parallel_loop3A_504 : vector<16xf32>
        %parallel_loop3A_506 = arith.addf %parallel_loop3A_132, %parallel_loop3A_505 : vector<16xf32>
        %parallel_loop3A_507 = arith.constant 1 : i32
        %parallel_loop3A_508 = arith.constant 2 : i32
        %parallel_loop3A_509 = arith.index_cast %parallel_loop3A_507 : i32 to index
        %parallel_loop3A_510 = arith.index_cast %parallel_loop3A_162 : i32 to index
        %parallel_loop3A_511 = arith.index_cast %parallel_loop3A_508 : i32 to index
        %parallel_loop3A_512 = arith.index_cast %parallel_loop3A_178 : i32 to index
        %parallel_loop3A_513 = arith.constant 112 : index
        %parallel_loop3A_514 = tpu.vector_load %arg8[%parallel_loop3A_509, %parallel_loop3A_510, %parallel_loop3A_511, %parallel_loop3A_512, %parallel_loop3A_513] {strides = array<i32>} : memref<2x8x4x8x128xf32, #tpu.memory_space<vmem>>, vector<16xf32>,
        tpu.vector_store %arg8[%parallel_loop3A_509, %parallel_loop3A_510, %parallel_loop3A_511, %parallel_loop3A_512, %parallel_loop3A_513], %parallel_loop3A_506 {strides = array<i32>} : memref<2x8x4x8x128xf32, #tpu.memory_space<vmem>>, vector<16xf32>,
        %parallel_loop3A_515 = arith.constant 384 : index
        %parallel_loop3A_516 = tpu.vector_load %arg7[%parallel_loop3A_515] {strides = array<i32>} : memref<512xf32, #tpu.memory_space<vmem>>, vector<16xf32>,
        %parallel_loop3A_517 = arith.mulf %parallel_loop3A_516, %parallel_loop3A_138 : vector<16xf32>
        %parallel_loop3A_518 = arith.addf %parallel_loop3A_135, %parallel_loop3A_517 : vector<16xf32>
        %parallel_loop3A_519 = arith.mulf %parallel_loop3A_516, %parallel_loop3A_518 : vector<16xf32>
        %parallel_loop3A_520 = arith.addf %parallel_loop3A_132, %parallel_loop3A_519 : vector<16xf32>
        %parallel_loop3A_521 = arith.constant 1 : i32
        %parallel_loop3A_522 = arith.constant 3 : i32
        %parallel_loop3A_523 = arith.index_cast %parallel_loop3A_521 : i32 to index
        %parallel_loop3A_524 = arith.index_cast %parallel_loop3A_162 : i32 to index
        %parallel_loop3A_525 = arith.index_cast %parallel_loop3A_522 : i32 to index
        %parallel_loop3A_526 = arith.index_cast %parallel_loop3A_178 : i32 to index
        %parallel_loop3A_527 = arith.constant 0 : index
        %parallel_loop3A_528 = tpu.vector_load %arg8[%parallel_loop3A_523, %parallel_loop3A_524, %parallel_loop3A_525, %parallel_loop3A_526, %parallel_loop3A_527] {strides = array<i32>} : memref<2x8x4x8x128xf32, #tpu.memory_space<vmem>>, vector<16xf32>,
        tpu.vector_store %arg8[%parallel_loop3A_523, %parallel_loop3A_524, %parallel_loop3A_525, %parallel_loop3A_526, %parallel_loop3A_527], %parallel_loop3A_520 {strides = array<i32>} : memref<2x8x4x8x128xf32, #tpu.memory_space<vmem>>, vector<16xf32>,
        %parallel_loop3A_529 = arith.constant 400 : index
        %parallel_loop3A_530 = tpu.vector_load %arg7[%parallel_loop3A_529] {strides = array<i32>} : memref<512xf32, #tpu.memory_space<vmem>>, vector<16xf32>,
        %parallel_loop3A_531 = arith.mulf %parallel_loop3A_530, %parallel_loop3A_138 : vector<16xf32>
        %parallel_loop3A_532 = arith.addf %parallel_loop3A_135, %parallel_loop3A_531 : vector<16xf32>
        %parallel_loop3A_533 = arith.mulf %parallel_loop3A_530, %parallel_loop3A_532 : vector<16xf32>
        %parallel_loop3A_534 = arith.addf %parallel_loop3A_132, %parallel_loop3A_533 : vector<16xf32>
        %parallel_loop3A_535 = arith.constant 1 : i32
        %parallel_loop3A_536 = arith.constant 3 : i32
        %parallel_loop3A_537 = arith.index_cast %parallel_loop3A_535 : i32 to index
        %parallel_loop3A_538 = arith.index_cast %parallel_loop3A_162 : i32 to index
        %parallel_loop3A_539 = arith.index_cast %parallel_loop3A_536 : i32 to index
        %parallel_loop3A_540 = arith.index_cast %parallel_loop3A_178 : i32 to index
        %parallel_loop3A_541 = arith.constant 16 : index
        %parallel_loop3A_542 = tpu.vector_load %arg8[%parallel_loop3A_537, %parallel_loop3A_538, %parallel_loop3A_539, %parallel_loop3A_540, %parallel_loop3A_541] {strides = array<i32>} : memref<2x8x4x8x128xf32, #tpu.memory_space<vmem>>, vector<16xf32>,
        tpu.vector_store %arg8[%parallel_loop3A_537, %parallel_loop3A_538, %parallel_loop3A_539, %parallel_loop3A_540, %parallel_loop3A_541], %parallel_loop3A_534 {strides = array<i32>} : memref<2x8x4x8x128xf32, #tpu.memory_space<vmem>>, vector<16xf32>,
        %parallel_loop3A_543 = arith.constant 416 : index
        %parallel_loop3A_544 = tpu.vector_load %arg7[%parallel_loop3A_543] {strides = array<i32>} : memref<512xf32, #tpu.memory_space<vmem>>, vector<16xf32>,
        %parallel_loop3A_545 = arith.mulf %parallel_loop3A_544, %parallel_loop3A_138 : vector<16xf32>
        %parallel_loop3A_546 = arith.addf %parallel_loop3A_135, %parallel_loop3A_545 : vector<16xf32>
        %parallel_loop3A_547 = arith.mulf %parallel_loop3A_544, %parallel_loop3A_546 : vector<16xf32>
        %parallel_loop3A_548 = arith.addf %parallel_loop3A_132, %parallel_loop3A_547 : vector<16xf32>
        %parallel_loop3A_549 = arith.constant 1 : i32
        %parallel_loop3A_550 = arith.constant 3 : i32
        %parallel_loop3A_551 = arith.index_cast %parallel_loop3A_549 : i32 to index
        %parallel_loop3A_552 = arith.index_cast %parallel_loop3A_162 : i32 to index
        %parallel_loop3A_553 = arith.index_cast %parallel_loop3A_550 : i32 to index
        %parallel_loop3A_554 = arith.index_cast %parallel_loop3A_178 : i32 to index
        %parallel_loop3A_555 = arith.constant 32 : index
        %parallel_loop3A_556 = tpu.vector_load %arg8[%parallel_loop3A_551, %parallel_loop3A_552, %parallel_loop3A_553, %parallel_loop3A_554, %parallel_loop3A_555] {strides = array<i32>} : memref<2x8x4x8x128xf32, #tpu.memory_space<vmem>>, vector<16xf32>,
        tpu.vector_store %arg8[%parallel_loop3A_551, %parallel_loop3A_552, %parallel_loop3A_553, %parallel_loop3A_554, %parallel_loop3A_555], %parallel_loop3A_548 {strides = array<i32>} : memref<2x8x4x8x128xf32, #tpu.memory_space<vmem>>, vector<16xf32>,
        %parallel_loop3A_557 = arith.constant 432 : index
        %parallel_loop3A_558 = tpu.vector_load %arg7[%parallel_loop3A_557] {strides = array<i32>} : memref<512xf32, #tpu.memory_space<vmem>>, vector<16xf32>,
        %parallel_loop3A_559 = arith.mulf %parallel_loop3A_558, %parallel_loop3A_138 : vector<16xf32>
        %parallel_loop3A_560 = arith.addf %parallel_loop3A_135, %parallel_loop3A_559 : vector<16xf32>
        %parallel_loop3A_561 = arith.mulf %parallel_loop3A_558, %parallel_loop3A_560 : vector<16xf32>
        %parallel_loop3A_562 = arith.addf %parallel_loop3A_132, %parallel_loop3A_561 : vector<16xf32>
        %parallel_loop3A_563 = arith.constant 1 : i32
        %parallel_loop3A_564 = arith.constant 3 : i32
        %parallel_loop3A_565 = arith.index_cast %parallel_loop3A_563 : i32 to index
        %parallel_loop3A_566 = arith.index_cast %parallel_loop3A_162 : i32 to index
        %parallel_loop3A_567 = arith.index_cast %parallel_loop3A_564 : i32 to index
        %parallel_loop3A_568 = arith.index_cast %parallel_loop3A_178 : i32 to index
        %parallel_loop3A_569 = arith.constant 48 : index
        %parallel_loop3A_570 = tpu.vector_load %arg8[%parallel_loop3A_565, %parallel_loop3A_566, %parallel_loop3A_567, %parallel_loop3A_568, %parallel_loop3A_569] {strides = array<i32>} : memref<2x8x4x8x128xf32, #tpu.memory_space<vmem>>, vector<16xf32>,
        tpu.vector_store %arg8[%parallel_loop3A_565, %parallel_loop3A_566, %parallel_loop3A_567, %parallel_loop3A_568, %parallel_loop3A_569], %parallel_loop3A_562 {strides = array<i32>} : memref<2x8x4x8x128xf32, #tpu.memory_space<vmem>>, vector<16xf32>,
        %parallel_loop3A_571 = arith.constant 448 : index
        %parallel_loop3A_572 = tpu.vector_load %arg7[%parallel_loop3A_571] {strides = array<i32>} : memref<512xf32, #tpu.memory_space<vmem>>, vector<16xf32>,
        %parallel_loop3A_573 = arith.mulf %parallel_loop3A_572, %parallel_loop3A_138 : vector<16xf32>
        %parallel_loop3A_574 = arith.addf %parallel_loop3A_135, %parallel_loop3A_573 : vector<16xf32>
        %parallel_loop3A_575 = arith.mulf %parallel_loop3A_572, %parallel_loop3A_574 : vector<16xf32>
        %parallel_loop3A_576 = arith.addf %parallel_loop3A_132, %parallel_loop3A_575 : vector<16xf32>
        %parallel_loop3A_577 = arith.constant 1 : i32
        %parallel_loop3A_578 = arith.constant 3 : i32
        %parallel_loop3A_579 = arith.index_cast %parallel_loop3A_577 : i32 to index
        %parallel_loop3A_580 = arith.index_cast %parallel_loop3A_162 : i32 to index
        %parallel_loop3A_581 = arith.index_cast %parallel_loop3A_578 : i32 to index
        %parallel_loop3A_582 = arith.index_cast %parallel_loop3A_178 : i32 to index
        %parallel_loop3A_583 = arith.constant 64 : index
        %parallel_loop3A_584 = tpu.vector_load %arg8[%parallel_loop3A_579, %parallel_loop3A_580, %parallel_loop3A_581, %parallel_loop3A_582, %parallel_loop3A_583] {strides = array<i32>} : memref<2x8x4x8x128xf32, #tpu.memory_space<vmem>>, vector<16xf32>,
        tpu.vector_store %arg8[%parallel_loop3A_579, %parallel_loop3A_580, %parallel_loop3A_581, %parallel_loop3A_582, %parallel_loop3A_583], %parallel_loop3A_576 {strides = array<i32>} : memref<2x8x4x8x128xf32, #tpu.memory_space<vmem>>, vector<16xf32>,
        %parallel_loop3A_585 = arith.constant 464 : index
        %parallel_loop3A_586 = tpu.vector_load %arg7[%parallel_loop3A_585] {strides = array<i32>} : memref<512xf32, #tpu.memory_space<vmem>>, vector<16xf32>,
        %parallel_loop3A_587 = arith.mulf %parallel_loop3A_586, %parallel_loop3A_138 : vector<16xf32>
        %parallel_loop3A_588 = arith.addf %parallel_loop3A_135, %parallel_loop3A_587 : vector<16xf32>
        %parallel_loop3A_589 = arith.mulf %parallel_loop3A_586, %parallel_loop3A_588 : vector<16xf32>
        %parallel_loop3A_590 = arith.addf %parallel_loop3A_132, %parallel_loop3A_589 : vector<16xf32>
        %parallel_loop3A_591 = arith.constant 1 : i32
        %parallel_loop3A_592 = arith.constant 3 : i32
        %parallel_loop3A_593 = arith.index_cast %parallel_loop3A_591 : i32 to index
        %parallel_loop3A_594 = arith.index_cast %parallel_loop3A_162 : i32 to index
        %parallel_loop3A_595 = arith.index_cast %parallel_loop3A_592 : i32 to index
        %parallel_loop3A_596 = arith.index_cast %parallel_loop3A_178 : i32 to index
        %parallel_loop3A_597 = arith.constant 80 : index
        %parallel_loop3A_598 = tpu.vector_load %arg8[%parallel_loop3A_593, %parallel_loop3A_594, %parallel_loop3A_595, %parallel_loop3A_596, %parallel_loop3A_597] {strides = array<i32>} : memref<2x8x4x8x128xf32, #tpu.memory_space<vmem>>, vector<16xf32>,
        tpu.vector_store %arg8[%parallel_loop3A_593, %parallel_loop3A_594, %parallel_loop3A_595, %parallel_loop3A_596, %parallel_loop3A_597], %parallel_loop3A_590 {strides = array<i32>} : memref<2x8x4x8x128xf32, #tpu.memory_space<vmem>>, vector<16xf32>,
        %parallel_loop3A_599 = arith.constant 480 : index
        %parallel_loop3A_600 = tpu.vector_load %arg7[%parallel_loop3A_599] {strides = array<i32>} : memref<512xf32, #tpu.memory_space<vmem>>, vector<16xf32>,
        %parallel_loop3A_601 = arith.mulf %parallel_loop3A_600, %parallel_loop3A_138 : vector<16xf32>
        %parallel_loop3A_602 = arith.addf %parallel_loop3A_135, %parallel_loop3A_601 : vector<16xf32>
        %parallel_loop3A_603 = arith.mulf %parallel_loop3A_600, %parallel_loop3A_602 : vector<16xf32>
        %parallel_loop3A_604 = arith.addf %parallel_loop3A_132, %parallel_loop3A_603 : vector<16xf32>
        %parallel_loop3A_605 = arith.constant 1 : i32
        %parallel_loop3A_606 = arith.constant 3 : i32
        %parallel_loop3A_607 = arith.index_cast %parallel_loop3A_605 : i32 to index
        %parallel_loop3A_608 = arith.index_cast %parallel_loop3A_162 : i32 to index
        %parallel_loop3A_609 = arith.index_cast %parallel_loop3A_606 : i32 to index
        %parallel_loop3A_610 = arith.index_cast %parallel_loop3A_178 : i32 to index
        %parallel_loop3A_611 = arith.constant 96 : index
        %parallel_loop3A_612 = tpu.vector_load %arg8[%parallel_loop3A_607, %parallel_loop3A_608, %parallel_loop3A_609, %parallel_loop3A_610, %parallel_loop3A_611] {strides = array<i32>} : memref<2x8x4x8x128xf32, #tpu.memory_space<vmem>>, vector<16xf32>,
        tpu.vector_store %arg8[%parallel_loop3A_607, %parallel_loop3A_608, %parallel_loop3A_609, %parallel_loop3A_610, %parallel_loop3A_611], %parallel_loop3A_604 {strides = array<i32>} : memref<2x8x4x8x128xf32, #tpu.memory_space<vmem>>, vector<16xf32>,
        %parallel_loop3A_613 = arith.constant 496 : index
        %parallel_loop3A_614 = tpu.vector_load %arg7[%parallel_loop3A_613] {strides = array<i32>} : memref<512xf32, #tpu.memory_space<vmem>>, vector<16xf32>,
        %parallel_loop3A_615 = arith.mulf %parallel_loop3A_614, %parallel_loop3A_138 : vector<16xf32>
        %parallel_loop3A_616 = arith.addf %parallel_loop3A_135, %parallel_loop3A_615 : vector<16xf32>
        %parallel_loop3A_617 = arith.mulf %parallel_loop3A_614, %parallel_loop3A_616 : vector<16xf32>
        %parallel_loop3A_618 = arith.addf %parallel_loop3A_132, %parallel_loop3A_617 : vector<16xf32>
        %parallel_loop3A_619 = arith.constant 1 : i32
        %parallel_loop3A_620 = arith.constant 3 : i32
        %parallel_loop3A_621 = arith.index_cast %parallel_loop3A_619 : i32 to index
        %parallel_loop3A_622 = arith.index_cast %parallel_loop3A_162 : i32 to index
        %parallel_loop3A_623 = arith.index_cast %parallel_loop3A_620 : i32 to index
        %parallel_loop3A_624 = arith.index_cast %parallel_loop3A_178 : i32 to index
        %parallel_loop3A_625 = arith.constant 112 : index
        %parallel_loop3A_626 = tpu.vector_load %arg8[%parallel_loop3A_621, %parallel_loop3A_622, %parallel_loop3A_623, %parallel_loop3A_624, %parallel_loop3A_625] {strides = array<i32>} : memref<2x8x4x8x128xf32, #tpu.memory_space<vmem>>, vector<16xf32>,
        tpu.vector_store %arg8[%parallel_loop3A_621, %parallel_loop3A_622, %parallel_loop3A_623, %parallel_loop3A_624, %parallel_loop3A_625], %parallel_loop3A_618 {strides = array<i32>} : memref<2x8x4x8x128xf32, #tpu.memory_space<vmem>>, vector<16xf32>,
      } {sc.loop_unroll_factor = 2 : i64, sc.parallel_access}
      %dma_start3A_106 = arith.constant 1 : i32
      %dma_start3A_107 = arith.constant 0 : i32
      %dma_start3A_108 = arith.constant 0 : i32
      %dma_start3A_109 = arith.constant 0 : i32
      %dma_start3A_110 = arith.constant 0 : i32
      %dma_start3A_111 = tpu.memref_slice %arg8[%dma_start3A_106, %dma_start3A_107, %dma_start3A_108, %dma_start3A_109, %dma_start3A_110] : memref<2x8x4x8x128xf32, #tpu.memory_space<vmem>> -> memref<1x8x4x8x128xf32, #tpu.memory_space<vmem>>
      %dma_start3A_112 = tpu.memref_squeeze %dma_start3A_111 : memref<1x8x4x8x128xf32, #tpu.memory_space<vmem>> -> memref<8x4x8x128xf32, #tpu.memory_space<vmem>>
      %dma_start3A_113 = arith.constant 0 : i32
      %dma_start3A_114 = arith.constant 0 : i32
      %dma_start3A_115 = arith.constant 0 : i32
      %dma_start3A_116 = tpu.memref_slice %arg4[%add3A_94, %dma_start3A_113, %mul3A_4, %dma_start3A_114, %dma_start3A_115] : memref<50x8x128x8x128xf32, #tpu.memory_space<hbm>> -> memref<1x8x4x8x128xf32, #tpu.memory_space<hbm>>
      %dma_start3A_117 = tpu.memref_squeeze %dma_start3A_116 : memref<1x8x4x8x128xf32, #tpu.memory_space<hbm>> -> memref<8x4x8x128xf32, #tpu.memory_space<hbm>>
      %dma_start3A_118 = arith.constant 0 : i32
      %dma_start3A_119 = arith.constant 0 : i32
      %dma_start3A_120 = arith.constant 0 : i32
      %dma_start3A_121 = tpu.memref_slice %arg4[%add3A_94, %dma_start3A_118, %mul3A_4, %dma_start3A_119, %dma_start3A_120] : memref<50x8x128x8x128xf32, #tpu.memory_space<hbm>> -> memref<1x8x4x8x128xf32, #tpu.memory_space<hbm>>
      %dma_start3A_122 = tpu.memref_squeeze %dma_start3A_121 : memref<1x8x4x8x128xf32, #tpu.memory_space<hbm>> -> memref<8x4x8x128xf32, #tpu.memory_space<hbm>>
      %dma_start3A_123 = arith.constant 0 : i32
      %dma_start3A_124 = arith.constant 0 : i32
      %dma_start3A_125 = arith.constant 0 : i32
      %dma_start3A_126 = arith.constant 0 : i32
      %dma_start3A_127 = tpu.memref_slice %arg8[%dma_start3A_106, %dma_start3A_123, %dma_start3A_124, %dma_start3A_125, %dma_start3A_126] : memref<2x8x4x8x128xf32, #tpu.memory_space<vmem>> -> memref<1x8x4x8x128xf32, #tpu.memory_space<vmem>>
      %dma_start3A_128 = tpu.memref_squeeze %dma_start3A_127 : memref<1x8x4x8x128xf32, #tpu.memory_space<vmem>> -> memref<8x4x8x128xf32, #tpu.memory_space<vmem>>
      tpu.enqueue_dma source(%dma_start3A_128 : memref<8x4x8x128xf32, #tpu.memory_space<vmem>>) target(%dma_start3A_122 : memref<8x4x8x128xf32, #tpu.memory_space<hbm>>) target_semaphore(%arg9 : memref<!tpu.dma_semaphore, #tpu.memory_space<semaphore_mem>>)
    }
    %scan3A_9 = arith.constant 25 : i32
    %dma_wait3A = arith.constant 0 : i32
    %dma_wait3A_10 = arith.constant 48 : i32
    %dma_wait3A_11 = arith.constant 0 : i32
    %dma_wait3A_12 = arith.constant 0 : i32
    %dma_wait3A_13 = arith.constant 0 : i32
    %dma_wait3A_14 = arith.constant 0 : i32
    %dma_wait3A_15 = tpu.memref_slice %arg8[%dma_wait3A, %dma_wait3A_11, %dma_wait3A_12, %dma_wait3A_13, %dma_wait3A_14] : memref<2x8x4x8x128xf32, #tpu.memory_space<vmem>> -> memref<1x8x4x8x128xf32, #tpu.memory_space<vmem>>
    %dma_wait3A_16 = tpu.memref_squeeze %dma_wait3A_15 : memref<1x8x4x8x128xf32, #tpu.memory_space<vmem>> -> memref<8x4x8x128xf32, #tpu.memory_space<vmem>>
    %dma_wait3A_17 = arith.constant 0 : i32
    %dma_wait3A_18 = arith.constant 0 : i32
    %dma_wait3A_19 = arith.constant 0 : i32
    %dma_wait3A_20 = tpu.memref_slice %arg4[%dma_wait3A_10, %dma_wait3A_17, %mul3A_4, %dma_wait3A_18, %dma_wait3A_19] : memref<50x8x128x8x128xf32, #tpu.memory_space<hbm>> -> memref<1x8x4x8x128xf32, #tpu.memory_space<hbm>>
    %dma_wait3A_21 = tpu.memref_squeeze %dma_wait3A_20 : memref<1x8x4x8x128xf32, #tpu.memory_space<hbm>> -> memref<8x4x8x128xf32, #tpu.memory_space<hbm>>
    %dma_wait3A_22 = arith.constant 0 : i32
    %dma_wait3A_23 = arith.constant 0 : i32
    %dma_wait3A_24 = arith.constant 0 : i32
    %dma_wait3A_25 = tpu.memref_slice %arg4[%dma_wait3A_10, %dma_wait3A_22, %mul3A_4, %dma_wait3A_23, %dma_wait3A_24] : memref<50x8x128x8x128xf32, #tpu.memory_space<hbm>> -> memref<1x8x4x8x128xf32, #tpu.memory_space<hbm>>
    %dma_wait3A_26 = tpu.memref_squeeze %dma_wait3A_25 : memref<1x8x4x8x128xf32, #tpu.memory_space<hbm>> -> memref<8x4x8x128xf32, #tpu.memory_space<hbm>>
    %dma_wait3A_27 = arith.constant 0 : i32
    %dma_wait3A_28 = arith.constant 0 : i32
    %dma_wait3A_29 = arith.constant 0 : i32
    %dma_wait3A_30 = arith.constant 0 : i32
    %dma_wait3A_31 = tpu.memref_slice %arg8[%dma_wait3A, %dma_wait3A_27, %dma_wait3A_28, %dma_wait3A_29, %dma_wait3A_30] : memref<2x8x4x8x128xf32, #tpu.memory_space<vmem>> -> memref<1x8x4x8x128xf32, #tpu.memory_space<vmem>>
    %dma_wait3A_32 = tpu.memref_squeeze %dma_wait3A_31 : memref<1x8x4x8x128xf32, #tpu.memory_space<vmem>> -> memref<8x4x8x128xf32, #tpu.memory_space<vmem>>
    tpu.wait_dma2 semaphore(%arg9 : memref<!tpu.dma_semaphore, #tpu.memory_space<semaphore_mem>>) src(%dma_wait3A_32 : memref<8x4x8x128xf32, #tpu.memory_space<vmem>>) dst(%dma_wait3A_26 : memref<8x4x8x128xf32, #tpu.memory_space<hbm>>)
    %dma_wait3A_33 = arith.constant 1 : i32
    %dma_wait3A_34 = arith.constant 49 : i32
    %dma_wait3A_35 = arith.constant 0 : i32
    %dma_wait3A_36 = arith.constant 0 : i32
    %dma_wait3A_37 = arith.constant 0 : i32
    %dma_wait3A_38 = arith.constant 0 : i32
    %dma_wait3A_39 = tpu.memref_slice %arg8[%dma_wait3A_33, %dma_wait3A_35, %dma_wait3A_36, %dma_wait3A_37, %dma_wait3A_38] : memref<2x8x4x8x128xf32, #tpu.memory_space<vmem>> -> memref<1x8x4x8x128xf32, #tpu.memory_space<vmem>>
    %dma_wait3A_40 = tpu.memref_squeeze %dma_wait3A_39 : memref<1x8x4x8x128xf32, #tpu.memory_space<vmem>> -> memref<8x4x8x128xf32, #tpu.memory_space<vmem>>
    %dma_wait3A_41 = arith.constant 0 : i32
    %dma_wait3A_42 = arith.constant 0 : i32
    %dma_wait3A_43 = arith.constant 0 : i32
    %dma_wait3A_44 = tpu.memref_slice %arg4[%dma_wait3A_34, %dma_wait3A_41, %mul3A_4, %dma_wait3A_42, %dma_wait3A_43] : memref<50x8x128x8x128xf32, #tpu.memory_space<hbm>> -> memref<1x8x4x8x128xf32, #tpu.memory_space<hbm>>
    %dma_wait3A_45 = tpu.memref_squeeze %dma_wait3A_44 : memref<1x8x4x8x128xf32, #tpu.memory_space<hbm>> -> memref<8x4x8x128xf32, #tpu.memory_space<hbm>>
    %dma_wait3A_46 = arith.constant 0 : i32
    %dma_wait3A_47 = arith.constant 0 : i32
    %dma_wait3A_48 = arith.constant 0 : i32
    %dma_wait3A_49 = tpu.memref_slice %arg4[%dma_wait3A_34, %dma_wait3A_46, %mul3A_4, %dma_wait3A_47, %dma_wait3A_48] : memref<50x8x128x8x128xf32, #tpu.memory_space<hbm>> -> memref<1x8x4x8x128xf32, #tpu.memory_space<hbm>>
    %dma_wait3A_50 = tpu.memref_squeeze %dma_wait3A_49 : memref<1x8x4x8x128xf32, #tpu.memory_space<hbm>> -> memref<8x4x8x128xf32, #tpu.memory_space<hbm>>
    %dma_wait3A_51 = arith.constant 0 : i32
    %dma_wait3A_52 = arith.constant 0 : i32
    %dma_wait3A_53 = arith.constant 0 : i32
    %dma_wait3A_54 = arith.constant 0 : i32
    %dma_wait3A_55 = tpu.memref_slice %arg8[%dma_wait3A_33, %dma_wait3A_51, %dma_wait3A_52, %dma_wait3A_53, %dma_wait3A_54] : memref<2x8x4x8x128xf32, #tpu.memory_space<vmem>> -> memref<1x8x4x8x128xf32, #tpu.memory_space<vmem>>
    %dma_wait3A_56 = tpu.memref_squeeze %dma_wait3A_55 : memref<1x8x4x8x128xf32, #tpu.memory_space<vmem>> -> memref<8x4x8x128xf32, #tpu.memory_space<vmem>>
    tpu.wait_dma2 semaphore(%arg9 : memref<!tpu.dma_semaphore, #tpu.memory_space<semaphore_mem>>) src(%dma_wait3A_56 : memref<8x4x8x128xf32, #tpu.memory_space<vmem>>) dst(%dma_wait3A_50 : memref<8x4x8x128xf32, #tpu.memory_space<hbm>>)
    return
  }
}

</mosaic_0001>

<sc_bundles>
// kernel: _embed.3.cloned.1.call-start
scs
__scs_entry_jumppad:
0x0: {  	(pc) =	sbr.rel $0x88, $3  }
0x1: {  	(tag) =	ssettag $0x0;
	lr =	simm.s32 $0x1  }
0x2: {  	[smem:$0x3F9F] =	sst lr;
	_ =	strace $0xD0000000  }
0x3: {  	_ = 	snop  }
0x4: {  	_ = 	snop  }
0x5: {  	_ = 	snop  }
0x6: {  	_ = 	snop  }
0x7: {  	_ = 	snop  }
__scs_overlays_trampoline_lowered:
0x8: {  	[smem:$0x3FAE] =	sst s0  }
0x9: {  	[smem:$0x3FAF] =	sst s1  }
0xa: {  	[smem:$0x3FB0] =	sst s2  }
0xb: {  	[smem:$0x3FB1] =	sst s3  }
0xc: {  	[smem:$0x3FB2] =	sst s4  }
0xd: {  	[smem:$0x3FB3] =	sst s5  }
0xe: {  	[smem:$0x3FB4] =	sst s6  }
0xf: {  	[smem:$0x3FB5] =	sst s7  }
0x10: {  	[smem:$0x3FB6] =	sst s8  }
0x11: {  	[smem:$0x3FB7] =	sst s9;
	s0 =	simm.s32 @!p0 $0x0  }
0x12: {  	s1 =	sld [smem:$0x3F9D];
	s0 =	simm.s32 @p0 $0x1  }
0x13: {  	[smem:$0x3FB8] =	sst s0;
	s0 =	simm.s32 @!p1 $0x0  }
0x14: {  	s2 =	sld [smem:$0x3F9C];
	s0 =	simm.s32 @p1 $0x1  }
0x15: {  	[smem:$0x3FB9] =	sst s0;
	s0 =	simm.s32 @!p2 $0x0  }
0x16: {  	s3 =	sld [smem:$0x3FDB];
	s0 =	simm.s32 @p2 $0x1  }
0x17: {  	s4 =	simm.s32 $0x1BF5;
	[smem:$0x3FBB] =	sst s0  }
0x18: {  	s0 =	sld [smem:$0x3F9E];
	_ =	swait.ge [sflag:s4], $0x0  }
0x19: {  	s7 =	sld [smem:$0x3F9F]  }
0x1a: {  	s8 =	sadd.s32 $0xFFFFE003, lr  }
0x1b: {  	s9 =	sadd.s32 $0xFFFFFEF7, lr;
	s5 =	simm.s32 $0xFFFFFFFF;
	p2 =	slt.u32 s8, $0xFFFFF086  }
0x1c: {  	p1 =	slt.u32 s9, $0xF7A;
	s5 =	simm.s32 @!p2 $0x0  }
0x1d: {  	s5 =	simm.s32 @p1 $0x1;
	p0 =	seq.s32 s7, s2  }
0x1e: {  	s7 =	smul.u32 @!p0 $0xF7A, s2;
	p2 =	seq.s32 @!p0 s5, $0x0  }
0x1f: {  	s9 =	smul.u32 $0xF7A, s1;
	s8 =	simm.s32 @!p0 $0x1BF5;
	p2 =	por !p2, p0  }
0x20: {  	[sflag:s8] =	ssyncset.s32 @!p0 $0xFFFFF086;
	s6 =	sadd.s32 @!p0 s3, s7;
	s7 =	simm.s32 @!p0 $0x108  }
0x21: {  	s3 =	sadd.s32 s3, s9;
	s6 =	sadd.s32 @!p0 $0x88, s6;
	s7 =	simm.s32 @p2 $0x1082  }
0x22: {  	[simem:s7], [sflag:s8] =	dma.local @!p0 [hbm:s6], $0xF7A  }
0x23: {  	s9 =	sor.u32 $0xD0000000, s2;
	s6 =	simm.s32 $0x108;
	_ =	swait.ge @!p0 [sflag:s8], $0x0  }
0x24: {  	s3 =	sadd.s32 $0x88, s3;
	s6 =	simm.s32 @!p1 $0x1082;
	[sflag:s4] =	ssyncset.s32 $0xFFFFF086  }
0x25: {  	[simem:s6], [sflag:s4] =	dma.local [hbm:s3], $0xF7A  }
0x26: {  	[smem:$0x3F9F] =	sst s1;
	(tag) =	ssettag s2;
	_ =	strace s9  }
0x27: {  	s1 =	sld [smem:$0x3FAF]  }
0x28: {  	s2 =	sld [smem:$0x3FB0]  }
0x29: {  	s4 =	sld [smem:$0x3FB2]  }
0x2a: {  	p0 =	seq.s32 s5, $0x0;
	s5 =	sld [smem:$0x3FB3]  }
0x2b: {  	s6 =	sld [smem:$0x3FB4]  }
0x2c: {  	s7 =	sld [smem:$0x3FB5]  }
0x2d: {  	s3 =	simm.s32 $0x108;
	s8 =	sld [smem:$0x3FB6]  }
0x2e: {  	s3 =	simm.s32 @!p0 $0x1082;
	s9 =	sld [smem:$0x3FB7]  }
0x2f: {  	lr =	sadd.s32 s0, s3;
	s0 =	sld [smem:$0x3FAE]  }
0x30: {  	s3 =	sld [smem:$0x3FB1]  }
0x31: {  	[smem:$0x3FBA] =	sst s10  }
0x32: {  	s10 =	sld [smem:$0x3FB8];
	_ =	sdelay $0x3  }
0x33: {  	p0 =	seq.s32 s10, $0x1;
	s10 =	sld [smem:$0x3FBA];
	_ =	sdelay $0x3  }
0x34: {  	[smem:$0x3FBA] =	sst s10  }
0x35: {  	s10 =	sld [smem:$0x3FB9];
	_ =	sdelay $0x3  }
0x36: {  	p1 =	seq.s32 s10, $0x1;
	s10 =	sld [smem:$0x3FBA];
	_ =	sdelay $0x3  }
0x37: {  	[smem:$0x3FBA] =	sst s10  }
0x38: {  	s10 =	sld [smem:$0x3FBB]  }
0x39: {  	_ = 	snop;
	(pc) =	sbr.ind lr, $3  }
0x3a: {  	_ = 	snop  }
0x3b: {  	_ = 	snop  }
0x3c: {  	p2 =	seq.s32 s10, $0x1;
	s10 =	sld [smem:$0x3FBA]  }
0x3d: {  	_ =	shalt  }
0x3e: {  	_ =	shalt  }
0x3f: {  	_ =	shalt  }
0x40: {  	_ =	shalt  }
0x41: {  	_ =	shalt  }
0x42: {  	_ =	shalt  }
0x43: {  	_ =	shalt  }
0x44: {  	_ =	shalt  }
0x45: {  	_ =	shalt  }
0x46: {  	_ =	shalt  }
0x47: {  	_ =	shalt  }
0x48: {  	_ =	shalt  }
0x49: {  	_ =	shalt  }
0x4a: {  	_ =	shalt  }
0x4b: {  	_ =	shalt  }
0x4c: {  	_ =	shalt  }
0x4d: {  	_ =	shalt  }
0x4e: {  	_ =	shalt  }
0x4f: {  	_ =	shalt  }
0x50: {  	_ =	shalt  }
0x51: {  	_ =	shalt  }
0x52: {  	_ =	shalt  }
0x53: {  	_ =	shalt  }
0x54: {  	_ =	shalt  }
0x55: {  	_ =	shalt  }
0x56: {  	_ =	shalt  }
0x57: {  	_ =	shalt  }
0x58: {  	_ =	shalt  }
0x59: {  	_ =	shalt  }
0x5a: {  	_ =	shalt  }
0x5b: {  	_ =	shalt  }
0x5c: {  	_ =	shalt  }
0x5d: {  	_ =	shalt  }
0x5e: {  	_ =	shalt  }
0x5f: {  	_ =	shalt  }
0x60: {  	_ =	shalt  }
0x61: {  	_ =	shalt  }
0x62: {  	_ =	shalt  }
0x63: {  	_ =	shalt  }
0x64: {  	_ =	shalt  }
0x65: {  	_ =	shalt  }
0x66: {  	_ =	shalt  }
0x67: {  	_ =	shalt  }
0x68: {  	_ =	shalt  }
0x69: {  	_ =	shalt  }
0x6a: {  	_ =	shalt  }
0x6b: {  	_ =	shalt  }
0x6c: {  	_ =	shalt  }
0x6d: {  	_ =	shalt  }
0x6e: {  	_ =	shalt  }
0x6f: {  	_ =	shalt  }
0x70: {  	_ =	shalt  }
0x71: {  	_ =	shalt  }
0x72: {  	_ =	shalt  }
0x73: {  	_ =	shalt  }
0x74: {  	_ =	shalt  }
0x75: {  	_ =	shalt  }
0x76: {  	_ =	shalt  }
0x77: {  	_ =	shalt  }
0x78: {  	_ =	shalt  }
0x79: {  	_ =	shalt  }
0x7a: {  	_ =	shalt  }
0x7b: {  	_ =	shalt  }
0x7c: {  	_ =	shalt  }
0x7d: {  	_ =	shalt  }
0x7e: {  	_ =	shalt  }
0x7f: {  	_ =	shalt  }
0x80: {  	_ =	shalt  }
0x81: {  	_ =	shalt  }
0x82: {  	_ =	shalt  }
0x83: {  	_ =	shalt  }
0x84: {  	_ =	shalt  }
0x85: {  	_ =	shalt  }
0x86: {  	_ =	shalt  }
0x87: {  	_ =	shalt  }
.Lfunc_end0:
.L_simem_size_0:
called_computation_lowered:
.L_overlay_start_0:
0x88: {  	s2 =	sld [smem:$0x3FD9]  }
0x89: {  	s3 =	sld [smem:$0x3FFE];
	_ =	sdelay $0x1  }
0x8a: {  	s1 =	srdreg.scid  }
0x8b: {  	s0 =	sand.u32 $0x1, s1  }
0x8c: {  	s17 =	sshll.u32 s0, $0xA;
	s2 =	sadd.s32 s3, s2  }
0x8d: {  	s2 =	sadd.s32 s2, s17  }
0x8e: {  	[smem:$0x3FC6] =	sst s2  }
0x8f: {  	_ = 	snop  }
0x90: {  	s2 =	sld [smem:$0x3FD0];
	(tm) =	ssettm $0x1  }
0x91: {  	s18 =	sld [smem:$0x3FFB];
	_ =	sdelay $0x3  }
0x92: {  	_ =	strace s18  }
0x93: {  	s3 =	sld [smem:$0x3FFC];
	_ =	sdelay $0x3  }
0x94: {  	_ =	strace s3  }
0x95: {  	s3 =	sld [smem:$0x3FFD];
	_ =	sdelay $0x3  }
0x96: {  	_ =	strace s3  }
0x97: {  	_ =	strace $0x8FFFFFFF  }
0x98: {  	s19 =	sld [smem:$0x3FDB];
	_ =	sdelay $0x1  }
0x99: {  	s4 =	simm.s32 $_scs_section_size  }
0x9a: {  	s5 =	simm.s32 $_size__tile_overlayer_lowered;
	s6 =	simm.s32 $_tile_overlayer_lowered  }
0x9b: {  	s22 =	simm.s32 $0x1BFF;
	s21 =	sshll.u32 s6, $0x1;
	s3 =	sadd.s32 s4, s19  }
0x9c: {  	s7 =	simm.s32 $0x0;
	s20 =	sshll.u32 s5, $0x1;
	s5 =	sadd.s32 s21, s3  }
0x9d: {  	[timem:s7], [sflag:s22] =	dma.local [hbm:s5], s20  }
0x9e: {  	_ =	swait.ge [sflag:s22], s20  }
0x9f: {  	s4 =	ssub.s32 $0x0, s20;
	[sflag:s22] =	ssyncset.done $0x0  }
0xa0: {  	[sflag:s22] =	ssyncadd.s32 s4;
	_ =	sdelay $0x1  }
0xa1: {  	s23 =	simm.s32 $0x1B8B  }
0xa2: {  	_ =	swait.ge [sflag:s23], $0x1  }
0xa3: {  	[sflag:s23] =	ssyncset.done $0x0  }
0xa4: {  	s25 =	simm.s32 $0x1B8E;
	s24 =	sld [smem:$0x3FFE];
	[sflag:s23] =	ssyncadd.s32 $0xFFFFFFFF  }
0xa5: {  	s26 =	simm.s32 $execute0_lowered;
	[smem:$0x3FD2] =	sst s25  }
0xa6: {  	s5 =	sshll.u32 s26, $0x1;
	_ =	strace $0x80000046;
	[dreg:$0x1] =	wrdreg $0xFFFFFFFF  }
0xa7: {  	s28 =	simm.s32 $_size_execute0_lowered;
	s3 =	sadd.s32 s3, s5;
	[dreg:$0x0] =	wrdreg $0x0  }
0xa8: {  	s5 =	sshll.u32 s28, $0x1;
	[dreg:$0x2] =	wrdreg s3  }
0xa9: {  	[dreg:$0x3] =	wrdreg s5  }
0xaa: {  	[dreg:$0x4] =	wrdreg $0xC0  }
0xab: {  	_ =	task [dreg:s7], $0x5FFFF  }
0xac: {  	[dreg:$0x1] =	wrdreg $0xFFFFFFFF  }
0xad: {  	[dreg:$0x0] =	wrdreg $0x60  }
0xae: {  	[dreg:$0x2] =	wrdreg s24  }
0xaf: {  	[dreg:$0x3] =	wrdreg s2  }
0xb0: {  	[dreg:$0x4] =	wrdreg $0x9  }
0xb1: {  	_ =	task.clear_ibuf [dreg:s7], $0x5FFFF;
	_ =	strace $0x90000046  }
0xb2: {  	s29 =	simm.s32 $0x9;
	_ =	strace $0x80000048  }
0xb3: {  	_ =	swait.ge [sflag:s29], $0x1  }
0xb4: {  	[sflag:s29] =	ssyncadd.s32 $0xFFFFFFFF  }
0xb5: {  	_ =	strace $0x90000048  }
0xb6: {  	_ =	sfence  }
0xb7: {  	s30 =	sld [smem:$0x0];
	_ =	sdelay $0x2  }
0xb8: {  	s31 =	sshll.u32 s1, $0xD;
	s1 =	sshrl.u32 s1, $0x2  }
0xb9: {  	s3 =	sand.u32 $0x4000, s31;
	s1 =	sadd.s32 s1, s30  }
0xba: {  	s0 =	sor.u32 s3, s0;
	s1 =	sshll.u32 s1, $0x11  }
0xbb: {  	s0 =	sor.u32 s1, s0  }
0xbc: {  	s0 =	sadd.s32 $0x8F2B, s0  }
0xbd: {  	[sflag:s0] =	ssyncadd.remote.s32 $0x1  }
0xbe: {  	_ =	sfence.sel $0xFFFF  }
0xbf: {  	[dreg:$0x0] =	wrdreg $0xFFFFFFFF;
	(pc) =	sbr.abs _section_cstart, $3  }
0xc0: {  	[dreg:$0x1] =	wrdreg $0xFFFFFFFF  }
0xc1: {  	_ =	task.clear_ibuf [dreg:s7], $0x2FFFF;
	_ =	strace $0x9FFFFFFF  }
0xc2: {  	(tm) =	ssettm $0x7FFFFFFF  }
0xc3: {  	_ =	shalt  }
tec
execute0_lowered:
.L_overlay_start_1:
0x0: {  	(tag) =	ssettag $0x1  }
0x1: {  	s0 =	rddreg [dreg:$0x0];
	s1 =	srdreg.scid  }
0x2: {  	s2 =	stileid.u32;
	s29 =	rddreg [dreg:$0x1]  }
0x3: {  	s3 =	simm.s32 $0x0;
	s1 =	sand.u32 $0x1, s1;
	s2 =	sshll.u32 s2, $0x1  }
0x4: {  	[smem:$0x7FF] =	sst s3;
	s2 =	sor.u32 s1, s2  }
0x5: {  	_ =	strace $0x80000047;
	s1 =	ssub.s32 $0x2, s1;
	s26 =	smul.u32 $0xE00, s2  }
.Ltmp0:
0x6: {  	s28 =	sshrl.u32 s1, $0x1;
	s31 =	sshll.u32 s2, $0xC;
	(pc) =	sbr.rel .LBB2_1-.Ltmp0, $4  }
0x7: {  	v0 =	vlaneseq.u32;
	[dreg:$0x5] =	wrdreg s31;
	s3 =	sadd.s32 s26, s0;
	s0 =	sadd.s32 $0x600, s0  }
0x8: {  	v0 =	vmul.u32 $0x38, v0;
	[dreg:$0x3] =	wrdreg s0;
	s0 =	ssub.s32 s1, s28;
	s30 =	sadd.s32 $0x800, s3  }
0x9: {  	s25 =	simm.s32 $0x1000;
	[dreg:$0x4] =	wrdreg s30;
	s0 =	smax.u32 s0, $0x1  }
0xa: {  	[tilespmem:$0x1FFF0] =	vst v0;
	s2 =	simm.s32 $0x0;
	s26 =	simm.s32 $0x20000;
	[dreg:$0x6] =	wrdreg s0  }
.LBB2_35:
0xb: {  	s1 =	simm.s32 $0x1  }
0xc: {  	_ =	swait.ge [sflag:s1], $0x8000  }
0xd: {  	[sflag:s1] =	ssyncset.done $0x0  }
0xe: {  	[sflag:s1] =	ssyncadd.s32 $0xFFFF8000  }
0xf: {  	_ =	swait.ge [sflag:s1], $0x8000  }
0x10: {  	s2 =	rddreg [dreg:$0x7]  }
0x11: {  	s0 =	rddreg [dreg:$0x6];
	s2 =	sadd.s32 $0x1, s2  }
0x12: {  	p0 =	sne.s32 s2, s0  }
.Ltmp1:
0x13: {  	_ = 	snop;
	(pc) =	sbr.rel @!p0 .LBB2_36-.Ltmp1, $3  }
0x14: {  	_ =	sdelay $0x1  }
0x15: {  	[sflag:s1] =	ssyncset.done $0x0  }
0x16: {  	[sflag:s1] =	ssyncadd.s32 $0xFFFF8000  }
.LBB2_1:
0x17: {  	[dreg:$0x7] =	wrdreg s2  }
0x18: {  	s0 =	simm.s32 $0x0;
	s1 =	rddreg [dreg:$0x4];
	s24 =	simm.s32 $0x2  }
0x19: {  	[tilespmem:s0], [sflag:$0x2] =	stream.linear.gather [hbm4b:s1+s0], $0x7000, $0x38;
	[tilespmem:$0x17E00] =	vst v63  }
0x1a: {  	_ =	swait.ge [sflag:s24], $0x7000  }
0x1b: {  	[sflag:s24] =	ssyncset.done $0x0  }
0x1c: {  	s3 =	simm.s32 $0x7000;
	s30 =	rddreg [dreg:$0x3];
	[sflag:s24] =	ssyncadd.s32 $0xFFFF9000  }
0x1d: {  	[tilespmem:s3], [sflag:$0x2] =	stream.linear.gather [hbm4b:s30+s0], $0xC00, $0x38;
	[tilespmem:$0x17E00] =	vst v63  }
0x1e: {  	_ =	swait.ge [sflag:s24], $0xC00  }
0x1f: {  	[sflag:s24] =	ssyncset.done $0x0  }
0x20: {  	s28 =	simm.s32 $0x0;
	[sflag:s24] =	ssyncadd.s32 $0xFFFFF400  }
.LBB2_2:
0x21: {  	s0 =	simm.s32 $0x0;
	s17 =	sshll.u32 s28, $0x1  }
0x22: {  	v0 =	vmov s0;
	v4 =	vmov s17  }
0x23: {  	s1 =	simm.s32 $0x10;
	s2 =	simm.s32 $0x30;
	v5 =	vmul.u32 $0x38, v0;
	v0 =	vand.u32 $0x3E, v4;
	v4 =	vld [tilespmem:$0x1FFF0]  }
0x24: {  	s19 =	simm.s32 $0x20;
	s21 =	simm.s32 $0x70;
	v1 =	vmov s1;
	v2 =	vmov s2  }
0x25: {  	s3 =	simm.s32 $0x50;
	v3 =	vmov s19;
	v6 =	vmov s21;
	v2 =	vmul.u32 $0x38, v2  }
0x26: {  	s4 =	simm.s32 $0x60;
	v7 =	vmov s3;
	v1 =	vmul.u32 $0x38, v1;
	v3 =	vmul.u32 $0x38, v3  }
0x27: {  	v8 =	vmov s4;
	v6 =	vmul.u32 $0x38, v6;
	v2 =	vbroadcast v2, $0x0  }
0x28: {  	s20 =	simm.s32 $0x40;
	v1 =	vbroadcast v1, $0x0;
	v3 =	vbroadcast v3, $0x0;
	v0 =	vadd.s32 v4, v0  }
0x29: {  	p0 =	seq.s32 s28, $0x0;
	v4 =	vbroadcast v5, $0x0;
	v5 =	vmov s20;
	v2 =	vadd.s32 v2, v0  }
0x2a: {  	s2 =	simm.s32 @!p0 $0x1;
	v7 =	vmul.u32 $0x38, v7;
	v1 =	vadd.s32 v1, v0;
	v5 =	vmul.u32 $0x38, v5  }
0x2b: {  	_ =	swait.ge @!p0 [sflag:s2], $0x8000;
	v8 =	vmul.u32 $0x38, v8;
	v6 =	vbroadcast v6, $0x0;
	v3 =	vadd.s32 v3, v0  }
0x2c: {  	[sflag:s2] =	ssyncset.done @!p0 $0x0;
	v7 =	vbroadcast v7, $0x0;
	v4 =	vadd.s32 v4, v0;
	v5 =	vbroadcast v5, $0x0  }
0x2d: {  	[sflag:s2] =	ssyncadd.s32 @!p0 $0xFFFF8000;
	v8 =	vbroadcast v8, $0x0;
	v9 =	vadd.s32 v6, v0  }
0x2e: {  	s22 =	simm.s32 $0x80;
	s24 =	simm.s32 $0xB0;
	v7 =	vadd.s32 v7, v0;
	v5 =	vadd.s32 v5, v0;
	v2 =	vld.idx.msk [tilespmem:v2+s0+$0x0], $0xffff  }
0x2f: {  	s23 =	simm.s32 $0x90;
	v12 =	vadd.s32 v8, v0;
	v8 =	vmov s24;
	v11 =	vld.idx.msk [tilespmem:v1+s0+$0x0], $0xffff;
	v1 =	vmov s22  }
0x30: {  	s30 =	simm.s32 $0xA0;
	v8 =	vmul.u32 $0x38, v8;
	v13 =	vld.idx.msk [tilespmem:v3+s0+$0x0], $0xffff;
	v3 =	vmov s23;
	v1 =	vmul.u32 $0x38, v1  }
0x31: {  	v6 =	vld.idx.msk [tilespmem:v4+s0+$0x0], $0xffff;
	v3 =	vmul.u32 $0x38, v3;
	v4 =	vmov s30  }
0x32: {  	v8 =	vbroadcast v8, $0x0;
	v14 =	vmul.u32 $0x38, v4;
	v4 =	vld.idx.msk [tilespmem:v9+s0+$0x0], $0xffff;
	v10 =	vbroadcast v1, $0x0  }
0x33: {  	v15 =	vbroadcast v3, $0x0;
	v1 =	vld.idx.msk [tilespmem:v5+s0+$0x0], $0xffff;
	v5 =	vcvt.s32.f32 v2  }
0x34: {  	s1 =	simm.s32 $0x7C20;
	v3 =	vadd.s32 v10, v0;
	v10 =	vbroadcast v14, $0x0;
	v2 =	vld.idx.msk [tilespmem:v7+s0+$0x0], $0xffff;
	v9 =	vcvt.s32.f32 v11  }
0x35: {  	s3 =	simm.s32 $0xC0;
	s2 =	simm.s32 $0x8;
	v8 =	vadd.s32 v8, v0;
	v7 =	vadd.s32 v15, v0;
	v11 =	vcvt.s32.f32 v13;
	[tilespmem:s1+$0x10] =	vst v5;
	v5 =	vld.idx.msk [tilespmem:v12+s0+$0x0], $0xffff  }
.LBB2_3:
0x36: {  	v12 =	vmov s3;
	s4 =	sadd.s32 $0x10, s3;
	s5 =	sadd.s32 $0x30, s3;
	s2 =	sadd.s32 $0x4, s2;
	v13 =	vadd.s32 v10, v0;
	v14 =	vcvt.s32.f32 v6;
	[tilespmem:s1+$0xFFFFFFF0] =	vst v9  }
0x37: {  	v9 =	vmul.u32 $0x38, v12;
	v10 =	vmov s4;
	s4 =	sadd.s32 $0x20, s3;
	v12 =	vmov s5;
	p1 =	slt.u32 s2, $0x1C;
	[tilespmem:s1+$0x0] =	vst v11  }
.Ltmp2:
0x38: {  	v6 =	vmovc v1;
	v10 =	vmul.u32 $0x38, v10;
	v11 =	vmov s4;
	v12 =	vmul.u32 $0x38, v12;
	[tilespmem:s1+$0xFFFFFFE0] =	vst v14;
	(pc) =	sbr.rel @p1 .LBB2_3-.Ltmp2, $4  }
0x39: {  	v14 =	vcvt.s32.f32 v4;
	v9 =	vbroadcast v9, $0x0;
	v11 =	vmul.u32 $0x38, v11;
	v1 =	vld.idx.msk [tilespmem:v3+s0+$0x0], $0xffff  }
0x3a: {  	s1 =	sadd.s32 $0x40, s1;
	v15 =	vbroadcast v10, $0x0;
	v12 =	vbroadcast v12, $0x0;
	v4 =	vld.idx.msk [tilespmem:v8+s0+$0x0], $0xffff  }
0x3b: {  	v3 =	vadd.s32 v9, v0;
	v10 =	vbroadcast v11, $0x0;
	v9 =	vcvt.s32.f32 v2;
	v2 =	vld.idx.msk [tilespmem:v7+s0+$0x0], $0xffff;
	[tilespmem:s1+$0x10] =	vst v14  }
0x3c: {  	s3 =	sadd.s32 $0x40, s3;
	v11 =	vcvt.s32.f32 v5;
	v7 =	vadd.s32 v15, v0;
	v8 =	vadd.s32 v12, v0;
	v5 =	vld.idx.msk [tilespmem:v13+s0+$0x0], $0xffff  }
0x3d: {  	_ =	sdelay $0x1  }
0x3e: {  	v0 =	vadd.s32 v10, v0;
	_ =	sdelay $0x1  }
0x3f: {  	v6 =	vcvt.s32.f32 v6;
	[tilespmem:s1+$0xFFFFFFF0] =	vst v9;
	v8 =	vld.idx.msk [tilespmem:v8+s0+$0x0], $0xffff  }
0x40: {  	v7 =	vld.idx.msk [tilespmem:v7+s0+$0x0], $0xffff;
	[tilespmem:s1+$0x0] =	vst v11;
	v1 =	vcvt.s32.f32 v1  }
0x41: {  	s22 =	sadd.s32 $0x40, s1;
	v3 =	vld.idx.msk [tilespmem:v3+s0+$0x0], $0xffff;
	v4 =	vcvt.s32.f32 v4;
	[tilespmem:s1+$0xFFFFFFE0] =	vst v6  }
0x42: {  	v2 =	vcvt.s32.f32 v2;
	[tilespmem:s22+$0xFFFFFFE0] =	vst v1;
	v0 =	vld.idx.msk [tilespmem:v0+s0+$0x0], $0xffff  }
0x43: {  	[tilespmem:s22+$0x10] =	vst v4;
	v4 =	vcvt.s32.f32 v5  }
0x44: {  	[tilespmem:s22+$0xFFFFFFF0] =	vst v2;
	v60 =	vcvt.s32.f32 v8  }
0x45: {  	s1 =	sadd.s32 $0x40, s22;
	v61 =	vcvt.s32.f32 v7;
	[tilespmem:s22+$0x0] =	vst v4  }
0x46: {  	v62 =	vcvt.s32.f32 v3;
	[tilespmem:s1+$0x10] =	vst v60  }
0x47: {  	[tilespmem:s1+$0xFFFFFFF0] =	vst v61;
	v0 =	vcvt.s32.f32 v0  }
0x48: {  	[tilespmem:s1+$0xFFFFFFE0] =	vst v62  }
0x49: {  	[tilespmem:s1+$0x0] =	vst v0  }
0x4a: {  	s23 =	simm.s32 $0x7030;
	v0 =	vld [tilespmem:$0x7C00]  }
0x4b: {  	v53 =	vld [tilespmem:s23+$0x20];
	_ =	sdelay $0x1  }
0x4c: {  	v52 =	vld [tilespmem:s23+$0x10]  }
0x4d: {  	v5 =	vld [tilespmem:s23+$0xFFFFFFF0];
	_ =	sdelay $0x1  }
0x4e: {  	v6 =	vld [tilespmem:s23+$0xFFFFFFE0];
	v63 =	vmul.f32 v53, v0  }
0x4f: {  	v51 =	vld [tilespmem:s23+$0x0]  }
0x50: {  	v1 =	vadd.f32 v63, v52  }
0x51: {  	v7 =	vmul.f32 v0, v5  }
0x52: {  	v54 =	vld [tilespmem:s23+$0xFFFFFFD0];
	v1 =	vmul.f32 v1, v0  }
0x53: {  	s24 =	sand.u32 $0x7000, s0;
	s2 =	simm.s32 $0x80;
	v7 =	vadd.f32 v7, v6  }
0x54: {  	s2 =	sand.u32 $0x380, s2;
	s1 =	sadd.s32 $0x7E00, s24;
	v1 =	vadd.f32 v1, v51  }
0x55: {  	s18 =	sadd.s32 s2, s1;
	v0 =	vmul.f32 v7, v0  }
0x56: {  	[tilespmem:s18+$0x0] =	vst v1  }
0x57: {  	s30 =	sand.u32 $0x300, s0;
	v0 =	vadd.f32 v0, v54;
	v1 =	vld [tilespmem:$0x7C10]  }
0x58: {  	s19 =	sadd.s32 s30, s1  }
0x59: {  	[tilespmem:s19+$0x0] =	vst v0  }
0x5a: {  	v0 =	vld [tilespmem:$0x7C10];
	_ =	sdelay $0x1  }
0x5b: {  	v7 =	vmul.f32 v1, v53;
	_ =	sdelay $0x1  }
0x5c: {  	v7 =	vadd.f32 v7, v52  }
0x5d: {  	v8 =	vmul.f32 v0, v5  }
0x5e: {  	v1 =	vmul.f32 v7, v1  }
0x5f: {  	v7 =	vadd.f32 v8, v6  }
0x60: {  	v1 =	vadd.f32 v1, v51  }
0x61: {  	v0 =	vmul.f32 v7, v0  }
0x62: {  	[tilespmem:s18+$0x10] =	vst v1  }
0x63: {  	v0 =	vadd.f32 v0, v54;
	v1 =	vld [tilespmem:$0x7C20];
	_ =	sdelay $0x1  }
0x64: {  	[tilespmem:s19+$0x10] =	vst v0  }
0x65: {  	v0 =	vld [tilespmem:$0x7C20];
	_ =	sdelay $0x1  }
0x66: {  	v7 =	vmul.f32 v1, v53;
	_ =	sdelay $0x1  }
0x67: {  	v7 =	vadd.f32 v7, v52  }
0x68: {  	v8 =	vmul.f32 v0, v5  }
0x69: {  	v1 =	vmul.f32 v7, v1  }
0x6a: {  	v7 =	vadd.f32 v8, v6  }
0x6b: {  	v1 =	vadd.f32 v1, v51  }
0x6c: {  	v0 =	vmul.f32 v7, v0  }
0x6d: {  	[tilespmem:s18+$0x20] =	vst v1  }
0x6e: {  	v0 =	vadd.f32 v0, v54;
	v1 =	vld [tilespmem:$0x7C30];
	_ =	sdelay $0x1  }
0x6f: {  	[tilespmem:s19+$0x20] =	vst v0  }
0x70: {  	v0 =	vld [tilespmem:$0x7C30];
	_ =	sdelay $0x1  }
0x71: {  	v7 =	vmul.f32 v1, v53;
	_ =	sdelay $0x1  }
0x72: {  	v7 =	vadd.f32 v7, v52  }
0x73: {  	v8 =	vmul.f32 v0, v5  }
0x74: {  	v1 =	vmul.f32 v7, v1  }
0x75: {  	v7 =	vadd.f32 v8, v6  }
0x76: {  	v1 =	vadd.f32 v1, v51  }
0x77: {  	v0 =	vmul.f32 v7, v0  }
0x78: {  	[tilespmem:s18+$0x30] =	vst v1  }
0x79: {  	v0 =	vadd.f32 v0, v54;
	v1 =	vld [tilespmem:$0x7C40];
	_ =	sdelay $0x1  }
0x7a: {  	[tilespmem:s19+$0x30] =	vst v0  }
0x7b: {  	v0 =	vld [tilespmem:$0x7C40];
	_ =	sdelay $0x1  }
0x7c: {  	v7 =	vmul.f32 v1, v53;
	_ =	sdelay $0x1  }
0x7d: {  	v7 =	vadd.f32 v7, v52  }
0x7e: {  	v8 =	vmul.f32 v0, v5  }
0x7f: {  	v1 =	vmul.f32 v7, v1  }
0x80: {  	v7 =	vadd.f32 v8, v6  }
0x81: {  	v1 =	vadd.f32 v1, v51  }
0x82: {  	v0 =	vmul.f32 v7, v0  }
0x83: {  	[tilespmem:s18+$0x40] =	vst v1  }
0x84: {  	v0 =	vadd.f32 v0, v54;
	v1 =	vld [tilespmem:$0x7C50];
	_ =	sdelay $0x1  }
0x85: {  	[tilespmem:s19+$0x40] =	vst v0  }
0x86: {  	v0 =	vld [tilespmem:$0x7C50];
	_ =	sdelay $0x1  }
0x87: {  	v7 =	vmul.f32 v1, v53;
	_ =	sdelay $0x1  }
0x88: {  	v7 =	vadd.f32 v7, v52  }
0x89: {  	v8 =	vmul.f32 v0, v5  }
0x8a: {  	p6 =	por $0x1, $0x1;
	v1 =	vmul.f32 v7, v1  }
.Ltmp3:
0x8b: {  	v7 =	vadd.f32 v8, v6;
	(pc) =	sbr.rel @!p6 .LBB2_5-.Ltmp3, $4  }
0x8c: {  	v1 =	vadd.f32 v1, v51  }
0x8d: {  	v0 =	vmul.f32 v7, v0  }
0x8e: {  	p1 =	por $0x0, $0x0;
	p2 =	por $0x0, $0x0;
	[tilespmem:s18+$0x50] =	vst v1  }
0x8f: {  	p3 =	por $0x0, $0x0;
	p4 =	por $0x0, $0x0;
	p5 =	por $0x0, $0x0;
	v26 =	vadd.f32 v0, v54;
	v33 =	vld [tilespmem:$0x7C60]  }
0x90: {  	v0 =	vld [tilespmem:$0x7C00];
	s0 =	simm.s32 $0x7090  }
0x91: {  	v12 =	vld [tilespmem:s0+$0x20];
	_ =	sdelay $0x1  }
0x92: {  	v13 =	vld [tilespmem:s0+$0x10]  }
0x93: {  	v14 =	vld [tilespmem:s0+$0xFFFFFFF0]  }
0x94: {  	v1 =	vmul.f32 v33, v53  }
0x95: {  	v16 =	vld [tilespmem:s0+$0xFFFFFFE0];
	v7 =	vmul.f32 v12, v0  }
0x96: {  	v11 =	vld [tilespmem:s0+$0x0];
	v1 =	vadd.f32 v1, v52  }
0x97: {  	v7 =	vadd.f32 v7, v13  }
0x98: {  	[tilespmem:s19+$0x50] =	vst v26;
	v17 =	vld [tilespmem:s0+$0xFFFFFFD0];
	v8 =	vmul.f32 v0, v14;
	v1 =	vmul.f32 v1, v33  }
0x99: {  	s24 =	simm.s32 $0x400;
	v9 =	vld [tilespmem:$0x7C60];
	v7 =	vmul.f32 v7, v0  }
0x9a: {  	s1 =	simm.s32 $0x180;
	s0 =	sand.u32 $0x7000, s24;
	v8 =	vadd.f32 v8, v16;
	v1 =	vadd.f32 v1, v51  }
0x9b: {  	s1 =	sand.u32 $0x380, s1;
	s0 =	sadd.s32 $0x7E00, s0;
	v7 =	vadd.f32 v7, v11  }
0x9c: {  	s21 =	sadd.s32 s1, s0;
	v0 =	vmul.f32 v8, v0;
	[tilespmem:s18+$0x60] =	vst v1  }
0x9d: {  	s30 =	simm.s32 $0x100;
	v1 =	vld [tilespmem:$0x7C70];
	[tilespmem:s21+$0x0] =	vst v7  }
0x9e: {  	s1 =	sand.u32 $0x300, s30;
	v8 =	vmul.f32 v9, v5;
	v0 =	vadd.f32 v0, v17;
	v7 =	vld [tilespmem:$0x7C10]  }
0x9f: {  	s22 =	sadd.s32 s1, s0  }
0xa0: {  	v36 =	vadd.f32 v8, v6;
	[tilespmem:s22+$0x0] =	vst v0  }
0xa1: {  	v8 =	vld [tilespmem:$0x7C10]  }
0xa2: {  	v0 =	vmul.f32 v36, v9;
	v10 =	vmul.f32 v1, v53  }
0xa3: {  	v9 =	vmul.f32 v7, v12  }
0xa4: {  	v0 =	vadd.f32 v0, v54;
	v10 =	vadd.f32 v10, v52  }
0xa5: {  	v9 =	vadd.f32 v9, v13  }
0xa6: {  	[tilespmem:s19+$0x60] =	vst v0;
	v1 =	vmul.f32 v10, v1;
	v10 =	vmul.f32 v8, v14  }
0xa7: {  	v37 =	vmul.f32 v9, v7;
	v7 =	vld [tilespmem:$0x7C70]  }
0xa8: {  	v1 =	vadd.f32 v1, v51;
	v9 =	vadd.f32 v10, v16  }
0xa9: {  	v0 =	vadd.f32 v37, v11  }
0xaa: {  	[tilespmem:s18+$0x70] =	vst v1;
	v38 =	vmul.f32 v9, v8  }
0xab: {  	v8 =	vld [tilespmem:$0x7C80];
	[tilespmem:s21+$0x10] =	vst v0  }
0xac: {  	v39 =	vadd.f32 v38, v17;
	v40 =	vld [tilespmem:$0x7C20];
	v9 =	vmul.f32 v7, v5;
	_ =	sdelay $0x1  }
0xad: {  	[tilespmem:s22+$0x10] =	vst v39;
	v41 =	vadd.f32 v9, v6  }
0xae: {  	v9 =	vld [tilespmem:$0x7C20]  }
0xaf: {  	v10 =	vmul.f32 v8, v53;
	v0 =	vmul.f32 v41, v7  }
0xb0: {  	v7 =	vmul.f32 v40, v12  }
0xb1: {  	v10 =	vadd.f32 v10, v52;
	v0 =	vadd.f32 v0, v54  }
0xb2: {  	v7 =	vadd.f32 v7, v13  }
0xb3: {  	v8 =	vmul.f32 v10, v8;
	v10 =	vmul.f32 v9, v14;
	[tilespmem:s19+$0x70] =	vst v0  }
0xb4: {  	v42 =	vmul.f32 v7, v40;
	v43 =	vld [tilespmem:$0x7C80]  }
0xb5: {  	v7 =	vadd.f32 v8, v51;
	v8 =	vadd.f32 v10, v16  }
0xb6: {  	v0 =	vadd.f32 v42, v11  }
0xb7: {  	[tilespmem:s18+$0x400] =	vst v7;
	v7 =	vmul.f32 v8, v9  }
0xb8: {  	v8 =	vld [tilespmem:$0x7C90];
	[tilespmem:s21+$0x20] =	vst v0  }
0xb9: {  	v44 =	vadd.f32 v7, v17;
	v7 =	vld [tilespmem:$0x7C30];
	v9 =	vmul.f32 v43, v5;
	_ =	sdelay $0x1  }
0xba: {  	[tilespmem:s22+$0x20] =	vst v44;
	v45 =	vadd.f32 v9, v6  }
0xbb: {  	v9 =	vld [tilespmem:$0x7C30]  }
0xbc: {  	v10 =	vmul.f32 v8, v53;
	v0 =	vmul.f32 v45, v43  }
0xbd: {  	v46 =	vmul.f32 v7, v12  }
0xbe: {  	v10 =	vadd.f32 v10, v52;
	v0 =	vadd.f32 v0, v54  }
0xbf: {  	v1 =	vadd.f32 v46, v13  }
0xc0: {  	v8 =	vmul.f32 v10, v8;
	v10 =	vmul.f32 v9, v14;
	[tilespmem:s19+$0x400] =	vst v0  }
0xc1: {  	v47 =	vmul.f32 v1, v7;
	v48 =	vld [tilespmem:$0x7C90]  }
0xc2: {  	v7 =	vadd.f32 v8, v51;
	v8 =	vadd.f32 v10, v16  }
0xc3: {  	v0 =	vadd.f32 v47, v11  }
0xc4: {  	[tilespmem:s18+$0x410] =	vst v7;
	v7 =	vmul.f32 v8, v9  }
0xc5: {  	v8 =	vld [tilespmem:$0x7CA0];
	[tilespmem:s21+$0x30] =	vst v0  }
0xc6: {  	v49 =	vadd.f32 v7, v17;
	v7 =	vld [tilespmem:$0x7C40];
	v9 =	vmul.f32 v48, v5;
	_ =	sdelay $0x1  }
0xc7: {  	[tilespmem:s22+$0x30] =	vst v49;
	v50 =	vadd.f32 v9, v6  }
0xc8: {  	v9 =	vld [tilespmem:$0x7C40]  }
0xc9: {  	v10 =	vmul.f32 v8, v53;
	v0 =	vmul.f32 v50, v48  }
0xca: {  	v55 =	vmul.f32 v7, v12  }
0xcb: {  	v10 =	vadd.f32 v10, v52;
	v0 =	vadd.f32 v0, v54  }
0xcc: {  	v1 =	vadd.f32 v55, v13  }
0xcd: {  	v8 =	vmul.f32 v10, v8;
	v10 =	vmul.f32 v9, v14;
	[tilespmem:s19+$0x410] =	vst v0  }
0xce: {  	v56 =	vmul.f32 v1, v7;
	v57 =	vld [tilespmem:$0x7CA0]  }
0xcf: {  	v7 =	vadd.f32 v8, v51;
	v8 =	vadd.f32 v10, v16  }
0xd0: {  	v0 =	vadd.f32 v56, v11  }
0xd1: {  	[tilespmem:s18+$0x420] =	vst v7;
	v7 =	vmul.f32 v8, v9  }
0xd2: {  	v8 =	vld [tilespmem:$0x7CB0];
	[tilespmem:s21+$0x40] =	vst v0  }
0xd3: {  	v58 =	vadd.f32 v7, v17;
	v7 =	vld [tilespmem:$0x7C50];
	v9 =	vmul.f32 v57, v5;
	_ =	sdelay $0x1  }
0xd4: {  	[tilespmem:s22+$0x40] =	vst v58;
	v59 =	vadd.f32 v9, v6  }
0xd5: {  	v9 =	vld [tilespmem:$0x7C50]  }
0xd6: {  	v10 =	vmul.f32 v8, v53;
	v0 =	vmul.f32 v59, v57  }
0xd7: {  	v60 =	vmul.f32 v7, v12  }
0xd8: {  	v10 =	vadd.f32 v10, v52;
	v0 =	vadd.f32 v0, v54  }
0xd9: {  	v1 =	vadd.f32 v60, v13  }
0xda: {  	v8 =	vmul.f32 v10, v8;
	v10 =	vmul.f32 v9, v14;
	[tilespmem:s19+$0x420] =	vst v0  }
0xdb: {  	p6 =	por $0x1, $0x1;
	v61 =	vmul.f32 v1, v7;
	v29 =	vld [tilespmem:$0x7CB0]  }
.Ltmp4:
0xdc: {  	v62 =	vadd.f32 v8, v51;
	v7 =	vadd.f32 v10, v16;
	(pc) =	sbr.rel @!p6 .LBB2_7-.Ltmp4, $4  }
0xdd: {  	v0 =	vadd.f32 v61, v11  }
0xde: {  	[tilespmem:s18+$0x430] =	vst v62;
	v63 =	vmul.f32 v7, v9  }
0xdf: {  	v27 =	vld [tilespmem:$0x7CC0];
	[tilespmem:s21+$0x50] =	vst v0  }
0xe0: {  	p1 =	por $0x1, $0x1;
	v26 =	vadd.f32 v63, v17;
	v33 =	vld [tilespmem:$0x7C60];
	v37 =	vmul.f32 v29, v5  }
0xe1: {  	_ =	sdelay $0x2  }
0xe2: {  	v0 =	vld [tilespmem:$0x7C00];
	s0 =	simm.s32 $0x70F0;
	v1 =	vmul.f32 v27, v53  }
0xe3: {  	v22 =	vld [tilespmem:s0+$0x20]  }
0xe4: {  	v1 =	vadd.f32 v1, v52  }
0xe5: {  	v18 =	vld [tilespmem:s0+$0x10]  }
0xe6: {  	v50 =	vld [tilespmem:s0+$0xFFFFFFF0];
	v1 =	vmul.f32 v1, v27  }
0xe7: {  	v7 =	vmul.f32 v33, v12  }
0xe8: {  	v8 =	vadd.f32 v37, v6;
	v49 =	vld [tilespmem:s0+$0xFFFFFFE0];
	v9 =	vmul.f32 v22, v0;
	v1 =	vadd.f32 v1, v51  }
0xe9: {  	v20 =	vld [tilespmem:s0+$0x0];
	v7 =	vadd.f32 v7, v13  }
0xea: {  	v23 =	vld [tilespmem:s0+$0xFFFFFFD0];
	v8 =	vmul.f32 v8, v29;
	v9 =	vadd.f32 v9, v18;
	[tilespmem:s18+$0x440] =	vst v1  }
0xeb: {  	[tilespmem:s22+$0x50] =	vst v26;
	v1 =	vmul.f32 v7, v33;
	v7 =	vmul.f32 v0, v50;
	v10 =	vld [tilespmem:$0x7CD0]  }
0xec: {  	s23 =	simm.s32 $0x800;
	v15 =	vld [tilespmem:$0x7C60];
	v8 =	vadd.f32 v8, v54;
	v9 =	vmul.f32 v9, v0  }
0xed: {  	s1 =	simm.s32 $0x280;
	s0 =	sand.u32 $0x7000, s23;
	v1 =	vadd.f32 v1, v11;
	v7 =	vadd.f32 v7, v49  }
0xee: {  	s24 =	sand.u32 $0x380, s1;
	s2 =	sadd.s32 $0x7E00, s0;
	[tilespmem:s19+$0x430] =	vst v8;
	v8 =	vadd.f32 v9, v20  }
0xef: {  	s0 =	sadd.s32 s24, s2;
	[tilespmem:s21+$0x60] =	vst v1;
	v1 =	vld [tilespmem:$0x7CC0];
	v0 =	vmul.f32 v7, v0  }
0xf0: {  	s30 =	simm.s32 $0x200;
	[tilespmem:s0+$0x0] =	vst v8;
	v7 =	vld [tilespmem:$0x7C70];
	v8 =	vmul.f32 v10, v53  }
0xf1: {  	s1 =	sand.u32 $0x300, s30;
	v24 =	vmul.f32 v15, v14;
	v9 =	vld [tilespmem:$0x7C10];
	v0 =	vadd.f32 v0, v23  }
0xf2: {  	s23 =	sadd.s32 s1, s2;
	v8 =	vadd.f32 v8, v52  }
0xf3: {  	[tilespmem:s23+$0x0] =	vst v0;
	v0 =	vadd.f32 v24, v16  }
0xf4: {  	v24 =	vmul.f32 v1, v5;
	v25 =	vld [tilespmem:$0x7C10];
	v8 =	vmul.f32 v8, v10  }
0xf5: {  	v10 =	vmul.f32 v7, v12;
	v0 =	vmul.f32 v0, v15  }
0xf6: {  	v15 =	vadd.f32 v24, v6;
	v24 =	vmul.f32 v9, v22;
	v8 =	vadd.f32 v8, v51  }
0xf7: {  	v10 =	vadd.f32 v10, v13;
	v0 =	vadd.f32 v0, v17  }
0xf8: {  	v1 =	vmul.f32 v15, v1;
	v15 =	vadd.f32 v24, v18;
	[tilespmem:s18+$0x450] =	vst v8  }
0xf9: {  	v7 =	vmul.f32 v10, v7;
	v8 =	vmul.f32 v25, v50;
	[tilespmem:s22+$0x60] =	vst v0;
	v0 =	vld [tilespmem:$0x7CE0]  }
0xfa: {  	v1 =	vadd.f32 v1, v54;
	v9 =	vmul.f32 v15, v9;
	v10 =	vld [tilespmem:$0x7C70]  }
0xfb: {  	v7 =	vadd.f32 v7, v11;
	v8 =	vadd.f32 v8, v49  }
0xfc: {  	[tilespmem:s19+$0x440] =	vst v1;
	v1 =	vadd.f32 v9, v20  }
0xfd: {  	[tilespmem:s21+$0x70] =	vst v7;
	v7 =	vld [tilespmem:$0x7CD0];
	v8 =	vmul.f32 v8, v25  }
0xfe: {  	v9 =	vld [tilespmem:$0x7C80];
	[tilespmem:s0+$0x10] =	vst v1;
	v1 =	vmul.f32 v0, v53  }
0xff: {  	v8 =	vadd.f32 v8, v23;
	v15 =	vld [tilespmem:$0x7C20];
	v24 =	vmul.f32 v10, v14  }
0x100: {  	v1 =	vadd.f32 v1, v52  }
0x101: {  	[tilespmem:s23+$0x10] =	vst v8;
	v8 =	vadd.f32 v24, v16  }
0x102: {  	v24 =	vmul.f32 v7, v5;
	v25 =	vld [tilespmem:$0x7C20];
	v0 =	vmul.f32 v1, v0  }
0x103: {  	v1 =	vmul.f32 v9, v12;
	v8 =	vmul.f32 v8, v10  }
0x104: {  	v10 =	vadd.f32 v24, v6;
	v24 =	vmul.f32 v15, v22;
	v0 =	vadd.f32 v0, v51  }
0x105: {  	v1 =	vadd.f32 v1, v13;
	v8 =	vadd.f32 v8, v17  }
0x106: {  	v7 =	vmul.f32 v10, v7;
	v10 =	vadd.f32 v24, v18;
	[tilespmem:s18+$0x460] =	vst v0  }
0x107: {  	v0 =	vmul.f32 v1, v9;
	v1 =	vmul.f32 v25, v50;
	[tilespmem:s22+$0x70] =	vst v8;
	v8 =	vld [tilespmem:$0x7CF0]  }
0x108: {  	v7 =	vadd.f32 v7, v54;
	v9 =	vmul.f32 v10, v15;
	v10 =	vld [tilespmem:$0x7C80]  }
0x109: {  	v0 =	vadd.f32 v0, v11;
	v1 =	vadd.f32 v1, v49  }
0x10a: {  	[tilespmem:s19+$0x450] =	vst v7;
	v7 =	vadd.f32 v9, v20  }
0x10b: {  	[tilespmem:s21+$0x400] =	vst v0;
	v0 =	vld [tilespmem:$0x7CE0];
	v1 =	vmul.f32 v1, v25  }
0x10c: {  	v9 =	vld [tilespmem:$0x7C90];
	[tilespmem:s0+$0x20] =	vst v7;
	v7 =	vmul.f32 v8, v53  }
0x10d: {  	v1 =	vadd.f32 v1, v23;
	v15 =	vld [tilespmem:$0x7C30];
	v24 =	vmul.f32 v10, v14  }
0x10e: {  	v7 =	vadd.f32 v7, v52  }
0x10f: {  	[tilespmem:s23+$0x20] =	vst v1;
	v1 =	vadd.f32 v24, v16  }
0x110: {  	v24 =	vmul.f32 v0, v5;
	v25 =	vld [tilespmem:$0x7C30];
	v7 =	vmul.f32 v7, v8  }
0x111: {  	v8 =	vmul.f32 v9, v12;
	v1 =	vmul.f32 v1, v10  }
0x112: {  	v10 =	vadd.f32 v24, v6;
	v24 =	vmul.f32 v15, v22;
	v7 =	vadd.f32 v7, v51  }
0x113: {  	v8 =	vadd.f32 v8, v13;
	v1 =	vadd.f32 v1, v17  }
0x114: {  	v0 =	vmul.f32 v10, v0;
	v10 =	vadd.f32 v24, v18;
	[tilespmem:s18+$0x470] =	vst v7  }
0x115: {  	v7 =	vmul.f32 v8, v9;
	v8 =	vmul.f32 v25, v50;
	[tilespmem:s22+$0x400] =	vst v1;
	v1 =	vld [tilespmem:$0x7D00]  }
0x116: {  	v0 =	vadd.f32 v0, v54;
	v9 =	vmul.f32 v10, v15;
	v10 =	vld [tilespmem:$0x7C90]  }
0x117: {  	v7 =	vadd.f32 v7, v11;
	v8 =	vadd.f32 v8, v49  }
0x118: {  	[tilespmem:s19+$0x460] =	vst v0;
	v0 =	vadd.f32 v9, v20  }
0x119: {  	[tilespmem:s21+$0x410] =	vst v7;
	v7 =	vld [tilespmem:$0x7CF0];
	v8 =	vmul.f32 v8, v25  }
0x11a: {  	v9 =	vld [tilespmem:$0x7CA0];
	[tilespmem:s0+$0x30] =	vst v0;
	v0 =	vmul.f32 v1, v53  }
0x11b: {  	v8 =	vadd.f32 v8, v23;
	v15 =	vld [tilespmem:$0x7C40];
	v24 =	vmul.f32 v10, v14  }
0x11c: {  	v0 =	vadd.f32 v0, v52  }
0x11d: {  	[tilespmem:s23+$0x30] =	vst v8;
	v8 =	vadd.f32 v24, v16  }
0x11e: {  	v24 =	vmul.f32 v7, v5;
	v25 =	vld [tilespmem:$0x7C40];
	v0 =	vmul.f32 v0, v1  }
0x11f: {  	v1 =	vmul.f32 v9, v12;
	v8 =	vmul.f32 v8, v10  }
0x120: {  	v10 =	vadd.f32 v24, v6;
	v24 =	vmul.f32 v15, v22;
	v0 =	vadd.f32 v0, v51  }
0x121: {  	v1 =	vadd.f32 v1, v13;
	v8 =	vadd.f32 v8, v17  }
0x122: {  	v7 =	vmul.f32 v10, v7;
	v10 =	vadd.f32 v24, v18;
	[tilespmem:s18+$0x800] =	vst v0  }
0x123: {  	v0 =	vmul.f32 v1, v9;
	v1 =	vmul.f32 v25, v50;
	[tilespmem:s22+$0x410] =	vst v8;
	v8 =	vld [tilespmem:$0x7D10]  }
0x124: {  	v7 =	vadd.f32 v7, v54;
	v9 =	vmul.f32 v10, v15;
	v10 =	vld [tilespmem:$0x7CA0]  }
0x125: {  	v0 =	vadd.f32 v0, v11;
	v1 =	vadd.f32 v1, v49  }
0x126: {  	[tilespmem:s19+$0x470] =	vst v7;
	v7 =	vadd.f32 v9, v20  }
0x127: {  	[tilespmem:s21+$0x420] =	vst v0;
	v0 =	vld [tilespmem:$0x7D00];
	v1 =	vmul.f32 v1, v25  }
0x128: {  	v9 =	vld [tilespmem:$0x7CB0];
	[tilespmem:s0+$0x40] =	vst v7;
	v7 =	vmul.f32 v8, v53  }
0x129: {  	v1 =	vadd.f32 v1, v23;
	v15 =	vld [tilespmem:$0x7C50];
	v24 =	vmul.f32 v10, v14  }
0x12a: {  	v7 =	vadd.f32 v7, v52  }
0x12b: {  	[tilespmem:s23+$0x40] =	vst v1;
	v1 =	vadd.f32 v24, v16  }
0x12c: {  	v24 =	vmul.f32 v0, v5;
	v25 =	vld [tilespmem:$0x7C50];
	v7 =	vmul.f32 v7, v8  }
0x12d: {  	v8 =	vmul.f32 v9, v12;
	v1 =	vmul.f32 v1, v10  }
0x12e: {  	v10 =	vadd.f32 v24, v6;
	v24 =	vmul.f32 v15, v22;
	v7 =	vadd.f32 v7, v51  }
0x12f: {  	v8 =	vadd.f32 v8, v13;
	v1 =	vadd.f32 v1, v17  }
0x130: {  	v0 =	vmul.f32 v10, v0;
	v10 =	vadd.f32 v24, v18;
	[tilespmem:s18+$0x810] =	vst v7  }
0x131: {  	v7 =	vmul.f32 v8, v9;
	v8 =	vmul.f32 v25, v50;
	[tilespmem:s22+$0x420] =	vst v1;
	v38 =	vld [tilespmem:$0x7D20]  }
0x132: {  	p6 =	por $0x1, $0x1;
	v0 =	vadd.f32 v0, v54;
	v1 =	vmul.f32 v10, v15;
	v29 =	vld [tilespmem:$0x7CB0]  }
.Ltmp5:
0x133: {  	v7 =	vadd.f32 v7, v11;
	v8 =	vadd.f32 v8, v49;
	(pc) =	sbr.rel @!p6 .LBB2_9-.Ltmp5, $4  }
0x134: {  	[tilespmem:s19+$0x800] =	vst v0;
	v1 =	vadd.f32 v1, v20  }
0x135: {  	[tilespmem:s21+$0x430] =	vst v7;
	v0 =	vld [tilespmem:$0x7D10];
	v7 =	vmul.f32 v8, v25  }
0x136: {  	v27 =	vld [tilespmem:$0x7CC0];
	[tilespmem:s0+$0x50] =	vst v1  }
0x137: {  	p2 =	por $0x1, $0x1;
	v39 =	vmul.f32 v38, v53;
	v26 =	vadd.f32 v7, v23;
	v33 =	vld [tilespmem:$0x7C60];
	v37 =	vmul.f32 v29, v14  }
0x138: {  	_ =	sdelay $0x1  }
0x139: {  	v1 =	vadd.f32 v39, v52  }
0x13a: {  	v15 =	vld [tilespmem:$0x7C00];
	s1 =	simm.s32 $0x7150;
	v7 =	vmul.f32 v27, v12  }
0x13b: {  	v25 =	vld [tilespmem:s1+$0x20];
	v1 =	vmul.f32 v1, v38  }
0x13c: {  	v8 =	vadd.f32 v7, v13  }
0x13d: {  	v7 =	vld [tilespmem:s1+$0x10];
	v1 =	vadd.f32 v1, v51  }
0x13e: {  	v30 =	vld [tilespmem:s1+$0xFFFFFFF0];
	v10 =	vmul.f32 v33, v22;
	v8 =	vmul.f32 v8, v27  }
0x13f: {  	v9 =	vld [tilespmem:s1+$0xFFFFFFE0];
	v24 =	vmul.f32 v0, v5;
	v27 =	vadd.f32 v37, v16;
	[tilespmem:s18+$0x820] =	vst v1  }
0x140: {  	v28 =	vmul.f32 v25, v15;
	v1 =	vadd.f32 v10, v18;
	v32 =	vld [tilespmem:$0x7D30];
	v31 =	vadd.f32 v8, v11  }
0x141: {  	v24 =	vadd.f32 v24, v6;
	v27 =	vmul.f32 v27, v29;
	v8 =	vld [tilespmem:s1+$0x0]  }
0x142: {  	v10 =	vld [tilespmem:s1+$0xFFFFFFD0];
	v1 =	vmul.f32 v1, v33;
	v28 =	vadd.f32 v28, v7;
	[tilespmem:s21+$0x440] =	vst v31  }
0x143: {  	[tilespmem:s23+$0x50] =	vst v26;
	v0 =	vmul.f32 v24, v0;
	v26 =	vmul.f32 v15, v30;
	v24 =	vadd.f32 v27, v17;
	v27 =	vld [tilespmem:$0x7CD0]  }
0x144: {  	s24 =	simm.s32 $0xC00;
	v29 =	vld [tilespmem:$0x7C60];
	v1 =	vadd.f32 v1, v20;
	v28 =	vmul.f32 v28, v15  }
0x145: {  	s2 =	simm.s32 $0x380;
	v0 =	vadd.f32 v0, v54;
	s1 =	sand.u32 $0x7000, s24;
	[tilespmem:s22+$0x430] =	vst v24;
	v24 =	vadd.f32 v26, v9  }
0x146: {  	s2 =	sand.u32 $0x380, s2;
	s1 =	sadd.s32 $0x7E00, s1;
	v26 =	vmul.f32 v32, v53;
	[tilespmem:s0+$0x60] =	vst v1;
	v1 =	vld [tilespmem:$0x7CC0];
	v28 =	vadd.f32 v28, v8  }
0x147: {  	[tilespmem:s19+$0x810] =	vst v0;
	s20 =	sadd.s32 s2, s1;
	v0 =	vld [tilespmem:$0x7C70];
	v15 =	vmul.f32 v24, v15  }
0x148: {  	s30 =	simm.s32 $0x300;
	v24 =	vadd.f32 v26, v52;
	v26 =	vld [tilespmem:$0x7D20];
	[tilespmem:s20+$0x0] =	vst v28;
	v28 =	vmul.f32 v27, v12  }
0x149: {  	s2 =	sand.u32 $0x300, s30;
	v58 =	vmul.f32 v29, v50;
	v15 =	vadd.f32 v15, v10;
	v31 =	vld [tilespmem:$0x7C10]  }
0x14a: {  	s3 =	sadd.s32 s2, s1;
	v24 =	vmul.f32 v24, v32;
	v28 =	vadd.f32 v28, v13  }
0x14b: {  	v59 =	vmul.f32 v1, v14;
	[tilespmem:s3+$0x0] =	vst v15;
	v15 =	vadd.f32 v58, v49  }
0x14c: {  	v24 =	vadd.f32 v24, v51;
	v60 =	vmul.f32 v0, v22;
	v34 =	vld [tilespmem:$0x7C10];
	v27 =	vmul.f32 v28, v27  }
0x14d: {  	v61 =	vmul.f32 v26, v5;
	v28 =	vadd.f32 v59, v16;
	v15 =	vmul.f32 v15, v29  }
0x14e: {  	[tilespmem:s18+$0x830] =	vst v24;
	v24 =	vadd.f32 v60, v18;
	v29 =	vmul.f32 v31, v25;
	v27 =	vadd.f32 v27, v11  }
0x14f: {  	v62 =	vld [tilespmem:$0x7D40];
	v1 =	vmul.f32 v28, v1;
	v15 =	vadd.f32 v15, v23;
	v28 =	vadd.f32 v61, v6  }
0x150: {  	v0 =	vmul.f32 v24, v0;
	v24 =	vadd.f32 v29, v7;
	[tilespmem:s21+$0x450] =	vst v27  }
0x151: {  	v1 =	vadd.f32 v1, v17;
	v27 =	vmul.f32 v34, v30;
	[tilespmem:s23+$0x60] =	vst v15;
	v26 =	vmul.f32 v28, v26;
	v15 =	vld [tilespmem:$0x7CE0]  }
0x152: {  	v0 =	vadd.f32 v0, v20;
	v24 =	vmul.f32 v24, v31;
	v28 =	vld [tilespmem:$0x7C70]  }
0x153: {  	[tilespmem:s22+$0x440] =	vst v1;
	v1 =	vadd.f32 v27, v9;
	v26 =	vadd.f32 v26, v54  }
0x154: {  	v27 =	vmul.f32 v62, v53;
	[tilespmem:s0+$0x70] =	vst v0;
	v0 =	vld [tilespmem:$0x7CD0];
	v24 =	vadd.f32 v24, v8  }
0x155: {  	v29 =	vld [tilespmem:$0x7C80];
	v1 =	vmul.f32 v1, v34;
	[tilespmem:s19+$0x820] =	vst v26  }
0x156: {  	v26 =	vadd.f32 v27, v52;
	[tilespmem:s20+$0x10] =	vst v24;
	v27 =	vld [tilespmem:$0x7D30];
	v24 =	vmul.f32 v15, v12  }
0x157: {  	v1 =	vadd.f32 v1, v10;
	v31 =	vld [tilespmem:$0x7C20];
	v63 =	vmul.f32 v28, v50  }
0x158: {  	v26 =	vmul.f32 v26, v62;
	v24 =	vadd.f32 v24, v13  }
0x159: {  	v36 =	vmul.f32 v0, v14;
	[tilespmem:s3+$0x10] =	vst v1;
	v1 =	vadd.f32 v63, v49  }
0x15a: {  	v26 =	vadd.f32 v26, v51;
	v37 =	vmul.f32 v29, v22;
	v38 =	vld [tilespmem:$0x7C20];
	v15 =	vmul.f32 v24, v15  }
0x15b: {  	v24 =	vadd.f32 v36, v16;
	v1 =	vmul.f32 v1, v28;
	v28 =	vmul.f32 v27, v5  }
0x15c: {  	[tilespmem:s18+$0x840] =	vst v26;
	v26 =	vadd.f32 v37, v18;
	v39 =	vmul.f32 v31, v25;
	v15 =	vadd.f32 v15, v11  }
0x15d: {  	v40 =	vld [tilespmem:$0x7D50];
	v0 =	vmul.f32 v24, v0;
	v1 =	vadd.f32 v1, v23;
	v24 =	vadd.f32 v28, v6  }
0x15e: {  	v26 =	vmul.f32 v26, v29;
	v28 =	vadd.f32 v39, v7;
	[tilespmem:s21+$0x460] =	vst v15  }
0x15f: {  	v0 =	vadd.f32 v0, v17;
	v15 =	vmul.f32 v38, v30;
	[tilespmem:s23+$0x70] =	vst v1;
	v24 =	vmul.f32 v24, v27;
	v1 =	vld [tilespmem:$0x7CF0]  }
0x160: {  	v26 =	vadd.f32 v26, v20;
	v27 =	vmul.f32 v28, v31;
	v28 =	vld [tilespmem:$0x7C80]  }
0x161: {  	[tilespmem:s22+$0x450] =	vst v0;
	v0 =	vadd.f32 v15, v9;
	v15 =	vadd.f32 v24, v54  }
0x162: {  	v24 =	vmul.f32 v40, v53;
	[tilespmem:s0+$0x400] =	vst v26;
	v26 =	vld [tilespmem:$0x7CE0];
	v27 =	vadd.f32 v27, v8  }
0x163: {  	v29 =	vld [tilespmem:$0x7C90];
	v0 =	vmul.f32 v0, v38;
	[tilespmem:s19+$0x830] =	vst v15  }
0x164: {  	v15 =	vadd.f32 v24, v52;
	[tilespmem:s20+$0x20] =	vst v27;
	v27 =	vld [tilespmem:$0x7D40];
	v24 =	vmul.f32 v1, v12  }
0x165: {  	v0 =	vadd.f32 v0, v10;
	v31 =	vld [tilespmem:$0x7C30];
	v41 =	vmul.f32 v28, v50  }
0x166: {  	v15 =	vmul.f32 v15, v40;
	v24 =	vadd.f32 v24, v13  }
0x167: {  	v42 =	vmul.f32 v26, v14;
	[tilespmem:s3+$0x20] =	vst v0;
	v0 =	vadd.f32 v41, v49  }
0x168: {  	v15 =	vadd.f32 v15, v51;
	v43 =	vmul.f32 v29, v22;
	v44 =	vld [tilespmem:$0x7C30];
	v1 =	vmul.f32 v24, v1  }
0x169: {  	v24 =	vadd.f32 v42, v16;
	v0 =	vmul.f32 v0, v28;
	v28 =	vmul.f32 v27, v5  }
0x16a: {  	[tilespmem:s18+$0x850] =	vst v15;
	v15 =	vadd.f32 v43, v18;
	v45 =	vmul.f32 v31, v25;
	v1 =	vadd.f32 v1, v11  }
0x16b: {  	v46 =	vld [tilespmem:$0x7D60];
	v24 =	vmul.f32 v24, v26;
	v0 =	vadd.f32 v0, v23;
	v26 =	vadd.f32 v28, v6  }
0x16c: {  	v15 =	vmul.f32 v15, v29;
	v28 =	vadd.f32 v45, v7;
	[tilespmem:s21+$0x470] =	vst v1  }
0x16d: {  	v1 =	vadd.f32 v24, v17;
	v24 =	vmul.f32 v44, v30;
	[tilespmem:s23+$0x400] =	vst v0;
	v26 =	vmul.f32 v26, v27;
	v0 =	vld [tilespmem:$0x7D00]  }
0x16e: {  	v15 =	vadd.f32 v15, v20;
	v27 =	vmul.f32 v28, v31;
	v28 =	vld [tilespmem:$0x7C90]  }
0x16f: {  	[tilespmem:s22+$0x460] =	vst v1;
	v1 =	vadd.f32 v24, v9;
	v24 =	vadd.f32 v26, v54  }
0x170: {  	v26 =	vmul.f32 v46, v53;
	[tilespmem:s0+$0x410] =	vst v15;
	v15 =	vld [tilespmem:$0x7CF0];
	v27 =	vadd.f32 v27, v8  }
0x171: {  	v29 =	vld [tilespmem:$0x7CA0];
	v1 =	vmul.f32 v1, v44;
	[tilespmem:s19+$0x840] =	vst v24  }
0x172: {  	v24 =	vadd.f32 v26, v52;
	[tilespmem:s20+$0x30] =	vst v27;
	v27 =	vld [tilespmem:$0x7D50];
	v26 =	vmul.f32 v0, v12  }
0x173: {  	v1 =	vadd.f32 v1, v10;
	v31 =	vld [tilespmem:$0x7C40];
	v47 =	vmul.f32 v28, v50  }
0x174: {  	v24 =	vmul.f32 v24, v46;
	v26 =	vadd.f32 v26, v13  }
0x175: {  	v48 =	vmul.f32 v15, v14;
	[tilespmem:s3+$0x30] =	vst v1;
	v1 =	vadd.f32 v47, v49  }
0x176: {  	v24 =	vadd.f32 v24, v51;
	v55 =	vmul.f32 v29, v22;
	v56 =	vld [tilespmem:$0x7C40];
	v0 =	vmul.f32 v26, v0  }
0x177: {  	v26 =	vadd.f32 v48, v16;
	v1 =	vmul.f32 v1, v28;
	v28 =	vmul.f32 v27, v5  }
0x178: {  	[tilespmem:s18+$0x860] =	vst v24;
	v24 =	vadd.f32 v55, v18;
	v57 =	vmul.f32 v31, v25;
	v0 =	vadd.f32 v0, v11  }
0x179: {  	v58 =	vld [tilespmem:$0x7D70];
	v15 =	vmul.f32 v26, v15;
	v1 =	vadd.f32 v1, v23;
	v26 =	vadd.f32 v28, v6  }
0x17a: {  	v24 =	vmul.f32 v24, v29;
	v28 =	vadd.f32 v57, v7;
	[tilespmem:s21+$0x800] =	vst v0  }
0x17b: {  	v0 =	vadd.f32 v15, v17;
	v15 =	vmul.f32 v56, v30;
	[tilespmem:s23+$0x410] =	vst v1;
	v26 =	vmul.f32 v26, v27;
	v1 =	vld [tilespmem:$0x7D10]  }
0x17c: {  	v24 =	vadd.f32 v24, v20;
	v27 =	vmul.f32 v28, v31;
	v28 =	vld [tilespmem:$0x7CA0]  }
0x17d: {  	[tilespmem:s22+$0x470] =	vst v0;
	v0 =	vadd.f32 v15, v9;
	v15 =	vadd.f32 v26, v54  }
0x17e: {  	v26 =	vmul.f32 v58, v53;
	[tilespmem:s0+$0x420] =	vst v24;
	v24 =	vld [tilespmem:$0x7D00];
	v27 =	vadd.f32 v27, v8  }
0x17f: {  	v29 =	vld [tilespmem:$0x7CB0];
	v0 =	vmul.f32 v0, v56;
	[tilespmem:s19+$0x850] =	vst v15  }
0x180: {  	v15 =	vadd.f32 v26, v52;
	[tilespmem:s20+$0x40] =	vst v27;
	v27 =	vld [tilespmem:$0x7D60];
	v26 =	vmul.f32 v1, v12  }
0x181: {  	v0 =	vadd.f32 v0, v10;
	v31 =	vld [tilespmem:$0x7C50];
	v59 =	vmul.f32 v28, v50  }
0x182: {  	v15 =	vmul.f32 v15, v58;
	v26 =	vadd.f32 v26, v13  }
0x183: {  	v60 =	vmul.f32 v24, v14;
	[tilespmem:s3+$0x40] =	vst v0;
	v0 =	vadd.f32 v59, v49  }
0x184: {  	v15 =	vadd.f32 v15, v51;
	v61 =	vmul.f32 v29, v22;
	v62 =	vld [tilespmem:$0x7C50];
	v1 =	vmul.f32 v26, v1  }
0x185: {  	v26 =	vadd.f32 v60, v16;
	v0 =	vmul.f32 v0, v28;
	v28 =	vmul.f32 v27, v5  }
0x186: {  	[tilespmem:s18+$0x870] =	vst v15;
	v15 =	vadd.f32 v61, v18;
	v63 =	vmul.f32 v31, v25;
	v1 =	vadd.f32 v1, v11  }
0x187: {  	v24 =	vmul.f32 v26, v24;
	v0 =	vadd.f32 v0, v23;
	v26 =	vadd.f32 v28, v6  }
0x188: {  	v15 =	vmul.f32 v15, v29;
	v28 =	vadd.f32 v63, v7;
	[tilespmem:s21+$0x810] =	vst v1  }
0x189: {  	v35 =	vld [tilespmem:$0x7D80];
	v1 =	vadd.f32 v24, v17;
	v24 =	vmul.f32 v62, v30;
	[tilespmem:s23+$0x420] =	vst v0;
	v0 =	vmul.f32 v26, v27  }
0x18a: {  	v15 =	vadd.f32 v15, v20;
	v38 =	vld [tilespmem:$0x7D20];
	v26 =	vmul.f32 v28, v31  }
0x18b: {  	v29 =	vld [tilespmem:$0x7CB0];
	[tilespmem:s22+$0x800] =	vst v1;
	v1 =	vadd.f32 v24, v9;
	v24 =	vadd.f32 v0, v54  }
0x18c: {  	[tilespmem:s0+$0x430] =	vst v15;
	v0 =	vld [tilespmem:$0x7D10];
	v15 =	vadd.f32 v26, v8  }
0x18d: {  	p6 =	por $0x1, $0x1;
	v27 =	vld [tilespmem:$0x7CC0];
	[tilespmem:s19+$0x860] =	vst v24  }
.Ltmp6:
0x18e: {  	v28 =	vmul.f32 v35, v53;
	[tilespmem:s20+$0x50] =	vst v15;
	v63 =	vld [tilespmem:$0x7D70];
	(pc) =	sbr.rel @!p6 .LBB2_11-.Ltmp6, $4  }
0x18f: {  	v33 =	vld [tilespmem:$0x7C60];
	[tilespmem:$0x1FFA0] =	vst v53  }
0x190: {  	v1 =	vmul.f32 v1, v62;
	v24 =	vadd.f32 v28, v52;
	[tilespmem:$0x1FFB0] =	vst v51  }
0x191: {  	v39 =	vmul.f32 v38, v12;
	[tilespmem:$0x1FFC0] =	vst v52  }
0x192: {  	p3 =	por $0x1, $0x1;
	v26 =	vadd.f32 v1, v10;
	v37 =	vmul.f32 v29, v50;
	v61 =	vmul.f32 v24, v35;
	[tilespmem:$0x1FFD0] =	vst v54  }
0x193: {  	v1 =	vadd.f32 v39, v13  }
0x194: {  	v24 =	vld [tilespmem:$0x7C00];
	s1 =	simm.s32 $0x71B0;
	v28 =	vmul.f32 v27, v22;
	v31 =	vadd.f32 v61, v51  }
0x195: {  	v15 =	vld [tilespmem:s1+$0x20];
	v1 =	vmul.f32 v1, v38  }
0x196: {  	v43 =	vld [tilespmem:s1+$0x10];
	v28 =	vadd.f32 v28, v18;
	[tilespmem:s18+$0xC00] =	vst v31  }
0x197: {  	v31 =	vmul.f32 v33, v25;
	v1 =	vadd.f32 v1, v11;
	v32 =	vld [tilespmem:$0x7D90]  }
0x198: {  	v34 =	vadd.f32 v37, v49;
	v42 =	vld [tilespmem:s1+$0xFFFFFFF0];
	v27 =	vmul.f32 v28, v27  }
0x199: {  	v46 =	vld [tilespmem:s1+$0xFFFFFFE0];
	v28 =	vmul.f32 v0, v14;
	v31 =	vadd.f32 v31, v7;
	[tilespmem:s21+$0x820] =	vst v1  }
0x19a: {  	v1 =	vmul.f32 v34, v29;
	v29 =	vmul.f32 v15, v24;
	v27 =	vadd.f32 v27, v20;
	v62 =	vld [tilespmem:$0x7D30]  }
0x19b: {  	v47 =	vld [tilespmem:s1+$0x0];
	v28 =	vadd.f32 v28, v16;
	v31 =	vmul.f32 v31, v33  }
0x19c: {  	v48 =	vld [tilespmem:s1+$0xFFFFFFD0];
	v1 =	vadd.f32 v1, v23;
	v29 =	vadd.f32 v29, v43;
	[tilespmem:s0+$0x440] =	vst v27;
	v27 =	vmul.f32 v32, v53  }
0x19d: {  	[tilespmem:s3+$0x50] =	vst v26;
	v26 =	vmul.f32 v24, v42;
	v0 =	vmul.f32 v28, v0;
	v28 =	vadd.f32 v31, v8;
	v31 =	vld [tilespmem:$0x7CD0]  }
0x19e: {  	v39 =	vmul.f32 v63, v5;
	s30 =	simm.s32 $0x1000;
	[tilespmem:s23+$0x430] =	vst v1;
	v1 =	vmul.f32 v29, v24;
	v29 =	vld [tilespmem:$0x7C60];
	v27 =	vadd.f32 v27, v52  }
0x19f: {  	s2 =	simm.s32 $0x480;
	s1 =	sand.u32 $0x7000, s30;
	v26 =	vadd.f32 v26, v46;
	v0 =	vadd.f32 v0, v17;
	[tilespmem:s20+$0x60] =	vst v28;
	v28 =	vld [tilespmem:$0x7CC0];
	v35 =	vmul.f32 v62, v12  }
0x1a0: {  	s2 =	sand.u32 $0x380, s2;
	s1 =	sadd.s32 $0x7E00, s1;
	v33 =	vadd.f32 v39, v6;
	v1 =	vadd.f32 v1, v47;
	v36 =	vld [tilespmem:$0x7C70];
	v27 =	vmul.f32 v27, v32  }
0x1a1: {  	s2 =	sadd.s32 s2, s1;
	[tilespmem:s22+$0x810] =	vst v0;
	v0 =	vmul.f32 v26, v24;
	v24 =	vadd.f32 v35, v13  }
0x1a2: {  	s4 =	simm.s32 $0x400;
	v26 =	vmul.f32 v33, v63;
	v40 =	vld [tilespmem:$0x7D20];
	[tilespmem:s2+$0x0] =	vst v1;
	v1 =	vmul.f32 v31, v22;
	v27 =	vadd.f32 v27, v51  }
0x1a3: {  	s4 =	sand.u32 $0x300, s4;
	v0 =	vadd.f32 v0, v48;
	v41 =	vld [tilespmem:$0x7C10];
	v44 =	vmul.f32 v29, v30;
	v24 =	vmul.f32 v24, v62  }
0x1a4: {  	s5 =	sadd.s32 s4, s1;
	v26 =	vadd.f32 v26, v54;
	v45 =	vmul.f32 v28, v50;
	v1 =	vadd.f32 v1, v18;
	[tilespmem:s18+$0xC10] =	vst v27  }
0x1a5: {  	[tilespmem:s5+$0x0] =	vst v0;
	v0 =	vadd.f32 v44, v9;
	v27 =	vmul.f32 v36, v25;
	v24 =	vadd.f32 v24, v11;
	v55 =	vld [tilespmem:$0x7DA0]  }
0x1a6: {  	[tilespmem:s19+$0x870] =	vst v26;
	v26 =	vld [tilespmem:$0x7C10];
	v34 =	vadd.f32 v45, v49;
	v1 =	vmul.f32 v1, v31  }
0x1a7: {  	v31 =	vld [tilespmem:$0x7D80];
	v56 =	vmul.f32 v40, v14;
	v0 =	vmul.f32 v0, v29;
	v27 =	vadd.f32 v27, v7;
	[tilespmem:s21+$0x830] =	vst v24  }
0x1a8: {  	v24 =	vmul.f32 v41, v15;
	v28 =	vmul.f32 v34, v28;
	v1 =	vadd.f32 v1, v20;
	v29 =	vld [tilespmem:$0x7D40]  }
0x1a9: {  	v57 =	vadd.f32 v56, v16;
	v0 =	vadd.f32 v0, v10;
	v27 =	vmul.f32 v27, v36  }
0x1aa: {  	v24 =	vadd.f32 v24, v43;
	v28 =	vadd.f32 v28, v23;
	[tilespmem:s0+$0x450] =	vst v1;
	v1 =	vmul.f32 v55, v53  }
0x1ab: {  	v58 =	vmul.f32 v26, v42;
	v32 =	vmul.f32 v57, v40;
	[tilespmem:s3+$0x60] =	vst v0;
	v0 =	vadd.f32 v27, v8;
	v27 =	vld [tilespmem:$0x7CE0]  }
0x1ac: {  	v59 =	vmul.f32 v31, v5;
	v24 =	vmul.f32 v24, v41;
	v60 =	vld [tilespmem:$0x7C70];
	[tilespmem:s23+$0x440] =	vst v28;
	v1 =	vadd.f32 v1, v52  }
0x1ad: {  	v28 =	vadd.f32 v58, v46;
	v32 =	vadd.f32 v32, v17;
	[tilespmem:s20+$0x70] =	vst v0;
	v0 =	vld [tilespmem:$0x7CD0];
	v62 =	vmul.f32 v29, v12  }
0x1ae: {  	v34 =	vadd.f32 v59, v6;
	v24 =	vadd.f32 v24, v47;
	v40 =	vld [tilespmem:$0x7C80];
	v1 =	vmul.f32 v1, v55  }
0x1af: {  	v26 =	vmul.f32 v28, v26;
	[tilespmem:s22+$0x820] =	vst v32;
	v28 =	vadd.f32 v62, v13  }
0x1b0: {  	v31 =	vmul.f32 v34, v31;
	v32 =	vld [tilespmem:$0x7D30];
	[tilespmem:s2+$0x10] =	vst v24;
	v24 =	vmul.f32 v27, v22;
	v1 =	vadd.f32 v1, v51  }
0x1b1: {  	v26 =	vadd.f32 v26, v48;
	v41 =	vld [tilespmem:$0x7C20];
	v44 =	vmul.f32 v60, v30;
	v28 =	vmul.f32 v28, v29  }
0x1b2: {  	v29 =	vadd.f32 v31, v54;
	v31 =	vmul.f32 v0, v50;
	v24 =	vadd.f32 v24, v18;
	[tilespmem:s18+$0xC20] =	vst v1  }
0x1b3: {  	[tilespmem:s5+$0x10] =	vst v26;
	v1 =	vadd.f32 v44, v9;
	v26 =	vmul.f32 v40, v25;
	v45 =	vld [tilespmem:$0x7DB0]  }
0x1b4: {  	v55 =	vld [tilespmem:$0x7C20];
	v28 =	vadd.f32 v28, v11;
	v31 =	vadd.f32 v31, v49;
	v24 =	vmul.f32 v24, v27  }
0x1b5: {  	[tilespmem:s19+$0xC00] =	vst v29;
	v27 =	vmul.f32 v32, v14;
	v1 =	vmul.f32 v1, v60;
	v26 =	vadd.f32 v26, v7  }
0x1b6: {  	[tilespmem:s21+$0x840] =	vst v28;
	v28 =	vld [tilespmem:$0x7D90];
	v29 =	vmul.f32 v41, v15;
	v0 =	vmul.f32 v31, v0;
	v24 =	vadd.f32 v24, v20  }
0x1b7: {  	v27 =	vadd.f32 v27, v16;
	v31 =	vld [tilespmem:$0x7D50];
	v1 =	vadd.f32 v1, v10;
	v26 =	vmul.f32 v26, v40  }
0x1b8: {  	v29 =	vadd.f32 v29, v43;
	v0 =	vadd.f32 v0, v23;
	[tilespmem:s0+$0x460] =	vst v24;
	v24 =	vmul.f32 v45, v53  }
0x1b9: {  	v56 =	vmul.f32 v55, v42;
	v27 =	vmul.f32 v27, v32;
	[tilespmem:s3+$0x70] =	vst v1;
	v1 =	vadd.f32 v26, v8;
	v26 =	vld [tilespmem:$0x7CF0]  }
0x1ba: {  	v29 =	vmul.f32 v29, v41;
	v57 =	vld [tilespmem:$0x7C80];
	[tilespmem:s23+$0x450] =	vst v0;
	v24 =	vadd.f32 v24, v52  }
0x1bb: {  	v33 =	vadd.f32 v56, v46;
	v27 =	vadd.f32 v27, v17;
	v0 =	vmul.f32 v28, v5;
	[tilespmem:s20+$0x400] =	vst v1;
	v1 =	vld [tilespmem:$0x7CE0]  }
0x1bc: {  	v58 =	vmul.f32 v31, v12;
	v29 =	vadd.f32 v29, v47;
	v59 =	vld [tilespmem:$0x7C90];
	v24 =	vmul.f32 v24, v45  }
0x1bd: {  	v33 =	vmul.f32 v33, v55;
	[tilespmem:s22+$0x830] =	vst v27;
	v0 =	vadd.f32 v0, v6  }
0x1be: {  	v60 =	vld [tilespmem:$0x7D40];
	v27 =	vadd.f32 v58, v13;
	[tilespmem:s2+$0x20] =	vst v29;
	v29 =	vmul.f32 v26, v22;
	v24 =	vadd.f32 v24, v51  }
0x1bf: {  	v0 =	vmul.f32 v0, v28;
	v28 =	vadd.f32 v33, v48;
	v62 =	vld [tilespmem:$0x7C30];
	v39 =	vmul.f32 v57, v30  }
0x1c0: {  	v27 =	vmul.f32 v27, v31;
	v31 =	vmul.f32 v1, v50;
	v29 =	vadd.f32 v29, v18;
	[tilespmem:s18+$0xC30] =	vst v24  }
0x1c1: {  	v0 =	vadd.f32 v0, v54;
	[tilespmem:s5+$0x20] =	vst v28;
	v24 =	vadd.f32 v39, v9;
	v28 =	vmul.f32 v59, v25;
	v40 =	vld [tilespmem:$0x7DC0]  }
0x1c2: {  	v27 =	vadd.f32 v27, v11;
	v41 =	vld [tilespmem:$0x7C30];
	v31 =	vadd.f32 v31, v49;
	v26 =	vmul.f32 v29, v26  }
0x1c3: {  	[tilespmem:s19+$0xC10] =	vst v0;
	v0 =	vmul.f32 v24, v57;
	v24 =	vadd.f32 v28, v7;
	v28 =	vmul.f32 v60, v14  }
0x1c4: {  	[tilespmem:s21+$0x850] =	vst v27;
	v27 =	vld [tilespmem:$0x7DA0];
	v29 =	vmul.f32 v62, v15;
	v1 =	vmul.f32 v31, v1;
	v26 =	vadd.f32 v26, v20  }
0x1c5: {  	v31 =	vld [tilespmem:$0x7D60];
	v0 =	vadd.f32 v0, v10;
	v24 =	vmul.f32 v24, v59;
	v28 =	vadd.f32 v28, v16  }
0x1c6: {  	v29 =	vadd.f32 v29, v43;
	v1 =	vadd.f32 v1, v23;
	[tilespmem:s0+$0x470] =	vst v26;
	v26 =	vmul.f32 v40, v53  }
0x1c7: {  	v44 =	vmul.f32 v41, v42;
	[tilespmem:s3+$0x400] =	vst v0;
	v0 =	vadd.f32 v24, v8;
	v24 =	vld [tilespmem:$0x7D00];
	v28 =	vmul.f32 v28, v60  }
0x1c8: {  	v29 =	vmul.f32 v29, v62;
	v45 =	vld [tilespmem:$0x7C90];
	[tilespmem:s23+$0x460] =	vst v1;
	v26 =	vadd.f32 v26, v52  }
0x1c9: {  	v1 =	vmul.f32 v27, v5;
	v32 =	vadd.f32 v44, v46;
	[tilespmem:s20+$0x410] =	vst v0;
	v0 =	vld [tilespmem:$0x7CF0];
	v28 =	vadd.f32 v28, v17  }
0x1ca: {  	v55 =	vmul.f32 v31, v12;
	v29 =	vadd.f32 v29, v47;
	v56 =	vld [tilespmem:$0x7CA0];
	v26 =	vmul.f32 v26, v40  }
0x1cb: {  	v1 =	vadd.f32 v1, v6;
	v32 =	vmul.f32 v32, v41;
	[tilespmem:s22+$0x840] =	vst v28  }
0x1cc: {  	v28 =	vadd.f32 v55, v13;
	[tilespmem:s2+$0x30] =	vst v29;
	v29 =	vmul.f32 v24, v22;
	v57 =	vld [tilespmem:$0x7D50];
	v26 =	vadd.f32 v26, v51  }
0x1cd: {  	v1 =	vmul.f32 v1, v27;
	v27 =	vadd.f32 v32, v48;
	v58 =	vld [tilespmem:$0x7C40];
	v59 =	vmul.f32 v45, v30  }
0x1ce: {  	v28 =	vmul.f32 v28, v31;
	v31 =	vmul.f32 v0, v50;
	v29 =	vadd.f32 v29, v18;
	[tilespmem:s18+$0xC40] =	vst v26  }
0x1cf: {  	v1 =	vadd.f32 v1, v54;
	[tilespmem:s5+$0x30] =	vst v27;
	v26 =	vadd.f32 v59, v9;
	v27 =	vmul.f32 v56, v25;
	v60 =	vld [tilespmem:$0x7DD0]  }
0x1d0: {  	v28 =	vadd.f32 v28, v11;
	v62 =	vld [tilespmem:$0x7C40];
	v31 =	vadd.f32 v31, v49;
	v24 =	vmul.f32 v29, v24  }
0x1d1: {  	[tilespmem:s19+$0xC20] =	vst v1;
	v1 =	vmul.f32 v26, v45;
	v26 =	vadd.f32 v27, v7;
	v27 =	vmul.f32 v57, v14  }
0x1d2: {  	[tilespmem:s21+$0x860] =	vst v28;
	v28 =	vld [tilespmem:$0x7DB0];
	v29 =	vmul.f32 v58, v15;
	v0 =	vmul.f32 v31, v0;
	v24 =	vadd.f32 v24, v20  }
0x1d3: {  	v31 =	vld [tilespmem:$0x7D70];
	v1 =	vadd.f32 v1, v10;
	v26 =	vmul.f32 v26, v56;
	v27 =	vadd.f32 v27, v16  }
0x1d4: {  	v29 =	vadd.f32 v29, v43;
	v0 =	vadd.f32 v0, v23;
	[tilespmem:s0+$0x800] =	vst v24;
	v24 =	vmul.f32 v60, v53  }
0x1d5: {  	v39 =	vmul.f32 v62, v42;
	[tilespmem:s3+$0x410] =	vst v1;
	v1 =	vadd.f32 v26, v8;
	v26 =	vld [tilespmem:$0x7D10];
	v27 =	vmul.f32 v27, v57  }
0x1d6: {  	v29 =	vmul.f32 v29, v58;
	v40 =	vld [tilespmem:$0x7CA0];
	[tilespmem:s23+$0x470] =	vst v0;
	v24 =	vadd.f32 v24, v52  }
0x1d7: {  	v0 =	vmul.f32 v28, v5;
	v33 =	vadd.f32 v39, v46;
	[tilespmem:s20+$0x420] =	vst v1;
	v1 =	vld [tilespmem:$0x7D00];
	v27 =	vadd.f32 v27, v17  }
0x1d8: {  	v41 =	vmul.f32 v31, v12;
	v29 =	vadd.f32 v29, v47;
	v44 =	vld [tilespmem:$0x7CB0];
	v24 =	vmul.f32 v24, v60  }
0x1d9: {  	v0 =	vadd.f32 v0, v6;
	v33 =	vmul.f32 v33, v62;
	[tilespmem:s22+$0x850] =	vst v27  }
0x1da: {  	v27 =	vadd.f32 v41, v13;
	[tilespmem:s2+$0x40] =	vst v29;
	v29 =	vmul.f32 v26, v22;
	v45 =	vld [tilespmem:$0x7D60];
	v24 =	vadd.f32 v24, v51  }
0x1db: {  	v0 =	vmul.f32 v0, v28;
	v28 =	vadd.f32 v33, v48;
	v55 =	vld [tilespmem:$0x7C50];
	v56 =	vmul.f32 v40, v30  }
0x1dc: {  	v27 =	vmul.f32 v27, v31;
	v31 =	vmul.f32 v1, v50;
	v29 =	vadd.f32 v29, v18;
	[tilespmem:s18+$0xC50] =	vst v24  }
0x1dd: {  	v0 =	vadd.f32 v0, v54;
	[tilespmem:s5+$0x40] =	vst v28;
	v24 =	vadd.f32 v56, v9;
	v28 =	vmul.f32 v44, v25  }
0x1de: {  	v27 =	vadd.f32 v27, v11;
	v31 =	vadd.f32 v31, v49;
	v26 =	vmul.f32 v29, v26  }
0x1df: {  	[tilespmem:s19+$0xC30] =	vst v0;
	v0 =	vmul.f32 v24, v40;
	v24 =	vadd.f32 v28, v7;
	v28 =	vmul.f32 v45, v14  }
0x1e0: {  	v57 =	vld [tilespmem:$0x7DE0];
	[tilespmem:s21+$0x870] =	vst v27;
	v27 =	vmul.f32 v55, v15;
	v1 =	vmul.f32 v31, v1;
	v26 =	vadd.f32 v26, v20  }
0x1e1: {  	v58 =	vld [tilespmem:$0x7C50];
	v0 =	vadd.f32 v0, v10;
	v24 =	vmul.f32 v24, v44;
	v28 =	vadd.f32 v28, v16  }
0x1e2: {  	v59 =	vld [tilespmem:$0x7DC0];
	v27 =	vadd.f32 v27, v43;
	[tilespmem:s0+$0x810] =	vst v26  }
0x1e3: {  	v31 =	vld [tilespmem:$0x7D80];
	v1 =	vadd.f32 v1, v23;
	[tilespmem:s3+$0x420] =	vst v0;
	v0 =	vadd.f32 v24, v8;
	v24 =	vmul.f32 v28, v45  }
0x1e4: {  	v38 =	vld [tilespmem:$0x7D20];
	v27 =	vmul.f32 v27, v55  }
0x1e5: {  	v29 =	vld [tilespmem:$0x7CB0];
	[tilespmem:s23+$0x800] =	vst v1;
	v24 =	vadd.f32 v24, v17  }
0x1e6: {  	[tilespmem:s20+$0x430] =	vst v0;
	v3 =	vld [tilespmem:$0x7D10];
	v0 =	vadd.f32 v27, v47  }
0x1e7: {  	v27 =	vld [tilespmem:$0x7CC0];
	[tilespmem:s22+$0x860] =	vst v24  }
0x1e8: {  	v60 =	vmul.f32 v58, v42;
	v28 =	vmul.f32 v59, v5;
	[tilespmem:s2+$0x50] =	vst v0;
	v2 =	vld [tilespmem:$0x7D70]  }
0x1e9: {  	v26 =	vmul.f32 v57, v53;
	v62 =	vmul.f32 v31, v12;
	v33 =	vld [tilespmem:$0x7C60];
	[tilespmem:$0x1FF20] =	vst v50  }
0x1ea: {  	v1 =	vadd.f32 v60, v46;
	v28 =	vadd.f32 v28, v6;
	v39 =	vmul.f32 v38, v22;
	[tilespmem:$0x1FF30] =	vst v49  }
0x1eb: {  	p6 =	por $0x1, $0x1;
	v24 =	vadd.f32 v62, v13;
	[tilespmem:$0x1FF80] =	vst v38  }
.Ltmp7:
0x1ec: {  	v26 =	vadd.f32 v26, v52;
	v1 =	vmul.f32 v1, v58;
	v58 =	vmul.f32 v28, v59;
	[tilespmem:$0x1FF70] =	vst v39;
	(pc) =	sbr.rel @!p6 .LBB2_13-.Ltmp7, $4  }
0x1ed: {  	v32 =	vmul.f32 v24, v31;
	[tilespmem:$0x1FF90] =	vst v3  }
0x1ee: {  	v26 =	vmul.f32 v26, v57;
	[tilespmem:$0x1FF40] =	vst v58  }
0x1ef: {  	[tilespmem:$0x1FF50] =	vst v32  }
0x1f0: {  	p4 =	por $0x1, $0x1;
	v62 =	vadd.f32 v26, v51;
	v26 =	vadd.f32 v1, v48;
	v37 =	vmul.f32 v29, v30;
	[tilespmem:$0x1FF60] =	vst v2  }
0x1f1: {  	[tilespmem:$0x1FEF0] =	vst v63  }
0x1f2: {  	[tilespmem:$0x1FF00] =	vst v61  }
0x1f3: {  	v1 =	vadd.f32 v39, v18;
	s6 =	simm.s32 $0x7210;
	v0 =	vld [tilespmem:$0x7C00];
	[tilespmem:$0x1FF10] =	vst v62  }
0x1f4: {  	v24 =	vmul.f32 v27, v25;
	v28 =	vadd.f32 v32, v11;
	v60 =	vld [tilespmem:s6+$0x20]  }
0x1f5: {  	v34 =	vmul.f32 v33, v15;
	v1 =	vmul.f32 v1, v38;
	v59 =	vld [tilespmem:s6+$0x10]  }
0x1f6: {  	v56 =	vmul.f32 v2, v14;
	v55 =	vadd.f32 v24, v7;
	[tilespmem:s21+$0xC00] =	vst v28;
	v24 =	vld [tilespmem:s6+$0xFFFFFFF0]  }
0x1f7: {  	v28 =	vmul.f32 v3, v50;
	v34 =	vadd.f32 v34, v43;
	v35 =	vld [tilespmem:$0x7D90];
	v1 =	vadd.f32 v1, v20  }
0x1f8: {  	v36 =	vadd.f32 v37, v9;
	[tilespmem:s18+$0xC60] =	vst v62;
	v61 =	vld [tilespmem:s6+$0xFFFFFFE0];
	v27 =	vmul.f32 v55, v27  }
0x1f9: {  	v32 =	vadd.f32 v56, v16;
	v31 =	vld [tilespmem:$0x7DF0];
	v28 =	vadd.f32 v28, v49;
	v39 =	vmul.f32 v34, v33;
	[tilespmem:s0+$0x820] =	vst v1  }
0x1fa: {  	v1 =	vmul.f32 v36, v29;
	v27 =	vadd.f32 v27, v8;
	v29 =	vmul.f32 v60, v0;
	v57 =	vld [tilespmem:$0x7D30]  }
0x1fb: {  	v62 =	vld [tilespmem:s6+$0x0];
	[tilespmem:s5+$0x50] =	vst v26;
	v26 =	vmul.f32 v32, v2;
	v28 =	vmul.f32 v28, v3  }
0x1fc: {  	v63 =	vld [tilespmem:s6+$0xFFFFFFD0];
	v1 =	vadd.f32 v1, v10;
	[tilespmem:s20+$0x440] =	vst v27;
	v27 =	vmul.f32 v35, v12;
	v29 =	vadd.f32 v29, v59  }
0x1fd: {  	v33 =	vadd.f32 v39, v47;
	v26 =	vadd.f32 v26, v17;
	v40 =	vmul.f32 v0, v24;
	v34 =	vld [tilespmem:$0x7CD0]  }
0x1fe: {  	s12 =	simm.s32 $0x1400;
	v28 =	vadd.f32 v28, v23;
	[tilespmem:s3+$0x430] =	vst v1;
	v27 =	vadd.f32 v27, v13;
	v1 =	vmul.f32 v29, v0;
	v29 =	vld [tilespmem:$0x7C60]  }
0x1ff: {  	s4 =	simm.s32 $0x580;
	s1 =	sand.u32 $0x7000, s12;
	[tilespmem:s2+$0x60] =	vst v33;
	v44 =	vmul.f32 v31, v53;
	v32 =	vadd.f32 v40, v61;
	v33 =	vld [tilespmem:$0x7CC0];
	v41 =	vmul.f32 v57, v22  }
0x200: {  	s4 =	sand.u32 $0x380, s4;
	s1 =	sadd.s32 $0x7E00, s1;
	[tilespmem:s23+$0x810] =	vst v28;
	v28 =	vld [tilespmem:$0x7C70];
	v27 =	vmul.f32 v27, v35;
	v1 =	vadd.f32 v1, v62  }
0x201: {  	s11 =	sadd.s32 s4, s1;
	[tilespmem:s22+$0x870] =	vst v26;
	v52 =	vadd.f32 v44, v52;
	v0 =	vmul.f32 v32, v0;
	v26 =	vld [tilespmem:$0x7D20];
	v45 =	vadd.f32 v41, v18  }
0x202: {  	s13 =	simm.s32 $0x500;
	v38 =	vld [tilespmem:$0x7D80];
	v35 =	vadd.f32 v58, v54;
	v27 =	vadd.f32 v27, v11;
	[tilespmem:s11+$0x0] =	vst v1;
	v1 =	vmul.f32 v34, v25  }
0x203: {  	s30 =	sand.u32 $0x300, s13;
	v0 =	vadd.f32 v0, v63;
	v53 =	vld [tilespmem:$0x7C10];
	v40 =	vmul.f32 v29, v42;
	v32 =	vmul.f32 v45, v57  }
0x204: {  	s1 =	sadd.s32 s30, s1;
	v31 =	vmul.f32 v52, v31;
	v55 =	vmul.f32 v33, v30;
	[tilespmem:s21+$0xC10] =	vst v27;
	v1 =	vadd.f32 v1, v7  }
0x205: {  	[tilespmem:s1+$0x0] =	vst v0;
	v27 =	vmul.f32 v28, v15;
	v56 =	vld [tilespmem:$0x7DA0];
	v0 =	vadd.f32 v40, v46;
	v32 =	vadd.f32 v32, v20  }
0x206: {  	v57 =	vld [tilespmem:$0x7C10];
	v58 =	vmul.f32 v26, v50;
	v36 =	vadd.f32 v55, v9;
	v1 =	vmul.f32 v1, v34  }
0x207: {  	v27 =	vadd.f32 v27, v43;
	v0 =	vmul.f32 v0, v29;
	[tilespmem:s0+$0x830] =	vst v32;
	v29 =	vmul.f32 v38, v14  }
0x208: {  	v33 =	vmul.f32 v36, v33;
	v41 =	vmul.f32 v53, v60;
	v1 =	vadd.f32 v1, v8;
	v44 =	vld [tilespmem:$0x7D40]  }
0x209: {  	[tilespmem:s19+$0xC40] =	vst v35;
	v27 =	vmul.f32 v27, v28;
	v28 =	vadd.f32 v58, v49;
	v0 =	vadd.f32 v0, v48  }
0x20a: {  	v34 =	vld [tilespmem:$0x7DD0];
	v33 =	vadd.f32 v33, v10;
	v32 =	vadd.f32 v41, v59;
	[tilespmem:s20+$0x450] =	vst v1;
	v1 =	vmul.f32 v56, v12  }
0x20b: {  	v45 =	vmul.f32 v57, v24;
	v26 =	vmul.f32 v28, v26;
	[tilespmem:s5+$0x60] =	vst v0;
	v0 =	vadd.f32 v27, v47;
	v27 =	vld [tilespmem:$0x7CE0]  }
0x20c: {  	v29 =	vadd.f32 v29, v16;
	[tilespmem:s3+$0x440] =	vst v33;
	v28 =	vmul.f32 v32, v53;
	v32 =	vld [tilespmem:$0x7C70];
	v52 =	vadd.f32 v1, v13  }
0x20d: {  	v35 =	vadd.f32 v45, v61;
	v26 =	vadd.f32 v26, v23;
	[tilespmem:s2+$0x70] =	vst v0;
	v0 =	vld [tilespmem:$0x7CD0];
	v53 =	vmul.f32 v44, v22  }
0x20e: {  	v1 =	vadd.f32 v31, v51;
	v28 =	vadd.f32 v28, v62;
	v31 =	vld [tilespmem:$0x7C80];
	v33 =	vmul.f32 v52, v56  }
0x20f: {  	v29 =	vmul.f32 v29, v38;
	v35 =	vmul.f32 v35, v57;
	[tilespmem:s23+$0x820] =	vst v26;
	v26 =	vadd.f32 v53, v18  }
0x210: {  	v55 =	vmul.f32 v34, v5;
	v51 =	vld [tilespmem:$0x7D30];
	[tilespmem:s11+$0x10] =	vst v28;
	v28 =	vmul.f32 v27, v25;
	v33 =	vadd.f32 v33, v11  }
0x211: {  	v35 =	vadd.f32 v35, v63;
	v52 =	vld [tilespmem:$0x7C20];
	v56 =	vmul.f32 v32, v42;
	v26 =	vmul.f32 v26, v44  }
0x212: {  	v29 =	vadd.f32 v29, v17;
	v57 =	vmul.f32 v0, v30;
	v28 =	vadd.f32 v28, v7;
	[tilespmem:s21+$0xC20] =	vst v33  }
0x213: {  	[tilespmem:s1+$0x10] =	vst v35;
	v58 =	vadd.f32 v56, v46;
	v44 =	vmul.f32 v31, v15;
	v26 =	vadd.f32 v26, v20;
	v45 =	vld [tilespmem:$0x7DB0]  }
0x214: {  	v37 =	vadd.f32 v55, v6;
	[tilespmem:s22+$0xC00] =	vst v29;
	v41 =	vld [tilespmem:$0x7C20];
	v36 =	vadd.f32 v57, v9;
	v27 =	vmul.f32 v28, v27  }
0x215: {  	v53 =	vmul.f32 v51, v50;
	v28 =	vmul.f32 v58, v32;
	v29 =	vadd.f32 v44, v43;
	[tilespmem:s0+$0x840] =	vst v26;
	v26 =	vld [tilespmem:$0x7D90]  }
0x216: {  	v55 =	vmul.f32 v52, v60;
	v0 =	vmul.f32 v36, v0;
	v27 =	vadd.f32 v27, v8;
	v56 =	vld [tilespmem:$0x7D50]  }
0x217: {  	v28 =	vadd.f32 v28, v48;
	v29 =	vmul.f32 v29, v31;
	v31 =	vadd.f32 v53, v49  }
0x218: {  	v57 =	vadd.f32 v55, v59;
	v0 =	vadd.f32 v0, v10;
	[tilespmem:s20+$0x460] =	vst v27;
	v27 =	vmul.f32 v45, v12  }
0x219: {  	v58 =	vmul.f32 v41, v24;
	[tilespmem:s5+$0x70] =	vst v28;
	v28 =	vadd.f32 v29, v47;
	v29 =	vld [tilespmem:$0x7CF0];
	v31 =	vmul.f32 v31, v51  }
0x21a: {  	v32 =	vmul.f32 v57, v52;
	v44 =	vld [tilespmem:$0x7C80];
	[tilespmem:s3+$0x450] =	vst v0;
	v0 =	vmul.f32 v26, v14;
	v27 =	vadd.f32 v27, v13  }
0x21b: {  	v33 =	vadd.f32 v58, v61;
	[tilespmem:s2+$0x400] =	vst v28;
	v28 =	vld [tilespmem:$0x7CE0];
	v31 =	vadd.f32 v31, v23;
	v51 =	vmul.f32 v56, v22  }
0x21c: {  	v32 =	vadd.f32 v32, v62;
	v52 =	vld [tilespmem:$0x7C90];
	v0 =	vadd.f32 v0, v16;
	v27 =	vmul.f32 v27, v45  }
0x21d: {  	v34 =	vmul.f32 v37, v34;
	v33 =	vmul.f32 v33, v41;
	[tilespmem:s23+$0x830] =	vst v31;
	v31 =	vadd.f32 v51, v18  }
0x21e: {  	[tilespmem:s11+$0x20] =	vst v32;
	v45 =	vmul.f32 v29, v25;
	v51 =	vld [tilespmem:$0x7D40];
	v0 =	vmul.f32 v0, v26;
	v26 =	vadd.f32 v27, v11  }
0x21f: {  	v27 =	vadd.f32 v33, v63;
	v53 =	vld [tilespmem:$0x7C30];
	v55 =	vmul.f32 v44, v42;
	v31 =	vmul.f32 v31, v56  }
0x220: {  	v56 =	vmul.f32 v28, v30;
	v32 =	vadd.f32 v45, v7;
	v0 =	vadd.f32 v0, v17;
	[tilespmem:s21+$0xC30] =	vst v26  }
0x221: {  	[tilespmem:s1+$0x20] =	vst v27;
	v26 =	vadd.f32 v55, v46;
	v27 =	vmul.f32 v52, v15;
	v31 =	vadd.f32 v31, v20;
	v57 =	vld [tilespmem:$0x7DC0]  }
0x222: {  	v34 =	vadd.f32 v34, v54;
	v58 =	vld [tilespmem:$0x7C30];
	v35 =	vadd.f32 v56, v9;
	v29 =	vmul.f32 v32, v29;
	[tilespmem:s22+$0xC10] =	vst v0  }
0x223: {  	v0 =	vmul.f32 v26, v44;
	v26 =	vadd.f32 v27, v43;
	v27 =	vmul.f32 v51, v50;
	[tilespmem:s0+$0x850] =	vst v31;
	v31 =	vld [tilespmem:$0x7DA0]  }
0x224: {  	v44 =	vmul.f32 v53, v60;
	v28 =	vmul.f32 v35, v28;
	v29 =	vadd.f32 v29, v8;
	v45 =	vld [tilespmem:$0x7D60]  }
0x225: {  	[tilespmem:s19+$0xC50] =	vst v34;
	v0 =	vadd.f32 v0, v48;
	v26 =	vmul.f32 v26, v52;
	v27 =	vadd.f32 v27, v49  }
0x226: {  	v34 =	vld [tilespmem:$0x7DE0];
	v32 =	vadd.f32 v44, v59;
	v28 =	vadd.f32 v28, v10;
	[tilespmem:s20+$0x470] =	vst v29;
	v29 =	vmul.f32 v57, v12  }
0x227: {  	v52 =	vmul.f32 v58, v24;
	[tilespmem:s5+$0x400] =	vst v0;
	v0 =	vadd.f32 v26, v47;
	v26 =	vld [tilespmem:$0x7D00];
	v27 =	vmul.f32 v27, v51  }
0x228: {  	v32 =	vmul.f32 v32, v53;
	v53 =	vld [tilespmem:$0x7C90];
	[tilespmem:s3+$0x460] =	vst v28;
	v28 =	vmul.f32 v31, v14;
	v29 =	vadd.f32 v29, v13  }
0x229: {  	v36 =	vadd.f32 v52, v61;
	[tilespmem:s2+$0x410] =	vst v0;
	v0 =	vld [tilespmem:$0x7CF0];
	v27 =	vadd.f32 v27, v23;
	v51 =	vmul.f32 v45, v22  }
0x22a: {  	v32 =	vadd.f32 v32, v62;
	v52 =	vld [tilespmem:$0x7CA0];
	v28 =	vadd.f32 v28, v16;
	v29 =	vmul.f32 v29, v57  }
0x22b: {  	v55 =	vmul.f32 v34, v5;
	v36 =	vmul.f32 v36, v58;
	[tilespmem:s23+$0x840] =	vst v27;
	v27 =	vadd.f32 v51, v18  }
0x22c: {  	[tilespmem:s11+$0x30] =	vst v32;
	v56 =	vmul.f32 v26, v25;
	v38 =	vld [tilespmem:$0x7D50];
	v28 =	vmul.f32 v28, v31;
	v29 =	vadd.f32 v29, v11  }
0x22d: {  	v31 =	vadd.f32 v36, v63;
	v57 =	vld [tilespmem:$0x7C40];
	v58 =	vmul.f32 v53, v42;
	v27 =	vmul.f32 v27, v45  }
0x22e: {  	v44 =	vmul.f32 v0, v30;
	v32 =	vadd.f32 v56, v7;
	v28 =	vadd.f32 v28, v17;
	[tilespmem:s21+$0xC40] =	vst v29  }
0x22f: {  	[tilespmem:s1+$0x30] =	vst v31;
	v29 =	vadd.f32 v58, v46;
	v31 =	vmul.f32 v52, v15;
	v27 =	vadd.f32 v27, v20;
	v45 =	vld [tilespmem:$0x7DD0]  }
0x230: {  	v51 =	vld [tilespmem:$0x7C40];
	v35 =	vadd.f32 v44, v9;
	v26 =	vmul.f32 v32, v26;
	[tilespmem:s22+$0xC20] =	vst v28;
	v28 =	vadd.f32 v55, v6  }
0x231: {  	v29 =	vmul.f32 v29, v53;
	v31 =	vadd.f32 v31, v43;
	v53 =	vmul.f32 v38, v50;
	[tilespmem:s0+$0x860] =	vst v27;
	v27 =	vld [tilespmem:$0x7DB0]  }
0x232: {  	v55 =	vmul.f32 v57, v60;
	v0 =	vmul.f32 v35, v0;
	v26 =	vadd.f32 v26, v8;
	v56 =	vld [tilespmem:$0x7D70]  }
0x233: {  	v29 =	vadd.f32 v29, v48;
	v31 =	vmul.f32 v31, v52;
	v32 =	vadd.f32 v53, v49  }
0x234: {  	v33 =	vadd.f32 v55, v59;
	v0 =	vadd.f32 v0, v10;
	[tilespmem:s20+$0x800] =	vst v26;
	v26 =	vmul.f32 v45, v12  }
0x235: {  	v52 =	vmul.f32 v51, v24;
	[tilespmem:s5+$0x410] =	vst v29;
	v29 =	vadd.f32 v31, v47;
	v31 =	vld [tilespmem:$0x7D10];
	v32 =	vmul.f32 v32, v38  }
0x236: {  	v33 =	vmul.f32 v33, v57;
	v53 =	vld [tilespmem:$0x7CA0];
	[tilespmem:s3+$0x470] =	vst v0;
	v0 =	vmul.f32 v27, v14;
	v26 =	vadd.f32 v26, v13  }
0x237: {  	v37 =	vadd.f32 v52, v61;
	[tilespmem:s2+$0x420] =	vst v29;
	v29 =	vld [tilespmem:$0x7D00];
	v32 =	vadd.f32 v32, v23;
	v57 =	vmul.f32 v56, v22  }
0x238: {  	v33 =	vadd.f32 v33, v62;
	v58 =	vld [tilespmem:$0x7CB0];
	v0 =	vadd.f32 v0, v16;
	v26 =	vmul.f32 v26, v45  }
0x239: {  	v28 =	vmul.f32 v28, v34;
	v37 =	vmul.f32 v37, v51;
	[tilespmem:s23+$0x850] =	vst v32;
	v41 =	vadd.f32 v57, v18  }
0x23a: {  	[tilespmem:s11+$0x40] =	vst v33;
	v44 =	vmul.f32 v31, v25;
	v45 =	vld [tilespmem:$0x7D60];
	v0 =	vmul.f32 v0, v27;
	v26 =	vadd.f32 v26, v11  }
0x23b: {  	v27 =	vadd.f32 v37, v63;
	v51 =	vld [tilespmem:$0x7C50];
	v55 =	vmul.f32 v53, v42;
	v32 =	vmul.f32 v41, v56  }
0x23c: {  	v56 =	vmul.f32 v29, v30;
	v33 =	vadd.f32 v44, v7;
	v0 =	vadd.f32 v0, v17;
	[tilespmem:s21+$0xC50] =	vst v26  }
0x23d: {  	[tilespmem:s1+$0x40] =	vst v27;
	v26 =	vadd.f32 v55, v46;
	v27 =	vmul.f32 v58, v15;
	v32 =	vadd.f32 v32, v20;
	v40 =	vld [tilespmem:$0x7DE0]  }
0x23e: {  	v41 =	vld [tilespmem:$0x7C50];
	v35 =	vadd.f32 v56, v9;
	v31 =	vmul.f32 v33, v31;
	[tilespmem:s22+$0xC30] =	vst v0;
	v0 =	vadd.f32 v28, v54  }
0x23f: {  	v26 =	vmul.f32 v26, v53;
	v27 =	vadd.f32 v27, v43;
	v28 =	vmul.f32 v45, v50;
	[tilespmem:s0+$0x870] =	vst v32;
	v32 =	vld [tilespmem:$0x7DC0]  }
0x240: {  	v57 =	vmul.f32 v51, v60;
	v29 =	vmul.f32 v35, v29;
	v31 =	vadd.f32 v31, v8;
	v35 =	vld [tilespmem:$0x7D80]  }
0x241: {  	[tilespmem:s19+$0xC60] =	vst v0;
	v0 =	vadd.f32 v26, v48;
	v26 =	vmul.f32 v27, v58;
	v27 =	vadd.f32 v28, v49  }
0x242: {  	v55 =	vld [tilespmem:$0x7DF0];
	v28 =	vadd.f32 v57, v59;
	v58 =	vadd.f32 v29, v10;
	[tilespmem:s20+$0x810] =	vst v31;
	v31 =	vmul.f32 v40, v12  }
0x243: {  	v44 =	vmul.f32 v41, v24;
	[tilespmem:s5+$0x420] =	vst v0;
	v0 =	vadd.f32 v26, v47;
	v38 =	vld [tilespmem:$0x7D20];
	v26 =	vmul.f32 v27, v45  }
0x244: {  	v27 =	vmul.f32 v28, v51;
	v28 =	vmul.f32 v32, v14;
	v31 =	vadd.f32 v31, v13  }
0x245: {  	v29 =	vld [tilespmem:$0x7CB0];
	v45 =	vadd.f32 v44, v61;
	v26 =	vadd.f32 v26, v23;
	v51 =	vmul.f32 v35, v22  }
0x246: {  	p6 =	por $0x1, $0x1;
	v36 =	vmov v12;
	[tilespmem:s3+$0x800] =	vst v58;
	v52 =	vadd.f32 v27, v62;
	v53 =	vadd.f32 v28, v16  }
.Ltmp8:
0x247: {  	[tilespmem:s2+$0x430] =	vst v0;
	v0 =	vld [tilespmem:$0x7D10];
	v31 =	vmul.f32 v31, v40;
	v33 =	vmul.f32 v45, v41;
	v34 =	vadd.f32 v51, v18;
	(pc) =	sbr.rel @!p6 .LBB2_15-.Ltmp8, $4  }
0x248: {  	v27 =	vld [tilespmem:$0x7CC0];
	v56 =	vmul.f32 v55, v5;
	v41 =	vmovc v13;
	v40 =	vmovc v23;
	v44 =	vmov v16;
	v39 =	vmul.f32 v38, v25  }
0x249: {  	s14 =	simm.s32 $0xA;
	[tilespmem:s23+$0x860] =	vst v26;
	v58 =	vmul.f32 v53, v32;
	v57 =	vadd.f32 v31, v11;
	v26 =	vadd.f32 v33, v63  }
0x24a: {  	p5 =	por $0x1, $0x1;
	s8 =	smov.u32 s22;
	s9 =	smov.u32 s0;
	[tilespmem:s11+$0x50] =	vst v52;
	v28 =	vld [tilespmem:$0x7D70];
	v45 =	vmovc v6;
	v37 =	vmul.f32 v29, v42;
	v32 =	vmul.f32 v34, v35;
	v35 =	vmov v20  }
0x24b: {  	s10 =	smov.u32 s23;
	s7 =	smov.u32 s19;
	s4 =	smov.u32 s21;
	[tilespmem:s18+$0xC70] =	vst v1;
	v33 =	vld [tilespmem:$0x7C60];
	v51 =	vmovc v11;
	v31 =	vmovc v17;
	v53 =	vmov v22;
	v52 =	vmov v18;
	v34 =	vmov v14  }
.LBB2_16:
0x24c: {  	v2 =	vld [tilespmem:$0x7C00];
	v1 =	vmul.f32 v0, v30;
	v39 =	vadd.f32 v39, v7;
	v58 =	vadd.f32 v58, v31;
	[tilespmem:s4+$0xC60] =	vst v57  }
0x24d: {  	s6 =	sadd.s32 $0x60, s6;
	[tilespmem:s1+$0x50] =	vst v26;
	v26 =	vadd.f32 v37, v46;
	v37 =	vmul.f32 v27, v15;
	v32 =	vadd.f32 v32, v35;
	v57 =	vld [tilespmem:$0x7DF0]  }
0x24e: {  	s14 =	sadd.s32 $0x2, s14;
	v3 =	vld [tilespmem:s6+$0x20];
	v4 =	vadd.f32 v1, v9;
	v38 =	vmul.f32 v39, v38;
	[tilespmem:s8+$0xC40] =	vst v58;
	v39 =	vadd.f32 v56, v45  }
0x24f: {  	p6 =	slt.u32 s14, $0x3E;
	v45 =	vld [tilespmem:s6+$0x10];
	v26 =	vmul.f32 v26, v29;
	v29 =	vadd.f32 v37, v43;
	v37 =	vmul.f32 v28, v50;
	[tilespmem:s9+$0xC00] =	vst v32  }
0x250: {  	v32 =	vmul.f32 v33, v60;
	v0 =	vmul.f32 v4, v0;
	v38 =	vadd.f32 v38, v8;
	v56 =	vld [tilespmem:$0x7D90];
	v1 =	vmovc v50  }
0x251: {  	v50 =	vmovc v30;
	v58 =	vld [tilespmem:s6+$0xFFFFFFF0];
	v26 =	vadd.f32 v26, v48;
	v29 =	vmul.f32 v29, v27;
	v37 =	vadd.f32 v37, v49  }
0x252: {  	v27 =	vld [tilespmem:s6+$0xFFFFFFE0];
	v30 =	vadd.f32 v32, v59;
	v32 =	vadd.f32 v0, v10;
	[tilespmem:s20+$0x820] =	vst v38;
	v36 =	vmul.f32 v57, v36  }
0x253: {  	v38 =	vmul.f32 v3, v2;
	[tilespmem:s5+$0x430] =	vst v26;
	v29 =	vadd.f32 v29, v47;
	v19 =	vld [tilespmem:$0x7D30];
	v28 =	vmul.f32 v37, v28  }
0x254: {  	v0 =	vld [tilespmem:s6+$0x0];
	v30 =	vmul.f32 v30, v33;
	[tilespmem:s3+$0x810] =	vst v32;
	v32 =	vadd.f32 v36, v41;
	v33 =	vmul.f32 v39, v55  }
0x255: {  	v26 =	vld [tilespmem:s6+$0xFFFFFFD0];
	v37 =	vadd.f32 v38, v45;
	[tilespmem:s2+$0x440] =	vst v29;
	v28 =	vadd.f32 v28, v40;
	v29 =	vmul.f32 v56, v53  }
0x256: {  	v38 =	vmul.f32 v2, v58;
	v30 =	vadd.f32 v30, v62;
	v39 =	vld [tilespmem:$0x7CD0];
	v32 =	vmul.f32 v32, v57;
	v36 =	vmovc v53  }
0x257: {  	s13 =	sadd.s32 $0x100, s13;
	s12 =	sadd.s32 $0x400, s12;
	v37 =	vmul.f32 v37, v2;
	v55 =	vld [tilespmem:$0x7C60];
	[tilespmem:s10+$0x870] =	vst v28;
	v28 =	vadd.f32 v29, v52;
	v29 =	vadd.f32 v33, v54  }
0x258: {  	s15 =	sand.u32 $0x7000, s12;
	s16 =	sand.u32 $0x300, s13;
	s24 =	sadd.s32 $0x80, s13;
	v33 =	vadd.f32 v38, v27;
	[tilespmem:s11+$0x60] =	vst v30;
	v38 =	vld [tilespmem:$0x7CC0];
	v30 =	vmul.f32 v19, v25;
	v32 =	vadd.f32 v32, v51  }
0x259: {  	s15 =	sadd.s32 $0x7E00, s15;
	s24 =	sand.u32 $0x380, s24;
	v53 =	vmovc v25;
	v25 =	vmov v15;
	v37 =	vadd.f32 v37, v0;
	v51 =	vld [tilespmem:$0x7C70];
	v28 =	vmul.f32 v28, v56;
	[tilespmem:s7+$0xC70] =	vst v29;
	s7 =	smov.u32 s8  }
0x25a: {  	s16 =	sadd.s32 s16, s15;
	s15 =	sadd.s32 s24, s15;
	v15 =	vmovc v60;
	v60 =	vmov v3;
	s8 =	smov.u32 s10;
	v2 =	vmul.f32 v33, v2;
	v29 =	vld [tilespmem:$0x7D20];
	v30 =	vadd.f32 v30, v7;
	[tilespmem:s4+$0xC70] =	vst v32  }
0x25b: {  	v41 =	vmovc v52;
	v52 =	vmov v7;
	s10 =	smov.u32 s3;
	s3 =	smov.u32 s5;
	s5 =	smov.u32 s1;
	[tilespmem:s15+$0x0] =	vst v37;
	v3 =	vmul.f32 v39, v25;
	v32 =	vld [tilespmem:$0x7D80];
	v28 =	vadd.f32 v28, v35  }
0x25c: {  	s1 =	smov.u32 s16;
	v7 =	vmovc v43;
	s4 =	smov.u32 s9;
	s9 =	smov.u32 s20;
	v2 =	vadd.f32 v2, v26;
	v33 =	vld [tilespmem:$0x7C10];
	v37 =	vmul.f32 v55, v24;
	v19 =	vmul.f32 v30, v19  }
0x25d: {  	v43 =	vmovc v59;
	v59 =	vmov v45;
	s20 =	smov.u32 s2;
	s2 =	smov.u32 s11;
	s11 =	smov.u32 s15;
	v4 =	vmul.f32 v38, v42;
	v3 =	vadd.f32 v3, v7;
	[tilespmem:s4+$0xC10] =	vst v28;
	v28 =	vld [tilespmem:$0x7DD0]  }
0x25e: {  	[tilespmem:s1+$0x0] =	vst v2;
	v2 =	vadd.f32 v37, v61;
	v37 =	vmul.f32 v51, v15;
	v19 =	vadd.f32 v19, v8;
	v45 =	vld [tilespmem:$0x7DA0]  }
0x25f: {  	v30 =	vmovc v42;
	v54 =	vld [tilespmem:$0x7C10];
	v56 =	vadd.f32 v4, v46;
	v3 =	vmul.f32 v3, v39;
	v39 =	vmul.f32 v29, v50  }
0x260: {  	v2 =	vmul.f32 v2, v55;
	v37 =	vadd.f32 v37, v43;
	[tilespmem:s9+$0x830] =	vst v19;
	v19 =	vmul.f32 v32, v1  }
0x261: {  	v42 =	vmovc v24;
	v55 =	vmul.f32 v33, v60;
	v38 =	vmul.f32 v56, v38;
	v3 =	vadd.f32 v3, v47;
	v56 =	vld [tilespmem:$0x7D40]  }
0x262: {  	v24 =	vmovc v58;
	v39 =	vadd.f32 v39, v9;
	v2 =	vadd.f32 v2, v63;
	v37 =	vmul.f32 v37, v51  }
0x263: {  	v51 =	vadd.f32 v55, v59;
	v38 =	vadd.f32 v38, v48;
	[tilespmem:s20+$0x450] =	vst v3;
	v3 =	vmul.f32 v45, v36  }
0x264: {  	v29 =	vmul.f32 v39, v29;
	v55 =	vmul.f32 v54, v24;
	[tilespmem:s5+$0x60] =	vst v2;
	v2 =	vadd.f32 v37, v62;
	v37 =	vld [tilespmem:$0x7CE0]  }
0x265: {  	v19 =	vadd.f32 v19, v49;
	v33 =	vmul.f32 v51, v33;
	v39 =	vld [tilespmem:$0x7C70];
	[tilespmem:s3+$0x440] =	vst v38;
	v3 =	vadd.f32 v3, v41  }
0x266: {  	v29 =	vadd.f32 v29, v10;
	v38 =	vadd.f32 v55, v27;
	[tilespmem:s2+$0x70] =	vst v2;
	v2 =	vld [tilespmem:$0x7CD0];
	v51 =	vmul.f32 v56, v53  }
0x267: {  	v19 =	vmul.f32 v19, v32;
	v33 =	vadd.f32 v33, v0;
	v55 =	vld [tilespmem:$0x7C80];
	v3 =	vmul.f32 v3, v45;
	v45 =	vmovc v44  }
0x268: {  	v32 =	vmul.f32 v38, v54;
	[tilespmem:s10+$0x820] =	vst v29;
	v29 =	vadd.f32 v51, v52;
	v38 =	vmul.f32 v28, v34  }
0x269: {  	v19 =	vadd.f32 v19, v40;
	[tilespmem:s11+$0x10] =	vst v33;
	v33 =	vmul.f32 v37, v25;
	v51 =	vld [tilespmem:$0x7D30];
	v3 =	vadd.f32 v3, v35  }
0x26a: {  	v44 =	vmovc v49;
	v32 =	vadd.f32 v32, v26;
	v54 =	vld [tilespmem:$0x7C20];
	v57 =	vmul.f32 v39, v42;
	v29 =	vmul.f32 v29, v56  }
0x26b: {  	v49 =	vmul.f32 v2, v30;
	v33 =	vadd.f32 v33, v7;
	[tilespmem:s4+$0xC20] =	vst v3;
	v3 =	vadd.f32 v38, v45  }
0x26c: {  	[tilespmem:s1+$0x10] =	vst v32;
	v32 =	vadd.f32 v57, v61;
	v38 =	vmul.f32 v55, v15;
	v29 =	vadd.f32 v29, v8;
	v56 =	vld [tilespmem:$0x7DB0]  }
0x26d: {  	v57 =	vld [tilespmem:$0x7C20];
	v4 =	vadd.f32 v49, v46;
	v33 =	vmul.f32 v33, v37;
	[tilespmem:s8+$0xC00] =	vst v19;
	v3 =	vmul.f32 v3, v28  }
0x26e: {  	v19 =	vmul.f32 v32, v39;
	v28 =	vadd.f32 v38, v43;
	v32 =	vmul.f32 v51, v50;
	[tilespmem:s9+$0x840] =	vst v29;
	v29 =	vld [tilespmem:$0x7D90]  }
0x26f: {  	v37 =	vmul.f32 v54, v60;
	v2 =	vmul.f32 v4, v2;
	v33 =	vadd.f32 v33, v47;
	v38 =	vld [tilespmem:$0x7D50];
	v49 =	vmovc v9  }
0x270: {  	v9 =	vmovc v46;
	v19 =	vadd.f32 v19, v63;
	v28 =	vmul.f32 v28, v55;
	v32 =	vadd.f32 v32, v49  }
0x271: {  	v37 =	vadd.f32 v37, v59;
	v2 =	vadd.f32 v2, v48;
	[tilespmem:s20+$0x460] =	vst v33;
	v33 =	vmul.f32 v56, v36  }
0x272: {  	v39 =	vmul.f32 v57, v24;
	[tilespmem:s5+$0x70] =	vst v19;
	v19 =	vadd.f32 v28, v62;
	v55 =	vld [tilespmem:$0x7CF0];
	v28 =	vmul.f32 v32, v51  }
0x273: {  	v32 =	vmul.f32 v37, v54;
	v37 =	vld [tilespmem:$0x7C80];
	[tilespmem:s3+$0x450] =	vst v2;
	v2 =	vmul.f32 v29, v1;
	v33 =	vadd.f32 v33, v41  }
0x274: {  	v39 =	vadd.f32 v39, v27;
	[tilespmem:s2+$0x400] =	vst v19;
	v19 =	vld [tilespmem:$0x7CE0];
	v28 =	vadd.f32 v28, v10;
	v51 =	vmul.f32 v38, v53  }
0x275: {  	v46 =	vmovc v61;
	v32 =	vadd.f32 v32, v0;
	v54 =	vld [tilespmem:$0x7C90];
	v2 =	vadd.f32 v2, v44;
	v33 =	vmul.f32 v33, v56  }
0x276: {  	v3 =	vadd.f32 v3, v31;
	v39 =	vmul.f32 v39, v57;
	[tilespmem:s10+$0x830] =	vst v28;
	v28 =	vadd.f32 v51, v52  }
0x277: {  	[tilespmem:s11+$0x20] =	vst v32;
	v32 =	vmul.f32 v55, v25;
	v56 =	vld [tilespmem:$0x7D40];
	v2 =	vmul.f32 v2, v29;
	v29 =	vadd.f32 v33, v35  }
0x278: {  	v33 =	vadd.f32 v39, v26;
	v39 =	vld [tilespmem:$0x7C30];
	v4 =	vmul.f32 v37, v42;
	v38 =	vmul.f32 v28, v38;
	[tilespmem:s7+$0xC50] =	vst v3  }
0x279: {  	v3 =	vmul.f32 v19, v30;
	v32 =	vadd.f32 v32, v7;
	v2 =	vadd.f32 v2, v40;
	[tilespmem:s4+$0xC30] =	vst v29;
	v28 =	vld [tilespmem:$0x7DE0]  }
0x27a: {  	[tilespmem:s1+$0x20] =	vst v33;
	v29 =	vadd.f32 v4, v46;
	v33 =	vmul.f32 v54, v15;
	v38 =	vadd.f32 v38, v8;
	v57 =	vld [tilespmem:$0x7DC0]  }
0x27b: {  	v61 =	vmovc v27;
	v51 =	vmov v35;
	v58 =	vld [tilespmem:$0x7C30];
	v3 =	vadd.f32 v3, v9;
	v32 =	vmul.f32 v32, v55;
	[tilespmem:s8+$0xC10] =	vst v2  }
0x27c: {  	v2 =	vmul.f32 v29, v37;
	v27 =	vadd.f32 v33, v43;
	v29 =	vmul.f32 v56, v50;
	[tilespmem:s9+$0x850] =	vst v38;
	v33 =	vld [tilespmem:$0x7DA0]  }
0x27d: {  	v35 =	vmovc v8;
	v37 =	vmul.f32 v39, v60;
	v3 =	vmul.f32 v3, v19;
	v19 =	vadd.f32 v32, v47;
	v32 =	vld [tilespmem:$0x7D60]  }
0x27e: {  	v8 =	vmovc v47;
	v2 =	vadd.f32 v2, v63;
	v27 =	vmul.f32 v27, v54;
	v29 =	vadd.f32 v29, v49  }
0x27f: {  	v37 =	vadd.f32 v37, v59;
	v3 =	vadd.f32 v3, v48;
	[tilespmem:s20+$0x470] =	vst v19;
	v19 =	vmul.f32 v57, v36  }
0x280: {  	v38 =	vmul.f32 v58, v24;
	[tilespmem:s5+$0x400] =	vst v2;
	v2 =	vadd.f32 v27, v62;
	v27 =	vld [tilespmem:$0x7D00];
	v29 =	vmul.f32 v29, v56  }
0x281: {  	v37 =	vmul.f32 v37, v39;
	v39 =	vld [tilespmem:$0x7C90];
	[tilespmem:s3+$0x460] =	vst v3;
	v3 =	vmul.f32 v33, v1;
	v19 =	vadd.f32 v19, v41  }
0x282: {  	v38 =	vadd.f32 v38, v61;
	[tilespmem:s2+$0x410] =	vst v2;
	v2 =	vld [tilespmem:$0x7CF0];
	v29 =	vadd.f32 v29, v10;
	v54 =	vmul.f32 v32, v53  }
0x283: {  	v47 =	vmovc v62;
	v37 =	vadd.f32 v37, v0;
	v55 =	vld [tilespmem:$0x7CA0];
	v3 =	vadd.f32 v3, v44;
	v19 =	vmul.f32 v19, v57  }
0x284: {  	v38 =	vmul.f32 v38, v58;
	[tilespmem:s10+$0x840] =	vst v29;
	v29 =	vadd.f32 v54, v52;
	v54 =	vmul.f32 v28, v34  }
0x285: {  	[tilespmem:s11+$0x30] =	vst v37;
	v37 =	vmul.f32 v27, v25;
	v56 =	vld [tilespmem:$0x7D50];
	v3 =	vmul.f32 v3, v33;
	v19 =	vadd.f32 v19, v51  }
0x286: {  	v62 =	vmovc v0;
	v33 =	vadd.f32 v38, v26;
	v38 =	vld [tilespmem:$0x7C40];
	v57 =	vmul.f32 v39, v42;
	v29 =	vmul.f32 v29, v32  }
0x287: {  	v0 =	vmul.f32 v2, v30;
	v32 =	vadd.f32 v37, v7;
	v3 =	vadd.f32 v3, v40;
	[tilespmem:s4+$0xC40] =	vst v19  }
0x288: {  	[tilespmem:s1+$0x30] =	vst v33;
	v19 =	vadd.f32 v57, v46;
	v33 =	vmul.f32 v55, v15;
	v29 =	vadd.f32 v29, v35;
	v37 =	vld [tilespmem:$0x7DD0]  }
0x289: {  	v57 =	vld [tilespmem:$0x7C40];
	v0 =	vadd.f32 v0, v9;
	v27 =	vmul.f32 v32, v27;
	[tilespmem:s8+$0xC20] =	vst v3;
	v3 =	vadd.f32 v54, v45  }
0x28a: {  	v19 =	vmul.f32 v19, v39;
	v32 =	vadd.f32 v33, v43;
	v33 =	vmul.f32 v56, v50;
	[tilespmem:s9+$0x860] =	vst v29;
	v29 =	vld [tilespmem:$0x7DB0]  }
0x28b: {  	v54 =	vmovc v31;
	v39 =	vmul.f32 v38, v60;
	v0 =	vmul.f32 v0, v2;
	v2 =	vadd.f32 v27, v8;
	v27 =	vld [tilespmem:$0x7D70]  }
0x28c: {  	v31 =	vmovc v40;
	v19 =	vadd.f32 v19, v63;
	v32 =	vmul.f32 v32, v55;
	v33 =	vadd.f32 v33, v49  }
0x28d: {  	v39 =	vadd.f32 v39, v59;
	v0 =	vadd.f32 v0, v48;
	[tilespmem:s20+$0x800] =	vst v2;
	v2 =	vmul.f32 v37, v36  }
0x28e: {  	v4 =	vmul.f32 v57, v24;
	[tilespmem:s5+$0x410] =	vst v19;
	v19 =	vadd.f32 v32, v47;
	v32 =	vld [tilespmem:$0x7D10];
	v33 =	vmul.f32 v33, v56  }
0x28f: {  	v38 =	vmul.f32 v39, v38;
	v39 =	vld [tilespmem:$0x7CA0];
	[tilespmem:s3+$0x470] =	vst v0;
	v0 =	vmul.f32 v29, v1;
	v2 =	vadd.f32 v2, v41  }
0x290: {  	v55 =	vadd.f32 v4, v61;
	[tilespmem:s2+$0x420] =	vst v19;
	v19 =	vld [tilespmem:$0x7D00];
	v33 =	vadd.f32 v33, v10;
	v56 =	vmul.f32 v27, v53  }
0x291: {  	v40 =	vmovc v10;
	v38 =	vadd.f32 v38, v62;
	v58 =	vld [tilespmem:$0x7CB0];
	v0 =	vadd.f32 v0, v44;
	v2 =	vmul.f32 v2, v37  }
0x292: {  	v3 =	vmul.f32 v3, v28;
	v4 =	vmul.f32 v55, v57;
	[tilespmem:s10+$0x850] =	vst v33;
	v33 =	vadd.f32 v56, v52  }
0x293: {  	[tilespmem:s11+$0x40] =	vst v38;
	v28 =	vmul.f32 v32, v25;
	v37 =	vld [tilespmem:$0x7D60];
	v0 =	vmul.f32 v0, v29;
	v2 =	vadd.f32 v2, v51  }
0x294: {  	v10 =	vmovc v48;
	v29 =	vadd.f32 v4, v26;
	v56 =	vld [tilespmem:$0x7C50];
	v38 =	vmul.f32 v39, v42;
	v27 =	vmul.f32 v33, v27  }
0x295: {  	v33 =	vmul.f32 v19, v30;
	v28 =	vadd.f32 v28, v7;
	v0 =	vadd.f32 v0, v31;
	[tilespmem:s4+$0xC50] =	vst v2  }
0x296: {  	[tilespmem:s1+$0x40] =	vst v29;
	v2 =	vadd.f32 v38, v46;
	v29 =	vmul.f32 v58, v15;
	v27 =	vadd.f32 v27, v35;
	v57 =	vld [tilespmem:$0x7DE0]  }
0x297: {  	v4 =	vld [tilespmem:$0x7C50];
	v33 =	vadd.f32 v33, v9;
	v28 =	vmul.f32 v28, v32;
	[tilespmem:s8+$0xC30] =	vst v0;
	v0 =	vadd.f32 v3, v54  }
0x298: {  	v2 =	vmul.f32 v2, v39;
	v3 =	vadd.f32 v29, v43;
	v29 =	vmul.f32 v37, v50;
	[tilespmem:s9+$0x870] =	vst v27;
	v32 =	vld [tilespmem:$0x7DC0]  }
0x299: {  	v27 =	vmul.f32 v56, v60;
	v19 =	vmul.f32 v33, v19;
	v28 =	vadd.f32 v28, v8;
	v21 =	vld [tilespmem:$0x7D80];
	[tilespmem:s7+$0xC60] =	vst v0  }
0x29a: {  	v48 =	vmovc v63;
	v0 =	vadd.f32 v2, v63;
	v2 =	vmul.f32 v3, v58;
	v3 =	vadd.f32 v29, v49;
	v55 =	vld [tilespmem:$0x7DF0]  }
0x29b: {  	v27 =	vadd.f32 v27, v59;
	v19 =	vadd.f32 v19, v10;
	[tilespmem:s20+$0x810] =	vst v28;
	v28 =	vmul.f32 v57, v36  }
0x29c: {  	v33 =	vmul.f32 v4, v24;
	[tilespmem:s5+$0x420] =	vst v0;
	v0 =	vadd.f32 v2, v47;
	v38 =	vld [tilespmem:$0x7D20];
	v2 =	vmul.f32 v3, v37  }
0x29d: {  	v3 =	vmul.f32 v27, v56;
	v29 =	vld [tilespmem:$0x7CB0];
	[tilespmem:s3+$0x800] =	vst v19;
	v19 =	vmul.f32 v32, v1;
	v28 =	vadd.f32 v28, v41  }
.Ltmp9:
0x29e: {  	v33 =	vadd.f32 v33, v61;
	[tilespmem:s2+$0x430] =	vst v0;
	v0 =	vld [tilespmem:$0x7D10];
	v2 =	vadd.f32 v2, v40;
	v37 =	vmul.f32 v21, v53;
	(pc) =	sbr.rel @p6 .LBB2_16-.Ltmp9, $4  }
0x29f: {  	v63 =	vmovc v26;
	v3 =	vadd.f32 v3, v62;
	v27 =	vld [tilespmem:$0x7CC0];
	v19 =	vadd.f32 v19, v44;
	v57 =	vmul.f32 v28, v57  }
0x2a0: {  	v56 =	vmul.f32 v55, v34;
	v4 =	vmul.f32 v33, v4;
	[tilespmem:s10+$0x860] =	vst v2;
	v2 =	vadd.f32 v37, v52  }
0x2a1: {  	[tilespmem:s11+$0x50] =	vst v3;
	v39 =	vmul.f32 v38, v25;
	v28 =	vld [tilespmem:$0x7D70];
	v58 =	vmul.f32 v19, v32;
	v57 =	vadd.f32 v57, v51  }
0x2a2: {  	v34 =	vmovc v1;
	v26 =	vadd.f32 v4, v63;
	v33 =	vld [tilespmem:$0x7C60];
	v37 =	vmul.f32 v29, v42;
	v32 =	vmul.f32 v2, v21  }
0x2a3: {  	v21 =	vmov v46  }
0x2a4: {  	v46 =	vmovc v7;
	v7 =	vmovc v59;
	v59 =	vmov v47;
	v47 =	vmov v9;
	v9 =	vmov v61;
	v61 =	vld [tilespmem:$0x1FF00]  }
0x2a5: {  	[tilespmem:$0x1FFE0] =	vst v15;
	v2 =	vmovc v8;
	v1 =	vmovc v43;
	v43 =	vmov v10;
	v15 =	vmov v60;
	v8 =	vmov v62;
	v62 =	vld [tilespmem:$0x1FF10]  }
0x2a6: {  	s6 =	smov.u32 s20;
	v60 =	vmovc v48;
	v48 =	vmovc v30;
	s12 =	smov.u32 s2;
	s20 =	smov.u32 s11;
	v30 =	vmov v42;
	v10 =	vmov v63;
	v63 =	vld [tilespmem:$0x1FEF0];
	v42 =	vmov v2  }
.LBB2_18:
0x2a7: {  	[tilespmem:s1+$0x50] =	vst v26  }
0x2a8: {  	v2 =	vld [tilespmem:$0x7C60];
	_ =	sdelay $0x3  }
0x2a9: {  	v3 =	vmul.f32 v33, v15  }
0x2aa: {  	v4 =	vmul.f32 v2, v24  }
0x2ab: {  	v3 =	vadd.f32 v3, v7  }
0x2ac: {  	v4 =	vadd.f32 v4, v9  }
0x2ad: {  	v3 =	vmul.f32 v3, v33  }
0x2ae: {  	v2 =	vmul.f32 v4, v2  }
0x2af: {  	v3 =	vadd.f32 v3, v8  }
0x2b0: {  	v2 =	vadd.f32 v2, v10  }
0x2b1: {  	[tilespmem:s20+$0x60] =	vst v3  }
0x2b2: {  	[tilespmem:s1+$0x60] =	vst v2;
	v2 =	vld [tilespmem:$0x7C70]  }
0x2b3: {  	v3 =	vld [tilespmem:$0x7C70];
	_ =	sdelay $0x3  }
0x2b4: {  	v4 =	vmul.f32 v2, v15  }
0x2b5: {  	v19 =	vmul.f32 v3, v24  }
0x2b6: {  	v4 =	vadd.f32 v4, v7  }
0x2b7: {  	v19 =	vadd.f32 v19, v9  }
0x2b8: {  	v2 =	vmul.f32 v4, v2  }
0x2b9: {  	v3 =	vmul.f32 v19, v3  }
0x2ba: {  	v2 =	vadd.f32 v2, v8  }
0x2bb: {  	v3 =	vadd.f32 v3, v10  }
0x2bc: {  	[tilespmem:s20+$0x70] =	vst v2  }
0x2bd: {  	[tilespmem:s1+$0x70] =	vst v3;
	v2 =	vld [tilespmem:$0x7C80]  }
0x2be: {  	v3 =	vld [tilespmem:$0x7C80];
	_ =	sdelay $0x3  }
0x2bf: {  	v4 =	vmul.f32 v2, v15  }
0x2c0: {  	v33 =	vmul.f32 v3, v24  }
0x2c1: {  	v4 =	vadd.f32 v4, v7  }
0x2c2: {  	v19 =	vadd.f32 v33, v9  }
0x2c3: {  	v2 =	vmul.f32 v4, v2  }
0x2c4: {  	v3 =	vmul.f32 v19, v3  }
0x2c5: {  	v2 =	vadd.f32 v2, v8  }
0x2c6: {  	v3 =	vadd.f32 v3, v10  }
0x2c7: {  	[tilespmem:s20+$0x400] =	vst v2  }
0x2c8: {  	[tilespmem:s1+$0x400] =	vst v3;
	v2 =	vld [tilespmem:$0x7C90]  }
0x2c9: {  	v3 =	vld [tilespmem:$0x7C90];
	_ =	sdelay $0x3  }
0x2ca: {  	v4 =	vmul.f32 v2, v15  }
0x2cb: {  	v26 =	vmul.f32 v3, v24  }
0x2cc: {  	v4 =	vadd.f32 v4, v7  }
0x2cd: {  	v19 =	vadd.f32 v26, v9  }
0x2ce: {  	v2 =	vmul.f32 v4, v2  }
0x2cf: {  	v3 =	vmul.f32 v19, v3  }
0x2d0: {  	v2 =	vadd.f32 v2, v8  }
0x2d1: {  	v3 =	vadd.f32 v3, v10  }
0x2d2: {  	[tilespmem:s20+$0x410] =	vst v2  }
0x2d3: {  	[tilespmem:s1+$0x410] =	vst v3;
	v2 =	vld [tilespmem:$0x7CA0]  }
0x2d4: {  	v3 =	vld [tilespmem:$0x7CA0];
	_ =	sdelay $0x3  }
0x2d5: {  	v4 =	vmul.f32 v2, v15  }
0x2d6: {  	v33 =	vmul.f32 v3, v24  }
0x2d7: {  	v4 =	vadd.f32 v4, v7  }
0x2d8: {  	v19 =	vadd.f32 v33, v9  }
0x2d9: {  	v2 =	vmul.f32 v4, v2  }
0x2da: {  	v3 =	vmul.f32 v19, v3  }
0x2db: {  	v2 =	vadd.f32 v2, v8  }
0x2dc: {  	v3 =	vadd.f32 v3, v10  }
0x2dd: {  	[tilespmem:s20+$0x420] =	vst v2  }
0x2de: {  	v4 =	vadd.f32 @p1 v37, v21;
	[tilespmem:s1+$0x420] =	vst v3;
	v2 =	vld [tilespmem:$0x7CB0]  }
0x2df: {  	v3 =	vld [tilespmem:$0x7CB0]  }
0x2e0: {  	v4 =	vmul.f32 @p1 v4, v29;
	_ =	sdelay $0x1  }
0x2e1: {  	v4 =	vadd.f32 @p1 v4, v60  }
0x2e2: {  	v26 =	vmul.f32 v2, v15  }
0x2e3: {  	[tilespmem:s5+$0x430] =	vst @p1 v4;
	v29 =	vmul.f32 v3, v24  }
0x2e4: {  	v19 =	vadd.f32 v26, v7;
	v26 =	vld [tilespmem:$0x1FFE0]  }
0x2e5: {  	v4 =	vadd.f32 v29, v9  }
0x2e6: {  	v2 =	vmul.f32 v19, v2;
	v19 =	vld @p1 [tilespmem:$0x7CC0]  }
0x2e7: {  	v3 =	vmul.f32 v4, v3  }
0x2e8: {  	v2 =	vadd.f32 v2, v8  }
0x2e9: {  	v3 =	vadd.f32 v3, v10;
	v4 =	vmul.f32 @p1 v27, v26  }
0x2ea: {  	[tilespmem:s20+$0x430] =	vst v2  }
0x2eb: {  	[tilespmem:s1+$0x430] =	vst v3;
	v2 =	vadd.f32 @p1 v4, v1;
	v3 =	vmul.f32 @p1 v19, v30;
	v4 =	vld [tilespmem:$0x7CC0]  }
0x2ec: {  	v33 =	vmov v21;
	v37 =	vld [tilespmem:$0x7CC0]  }
0x2ed: {  	v2 =	vmul.f32 @p1 v2, v27;
	v3 =	vadd.f32 @p1 v3, v33;
	_ =	sdelay $0x1  }
0x2ee: {  	v3 =	vmul.f32 @p1 v3, v19;
	v2 =	vadd.f32 @p1 v2, v59  }
0x2ef: {  	v29 =	vmul.f32 v4, v15  }
0x2f0: {  	[tilespmem:s12+$0x440] =	vst @p1 v2;
	v2 =	vadd.f32 @p1 v3, v60;
	v3 =	vmul.f32 v37, v24  }
0x2f1: {  	v19 =	vadd.f32 v29, v7;
	v29 =	vld @p1 [tilespmem:$0x7CD0]  }
0x2f2: {  	[tilespmem:s5+$0x440] =	vst @p1 v2;
	v2 =	vadd.f32 v3, v9  }
0x2f3: {  	v3 =	vmul.f32 v19, v4;
	v4 =	vld @p1 [tilespmem:$0x7CD0]  }
0x2f4: {  	v2 =	vmul.f32 v2, v37  }
0x2f5: {  	v3 =	vadd.f32 v3, v8  }
0x2f6: {  	v2 =	vadd.f32 v2, v10;
	v19 =	vmul.f32 @p1 v29, v26  }
0x2f7: {  	v27 =	vmov @p1 v1;
	v1 =	vmov @p1 v30;
	[tilespmem:s20+$0x440] =	vst v3  }
0x2f8: {  	[tilespmem:s1+$0x440] =	vst v2;
	v2 =	vadd.f32 @p1 v19, v27;
	v3 =	vmul.f32 @p1 v4, v1;
	v19 =	vld [tilespmem:$0x7CD0]  }
0x2f9: {  	v37 =	vld [tilespmem:$0x7CD0]  }
0x2fa: {  	v2 =	vmul.f32 @p1 v2, v29;
	v3 =	vadd.f32 @p1 v3, v33;
	_ =	sdelay $0x1  }
0x2fb: {  	v3 =	vmul.f32 @p1 v3, v4;
	v2 =	vadd.f32 @p1 v2, v59  }
0x2fc: {  	s2 =	smov.u32 @p1 s12;
	v4 =	vmul.f32 v19, v15  }
0x2fd: {  	[tilespmem:s2+$0x450] =	vst @p1 v2;
	v2 =	vadd.f32 @p1 v3, v60;
	v3 =	vmul.f32 v37, v24  }
0x2fe: {  	v4 =	vadd.f32 v4, v7;
	v29 =	vld @p1 [tilespmem:$0x7CE0]  }
0x2ff: {  	[tilespmem:s5+$0x450] =	vst @p1 v2;
	v2 =	vadd.f32 v3, v9  }
0x300: {  	v3 =	vmul.f32 v4, v19;
	v4 =	vld @p1 [tilespmem:$0x7CE0]  }
0x301: {  	v2 =	vmul.f32 v2, v37  }
0x302: {  	v3 =	vadd.f32 v3, v8  }
0x303: {  	v2 =	vadd.f32 v2, v10;
	v19 =	vmul.f32 @p1 v29, v26  }
0x304: {  	[tilespmem:s20+$0x450] =	vst v3  }
0x305: {  	[tilespmem:s1+$0x450] =	vst v2;
	v2 =	vadd.f32 @p1 v19, v27;
	v3 =	vmul.f32 @p1 v4, v1;
	v19 =	vld [tilespmem:$0x7CE0]  }
0x306: {  	v21 =	vmov @p1 v33;
	v37 =	vld [tilespmem:$0x7CE0]  }
0x307: {  	v2 =	vmul.f32 @p1 v2, v29;
	v3 =	vadd.f32 @p1 v3, v21;
	_ =	sdelay $0x1  }
0x308: {  	v3 =	vmul.f32 @p1 v3, v4;
	v2 =	vadd.f32 @p1 v2, v59  }
0x309: {  	v4 =	vmul.f32 v19, v15  }
0x30a: {  	[tilespmem:s2+$0x460] =	vst @p1 v2;
	v2 =	vadd.f32 @p1 v3, v60;
	v3 =	vmul.f32 v37, v24  }
0x30b: {  	v4 =	vadd.f32 v4, v7;
	v29 =	vld @p1 [tilespmem:$0x7CF0]  }
0x30c: {  	[tilespmem:s5+$0x460] =	vst @p1 v2;
	v2 =	vadd.f32 v3, v9  }
0x30d: {  	v3 =	vmul.f32 v4, v19;
	v4 =	vld @p1 [tilespmem:$0x7CF0]  }
0x30e: {  	v2 =	vmul.f32 v2, v37  }
0x30f: {  	v3 =	vadd.f32 v3, v8  }
0x310: {  	v2 =	vadd.f32 v2, v10;
	v19 =	vmul.f32 @p1 v29, v26  }
0x311: {  	[tilespmem:s20+$0x460] =	vst v3  }
0x312: {  	[tilespmem:s1+$0x460] =	vst v2;
	v2 =	vadd.f32 @p1 v19, v27;
	v3 =	vmul.f32 @p1 v4, v1;
	v33 =	vld [tilespmem:$0x7CF0]  }
0x313: {  	v37 =	vld [tilespmem:$0x7CF0]  }
0x314: {  	v2 =	vmul.f32 @p1 v2, v29;
	v3 =	vadd.f32 @p1 v3, v21;
	_ =	sdelay $0x1  }
0x315: {  	v3 =	vmul.f32 @p1 v3, v4;
	v2 =	vadd.f32 @p1 v2, v59  }
0x316: {  	v4 =	vmul.f32 v33, v15  }
0x317: {  	[tilespmem:s2+$0x470] =	vst @p1 v2;
	v2 =	vadd.f32 @p1 v3, v60;
	v3 =	vmul.f32 v37, v24  }
0x318: {  	v4 =	vadd.f32 v4, v7;
	v29 =	vld @p1 [tilespmem:$0x7D00]  }
0x319: {  	[tilespmem:s5+$0x470] =	vst @p1 v2;
	v2 =	vadd.f32 v3, v9  }
0x31a: {  	v3 =	vmul.f32 v4, v33  }
0x31b: {  	v4 =	vld @p1 [tilespmem:$0x7D00];
	v2 =	vmul.f32 v2, v37  }
0x31c: {  	v3 =	vadd.f32 v3, v8  }
0x31d: {  	v2 =	vadd.f32 v2, v10;
	v19 =	vmul.f32 @p1 v29, v26  }
0x31e: {  	[tilespmem:s20+$0x470] =	vst v3  }
0x31f: {  	[tilespmem:s1+$0x470] =	vst v2;
	v2 =	vadd.f32 @p1 v19, v27;
	v19 =	vld [tilespmem:$0x7D00]  }
0x320: {  	v3 =	vmul.f32 @p1 v4, v1  }
0x321: {  	v30 =	vld [tilespmem:$0x7D00]  }
0x322: {  	v2 =	vmul.f32 @p1 v2, v29;
	v3 =	vadd.f32 @p1 v3, v21  }
0x323: {  	v29 =	vmov @p1 v59  }
0x324: {  	v3 =	vmul.f32 @p1 v3, v4;
	v2 =	vadd.f32 @p1 v2, v29;
	v59 =	vmul.f32 v19, v15  }
0x325: {  	v4 =	vmov @p1 v60  }
0x326: {  	[tilespmem:s2+$0x800] =	vst @p1 v2;
	v2 =	vadd.f32 @p1 v3, v4;
	v3 =	vmul.f32 v30, v24;
	v33 =	vadd.f32 v59, v7;
	_ =	sdelay $0x1  }
0x327: {  	[tilespmem:s5+$0x800] =	vst @p1 v2;
	v2 =	vadd.f32 v3, v9;
	v3 =	vmul.f32 v33, v19;
	_ =	sdelay $0x1  }
0x328: {  	v3 =	vadd.f32 v3, v8;
	_ =	sdelay $0x1  }
0x329: {  	[tilespmem:s20+$0x800] =	vst v3  }
0x32a: {  	v60 =	vld [tilespmem:$0x1FF20];
	_ =	sdelay $0x1  }
0x32b: {  	v2 =	vmul.f32 v2, v30  }
0x32c: {  	v30 =	vmul.f32 @p2 v0, v48  }
0x32d: {  	v19 =	vld @p1 [tilespmem:$0x7D10];
	v2 =	vadd.f32 v2, v10  }
0x32e: {  	v3 =	vadd.f32 @p2 v30, v47;
	v30 =	vpsel p1, v1, v60;
	v1 =	vld [tilespmem:$0x1FF90]  }
0x32f: {  	v37 =	vld @p1 [tilespmem:$0x7D10];
	[tilespmem:s1+$0x800] =	vst v2  }
0x330: {  	v60 =	vld [tilespmem:$0x1FF30];
	_ =	sdelay $0x2  }
0x331: {  	v1 =	vpsel p1, v19, v1;
	v19 =	vld [tilespmem:$0x7D10]  }
0x332: {  	v0 =	vmul.f32 @p2 v3, v0;
	v3 =	vmul.f32 @p1 v1, v30  }
0x333: {  	v33 =	vmul.f32 @p1 v37, v26;
	v59 =	vld [tilespmem:$0x7D10];
	v21 =	vpsel p1, v21, v60  }
0x334: {  	v0 =	vadd.f32 @p2 v0, v43;
	v3 =	vadd.f32 @p1 v3, v21  }
0x335: {  	v2 =	vadd.f32 @p1 v33, v27  }
0x336: {  	[tilespmem:s3+$0x810] =	vst @p2 v0;
	v0 =	vmul.f32 @p1 v3, v1;
	v1 =	vmul.f32 v19, v15  }
0x337: {  	v23 =	vpsel p1, v4, v23;
	v2 =	vmul.f32 @p1 v2, v37  }
0x338: {  	v3 =	vmul.f32 v59, v24;
	v0 =	vadd.f32 @p1 v0, v23;
	v1 =	vadd.f32 v1, v7  }
0x339: {  	s23 =	smov.u32 @p1 s5;
	v2 =	vadd.f32 @p1 v2, v29  }
0x33a: {  	v3 =	vadd.f32 v3, v9;
	[tilespmem:s23+$0x810] =	vst @p1 v0;
	v0 =	vmul.f32 v1, v19  }
0x33b: {  	[tilespmem:s2+$0x810] =	vst @p1 v2;
	v2 =	vld @p2 [tilespmem:$0x7D20]  }
0x33c: {  	v3 =	vmul.f32 v3, v59;
	v0 =	vadd.f32 v0, v8  }
0x33d: {  	v4 =	vld @p1 [tilespmem:$0x7D20]  }
0x33e: {  	v3 =	vadd.f32 v3, v10;
	[tilespmem:s20+$0x810] =	vst v0  }
0x33f: {  	v1 =	vmov @p2 v48;
	v0 =	vld [tilespmem:$0x1FF70]  }
0x340: {  	v19 =	vld @p1 [tilespmem:$0x7D20];
	v37 =	vmul.f32 @p2 v2, v1;
	[tilespmem:s1+$0x810] =	vst v3  }
0x341: {  	v33 =	vadd.f32 @p2 v39, v46;
	v60 =	vld [tilespmem:$0x1FF80]  }
0x342: {  	v39 =	vmul.f32 @p1 v4, v26;
	v37 =	vadd.f32 @p2 v37, v47  }
0x343: {  	v33 =	vmul.f32 @p2 v33, v38  }
0x344: {  	v38 =	vpsel p1, v27, v18;
	v3 =	vld [tilespmem:$0x7D20];
	v2 =	vmul.f32 @p2 v37, v2;
	v18 =	vpsel p1, v39, v0;
	v0 =	vmovc @p1 v30  }
0x345: {  	v33 =	vadd.f32 @p2 v33, v42;
	v59 =	vld [tilespmem:$0x7D20];
	v18 =	vadd.f32 @p1 v18, v38;
	v27 =	vmul.f32 @p1 v19, v0  }
0x346: {  	v2 =	vadd.f32 @p2 v2, v43;
	v4 =	vpsel p1, v4, v60  }
0x347: {  	[tilespmem:s6+$0x820] =	vst @p2 v33;
	v4 =	vmul.f32 @p1 v18, v4;
	v27 =	vadd.f32 @p1 v27, v21  }
0x348: {  	[tilespmem:s3+$0x820] =	vst @p2 v2;
	v18 =	vpsel p1, v29, v20;
	v20 =	vld @p2 [tilespmem:$0x7D30]  }
0x349: {  	v33 =	vmul.f32 v3, v15;
	v29 =	vld @p2 [tilespmem:$0x7D30];
	v2 =	vadd.f32 @p1 v4, v18;
	v4 =	vmul.f32 @p1 v27, v19  }
0x34a: {  	s0 =	smov.u32 @p1 s2;
	v37 =	vmul.f32 v59, v24  }
0x34b: {  	[tilespmem:s0+$0x820] =	vst @p1 v2;
	v2 =	vadd.f32 @p1 v4, v23;
	v4 =	vadd.f32 v33, v7  }
0x34c: {  	s11 =	smov.u32 @p1 s23;
	v39 =	vadd.f32 v37, v9;
	v33 =	vld @p1 [tilespmem:$0x7D30]  }
0x34d: {  	[tilespmem:s11+$0x820] =	vst @p1 v2;
	v2 =	vmul.f32 v4, v3;
	v3 =	vmul.f32 @p2 v20, v25  }
0x34e: {  	v30 =	vmul.f32 @p2 v29, v1;
	v4 =	vmul.f32 v39, v59;
	v19 =	vld @p1 [tilespmem:$0x7D30]  }
0x34f: {  	v27 =	vmov @p2 v47;
	v2 =	vadd.f32 v2, v8;
	v3 =	vadd.f32 @p2 v3, v46  }
0x350: {  	v37 =	vpsel p1, v26, v22;
	v22 =	vadd.f32 @p2 v30, v27;
	v4 =	vadd.f32 v4, v10  }
0x351: {  	[tilespmem:s20+$0x820] =	vst v2;
	v2 =	vmul.f32 @p1 v33, v37;
	v3 =	vmul.f32 @p2 v3, v20  }
0x352: {  	[tilespmem:s1+$0x820] =	vst v4;
	v4 =	vmul.f32 @p2 v22, v29;
	v47 =	vld [tilespmem:$0x7D30]  }
0x353: {  	v48 =	vld [tilespmem:$0x7D30];
	v2 =	vadd.f32 @p1 v2, v38;
	v22 =	vmul.f32 @p1 v19, v0;
	v3 =	vadd.f32 @p2 v3, v42  }
0x354: {  	v26 =	vmov @p1 v21;
	v4 =	vadd.f32 @p2 v4, v43  }
0x355: {  	v2 =	vmul.f32 @p1 v2, v33;
	v21 =	vadd.f32 @p1 v22, v26;
	[tilespmem:s6+$0x830] =	vst @p2 v3  }
0x356: {  	[tilespmem:s3+$0x830] =	vst @p2 v4;
	v3 =	vld @p2 [tilespmem:$0x7D40]  }
0x357: {  	v30 =	vld @p2 [tilespmem:$0x7D40];
	v2 =	vadd.f32 @p1 v2, v18;
	v4 =	vmul.f32 @p1 v21, v19;
	v59 =	vmul.f32 v47, v15  }
0x358: {  	s5 =	smov.u32 @p1 s0;
	v60 =	vmul.f32 v48, v24  }
0x359: {  	[tilespmem:s5+$0x830] =	vst @p1 v2;
	v2 =	vadd.f32 @p1 v4, v23;
	v4 =	vadd.f32 v59, v7  }
0x35a: {  	v22 =	vmov @p2 v25;
	v39 =	vadd.f32 v60, v9;
	v33 =	vld @p1 [tilespmem:$0x7D40]  }
0x35b: {  	[tilespmem:s11+$0x830] =	vst @p1 v2;
	v2 =	vmul.f32 v4, v47;
	v4 =	vmul.f32 @p2 v3, v22  }
0x35c: {  	v21 =	vmov @p2 v46;
	v19 =	vmul.f32 v39, v48;
	v29 =	vmul.f32 @p2 v30, v1;
	v25 =	vld @p1 [tilespmem:$0x7D40]  }
0x35d: {  	v2 =	vadd.f32 v2, v8;
	v4 =	vadd.f32 @p2 v4, v21  }
0x35e: {  	v20 =	vmov @p1 v37;
	v46 =	vadd.f32 v19, v10;
	v29 =	vadd.f32 @p2 v29, v27  }
0x35f: {  	[tilespmem:s20+$0x830] =	vst v2;
	v2 =	vmul.f32 @p1 v33, v20;
	v3 =	vmul.f32 @p2 v4, v3  }
0x360: {  	v19 =	vmov @p1 v38;
	[tilespmem:s1+$0x830] =	vst v46;
	v29 =	vmul.f32 @p2 v29, v30;
	v4 =	vld [tilespmem:$0x7D40]  }
0x361: {  	v37 =	vld [tilespmem:$0x7D40];
	v2 =	vadd.f32 @p1 v2, v19;
	v30 =	vmul.f32 @p1 v25, v0;
	v3 =	vadd.f32 @p2 v3, v42;
	_ =	sdelay $0x1  }
0x362: {  	v2 =	vmul.f32 @p1 v2, v33;
	v30 =	vadd.f32 @p1 v30, v26;
	[tilespmem:s6+$0x840] =	vst @p2 v3  }
0x363: {  	v29 =	vadd.f32 @p2 v29, v43;
	v3 =	vld @p2 [tilespmem:$0x7D50]  }
0x364: {  	v2 =	vadd.f32 @p1 v2, v18;
	v25 =	vmul.f32 @p1 v30, v25;
	v47 =	vmul.f32 v4, v15  }
0x365: {  	[tilespmem:s3+$0x840] =	vst @p2 v29;
	v48 =	vmul.f32 v37, v24  }
0x366: {  	v30 =	vld @p2 [tilespmem:$0x7D50];
	[tilespmem:s5+$0x840] =	vst @p1 v2;
	v2 =	vadd.f32 @p1 v25, v23;
	v59 =	vadd.f32 v47, v7  }
0x367: {  	v33 =	vadd.f32 v48, v9;
	v29 =	vld @p1 [tilespmem:$0x7D50]  }
0x368: {  	[tilespmem:s11+$0x840] =	vst @p1 v2;
	v2 =	vmul.f32 v59, v4;
	v4 =	vmul.f32 @p2 v3, v22  }
0x369: {  	v33 =	vmul.f32 v33, v37;
	v25 =	vld @p1 [tilespmem:$0x7D50]  }
0x36a: {  	v2 =	vadd.f32 v2, v8;
	v4 =	vadd.f32 @p2 v4, v21  }
0x36b: {  	v37 =	vmul.f32 @p2 v30, v1;
	v33 =	vadd.f32 v33, v10  }
0x36c: {  	[tilespmem:s20+$0x840] =	vst v2;
	v2 =	vmul.f32 @p1 v29, v20;
	v3 =	vmul.f32 @p2 v4, v3  }
0x36d: {  	v37 =	vadd.f32 @p2 v37, v27;
	[tilespmem:s1+$0x840] =	vst v33;
	v4 =	vld [tilespmem:$0x7D50]  }
0x36e: {  	v60 =	vld [tilespmem:$0x7D50];
	v2 =	vadd.f32 @p1 v2, v19;
	v33 =	vmul.f32 @p1 v25, v0;
	v3 =	vadd.f32 @p2 v3, v42  }
0x36f: {  	v30 =	vmul.f32 @p2 v37, v30  }
0x370: {  	v2 =	vmul.f32 @p1 v2, v29;
	v29 =	vadd.f32 @p1 v33, v26;
	[tilespmem:s6+$0x850] =	vst @p2 v3  }
0x371: {  	v30 =	vadd.f32 @p2 v30, v43;
	v3 =	vld @p2 [tilespmem:$0x7D60]  }
0x372: {  	v2 =	vadd.f32 @p1 v2, v18;
	v25 =	vmul.f32 @p1 v29, v25  }
0x373: {  	[tilespmem:s3+$0x850] =	vst @p2 v30;
	v39 =	vmul.f32 v4, v15;
	v46 =	vmul.f32 v60, v24  }
0x374: {  	v30 =	vld @p2 [tilespmem:$0x7D60];
	v29 =	vmul.f32 @p3 v28, v50;
	[tilespmem:s5+$0x850] =	vst @p1 v2;
	v2 =	vadd.f32 @p1 v25, v23  }
0x375: {  	v47 =	vadd.f32 v39, v7;
	v33 =	vadd.f32 v46, v9  }
0x376: {  	v25 =	vadd.f32 @p3 v29, v49;
	v38 =	vld @p1 [tilespmem:$0x7D60];
	[tilespmem:s11+$0x850] =	vst @p1 v2;
	v2 =	vadd.f32 @p3 v32, v35;
	v29 =	vmul.f32 @p2 v3, v22  }
0x377: {  	v4 =	vmul.f32 v47, v4  }
0x378: {  	v48 =	vmul.f32 v33, v60;
	v33 =	vld @p1 [tilespmem:$0x7D60];
	[tilespmem:s9+$0xC00] =	vst @p3 v2;
	v2 =	vmul.f32 @p3 v25, v28;
	v25 =	vadd.f32 @p2 v29, v21  }
0x379: {  	v37 =	vmul.f32 @p2 v30, v1;
	v4 =	vadd.f32 v4, v8  }
0x37a: {  	v59 =	vadd.f32 v48, v10;
	v3 =	vmul.f32 @p2 v25, v3  }
0x37b: {  	v28 =	vmov @p2 v42;
	v32 =	vadd.f32 @p2 v37, v27;
	[tilespmem:s20+$0x850] =	vst v4;
	v4 =	vmul.f32 @p1 v38, v20  }
0x37c: {  	v2 =	vadd.f32 @p3 v2, v40;
	v3 =	vadd.f32 @p2 v3, v28  }
0x37d: {  	v29 =	vld @p3 [tilespmem:$0x7D90];
	v30 =	vmul.f32 @p2 v32, v30;
	v4 =	vadd.f32 @p1 v4, v19;
	v32 =	vmul.f32 @p1 v33, v0  }
0x37e: {  	v39 =	vmov @p2 v43;
	[tilespmem:s1+$0x850] =	vst v59;
	v60 =	vld [tilespmem:$0x7D60]  }
0x37f: {  	[tilespmem:s10+$0x870] =	vst @p3 v2;
	v2 =	vadd.f32 @p2 v30, v39;
	v4 =	vmul.f32 @p1 v4, v38;
	v30 =	vadd.f32 @p1 v32, v26  }
0x380: {  	[tilespmem:s6+$0x860] =	vst @p2 v3;
	v3 =	vmov @p1 v18  }
0x381: {  	v46 =	vld [tilespmem:$0x7D60];
	[tilespmem:s3+$0x860] =	vst @p2 v2;
	v2 =	vadd.f32 @p1 v4, v3;
	v4 =	vmul.f32 @p1 v30, v33  }
0x382: {  	v32 =	vmul.f32 @p3 v29, v53  }
0x383: {  	v42 =	vld @p2 [tilespmem:$0x7D70];
	v47 =	vmul.f32 v60, v15;
	[tilespmem:s5+$0x860] =	vst @p1 v2;
	v2 =	vadd.f32 @p1 v4, v23  }
0x384: {  	v30 =	vadd.f32 @p3 v32, v52;
	v32 =	vld @p2 [tilespmem:$0x7D70]  }
0x385: {  	v4 =	vadd.f32 v47, v7;
	v43 =	vld @p1 [tilespmem:$0x7D70];
	[tilespmem:s11+$0x860] =	vst @p1 v2  }
0x386: {  	v48 =	vmul.f32 v46, v24;
	v59 =	vld [tilespmem:$0x1FF60]  }
0x387: {  	v2 =	vmul.f32 v4, v60  }
0x388: {  	v33 =	vadd.f32 v48, v9  }
0x389: {  	v2 =	vadd.f32 v2, v8  }
0x38a: {  	v14 =	vpsel p2, v1, v14;
	v18 =	vmovc @p3 v50;
	v50 =	vmul.f32 v33, v46;
	v4 =	vmul.f32 @p2 v42, v22;
	v1 =	vld @p1 [tilespmem:$0x7D70]  }
0x38b: {  	v29 =	vmul.f32 @p3 v30, v29;
	[tilespmem:s20+$0x860] =	vst v2;
	v2 =	vmul.f32 @p1 v43, v20;
	v32 =	vpsel p2, v32, v59  }
0x38c: {  	v25 =	vadd.f32 v50, v10;
	v4 =	vadd.f32 @p2 v4, v21;
	v33 =	vmul.f32 @p2 v32, v14  }
0x38d: {  	v37 =	vpsel p2, v27, v16;
	v38 =	vld @p3 [tilespmem:$0x7D80];
	v2 =	vadd.f32 @p1 v2, v19  }
0x38e: {  	v16 =	vadd.f32 @p3 v29, v35;
	[tilespmem:s1+$0x860] =	vst v25;
	v4 =	vmul.f32 @p2 v4, v42;
	v60 =	vld [tilespmem:$0x7D70];
	v29 =	vadd.f32 @p2 v33, v37  }
0x38f: {  	v46 =	vld [tilespmem:$0x7D70];
	v2 =	vmul.f32 @p1 v2, v43;
	v33 =	vpsel p1, v0, v5;
	v0 =	vpsel p1, v1, v63  }
0x390: {  	s2 =	smov.u32 @p3 s9;
	v1 =	vadd.f32 @p2 v4, v28;
	v4 =	vmul.f32 @p2 v29, v32;
	v29 =	vmul.f32 @p1 v0, v33  }
0x391: {  	[tilespmem:s2+$0xC10] =	vst @p3 v16;
	v25 =	vpsel p2, v39, v17;
	v2 =	vadd.f32 @p1 v2, v3;
	v32 =	vpsel p1, v26, v6  }
0x392: {  	v30 =	vmul.f32 @p3 v38, v18;
	[tilespmem:s6+$0x870] =	vst @p2 v1;
	v1 =	vadd.f32 @p2 v4, v25;
	v4 =	vadd.f32 @p1 v29, v32  }
0x393: {  	s22 =	smov.u32 @p2 s3;
	v47 =	vmul.f32 v60, v15;
	[tilespmem:s5+$0x870] =	vst @p1 v2  }
0x394: {  	v27 =	vadd.f32 @p3 v30, v49;
	[tilespmem:s22+$0x870] =	vst @p2 v1;
	v0 =	vmul.f32 @p1 v4, v0;
	v4 =	vmul.f32 v46, v24  }
0x395: {  	v2 =	vadd.f32 v47, v7;
	v50 =	vld [tilespmem:$0x1FFD0]  }
0x396: {  	v17 =	vmul.f32 @p3 v27, v38;
	v4 =	vadd.f32 v4, v9  }
0x397: {  	v16 =	vld @p3 [tilespmem:$0x7DA0];
	v2 =	vmul.f32 v2, v60  }
0x398: {  	v17 =	vadd.f32 @p3 v17, v40;
	v26 =	vld @p2 [tilespmem:$0x7D80];
	v4 =	vmul.f32 v4, v46  }
0x399: {  	s9 =	smov.u32 @p3 s10;
	v29 =	vld @p1 [tilespmem:$0x7D80];
	v2 =	vadd.f32 v2, v8  }
0x39a: {  	[tilespmem:s9+$0xC00] =	vst @p3 v17;
	v27 =	vpsel p1, v23, v50;
	v4 =	vadd.f32 v4, v10  }
0x39b: {  	[tilespmem:s20+$0x870] =	vst v2;
	v23 =	vadd.f32 @p1 v0, v27  }
0x39c: {  	s3 =	smov.u32 s19;
	s19 =	smov.u32 @p1 s11;
	v1 =	vmov @p3 v53;
	[tilespmem:s1+$0x870] =	vst v4  }
0x39d: {  	v43 =	vmul.f32 @p2 v26, v22;
	v39 =	vmul.f32 @p3 v16, v1;
	[tilespmem:s19+$0x870] =	vst @p1 v23  }
0x39e: {  	v2 =	vmul.f32 @p1 v29, v20;
	v0 =	vmov @p3 v52;
	v52 =	vld [tilespmem:$0x1FF50]  }
0x39f: {  	v38 =	vld @p2 [tilespmem:$0x7D80];
	v23 =	vadd.f32 @p3 v39, v0;
	v39 =	vadd.f32 @p2 v43, v21  }
0x3a0: {  	v2 =	vadd.f32 @p1 v2, v19  }
0x3a1: {  	v43 =	vmul.f32 @p3 v23, v16;
	v26 =	vmul.f32 @p2 v39, v26  }
0x3a2: {  	v2 =	vmul.f32 @p1 v2, v29  }
0x3a3: {  	v17 =	vmovc @p2 v14;
	v14 =	vld @p1 [tilespmem:$0x7D80];
	v23 =	vpsel p2, v28, v11;
	v29 =	vadd.f32 @p3 v43, v35;
	v26 =	vpsel p2, v26, v52  }
0x3a4: {  	v30 =	vld @p3 [tilespmem:$0x7D90];
	v42 =	vmul.f32 @p2 v38, v17;
	v26 =	vadd.f32 @p2 v26, v23  }
0x3a5: {  	s21 =	smov.u32 @p2 s6;
	v48 =	vld [tilespmem:$0x7D80];
	[tilespmem:s2+$0xC20] =	vst @p3 v29  }
0x3a6: {  	v39 =	vadd.f32 @p2 v42, v37;
	v11 =	vld [tilespmem:$0x7D80];
	[tilespmem:s21+$0xC00] =	vst @p2 v26  }
0x3a7: {  	v16 =	vmov @p1 v33;
	v47 =	vld [tilespmem:$0x1FFB0]  }
0x3a8: {  	v33 =	vmul.f32 @p2 v39, v38;
	v38 =	vmul.f32 @p1 v14, v16  }
0x3a9: {  	v4 =	vmul.f32 @p3 v30, v18  }
0x3aa: {  	v2 =	vpsel p1, v2, v61;
	v28 =	vmov @p3 v49;
	v38 =	vadd.f32 @p1 v38, v32  }
0x3ab: {  	v53 =	vmul.f32 v48, v15;
	v4 =	vadd.f32 @p3 v4, v28;
	v33 =	vadd.f32 @p2 v33, v25  }
0x3ac: {  	v59 =	vmul.f32 v11, v24;
	v26 =	vpsel p1, v3, v47;
	v3 =	vmul.f32 @p1 v38, v14  }
0x3ad: {  	s11 =	smov.u32 @p2 s22;
	v60 =	vadd.f32 v53, v7;
	v2 =	vadd.f32 @p1 v2, v26  }
0x3ae: {  	s0 =	smov.u32 s18;
	s18 =	smov.u32 @p1 s5;
	v4 =	vmul.f32 @p3 v4, v30;
	v29 =	vld @p2 [tilespmem:$0x7D90];
	[tilespmem:s11+$0xC00] =	vst @p2 v33;
	v14 =	vadd.f32 v59, v9;
	v3 =	vadd.f32 @p1 v3, v27  }
0x3af: {  	s10 =	smov.u32 @p1 s19;
	v33 =	vld @p3 [tilespmem:$0x7DB0];
	[tilespmem:s18+$0xC00] =	vst @p1 v2;
	v2 =	vmul.f32 v60, v48  }
0x3b0: {  	v4 =	vadd.f32 @p3 v4, v40;
	[tilespmem:s10+$0xC00] =	vst @p1 v3;
	v3 =	vmul.f32 v14, v11  }
0x3b1: {  	v30 =	vld @p2 [tilespmem:$0x7D90];
	v2 =	vadd.f32 v2, v8  }
0x3b2: {  	v12 =	vpsel p2, v22, v12;
	[tilespmem:s9+$0xC10] =	vst @p3 v4;
	v22 =	vld @p1 [tilespmem:$0x7D90];
	v3 =	vadd.f32 v3, v10  }
0x3b3: {  	v11 =	vmul.f32 @p2 v29, v12;
	v14 =	vld @p1 [tilespmem:$0x7D90];
	[tilespmem:s20+$0xC00] =	vst v2  }
0x3b4: {  	v4 =	vpsel p2, v21, v13;
	v38 =	vmul.f32 @p3 v33, v1;
	v46 =	vld [tilespmem:$0x1FFA0];
	[tilespmem:s1+$0xC00] =	vst v3  }
0x3b5: {  	v11 =	vadd.f32 @p2 v11, v4;
	v48 =	vld [tilespmem:$0x1FFC0]  }
0x3b6: {  	v13 =	vld @p3 [tilespmem:$0x7DA0];
	v39 =	vmul.f32 @p2 v30, v17;
	v2 =	vadd.f32 @p3 v38, v0  }
0x3b7: {  	v21 =	vmov @p2 v37;
	v3 =	vmul.f32 @p2 v11, v29  }
0x3b8: {  	v11 =	vadd.f32 @p2 v39, v21;
	v2 =	vmul.f32 @p3 v2, v33  }
0x3b9: {  	v61 =	vld [tilespmem:$0x7D90];
	v39 =	vmul.f32 @p1 v14, v16;
	v3 =	vadd.f32 @p2 v3, v23;
	v20 =	vpsel p1, v20, v46  }
0x3ba: {  	v63 =	vld [tilespmem:$0x7D90];
	v11 =	vmul.f32 @p2 v11, v30;
	v29 =	vmul.f32 @p1 v22, v20;
	v33 =	vpsel p1, v19, v48;
	v19 =	vmovc @p1 v32  }
0x3bb: {  	s6 =	smov.u32 @p2 s21;
	v30 =	vmul.f32 @p3 v13, v18;
	v2 =	vadd.f32 @p3 v2, v35;
	v32 =	vadd.f32 @p1 v39, v19  }
0x3bc: {  	[tilespmem:s6+$0xC10] =	vst @p2 v3;
	v3 =	vadd.f32 @p2 v11, v25;
	v29 =	vadd.f32 @p1 v29, v33  }
0x3bd: {  	[tilespmem:s2+$0xC30] =	vst @p3 v2;
	v2 =	vadd.f32 @p3 v30, v28;
	v14 =	vmul.f32 @p1 v32, v14  }
0x3be: {  	v42 =	vmul.f32 v61, v15;
	[tilespmem:s11+$0xC10] =	vst @p2 v3;
	v11 =	vmul.f32 @p1 v29, v22;
	v29 =	vld @p2 [tilespmem:$0x7DA0]  }
0x3bf: {  	v43 =	vmul.f32 v63, v24;
	v2 =	vmul.f32 @p3 v2, v13;
	v22 =	vld @p2 [tilespmem:$0x7DA0];
	v13 =	vadd.f32 @p1 v14, v27  }
0x3c0: {  	v32 =	vld @p3 [tilespmem:$0x7DC0];
	v3 =	vadd.f32 @p1 v11, v26;
	v11 =	vadd.f32 v42, v7  }
0x3c1: {  	s5 =	smov.u32 @p1 s18;
	v49 =	vadd.f32 v43, v9;
	[tilespmem:s10+$0xC10] =	vst @p1 v13  }
0x3c2: {  	v2 =	vadd.f32 @p3 v2, v40;
	[tilespmem:s5+$0xC10] =	vst @p1 v3;
	v3 =	vmul.f32 v11, v61  }
0x3c3: {  	v11 =	vmul.f32 v49, v63;
	v30 =	vld @p1 [tilespmem:$0x7DA0];
	v14 =	vmul.f32 @p2 v29, v12;
	v13 =	vmovc @p2 v4;
	v4 =	vadd.f32 @p4 v58, v31  }
0x3c4: {  	[tilespmem:s9+$0xC20] =	vst @p3 v2;
	v37 =	vld @p1 [tilespmem:$0x7DA0];
	v42 =	vmul.f32 @p2 v22, v17;
	v3 =	vadd.f32 v3, v8  }
0x3c5: {  	v39 =	vld @p3 [tilespmem:$0x7DB0];
	v38 =	vmul.f32 @p3 v32, v1;
	v2 =	vadd.f32 v11, v10;
	v14 =	vadd.f32 @p2 v14, v13;
	[tilespmem:s8+$0xC40] =	vst @p4 v4  }
0x3c6: {  	v4 =	vadd.f32 @p2 v42, v21;
	[tilespmem:s20+$0xC10] =	vst v3  }
0x3c7: {  	v3 =	vadd.f32 @p3 v38, v0;
	v11 =	vmov @p1 v20;
	[tilespmem:s1+$0xC10] =	vst v2;
	v43 =	vld @p4 [tilespmem:$0x7DD0];
	v2 =	vmul.f32 @p2 v14, v29  }
0x3c8: {  	v53 =	vld [tilespmem:$0x7DA0];
	v4 =	vmul.f32 @p2 v4, v22;
	v29 =	vmul.f32 @p1 v30, v11  }
0x3c9: {  	v52 =	vld [tilespmem:$0x7DA0];
	v3 =	vmul.f32 @p3 v3, v32;
	v32 =	vmul.f32 @p1 v37, v16;
	v14 =	vmovc @p1 v33;
	v2 =	vadd.f32 @p2 v2, v23  }
0x3ca: {  	[tilespmem:s4+$0xC60] =	vst @p4 v57;
	v22 =	vadd.f32 @p1 v29, v14;
	v29 =	vmul.f32 @p3 v39, v18  }
0x3cb: {  	v33 =	vld @p4 [tilespmem:$0x7DF0];
	v32 =	vadd.f32 @p1 v32, v19;
	[tilespmem:s6+$0xC20] =	vst @p2 v2;
	v2 =	vadd.f32 @p2 v4, v25  }
0x3cc: {  	v20 =	vmov @p3 v35;
	v4 =	vmul.f32 @p1 v22, v30;
	v29 =	vadd.f32 @p3 v29, v28;
	v30 =	vld @p2 [tilespmem:$0x7DB0]  }
0x3cd: {  	v3 =	vadd.f32 @p3 v3, v20;
	v32 =	vmul.f32 @p1 v32, v37;
	v59 =	vmul.f32 v53, v24;
	[tilespmem:s11+$0xC20] =	vst @p2 v2  }
0x3ce: {  	v58 =	vmul.f32 v52, v15;
	v2 =	vmul.f32 @p4 v43, v34;
	v4 =	vadd.f32 @p1 v4, v26;
	v37 =	vld @p2 [tilespmem:$0x7DB0]  }
0x3cf: {  	[tilespmem:s2+$0xC40] =	vst @p3 v3;
	v3 =	vmul.f32 @p3 v29, v39;
	v32 =	vadd.f32 @p1 v32, v27;
	v35 =	vadd.f32 v59, v9  }
0x3d0: {  	v38 =	vmovc @p3 v40;
	v22 =	vadd.f32 v58, v7;
	[tilespmem:s5+$0xC20] =	vst @p1 v4;
	v4 =	vmul.f32 @p4 v33, v36;
	v29 =	vmov @p4 v44;
	v36 =	vld @p3 [tilespmem:$0x7DD0]  }
0x3d1: {  	v3 =	vadd.f32 @p3 v3, v38;
	[tilespmem:s10+$0xC20] =	vst @p1 v32;
	v35 =	vmul.f32 v35, v53;
	v32 =	vld @p1 [tilespmem:$0x7DB0];
	v40 =	vmul.f32 @p2 v30, v12  }
0x3d2: {  	v22 =	vmul.f32 v22, v52;
	v2 =	vadd.f32 @p4 v2, v29;
	v4 =	vadd.f32 @p4 v4, v41  }
0x3d3: {  	[tilespmem:s9+$0xC30] =	vst @p3 v3;
	v3 =	vadd.f32 v35, v10;
	v40 =	vadd.f32 @p2 v40, v13;
	v41 =	vmul.f32 @p2 v37, v17  }
0x3d4: {  	v39 =	vadd.f32 @p5 v56, v45;
	v42 =	vld @p1 [tilespmem:$0x7DB0];
	v22 =	vadd.f32 v22, v8;
	v2 =	vmul.f32 @p4 v2, v43  }
0x3d5: {  	[tilespmem:s1+$0xC20] =	vst v3;
	v3 =	vmul.f32 @p2 v40, v30;
	v30 =	vadd.f32 @p2 v41, v21;
	v41 =	vmul.f32 @p3 v36, v1  }
0x3d6: {  	v35 =	vld @p3 [tilespmem:$0x7DC0];
	[tilespmem:s20+$0xC20] =	vst v22;
	v22 =	vmul.f32 @p5 v39, v55;
	v2 =	vadd.f32 @p4 v2, v31;
	v39 =	vmul.f32 @p1 v32, v11;
	_ =	sdelay $0x1  }
0x3d7: {  	v60 =	vld [tilespmem:$0x7DB0];
	[tilespmem:s8+$0xC50] =	vst @p4 v2;
	v2 =	vadd.f32 @p2 v3, v23;
	v3 =	vmul.f32 @p2 v30, v37;
	v30 =	vadd.f32 @p1 v39, v14  }
0x3d8: {  	v61 =	vld [tilespmem:$0x7DB0];
	v43 =	vmul.f32 @p1 v42, v16;
	v37 =	vadd.f32 @p3 v41, v0;
	v41 =	vmov @p2 v25  }
0x3d9: {  	[tilespmem:s6+$0xC30] =	vst @p2 v2;
	v2 =	vadd.f32 @p2 v3, v41;
	v3 =	vmul.f32 @p1 v30, v32  }
0x3da: {  	v39 =	vmul.f32 @p3 v35, v18;
	v25 =	vadd.f32 @p1 v43, v19;
	_ =	sdelay $0x1  }
0x3db: {  	v63 =	vmul.f32 v60, v15;
	v32 =	vadd.f32 @p3 v39, v28;
	v25 =	vmul.f32 @p1 v25, v42  }
0x3dc: {  	v39 =	vld @p2 [tilespmem:$0x7DC0];
	v45 =	vmul.f32 v61, v24;
	[tilespmem:s11+$0xC30] =	vst @p2 v2;
	v2 =	vadd.f32 @p1 v3, v26;
	v3 =	vmov @p1 v27  }
0x3dd: {  	v43 =	vld @p4 [tilespmem:$0x7DE0];
	v49 =	vadd.f32 v63, v7;
	v25 =	vadd.f32 @p1 v25, v3  }
0x3de: {  	v30 =	vmul.f32 @p3 v37, v36;
	v52 =	vadd.f32 v45, v9;
	v36 =	vld @p2 [tilespmem:$0x7DC0];
	[tilespmem:s5+$0xC30] =	vst @p1 v2  }
0x3df: {  	v4 =	vmul.f32 @p4 v4, v33;
	v2 =	vmul.f32 v49, v60;
	v33 =	vld @p1 [tilespmem:$0x7DC0];
	[tilespmem:s10+$0xC30] =	vst @p1 v25  }
0x3e0: {  	v22 =	vadd.f32 @p5 v22, v54;
	v53 =	vmul.f32 v52, v61;
	v54 =	vld [tilespmem:$0x1FF40]  }
0x3e1: {  	v37 =	vmul.f32 @p2 v39, v12;
	v2 =	vadd.f32 v2, v8  }
0x3e2: {  	v32 =	vmul.f32 @p3 v32, v35;
	v27 =	vmul.f32 @p4 v43, v34;
	v35 =	vadd.f32 v53, v10  }
0x3e3: {  	v30 =	vadd.f32 @p3 v30, v20;
	v25 =	vpsel p3, v38, v50;
	v37 =	vadd.f32 @p2 v37, v13;
	v38 =	vld @p1 [tilespmem:$0x7DC0];
	[tilespmem:s20+$0xC30] =	vst v2  }
0x3e4: {  	v28 =	vpsel p3, v28, v6;
	v27 =	vadd.f32 @p4 v27, v29;
	v2 =	vmul.f32 @p2 v36, v17;
	[tilespmem:s1+$0xC30] =	vst v35;
	v55 =	vld [tilespmem:$0x7DC0]  }
0x3e5: {  	[tilespmem:s2+$0xC50] =	vst @p3 v30;
	v30 =	vmul.f32 @p2 v37, v39;
	v56 =	vld [tilespmem:$0x7DC0];
	v35 =	vmul.f32 @p1 v33, v11;
	v32 =	vpsel p3, v32, v54  }
0x3e6: {  	v6 =	vmovc @p2 v23;
	v40 =	vmul.f32 @p4 v27, v43;
	v2 =	vadd.f32 @p2 v2, v21;
	v27 =	vadd.f32 @p3 v32, v25  }
0x3e7: {  	s3 =	smov.u32 @p3 s9;
	v30 =	vadd.f32 @p2 v30, v6;
	v35 =	vadd.f32 @p1 v35, v14  }
0x3e8: {  	v39 =	vld @p3 [tilespmem:$0x7DE0];
	v2 =	vmul.f32 @p2 v2, v36;
	v23 =	vmul.f32 @p1 v38, v16;
	[tilespmem:s3+$0xC40] =	vst @p3 v27  }
0x3e9: {  	v18 =	vpsel p3, v18, v5;
	[tilespmem:s6+$0xC40] =	vst @p2 v30;
	v30 =	vmul.f32 @p1 v35, v33;
	v57 =	vmul.f32 v55, v15;
	v36 =	vld @p3 [tilespmem:$0x7DD0]  }
0x3ea: {  	v5 =	vmovc @p1 v26;
	v2 =	vpsel p2, v2, v0;
	v58 =	vmul.f32 v56, v24;
	v23 =	vadd.f32 @p1 v23, v19  }
0x3eb: {  	v27 =	vpsel p2, v41, v0;
	v30 =	vadd.f32 @p1 v30, v5;
	v33 =	vadd.f32 v57, v7  }
0x3ec: {  	v35 =	vld @p2 [tilespmem:$0x7DD0];
	v2 =	vadd.f32 @p2 v2, v27  }
0x3ed: {  	s9 =	smov.u32 @p2 s11;
	v59 =	vadd.f32 v58, v9;
	v26 =	vmul.f32 @p1 v23, v38;
	[tilespmem:s5+$0xC40] =	vst @p1 v30;
	v32 =	vmul.f32 v33, v55  }
0x3ee: {  	v3 =	vpsel p1, v3, v0;
	v41 =	vmul.f32 @p3 v39, v1;
	[tilespmem:s9+$0xC40] =	vst @p2 v2;
	v2 =	vmul.f32 @p3 v36, v18  }
0x3ef: {  	v23 =	vmovc @p3 v28;
	v26 =	vpsel p1, v26, v0;
	v28 =	vmul.f32 v59, v56;
	v30 =	vld @p2 [tilespmem:$0x7DD0];
	v32 =	vadd.f32 v32, v8  }
0x3f0: {  	v33 =	vld @p1 [tilespmem:$0x7DD0];
	v26 =	vadd.f32 @p1 v26, v3;
	v2 =	vadd.f32 @p3 v2, v23  }
0x3f1: {  	s10 =	smov.u32 @p1 s10;
	v37 =	vadd.f32 @p3 v41, v0;
	v38 =	vmul.f32 @p2 v35, v12;
	v60 =	vadd.f32 v28, v10;
	[tilespmem:s20+$0xC40] =	vst v32  }
0x3f2: {  	[tilespmem:s10+$0xC40] =	vst @p1 v26;
	v61 =	vld [tilespmem:$0x7DD0];
	v2 =	vmul.f32 @p3 v2, v36  }
0x3f3: {  	v17 =	vpsel p2, v17, v0;
	v28 =	vmul.f32 @p3 v37, v39;
	v37 =	vld @p1 [tilespmem:$0x7DD0];
	[tilespmem:s1+$0xC40] =	vst v60;
	v36 =	vadd.f32 @p2 v38, v13  }
0x3f4: {  	v21 =	vpsel p2, v21, v0;
	v63 =	vld [tilespmem:$0x7DD0];
	v32 =	vmul.f32 @p2 v30, v17;
	v2 =	vadd.f32 @p3 v2, v25  }
0x3f5: {  	v26 =	vadd.f32 @p4 v40, v31;
	v35 =	vmul.f32 @p2 v36, v35;
	v36 =	vmul.f32 @p1 v33, v11  }
0x3f6: {  	v16 =	vpsel p1, v16, v0;
	v19 =	vpsel p1, v19, v0;
	[tilespmem:s3+$0xC50] =	vst @p3 v2;
	v2 =	vadd.f32 @p2 v32, v21  }
0x3f7: {  	[tilespmem:s8+$0xC60] =	vst @p4 v26;
	v44 =	vmul.f32 v61, v15;
	v32 =	vadd.f32 @p2 v35, v6;
	v35 =	vadd.f32 @p1 v36, v14;
	v26 =	vld @p3 [tilespmem:$0x7DE0]  }
0x3f8: {  	v28 =	vadd.f32 @p3 v28, v20;
	v36 =	vld @p4 [tilespmem:$0x7DF0];
	v2 =	vmul.f32 @p2 v2, v30;
	v30 =	vmul.f32 @p1 v37, v16  }
0x3f9: {  	v45 =	vmul.f32 v63, v24;
	[tilespmem:s6+$0xC50] =	vst @p2 v32;
	v32 =	vmul.f32 @p1 v35, v33;
	v33 =	vadd.f32 v44, v7  }
0x3fa: {  	s0 =	smov.u32 @p3 s2;
	v28 =	vpsel p3, v28, v62;
	v35 =	vld @p2 [tilespmem:$0x7DE0];
	v2 =	vadd.f32 @p2 v2, v27;
	v30 =	vadd.f32 @p1 v30, v19  }
0x3fb: {  	[tilespmem:s0+$0xC60] =	vst @p3 v28;
	v49 =	vadd.f32 v45, v9;
	v32 =	vadd.f32 @p1 v32, v5;
	v33 =	vmul.f32 v33, v61  }
0x3fc: {  	[tilespmem:s9+$0xC50] =	vst @p2 v2;
	v2 =	vmul.f32 @p1 v30, v37;
	v30 =	vmul.f32 @p3 v26, v18  }
0x3fd: {  	[tilespmem:s5+$0xC50] =	vst @p1 v32;
	v32 =	vmul.f32 @p4 v36, v34;
	v37 =	vmul.f32 v49, v63;
	v33 =	vadd.f32 v33, v8;
	v34 =	vld @p2 [tilespmem:$0x7DE0]  }
0x3fe: {  	v38 =	vld @p3 [tilespmem:$0x7DF0];
	v28 =	vadd.f32 @p3 v30, v23;
	v2 =	vadd.f32 @p1 v2, v3  }
0x3ff: {  	s2 =	smov.u32 @p1 s10;
	v30 =	vld @p1 [tilespmem:$0x7DE0];
	v39 =	vmul.f32 @p2 v35, v12;
	v50 =	vadd.f32 v37, v10;
	[tilespmem:s20+$0xC50] =	vst v33  }
0x400: {  	v4 =	vadd.f32 @p4 v4, v51;
	v0 =	vpsel p3, v0, v48;
	v51 =	vld [tilespmem:$0x7DE0];
	v26 =	vmul.f32 @p3 v28, v26;
	[tilespmem:s2+$0xC50] =	vst @p1 v2  }
0x401: {  	v2 =	vpsel p4, v29, v0;
	v29 =	vpsel p4, v32, v0;
	v32 =	vadd.f32 @p2 v39, v13;
	[tilespmem:s1+$0xC50] =	vst v50;
	v33 =	vld @p1 [tilespmem:$0x7DE0]  }
0x402: {  	v1 =	vpsel p3, v1, v46;
	v52 =	vld [tilespmem:$0x7DE0];
	v26 =	vadd.f32 @p3 v26, v25;
	v37 =	vmul.f32 @p2 v34, v17  }
0x403: {  	v1 =	vmul.f32 @p3 v38, v1;
	v2 =	vadd.f32 @p4 v29, v2;
	v29 =	vmul.f32 @p2 v32, v35  }
0x404: {  	v32 =	vmul.f32 @p1 v30, v11;
	[tilespmem:s3+$0xC60] =	vst @p3 v26;
	v26 =	vpsel p4, v36, v0;
	v36 =	vadd.f32 @p2 v37, v21  }
0x405: {  	v29 =	vadd.f32 @p2 v29, v6;
	v0 =	vadd.f32 @p3 v1, v0;
	v2 =	vmul.f32 @p4 v2, v26  }
0x406: {  	v26 =	vld @p3 [tilespmem:$0x7DF0];
	v32 =	vadd.f32 @p1 v32, v14;
	v1 =	vmul.f32 @p2 v36, v34;
	v34 =	vmul.f32 @p1 v33, v16  }
0x407: {  	s6 =	smov.u32 @p2 s6;
	v53 =	vmul.f32 v51, v15;
	v29 =	vpsel p2, v29, v0;
	v54 =	vmul.f32 v52, v24  }
0x408: {  	v30 =	vmul.f32 @p1 v32, v30;
	[tilespmem:s6+$0xC60] =	vst @p2 v29;
	v1 =	vadd.f32 @p2 v1, v27;
	v29 =	vadd.f32 @p1 v34, v19  }
0x409: {  	v0 =	vmul.f32 @p3 v0, v38;
	v32 =	vadd.f32 v53, v7  }
0x40a: {  	v36 =	vld @p2 [tilespmem:$0x7DF0];
	v55 =	vadd.f32 v54, v9;
	v30 =	vadd.f32 @p1 v30, v5;
	[tilespmem:s9+$0xC60] =	vst @p2 v1;
	v1 =	vmul.f32 @p1 v29, v33  }
0x40b: {  	v20 =	vpsel p3, v20, v47;
	v28 =	vmul.f32 v32, v51;
	v18 =	vmul.f32 @p3 v26, v18  }
0x40c: {  	s5 =	smov.u32 @p1 s5;
	v29 =	vmul.f32 v55, v52;
	v30 =	vpsel p1, v30, v0;
	v1 =	vadd.f32 @p1 v1, v3  }
0x40d: {  	v23 =	vpsel p3, v23, v0;
	v12 =	vpsel p2, v12, v0;
	v28 =	vadd.f32 v28, v8;
	[tilespmem:s5+$0xC60] =	vst @p1 v30;
	v30 =	vld @p2 [tilespmem:$0x7DF0]  }
0x40e: {  	v18 =	vpsel p3, v18, v0;
	v29 =	vadd.f32 v29, v10;
	[tilespmem:s2+$0xC60] =	vst @p1 v1;
	v1 =	vpsel p4, v31, v0  }
0x40f: {  	v18 =	vadd.f32 @p3 v18, v23;
	v23 =	vld @p1 [tilespmem:$0x7DF0];
	v12 =	vmul.f32 @p2 v36, v12;
	[tilespmem:s20+$0xC60] =	vst v28;
	v1 =	vadd.f32 @p4 v2, v1  }
0x410: {  	v56 =	vld [tilespmem:$0x7DF0];
	v2 =	vpsel p2, v13, v0;
	v13 =	vpsel p3, v26, v0;
	v0 =	vadd.f32 @p3 v0, v20  }
0x411: {  	[tilespmem:s1+$0xC60] =	vst v29;
	v26 =	vld @p1 [tilespmem:$0x7DF0];
	v2 =	vadd.f32 @p2 v12, v2;
	v12 =	vmul.f32 @p3 v18, v13  }
0x412: {  	v57 =	vld [tilespmem:$0x7DF0];
	v18 =	vpsel p3, v25, v0;
	v17 =	vmul.f32 @p2 v30, v17;
	v11 =	vpsel p1, v11, v0  }
0x413: {  	v14 =	vpsel p1, v14, v0;
	v6 =	vpsel p2, v6, v0;
	v12 =	vadd.f32 @p3 v12, v18  }
0x414: {  	v11 =	vmul.f32 @p1 v23, v11;
	v18 =	vpsel p2, v21, v0;
	v17 =	vpsel p2, v17, v0  }
0x415: {  	v2 =	vmul.f32 @p2 v2, v36;
	v58 =	vmul.f32 v56, v15;
	v17 =	vadd.f32 @p2 v17, v18  }
0x416: {  	v11 =	vadd.f32 @p1 v11, v14;
	v14 =	vmul.f32 @p1 v26, v16;
	v16 =	vpsel p2, v30, v0  }
0x417: {  	[tilespmem:s4+$0xC70] =	vst @p4 v4;
	s4 =	smov.u32 @p4 s8;
	v18 =	vpsel p1, v19, v0;
	v59 =	vmul.f32 v57, v24;
	v2 =	vadd.f32 @p2 v2, v6  }
0x418: {  	[tilespmem:s4+$0xC70] =	vst @p4 v1;
	v14 =	vpsel p1, v14, v0;
	v4 =	vmul.f32 @p2 v17, v16;
	v1 =	vmul.f32 @p1 v11, v23  }
0x419: {  	[tilespmem:s0+$0xC70] =	vst @p3 v0;
	v9 =	vadd.f32 v59, v9;
	v0 =	vpsel p2, v27, v0;
	v6 =	vadd.f32 @p1 v14, v18  }
0x41a: {  	[tilespmem:s7+$0xC70] =	vst @p5 v22;
	s0 =	smov.u32 @p3 s3;
	v5 =	vpsel p1, v5, v0;
	v11 =	vpsel p1, v26, v0;
	v0 =	vadd.f32 @p2 v4, v0  }
0x41b: {  	[tilespmem:s0+$0xC70] =	vst @p3 v12;
	v7 =	vadd.f32 v58, v7;
	v4 =	vmul.f32 @p1 v6, v11  }
0x41c: {  	s0 =	smov.u32 @p2 s9;
	[tilespmem:s6+$0xC70] =	vst @p2 v2;
	v1 =	vadd.f32 @p1 v1, v5;
	v5 =	vmul.f32 v9, v57;
	v2 =	vpsel p1, v3, v0  }
0x41d: {  	v3 =	vmul.f32 v7, v56;
	[tilespmem:s0+$0xC70] =	vst @p2 v0;
	v0 =	vadd.f32 @p1 v4, v2  }
0x41e: {  	s14 =	simm.s32 $0x30;
	s0 =	smov.u32 @p1 s2;
	[tilespmem:s5+$0xC70] =	vst @p1 v1;
	v2 =	vadd.f32 v5, v10  }
0x41f: {  	v4 =	vmov s14;
	v1 =	vadd.f32 v3, v8;
	[tilespmem:s0+$0xC70] =	vst @p1 v0  }
0x420: {  	s18 =	simm.s32 $0x0;
	s11 =	sor.u32 $0x1, s17;
	v4 =	vmul.u32 $0x38, v4;
	[tilespmem:s1+$0xC70] =	vst v2  }
0x421: {  	v0 =	vmov s18;
	v2 =	vmov s11;
	[tilespmem:s20+$0xC70] =	vst v1  }
0x422: {  	s13 =	simm.s32 $0x10;
	v5 =	vmul.u32 $0x38, v0;
	v0 =	vand.u32 $0x3F, v2;
	v2 =	vbroadcast v4, $0x0;
	v4 =	vld [tilespmem:$0x1FFF0]  }
0x423: {  	s16 =	simm.s32 $0x20;
	v3 =	vmov s13  }
0x424: {  	s22 =	simm.s32 $0x50;
	s21 =	simm.s32 $0x70;
	v1 =	vmul.u32 $0x38, v3;
	v3 =	vmov s16  }
0x425: {  	s12 =	sshll.u32 s28, $0x15;
	v6 =	vmov s21;
	v7 =	vmov s22;
	v3 =	vmul.u32 $0x38, v3  }
0x426: {  	s15 =	sor.u32 s31, s12;
	v6 =	vmul.u32 $0x38, v6;
	v7 =	vmul.u32 $0x38, v7  }
0x427: {  	s23 =	simm.s32 $0x60;
	s0 =	sshrl.u32 s15, $0x3;
	s20 =	simm.s32 $0x40;
	v1 =	vbroadcast v1, $0x0;
	v3 =	vbroadcast v3, $0x0;
	v0 =	vadd.s32 v4, v0  }
0x428: {  	s19 =	simm.s32 $0x7E00;
	s1 =	simm.s32 @!p0 $0x1;
	s0 =	sadd.s32 s29, s0;
	v4 =	vbroadcast v5, $0x0;
	v5 =	vmov s20;
	v2 =	vadd.s32 v2, v0  }
0x429: {  	v8 =	vmov s23;
	[hbm4b:s0+s25] =	stream.strided.scatter [tilespmem:s19], [sflag:$0x1], $0x8000, s26, s25, $0x38;
	v1 =	vadd.s32 v1, v0;
	v5 =	vmul.u32 $0x38, v5;
	[tilespmem:$0x17E00] =	vst v63  }
0x42a: {  	v6 =	vbroadcast v6, $0x0;
	v8 =	vmul.u32 $0x38, v8;
	_ =	swait.ge @!p0 [sflag:s1], $0x8000;
	v3 =	vadd.s32 v3, v0  }
0x42b: {  	v7 =	vbroadcast v7, $0x0;
	[sflag:s1] =	ssyncset.done @!p0 $0x0;
	v4 =	vadd.s32 v4, v0;
	v5 =	vbroadcast v5, $0x0  }
0x42c: {  	v8 =	vbroadcast v8, $0x0;
	[sflag:s1] =	ssyncadd.s32 @!p0 $0xFFFF8000;
	v9 =	vadd.s32 v6, v0  }
0x42d: {  	s24 =	simm.s32 $0x80;
	s26 =	simm.s32 $0xB0;
	v7 =	vadd.s32 v7, v0;
	v5 =	vadd.s32 v5, v0;
	v2 =	vld.idx.msk [tilespmem:v2+s18+$0x0], $0xffff  }
0x42e: {  	s25 =	simm.s32 $0x90;
	v60 =	vadd.s32 v8, v0;
	v8 =	vmov s26;
	v11 =	vld.idx.msk [tilespmem:v1+s18+$0x0], $0xffff;
	v1 =	vmov s24  }
0x42f: {  	s30 =	simm.s32 $0xA0;
	v8 =	vmul.u32 $0x38, v8;
	v61 =	vld.idx.msk [tilespmem:v3+s18+$0x0], $0xffff;
	v3 =	vmov s25;
	v1 =	vmul.u32 $0x38, v1  }
0x430: {  	v6 =	vld.idx.msk [tilespmem:v4+s18+$0x0], $0xffff;
	v3 =	vmul.u32 $0x38, v3;
	v4 =	vmov s30  }
0x431: {  	v8 =	vbroadcast v8, $0x0;
	v62 =	vmul.u32 $0x38, v4;
	v4 =	vld.idx.msk [tilespmem:v9+s18+$0x0], $0xffff;
	v10 =	vbroadcast v1, $0x0  }
0x432: {  	v63 =	vbroadcast v3, $0x0;
	v1 =	vld.idx.msk [tilespmem:v5+s18+$0x0], $0xffff;
	v5 =	vcvt.s32.f32 v2  }
0x433: {  	s0 =	simm.s32 $0x7C20;
	v3 =	vadd.s32 v10, v0;
	v10 =	vbroadcast v62, $0x0;
	v2 =	vld.idx.msk [tilespmem:v7+s18+$0x0], $0xffff;
	v9 =	vcvt.s32.f32 v11  }
0x434: {  	s2 =	simm.s32 $0xC0;
	s1 =	simm.s32 $0x8;
	v8 =	vadd.s32 v8, v0;
	v7 =	vadd.s32 v63, v0;
	v11 =	vcvt.s32.f32 v61;
	[tilespmem:s0+$0x10] =	vst v5;
	v5 =	vld.idx.msk [tilespmem:v60+s18+$0x0], $0xffff  }
.LBB2_19:
0x435: {  	v12 =	vmov s2;
	s3 =	sadd.s32 $0x10, s2;
	s4 =	sadd.s32 $0x30, s2;
	s1 =	sadd.s32 $0x4, s1;
	v13 =	vadd.s32 v10, v0;
	v14 =	vcvt.s32.f32 v6;
	[tilespmem:s0+$0xFFFFFFF0] =	vst v9  }
0x436: {  	v9 =	vmul.u32 $0x38, v12;
	v10 =	vmov s3;
	s3 =	sadd.s32 $0x20, s2;
	v12 =	vmov s4;
	p0 =	slt.u32 s1, $0x1C;
	[tilespmem:s0+$0x0] =	vst v11  }
.Ltmp10:
0x437: {  	v6 =	vmovc v1;
	v10 =	vmul.u32 $0x38, v10;
	v11 =	vmov s3;
	v12 =	vmul.u32 $0x38, v12;
	[tilespmem:s0+$0xFFFFFFE0] =	vst v14;
	(pc) =	sbr.rel @p0 .LBB2_19-.Ltmp10, $4  }
0x438: {  	v14 =	vcvt.s32.f32 v4;
	v9 =	vbroadcast v9, $0x0;
	v11 =	vmul.u32 $0x38, v11;
	v1 =	vld.idx.msk [tilespmem:v3+s18+$0x0], $0xffff  }
0x439: {  	s0 =	sadd.s32 $0x40, s0;
	v15 =	vbroadcast v10, $0x0;
	v12 =	vbroadcast v12, $0x0;
	v4 =	vld.idx.msk [tilespmem:v8+s18+$0x0], $0xffff  }
0x43a: {  	v3 =	vadd.s32 v9, v0;
	v10 =	vbroadcast v11, $0x0;
	v9 =	vcvt.s32.f32 v2;
	v2 =	vld.idx.msk [tilespmem:v7+s18+$0x0], $0xffff;
	[tilespmem:s0+$0x10] =	vst v14  }
0x43b: {  	s2 =	sadd.s32 $0x40, s2;
	v11 =	vcvt.s32.f32 v5;
	v7 =	vadd.s32 v15, v0;
	v8 =	vadd.s32 v12, v0;
	v5 =	vld.idx.msk [tilespmem:v13+s18+$0x0], $0xffff  }
0x43c: {  	_ =	sdelay $0x1  }
0x43d: {  	v0 =	vadd.s32 v10, v0;
	_ =	sdelay $0x1  }
0x43e: {  	v6 =	vcvt.s32.f32 v6;
	[tilespmem:s0+$0xFFFFFFF0] =	vst v9;
	v8 =	vld.idx.msk [tilespmem:v8+s18+$0x0], $0xffff  }
0x43f: {  	v7 =	vld.idx.msk [tilespmem:v7+s18+$0x0], $0xffff;
	[tilespmem:s0+$0x0] =	vst v11;
	v1 =	vcvt.s32.f32 v1  }
0x440: {  	s23 =	sadd.s32 $0x40, s0;
	v3 =	vld.idx.msk [tilespmem:v3+s18+$0x0], $0xffff;
	v4 =	vcvt.s32.f32 v4;
	[tilespmem:s0+$0xFFFFFFE0] =	vst v6  }
0x441: {  	v2 =	vcvt.s32.f32 v2;
	[tilespmem:s23+$0xFFFFFFE0] =	vst v1;
	v0 =	vld.idx.msk [tilespmem:v0+s18+$0x0], $0xffff  }
0x442: {  	[tilespmem:s23+$0x10] =	vst v4;
	v4 =	vcvt.s32.f32 v5  }
0x443: {  	[tilespmem:s23+$0xFFFFFFF0] =	vst v2;
	v60 =	vcvt.s32.f32 v8  }
0x444: {  	s0 =	sadd.s32 $0x40, s23;
	v61 =	vcvt.s32.f32 v7;
	[tilespmem:s23+$0x0] =	vst v4  }
0x445: {  	v62 =	vcvt.s32.f32 v3;
	[tilespmem:s0+$0x10] =	vst v60  }
0x446: {  	[tilespmem:s0+$0xFFFFFFF0] =	vst v61;
	v0 =	vcvt.s32.f32 v0  }
0x447: {  	[tilespmem:s0+$0xFFFFFFE0] =	vst v62  }
0x448: {  	[tilespmem:s0+$0x0] =	vst v0  }
0x449: {  	s24 =	simm.s32 $0x7030;
	v0 =	vld [tilespmem:$0x7C00]  }
0x44a: {  	v53 =	vld [tilespmem:s24+$0x20];
	_ =	sdelay $0x1  }
0x44b: {  	v51 =	vld [tilespmem:s24+$0x10]  }
0x44c: {  	v6 =	vld [tilespmem:s24+$0xFFFFFFF0];
	_ =	sdelay $0x1  }
0x44d: {  	v5 =	vld [tilespmem:s24+$0xFFFFFFE0];
	v63 =	vmul.f32 v53, v0  }
0x44e: {  	v50 =	vld [tilespmem:s24+$0x0]  }
0x44f: {  	v1 =	vadd.f32 v63, v51  }
0x450: {  	v7 =	vmul.f32 v0, v6  }
0x451: {  	v54 =	vld [tilespmem:s24+$0xFFFFFFD0];
	v1 =	vmul.f32 v1, v0  }
0x452: {  	s25 =	sand.u32 $0x7000, s18;
	s1 =	simm.s32 $0x80;
	v7 =	vadd.f32 v7, v5  }
0x453: {  	s1 =	sand.u32 $0x380, s1;
	s0 =	sadd.s32 $0x7E00, s25;
	v1 =	vadd.f32 v1, v50  }
0x454: {  	s12 =	sadd.s32 s1, s0;
	v0 =	vmul.f32 v7, v0  }
0x455: {  	[tilespmem:s12+$0x8000] =	vst v1  }
0x456: {  	s26 =	sand.u32 $0x300, s18;
	v0 =	vadd.f32 v0, v54;
	v1 =	vld [tilespmem:$0x7C10]  }
0x457: {  	s7 =	sadd.s32 s26, s0  }
0x458: {  	[tilespmem:s7+$0x8000] =	vst v0  }
0x459: {  	v0 =	vld [tilespmem:$0x7C10];
	_ =	sdelay $0x1  }
0x45a: {  	v7 =	vmul.f32 v1, v53;
	_ =	sdelay $0x1  }
0x45b: {  	v7 =	vadd.f32 v7, v51  }
0x45c: {  	v8 =	vmul.f32 v0, v6  }
0x45d: {  	v1 =	vmul.f32 v7, v1  }
0x45e: {  	v7 =	vadd.f32 v8, v5  }
0x45f: {  	v1 =	vadd.f32 v1, v50  }
0x460: {  	v0 =	vmul.f32 v7, v0  }
0x461: {  	[tilespmem:s12+$0x8010] =	vst v1  }
0x462: {  	v0 =	vadd.f32 v0, v54;
	v1 =	vld [tilespmem:$0x7C20];
	_ =	sdelay $0x1  }
0x463: {  	[tilespmem:s7+$0x8010] =	vst v0  }
0x464: {  	v0 =	vld [tilespmem:$0x7C20];
	_ =	sdelay $0x1  }
0x465: {  	v7 =	vmul.f32 v1, v53;
	_ =	sdelay $0x1  }
0x466: {  	v7 =	vadd.f32 v7, v51  }
0x467: {  	v8 =	vmul.f32 v0, v6  }
0x468: {  	v1 =	vmul.f32 v7, v1  }
0x469: {  	v7 =	vadd.f32 v8, v5  }
0x46a: {  	v1 =	vadd.f32 v1, v50  }
0x46b: {  	v0 =	vmul.f32 v7, v0  }
0x46c: {  	[tilespmem:s12+$0x8020] =	vst v1  }
0x46d: {  	v0 =	vadd.f32 v0, v54;
	v1 =	vld [tilespmem:$0x7C30];
	_ =	sdelay $0x1  }
0x46e: {  	[tilespmem:s7+$0x8020] =	vst v0  }
0x46f: {  	v0 =	vld [tilespmem:$0x7C30];
	_ =	sdelay $0x1  }
0x470: {  	v7 =	vmul.f32 v1, v53;
	_ =	sdelay $0x1  }
0x471: {  	v7 =	vadd.f32 v7, v51  }
0x472: {  	v8 =	vmul.f32 v0, v6  }
0x473: {  	v1 =	vmul.f32 v7, v1  }
0x474: {  	v7 =	vadd.f32 v8, v5  }
0x475: {  	v1 =	vadd.f32 v1, v50  }
0x476: {  	v0 =	vmul.f32 v7, v0  }
0x477: {  	[tilespmem:s12+$0x8030] =	vst v1  }
0x478: {  	v0 =	vadd.f32 v0, v54;
	v1 =	vld [tilespmem:$0x7C40];
	_ =	sdelay $0x1  }
0x479: {  	[tilespmem:s7+$0x8030] =	vst v0  }
0x47a: {  	v0 =	vld [tilespmem:$0x7C40];
	_ =	sdelay $0x1  }
0x47b: {  	v7 =	vmul.f32 v1, v53;
	_ =	sdelay $0x1  }
0x47c: {  	v7 =	vadd.f32 v7, v51  }
0x47d: {  	v8 =	vmul.f32 v0, v6  }
0x47e: {  	v1 =	vmul.f32 v7, v1  }
0x47f: {  	v7 =	vadd.f32 v8, v5  }
0x480: {  	v1 =	vadd.f32 v1, v50  }
0x481: {  	v0 =	vmul.f32 v7, v0  }
0x482: {  	[tilespmem:s12+$0x8040] =	vst v1  }
0x483: {  	v0 =	vadd.f32 v0, v54;
	v1 =	vld [tilespmem:$0x7C50];
	_ =	sdelay $0x1  }
0x484: {  	[tilespmem:s7+$0x8040] =	vst v0  }
0x485: {  	v0 =	vld [tilespmem:$0x7C50];
	_ =	sdelay $0x1  }
0x486: {  	v7 =	vmul.f32 v1, v53;
	_ =	sdelay $0x1  }
0x487: {  	v7 =	vadd.f32 v7, v51  }
0x488: {  	v8 =	vmul.f32 v0, v6  }
0x489: {  	p5 =	por $0x1, $0x1;
	v1 =	vmul.f32 v7, v1  }
.Ltmp11:
0x48a: {  	v7 =	vadd.f32 v8, v5;
	(pc) =	sbr.rel @!p5 .LBB2_21-.Ltmp11, $4  }
0x48b: {  	s30 =	sand.u32 $0x3, s18;
	v1 =	vadd.f32 v1, v50  }
0x48c: {  	p0 =	por $0x0, $0x0;
	p1 =	por $0x0, $0x0;
	s0 =	sshll.u32 s30, $0x8;
	v0 =	vmul.f32 v7, v0  }
0x48d: {  	p2 =	por $0x0, $0x0;
	p3 =	por $0x0, $0x0;
	s0 =	sadd.s32 $0x0, s0;
	[tilespmem:s12+$0x8050] =	vst v1  }
0x48e: {  	p4 =	por $0x0, $0x0;
	s23 =	sor.u32 $0x8C00, s0;
	v37 =	vadd.f32 v0, v54;
	v27 =	vld [tilespmem:$0x7C60];
	[dreg:$0x8] =	wrdreg s28  }
0x48f: {  	v0 =	vld [tilespmem:$0x7C00];
	s0 =	simm.s32 $0x7090  }
0x490: {  	v11 =	vld [tilespmem:s0+$0x20];
	_ =	sdelay $0x1  }
0x491: {  	v13 =	vld [tilespmem:s0+$0x10]  }
0x492: {  	v15 =	vld [tilespmem:s0+$0xFFFFFFF0]  }
0x493: {  	v1 =	vmul.f32 v27, v53  }
0x494: {  	v16 =	vld [tilespmem:s0+$0xFFFFFFE0];
	v7 =	vmul.f32 v11, v0  }
0x495: {  	v12 =	vld [tilespmem:s0+$0x0];
	v1 =	vadd.f32 v1, v51  }
0x496: {  	v7 =	vadd.f32 v7, v13  }
0x497: {  	[tilespmem:s7+$0x8050] =	vst v37;
	v17 =	vld [tilespmem:s0+$0xFFFFFFD0];
	v8 =	vmul.f32 v0, v15;
	v1 =	vmul.f32 v1, v27  }
0x498: {  	s16 =	simm.s32 $0x400;
	v9 =	vld [tilespmem:$0x7C60];
	v7 =	vmul.f32 v7, v0  }
0x499: {  	s1 =	simm.s32 $0x180;
	s25 =	sand.u32 $0x7000, s16;
	v8 =	vadd.f32 v8, v16;
	v1 =	vadd.f32 v1, v50  }
0x49a: {  	s1 =	sand.u32 $0x380, s1;
	s0 =	sadd.s32 $0x7E00, s25;
	v7 =	vadd.f32 v7, v12  }
0x49b: {  	s10 =	sadd.s32 s1, s0;
	v0 =	vmul.f32 v8, v0;
	[tilespmem:s12+$0x8060] =	vst v1  }
0x49c: {  	s26 =	simm.s32 $0x100;
	v1 =	vld [tilespmem:$0x7C70];
	[tilespmem:s10+$0x8000] =	vst v7  }
0x49d: {  	s1 =	sand.u32 $0x300, s26;
	v8 =	vmul.f32 v9, v6;
	v0 =	vadd.f32 v0, v17;
	v7 =	vld [tilespmem:$0x7C10]  }
0x49e: {  	s14 =	sadd.s32 s1, s0  }
0x49f: {  	v36 =	vadd.f32 v8, v5;
	[tilespmem:s14+$0x8000] =	vst v0  }
0x4a0: {  	v8 =	vld [tilespmem:$0x7C10]  }
0x4a1: {  	v0 =	vmul.f32 v36, v9;
	v10 =	vmul.f32 v1, v53  }
0x4a2: {  	v9 =	vmul.f32 v7, v11  }
0x4a3: {  	v0 =	vadd.f32 v0, v54;
	v10 =	vadd.f32 v10, v51  }
0x4a4: {  	v9 =	vadd.f32 v9, v13  }
0x4a5: {  	[tilespmem:s7+$0x8060] =	vst v0;
	v1 =	vmul.f32 v10, v1;
	v10 =	vmul.f32 v8, v15  }
0x4a6: {  	v37 =	vmul.f32 v9, v7;
	v7 =	vld [tilespmem:$0x7C70]  }
0x4a7: {  	v1 =	vadd.f32 v1, v50;
	v9 =	vadd.f32 v10, v16  }
0x4a8: {  	v0 =	vadd.f32 v37, v12  }
0x4a9: {  	[tilespmem:s12+$0x8070] =	vst v1;
	v38 =	vmul.f32 v9, v8  }
0x4aa: {  	v8 =	vld [tilespmem:$0x7C80];
	[tilespmem:s10+$0x8010] =	vst v0  }
0x4ab: {  	v39 =	vadd.f32 v38, v17;
	v40 =	vld [tilespmem:$0x7C20];
	v9 =	vmul.f32 v7, v6;
	_ =	sdelay $0x1  }
0x4ac: {  	[tilespmem:s14+$0x8010] =	vst v39;
	v41 =	vadd.f32 v9, v5  }
0x4ad: {  	v9 =	vld [tilespmem:$0x7C20]  }
0x4ae: {  	v10 =	vmul.f32 v8, v53;
	v0 =	vmul.f32 v41, v7  }
0x4af: {  	v7 =	vmul.f32 v40, v11  }
0x4b0: {  	v10 =	vadd.f32 v10, v51;
	v0 =	vadd.f32 v0, v54  }
0x4b1: {  	v7 =	vadd.f32 v7, v13  }
0x4b2: {  	v8 =	vmul.f32 v10, v8;
	v10 =	vmul.f32 v9, v15;
	[tilespmem:s7+$0x8070] =	vst v0  }
0x4b3: {  	v42 =	vmul.f32 v7, v40;
	v43 =	vld [tilespmem:$0x7C80]  }
0x4b4: {  	v7 =	vadd.f32 v8, v50;
	v8 =	vadd.f32 v10, v16  }
0x4b5: {  	v0 =	vadd.f32 v42, v12  }
0x4b6: {  	[tilespmem:s12+$0x8400] =	vst v7;
	v7 =	vmul.f32 v8, v9  }
0x4b7: {  	v8 =	vld [tilespmem:$0x7C90];
	[tilespmem:s10+$0x8020] =	vst v0  }
0x4b8: {  	v44 =	vadd.f32 v7, v17;
	v7 =	vld [tilespmem:$0x7C30];
	v9 =	vmul.f32 v43, v6;
	_ =	sdelay $0x1  }
0x4b9: {  	[tilespmem:s14+$0x8020] =	vst v44;
	v45 =	vadd.f32 v9, v5  }
0x4ba: {  	v9 =	vld [tilespmem:$0x7C30]  }
0x4bb: {  	v10 =	vmul.f32 v8, v53;
	v0 =	vmul.f32 v45, v43  }
0x4bc: {  	v46 =	vmul.f32 v7, v11  }
0x4bd: {  	v10 =	vadd.f32 v10, v51;
	v0 =	vadd.f32 v0, v54  }
0x4be: {  	v1 =	vadd.f32 v46, v13  }
0x4bf: {  	v8 =	vmul.f32 v10, v8;
	v10 =	vmul.f32 v9, v15;
	[tilespmem:s7+$0x8400] =	vst v0  }
0x4c0: {  	v47 =	vmul.f32 v1, v7;
	v48 =	vld [tilespmem:$0x7C90]  }
0x4c1: {  	v7 =	vadd.f32 v8, v50;
	v8 =	vadd.f32 v10, v16  }
0x4c2: {  	v0 =	vadd.f32 v47, v12  }
0x4c3: {  	[tilespmem:s12+$0x8410] =	vst v7;
	v7 =	vmul.f32 v8, v9  }
0x4c4: {  	v8 =	vld [tilespmem:$0x7CA0];
	[tilespmem:s10+$0x8030] =	vst v0  }
0x4c5: {  	v49 =	vadd.f32 v7, v17;
	v7 =	vld [tilespmem:$0x7C40];
	v9 =	vmul.f32 v48, v6;
	_ =	sdelay $0x1  }
0x4c6: {  	[tilespmem:s14+$0x8030] =	vst v49;
	v52 =	vadd.f32 v9, v5  }
0x4c7: {  	v9 =	vld [tilespmem:$0x7C40]  }
0x4c8: {  	v10 =	vmul.f32 v8, v53;
	v0 =	vmul.f32 v52, v48  }
0x4c9: {  	v55 =	vmul.f32 v7, v11  }
0x4ca: {  	v10 =	vadd.f32 v10, v51;
	v0 =	vadd.f32 v0, v54  }
0x4cb: {  	v1 =	vadd.f32 v55, v13  }
0x4cc: {  	v8 =	vmul.f32 v10, v8;
	v10 =	vmul.f32 v9, v15;
	[tilespmem:s7+$0x8410] =	vst v0  }
0x4cd: {  	v56 =	vmul.f32 v1, v7;
	v57 =	vld [tilespmem:$0x7CA0]  }
0x4ce: {  	v7 =	vadd.f32 v8, v50;
	v8 =	vadd.f32 v10, v16  }
0x4cf: {  	v0 =	vadd.f32 v56, v12  }
0x4d0: {  	[tilespmem:s12+$0x8420] =	vst v7;
	v7 =	vmul.f32 v8, v9  }
0x4d1: {  	v8 =	vld [tilespmem:$0x7CB0];
	[tilespmem:s10+$0x8040] =	vst v0  }
0x4d2: {  	v58 =	vadd.f32 v7, v17;
	v7 =	vld [tilespmem:$0x7C50];
	v9 =	vmul.f32 v57, v6;
	_ =	sdelay $0x1  }
0x4d3: {  	[tilespmem:s14+$0x8040] =	vst v58;
	v59 =	vadd.f32 v9, v5  }
0x4d4: {  	v9 =	vld [tilespmem:$0x7C50]  }
0x4d5: {  	v10 =	vmul.f32 v8, v53;
	v0 =	vmul.f32 v59, v57  }
0x4d6: {  	v60 =	vmul.f32 v7, v11  }
0x4d7: {  	v10 =	vadd.f32 v10, v51;
	v0 =	vadd.f32 v0, v54  }
0x4d8: {  	v1 =	vadd.f32 v60, v13  }
0x4d9: {  	v8 =	vmul.f32 v10, v8;
	v10 =	vmul.f32 v9, v15;
	[tilespmem:s7+$0x8420] =	vst v0  }
0x4da: {  	p5 =	por $0x1, $0x1;
	v61 =	vmul.f32 v1, v7;
	v26 =	vld [tilespmem:$0x7CB0]  }
.Ltmp12:
0x4db: {  	s28 =	simm.s32 $0x1;
	v62 =	vadd.f32 v8, v50;
	v7 =	vadd.f32 v10, v16;
	(pc) =	sbr.rel @!p5 .LBB2_23-.Ltmp12, $4  }
0x4dc: {  	s0 =	sand.u32 $0x3, s28;
	v0 =	vadd.f32 v61, v12  }
0x4dd: {  	s0 =	sshll.u32 s0, $0x8;
	[tilespmem:s12+$0x8430] =	vst v62;
	v63 =	vmul.f32 v7, v9  }
0x4de: {  	s0 =	sadd.s32 $0x400, s0;
	v30 =	vld [tilespmem:$0x7CC0];
	[tilespmem:s10+$0x8050] =	vst v0  }
0x4df: {  	p0 =	por $0x1, $0x1;
	s30 =	sor.u32 $0x8C00, s0;
	v37 =	vadd.f32 v63, v17;
	v27 =	vld [tilespmem:$0x7C60];
	v33 =	vmul.f32 v26, v6  }
0x4e0: {  	_ =	sdelay $0x1  }
0x4e1: {  	v0 =	vld [tilespmem:$0x7C00];
	s0 =	simm.s32 $0x70F0  }
0x4e2: {  	v22 =	vld [tilespmem:s0+$0x20];
	v1 =	vmul.f32 v30, v53;
	_ =	sdelay $0x1  }
0x4e3: {  	v18 =	vld [tilespmem:s0+$0x10];
	v1 =	vadd.f32 v1, v51;
	_ =	sdelay $0x1  }
0x4e4: {  	v52 =	vld [tilespmem:s0+$0xFFFFFFF0];
	v7 =	vmul.f32 v27, v11;
	v1 =	vmul.f32 v1, v30  }
0x4e5: {  	v8 =	vadd.f32 v33, v5;
	v23 =	vld [tilespmem:s0+$0xFFFFFFE0];
	v9 =	vmul.f32 v22, v0  }
0x4e6: {  	v20 =	vld [tilespmem:s0+$0x0];
	v7 =	vadd.f32 v7, v13;
	v1 =	vadd.f32 v1, v50  }
0x4e7: {  	v8 =	vmul.f32 v8, v26;
	v9 =	vadd.f32 v9, v18  }
0x4e8: {  	v24 =	vld [tilespmem:s0+$0xFFFFFFD0];
	[tilespmem:s12+$0x8440] =	vst v1;
	v1 =	vmul.f32 v7, v27  }
0x4e9: {  	s25 =	simm.s32 $0x800;
	[tilespmem:s14+$0x8050] =	vst v37;
	v8 =	vadd.f32 v8, v54;
	v9 =	vmul.f32 v9, v0;
	v7 =	vmul.f32 v0, v52;
	v10 =	vld [tilespmem:$0x7CD0]  }
0x4ea: {  	s1 =	simm.s32 $0x280;
	s0 =	sand.u32 $0x7000, s25;
	v14 =	vld [tilespmem:$0x7C60];
	v1 =	vadd.f32 v1, v12  }
0x4eb: {  	s1 =	sand.u32 $0x380, s1;
	s0 =	sadd.s32 $0x7E00, s0;
	[tilespmem:s7+$0x8430] =	vst v8;
	v8 =	vadd.f32 v9, v20;
	v7 =	vadd.f32 v7, v23  }
0x4ec: {  	s2 =	sadd.s32 s1, s0;
	[tilespmem:s10+$0x8060] =	vst v1;
	v1 =	vld [tilespmem:$0x7CC0]  }
0x4ed: {  	[tilespmem:s2+$0x8000] =	vst v8;
	v0 =	vmul.f32 v7, v0;
	v7 =	vld [tilespmem:$0x7C70]  }
0x4ee: {  	s26 =	simm.s32 $0x200;
	v9 =	vld [tilespmem:$0x7C10];
	v8 =	vmul.f32 v10, v53  }
0x4ef: {  	s1 =	sand.u32 $0x300, s26;
	v21 =	vmul.f32 v14, v15;
	v0 =	vadd.f32 v0, v24  }
0x4f0: {  	s6 =	sadd.s32 s1, s0;
	v8 =	vadd.f32 v8, v51  }
0x4f1: {  	[tilespmem:s6+$0x8000] =	vst v0;
	v0 =	vadd.f32 v21, v16;
	v21 =	vmul.f32 v1, v6  }
0x4f2: {  	v25 =	vld [tilespmem:$0x7C10];
	v8 =	vmul.f32 v8, v10;
	v10 =	vmul.f32 v7, v11  }
0x4f3: {  	v0 =	vmul.f32 v0, v14;
	v14 =	vadd.f32 v21, v5;
	v21 =	vmul.f32 v9, v22  }
0x4f4: {  	v8 =	vadd.f32 v8, v50;
	v10 =	vadd.f32 v10, v13  }
0x4f5: {  	v0 =	vadd.f32 v0, v17;
	v1 =	vmul.f32 v14, v1;
	v14 =	vadd.f32 v21, v18  }
0x4f6: {  	[tilespmem:s12+$0x8450] =	vst v8;
	v7 =	vmul.f32 v10, v7  }
0x4f7: {  	v8 =	vmul.f32 v25, v52;
	[tilespmem:s14+$0x8060] =	vst v0;
	v0 =	vld [tilespmem:$0x7CE0];
	v1 =	vadd.f32 v1, v54;
	v9 =	vmul.f32 v14, v9  }
0x4f8: {  	v10 =	vld [tilespmem:$0x7C70];
	v7 =	vadd.f32 v7, v12  }
0x4f9: {  	v8 =	vadd.f32 v8, v23;
	[tilespmem:s7+$0x8440] =	vst v1;
	v1 =	vadd.f32 v9, v20  }
0x4fa: {  	[tilespmem:s10+$0x8070] =	vst v7;
	v7 =	vld [tilespmem:$0x7CD0]  }
0x4fb: {  	v8 =	vmul.f32 v8, v25;
	v9 =	vld [tilespmem:$0x7C80];
	[tilespmem:s2+$0x8010] =	vst v1  }
0x4fc: {  	v1 =	vmul.f32 v0, v53;
	v14 =	vld [tilespmem:$0x7C20]  }
0x4fd: {  	v8 =	vadd.f32 v8, v24;
	v21 =	vmul.f32 v10, v15  }
0x4fe: {  	v1 =	vadd.f32 v1, v51  }
0x4ff: {  	[tilespmem:s6+$0x8010] =	vst v8;
	v8 =	vadd.f32 v21, v16;
	v21 =	vmul.f32 v7, v6  }
0x500: {  	v25 =	vld [tilespmem:$0x7C20];
	v0 =	vmul.f32 v1, v0;
	v1 =	vmul.f32 v9, v11  }
0x501: {  	v8 =	vmul.f32 v8, v10;
	v10 =	vadd.f32 v21, v5;
	v21 =	vmul.f32 v14, v22  }
0x502: {  	v0 =	vadd.f32 v0, v50;
	v1 =	vadd.f32 v1, v13  }
0x503: {  	v8 =	vadd.f32 v8, v17;
	v7 =	vmul.f32 v10, v7;
	v10 =	vadd.f32 v21, v18  }
0x504: {  	[tilespmem:s12+$0x8460] =	vst v0;
	v0 =	vmul.f32 v1, v9  }
0x505: {  	v1 =	vmul.f32 v25, v52;
	[tilespmem:s14+$0x8070] =	vst v8;
	v8 =	vld [tilespmem:$0x7CF0];
	v7 =	vadd.f32 v7, v54;
	v9 =	vmul.f32 v10, v14  }
0x506: {  	v10 =	vld [tilespmem:$0x7C80];
	v0 =	vadd.f32 v0, v12  }
0x507: {  	v1 =	vadd.f32 v1, v23;
	[tilespmem:s7+$0x8450] =	vst v7;
	v7 =	vadd.f32 v9, v20  }
0x508: {  	[tilespmem:s10+$0x8400] =	vst v0;
	v0 =	vld [tilespmem:$0x7CE0]  }
0x509: {  	v1 =	vmul.f32 v1, v25;
	v9 =	vld [tilespmem:$0x7C90];
	[tilespmem:s2+$0x8020] =	vst v7  }
0x50a: {  	v7 =	vmul.f32 v8, v53;
	v14 =	vld [tilespmem:$0x7C30]  }
0x50b: {  	v1 =	vadd.f32 v1, v24;
	v21 =	vmul.f32 v10, v15  }
0x50c: {  	v7 =	vadd.f32 v7, v51  }
0x50d: {  	[tilespmem:s6+$0x8020] =	vst v1;
	v1 =	vadd.f32 v21, v16;
	v21 =	vmul.f32 v0, v6  }
0x50e: {  	v25 =	vld [tilespmem:$0x7C30];
	v7 =	vmul.f32 v7, v8;
	v8 =	vmul.f32 v9, v11  }
0x50f: {  	v1 =	vmul.f32 v1, v10;
	v10 =	vadd.f32 v21, v5;
	v21 =	vmul.f32 v14, v22  }
0x510: {  	v7 =	vadd.f32 v7, v50;
	v8 =	vadd.f32 v8, v13  }
0x511: {  	v1 =	vadd.f32 v1, v17;
	v0 =	vmul.f32 v10, v0;
	v10 =	vadd.f32 v21, v18  }
0x512: {  	[tilespmem:s12+$0x8470] =	vst v7;
	v7 =	vmul.f32 v8, v9  }
0x513: {  	v8 =	vmul.f32 v25, v52;
	[tilespmem:s14+$0x8400] =	vst v1;
	v1 =	vld [tilespmem:$0x7D00];
	v0 =	vadd.f32 v0, v54;
	v9 =	vmul.f32 v10, v14  }
0x514: {  	v10 =	vld [tilespmem:$0x7C90];
	v7 =	vadd.f32 v7, v12  }
0x515: {  	v8 =	vadd.f32 v8, v23;
	[tilespmem:s7+$0x8460] =	vst v0;
	v0 =	vadd.f32 v9, v20  }
0x516: {  	[tilespmem:s10+$0x8410] =	vst v7;
	v7 =	vld [tilespmem:$0x7CF0]  }
0x517: {  	v8 =	vmul.f32 v8, v25;
	v9 =	vld [tilespmem:$0x7CA0];
	[tilespmem:s2+$0x8030] =	vst v0  }
0x518: {  	v0 =	vmul.f32 v1, v53;
	v14 =	vld [tilespmem:$0x7C40]  }
0x519: {  	v8 =	vadd.f32 v8, v24;
	v21 =	vmul.f32 v10, v15  }
0x51a: {  	v0 =	vadd.f32 v0, v51  }
0x51b: {  	[tilespmem:s6+$0x8030] =	vst v8;
	v8 =	vadd.f32 v21, v16;
	v21 =	vmul.f32 v7, v6  }
0x51c: {  	v25 =	vld [tilespmem:$0x7C40];
	v0 =	vmul.f32 v0, v1;
	v1 =	vmul.f32 v9, v11  }
0x51d: {  	v8 =	vmul.f32 v8, v10;
	v10 =	vadd.f32 v21, v5;
	v21 =	vmul.f32 v14, v22  }
0x51e: {  	v0 =	vadd.f32 v0, v50;
	v1 =	vadd.f32 v1, v13  }
0x51f: {  	v8 =	vadd.f32 v8, v17;
	v7 =	vmul.f32 v10, v7;
	v10 =	vadd.f32 v21, v18  }
0x520: {  	[tilespmem:s12+$0x8800] =	vst v0;
	v0 =	vmul.f32 v1, v9  }
0x521: {  	v1 =	vmul.f32 v25, v52;
	[tilespmem:s14+$0x8410] =	vst v8;
	v8 =	vld [tilespmem:$0x7D10];
	v7 =	vadd.f32 v7, v54;
	v9 =	vmul.f32 v10, v14  }
0x522: {  	v10 =	vld [tilespmem:$0x7CA0];
	v0 =	vadd.f32 v0, v12  }
0x523: {  	v1 =	vadd.f32 v1, v23;
	[tilespmem:s7+$0x8470] =	vst v7;
	v7 =	vadd.f32 v9, v20  }
0x524: {  	[tilespmem:s10+$0x8420] =	vst v0;
	v0 =	vld [tilespmem:$0x7D00]  }
0x525: {  	v1 =	vmul.f32 v1, v25;
	v9 =	vld [tilespmem:$0x7CB0];
	[tilespmem:s2+$0x8040] =	vst v7  }
0x526: {  	v7 =	vmul.f32 v8, v53;
	v14 =	vld [tilespmem:$0x7C50]  }
0x527: {  	v1 =	vadd.f32 v1, v24;
	v21 =	vmul.f32 v10, v15  }
0x528: {  	v7 =	vadd.f32 v7, v51  }
0x529: {  	[tilespmem:s6+$0x8040] =	vst v1;
	v1 =	vadd.f32 v21, v16;
	v21 =	vmul.f32 v0, v6  }
0x52a: {  	v25 =	vld [tilespmem:$0x7C50];
	v7 =	vmul.f32 v7, v8;
	v8 =	vmul.f32 v9, v11  }
0x52b: {  	v1 =	vmul.f32 v1, v10;
	v10 =	vadd.f32 v21, v5;
	v21 =	vmul.f32 v14, v22  }
0x52c: {  	v7 =	vadd.f32 v7, v50;
	v8 =	vadd.f32 v8, v13  }
0x52d: {  	v1 =	vadd.f32 v1, v17;
	v0 =	vmul.f32 v10, v0;
	v10 =	vadd.f32 v21, v18  }
0x52e: {  	[tilespmem:s12+$0x8810] =	vst v7;
	v7 =	vmul.f32 v8, v9  }
0x52f: {  	s28 =	simm.s32 $0x2;
	v8 =	vmul.f32 v25, v52;
	[tilespmem:s14+$0x8420] =	vst v1;
	v39 =	vld [tilespmem:$0x7D20];
	v0 =	vadd.f32 v0, v54;
	v1 =	vmul.f32 v10, v14  }
0x530: {  	p5 =	por $0x1, $0x1;
	s0 =	sand.u32 $0x3, s28;
	v26 =	vld [tilespmem:$0x7CB0];
	v7 =	vadd.f32 v7, v12  }
.Ltmp13:
0x531: {  	s0 =	sshll.u32 s0, $0x8;
	v8 =	vadd.f32 v8, v23;
	[tilespmem:s7+$0x8800] =	vst v0;
	v0 =	vadd.f32 v1, v20;
	(pc) =	sbr.rel @!p5 .LBB2_25-.Ltmp13, $4  }
0x532: {  	s0 =	sadd.s32 $0x800, s0;
	[tilespmem:s10+$0x8430] =	vst v7  }
0x533: {  	s0 =	sor.u32 $0x8C00, s0;
	v40 =	vld [tilespmem:$0x7D10];
	v1 =	vmul.f32 v8, v25;
	[tilespmem:s2+$0x8050] =	vst v0  }
0x534: {  	v30 =	vld [tilespmem:$0x7CC0];
	[dreg:$0xf] =	wrdreg s0  }
0x535: {  	p1 =	por $0x1, $0x1;
	v0 =	vmul.f32 v39, v53;
	v37 =	vadd.f32 v1, v24;
	v33 =	vmul.f32 v26, v15;
	v27 =	vld [tilespmem:$0x7C60]  }
0x536: {  	_ =	sdelay $0x1  }
0x537: {  	v0 =	vadd.f32 v0, v51  }
0x538: {  	v1 =	vld [tilespmem:$0x7C00];
	s0 =	simm.s32 $0x7150;
	v7 =	vmul.f32 v30, v11  }
0x539: {  	v25 =	vld [tilespmem:s0+$0x20];
	v0 =	vmul.f32 v0, v39  }
0x53a: {  	v8 =	vadd.f32 v7, v13  }
0x53b: {  	v7 =	vld [tilespmem:s0+$0x10];
	v0 =	vadd.f32 v0, v50  }
0x53c: {  	v29 =	vld [tilespmem:s0+$0xFFFFFFF0];
	v10 =	vmul.f32 v27, v22;
	v8 =	vmul.f32 v8, v30  }
0x53d: {  	v21 =	vadd.f32 v33, v16;
	v9 =	vld [tilespmem:s0+$0xFFFFFFE0];
	v14 =	vmul.f32 v40, v6;
	[tilespmem:s12+$0x8820] =	vst v0  }
0x53e: {  	v28 =	vmul.f32 v25, v1;
	v0 =	vadd.f32 v10, v18;
	v31 =	vld [tilespmem:$0x7D30];
	v30 =	vadd.f32 v8, v12  }
0x53f: {  	v21 =	vmul.f32 v21, v26;
	v14 =	vadd.f32 v14, v5;
	v8 =	vld [tilespmem:s0+$0x0]  }
0x540: {  	v10 =	vld [tilespmem:s0+$0xFFFFFFD0];
	v0 =	vmul.f32 v0, v27;
	v26 =	vadd.f32 v28, v7;
	[tilespmem:s10+$0x8440] =	vst v30  }
0x541: {  	[tilespmem:s6+$0x8050] =	vst v37;
	v21 =	vadd.f32 v21, v17;
	v14 =	vmul.f32 v14, v40;
	v27 =	vmul.f32 v1, v29;
	v28 =	vld [tilespmem:$0x7CD0]  }
0x542: {  	s21 =	simm.s32 $0xC00;
	v0 =	vadd.f32 v0, v20;
	v30 =	vld [tilespmem:$0x7C60];
	v26 =	vmul.f32 v26, v1  }
0x543: {  	s1 =	simm.s32 $0x380;
	s24 =	sand.u32 $0x7000, s21;
	[tilespmem:s14+$0x8430] =	vst v21;
	v14 =	vadd.f32 v14, v54;
	v21 =	vadd.f32 v27, v9  }
0x544: {  	s1 =	sand.u32 $0x380, s1;
	s0 =	sadd.s32 $0x7E00, s24;
	v27 =	vmul.f32 v31, v53;
	[tilespmem:s2+$0x8060] =	vst v0;
	v0 =	vld [tilespmem:$0x7CC0];
	v26 =	vadd.f32 v26, v8  }
0x545: {  	[tilespmem:s7+$0x8810] =	vst v14;
	s8 =	sadd.s32 s1, s0;
	v1 =	vmul.f32 v21, v1;
	v14 =	vld [tilespmem:$0x7C70]  }
0x546: {  	s25 =	simm.s32 $0x300;
	v21 =	vadd.f32 v27, v51;
	v27 =	vld [tilespmem:$0x7D20];
	[tilespmem:s8+$0x8000] =	vst v26;
	v26 =	vmul.f32 v28, v11  }
0x547: {  	s1 =	sand.u32 $0x300, s25;
	v1 =	vadd.f32 v1, v10;
	v61 =	vmul.f32 v30, v52;
	v32 =	vld [tilespmem:$0x7C10]  }
0x548: {  	s20 =	sadd.s32 s1, s0;
	v21 =	vmul.f32 v21, v31;
	v26 =	vadd.f32 v26, v13  }
0x549: {  	[tilespmem:s20+$0x8000] =	vst v1;
	v31 =	vmul.f32 v0, v15;
	v1 =	vadd.f32 v61, v23  }
0x54a: {  	v34 =	vld [tilespmem:$0x7C10];
	v21 =	vadd.f32 v21, v50;
	v62 =	vmul.f32 v14, v22;
	v26 =	vmul.f32 v26, v28  }
0x54b: {  	v1 =	vmul.f32 v1, v30;
	v28 =	vadd.f32 v31, v16;
	v31 =	vmul.f32 v27, v6  }
0x54c: {  	[tilespmem:s12+$0x8830] =	vst v21;
	v21 =	vadd.f32 v62, v18;
	v30 =	vmul.f32 v32, v25;
	v26 =	vadd.f32 v26, v12  }
0x54d: {  	v63 =	vld [tilespmem:$0x7D40];
	v1 =	vadd.f32 v1, v24;
	v0 =	vmul.f32 v28, v0;
	v28 =	vadd.f32 v31, v5  }
0x54e: {  	v14 =	vmul.f32 v21, v14;
	v21 =	vadd.f32 v30, v7;
	[tilespmem:s10+$0x8450] =	vst v26  }
0x54f: {  	[tilespmem:s6+$0x8060] =	vst v1;
	v0 =	vadd.f32 v0, v17;
	v26 =	vmul.f32 v34, v29;
	v27 =	vmul.f32 v28, v27;
	v1 =	vld [tilespmem:$0x7CE0]  }
0x550: {  	v14 =	vadd.f32 v14, v20;
	v28 =	vld [tilespmem:$0x7C70];
	v21 =	vmul.f32 v21, v32  }
0x551: {  	[tilespmem:s14+$0x8440] =	vst v0;
	v0 =	vadd.f32 v26, v9;
	v26 =	vadd.f32 v27, v54  }
0x552: {  	v27 =	vmul.f32 v63, v53;
	[tilespmem:s2+$0x8070] =	vst v14;
	v14 =	vld [tilespmem:$0x7CD0];
	v21 =	vadd.f32 v21, v8  }
0x553: {  	v30 =	vld [tilespmem:$0x7C80];
	v0 =	vmul.f32 v0, v34;
	[tilespmem:s7+$0x8820] =	vst v26  }
0x554: {  	v26 =	vadd.f32 v27, v51;
	[tilespmem:s8+$0x8010] =	vst v21;
	v27 =	vld [tilespmem:$0x7D30];
	v21 =	vmul.f32 v1, v11  }
0x555: {  	v36 =	vmul.f32 v28, v52;
	v0 =	vadd.f32 v0, v10;
	v31 =	vld [tilespmem:$0x7C20]  }
0x556: {  	v26 =	vmul.f32 v26, v63;
	v21 =	vadd.f32 v21, v13  }
0x557: {  	v37 =	vmul.f32 v14, v15;
	[tilespmem:s20+$0x8010] =	vst v0;
	v0 =	vadd.f32 v36, v23  }
0x558: {  	v26 =	vadd.f32 v26, v50;
	v38 =	vmul.f32 v30, v22;
	v39 =	vld [tilespmem:$0x7C20];
	v1 =	vmul.f32 v21, v1  }
0x559: {  	v21 =	vadd.f32 v37, v16;
	v0 =	vmul.f32 v0, v28;
	v28 =	vmul.f32 v27, v6  }
0x55a: {  	[tilespmem:s12+$0x8840] =	vst v26;
	v26 =	vadd.f32 v38, v18;
	v40 =	vmul.f32 v31, v25;
	v1 =	vadd.f32 v1, v12  }
0x55b: {  	v41 =	vld [tilespmem:$0x7D50];
	v14 =	vmul.f32 v21, v14;
	v0 =	vadd.f32 v0, v24;
	v21 =	vadd.f32 v28, v5  }
0x55c: {  	v26 =	vmul.f32 v26, v30;
	v28 =	vadd.f32 v40, v7;
	[tilespmem:s10+$0x8460] =	vst v1  }
0x55d: {  	v1 =	vadd.f32 v14, v17;
	v14 =	vmul.f32 v39, v29;
	[tilespmem:s6+$0x8070] =	vst v0;
	v21 =	vmul.f32 v21, v27;
	v0 =	vld [tilespmem:$0x7CF0]  }
0x55e: {  	v26 =	vadd.f32 v26, v20;
	v27 =	vmul.f32 v28, v31;
	v28 =	vld [tilespmem:$0x7C80]  }
0x55f: {  	[tilespmem:s14+$0x8450] =	vst v1;
	v1 =	vadd.f32 v14, v9;
	v14 =	vadd.f32 v21, v54  }
0x560: {  	v21 =	vmul.f32 v41, v53;
	[tilespmem:s2+$0x8400] =	vst v26;
	v26 =	vld [tilespmem:$0x7CE0];
	v27 =	vadd.f32 v27, v8  }
0x561: {  	v30 =	vld [tilespmem:$0x7C90];
	v1 =	vmul.f32 v1, v39;
	[tilespmem:s7+$0x8830] =	vst v14  }
0x562: {  	v14 =	vadd.f32 v21, v51;
	[tilespmem:s8+$0x8020] =	vst v27;
	v27 =	vld [tilespmem:$0x7D40];
	v21 =	vmul.f32 v0, v11  }
0x563: {  	v1 =	vadd.f32 v1, v10;
	v31 =	vld [tilespmem:$0x7C30];
	v42 =	vmul.f32 v28, v52  }
0x564: {  	v14 =	vmul.f32 v14, v41;
	v21 =	vadd.f32 v21, v13  }
0x565: {  	v43 =	vmul.f32 v26, v15;
	[tilespmem:s20+$0x8020] =	vst v1;
	v1 =	vadd.f32 v42, v23  }
0x566: {  	v14 =	vadd.f32 v14, v50;
	v44 =	vmul.f32 v30, v22;
	v45 =	vld [tilespmem:$0x7C30];
	v0 =	vmul.f32 v21, v0  }
0x567: {  	v21 =	vadd.f32 v43, v16;
	v1 =	vmul.f32 v1, v28;
	v28 =	vmul.f32 v27, v6  }
0x568: {  	[tilespmem:s12+$0x8850] =	vst v14;
	v14 =	vadd.f32 v44, v18;
	v46 =	vmul.f32 v31, v25;
	v0 =	vadd.f32 v0, v12  }
0x569: {  	v47 =	vld [tilespmem:$0x7D60];
	v21 =	vmul.f32 v21, v26;
	v1 =	vadd.f32 v1, v24;
	v26 =	vadd.f32 v28, v5  }
0x56a: {  	v14 =	vmul.f32 v14, v30;
	v28 =	vadd.f32 v46, v7;
	[tilespmem:s10+$0x8470] =	vst v0  }
0x56b: {  	v0 =	vadd.f32 v21, v17;
	v21 =	vmul.f32 v45, v29;
	[tilespmem:s6+$0x8400] =	vst v1;
	v26 =	vmul.f32 v26, v27;
	v1 =	vld [tilespmem:$0x7D00]  }
0x56c: {  	v14 =	vadd.f32 v14, v20;
	v27 =	vmul.f32 v28, v31;
	v28 =	vld [tilespmem:$0x7C90]  }
0x56d: {  	[tilespmem:s14+$0x8460] =	vst v0;
	v0 =	vadd.f32 v21, v9;
	v21 =	vadd.f32 v26, v54  }
0x56e: {  	v26 =	vmul.f32 v47, v53;
	[tilespmem:s2+$0x8410] =	vst v14;
	v14 =	vld [tilespmem:$0x7CF0];
	v27 =	vadd.f32 v27, v8  }
0x56f: {  	v30 =	vld [tilespmem:$0x7CA0];
	v0 =	vmul.f32 v0, v45;
	[tilespmem:s7+$0x8840] =	vst v21  }
0x570: {  	v21 =	vadd.f32 v26, v51;
	[tilespmem:s8+$0x8030] =	vst v27;
	v27 =	vld [tilespmem:$0x7D50];
	v26 =	vmul.f32 v1, v11  }
0x571: {  	v0 =	vadd.f32 v0, v10;
	v31 =	vld [tilespmem:$0x7C40];
	v48 =	vmul.f32 v28, v52  }
0x572: {  	v21 =	vmul.f32 v21, v47;
	v26 =	vadd.f32 v26, v13  }
0x573: {  	v49 =	vmul.f32 v14, v15;
	[tilespmem:s20+$0x8030] =	vst v0;
	v0 =	vadd.f32 v48, v23  }
0x574: {  	v21 =	vadd.f32 v21, v50;
	v55 =	vmul.f32 v30, v22;
	v56 =	vld [tilespmem:$0x7C40];
	v1 =	vmul.f32 v26, v1  }
0x575: {  	v26 =	vadd.f32 v49, v16;
	v0 =	vmul.f32 v0, v28;
	v28 =	vmul.f32 v27, v6  }
0x576: {  	[tilespmem:s12+$0x8860] =	vst v21;
	v21 =	vadd.f32 v55, v18;
	v57 =	vmul.f32 v31, v25;
	v1 =	vadd.f32 v1, v12  }
0x577: {  	v58 =	vld [tilespmem:$0x7D70];
	v14 =	vmul.f32 v26, v14;
	v0 =	vadd.f32 v0, v24;
	v26 =	vadd.f32 v28, v5  }
0x578: {  	v21 =	vmul.f32 v21, v30;
	v28 =	vadd.f32 v57, v7;
	[tilespmem:s10+$0x8800] =	vst v1  }
0x579: {  	v1 =	vadd.f32 v14, v17;
	v14 =	vmul.f32 v56, v29;
	[tilespmem:s6+$0x8410] =	vst v0;
	v26 =	vmul.f32 v26, v27;
	v0 =	vld [tilespmem:$0x7D10]  }
0x57a: {  	v21 =	vadd.f32 v21, v20;
	v27 =	vmul.f32 v28, v31;
	v28 =	vld [tilespmem:$0x7CA0]  }
0x57b: {  	[tilespmem:s14+$0x8470] =	vst v1;
	v1 =	vadd.f32 v14, v9;
	v14 =	vadd.f32 v26, v54  }
0x57c: {  	v26 =	vmul.f32 v58, v53;
	[tilespmem:s2+$0x8420] =	vst v21;
	v21 =	vld [tilespmem:$0x7D00];
	v27 =	vadd.f32 v27, v8  }
0x57d: {  	v30 =	vld [tilespmem:$0x7CB0];
	v1 =	vmul.f32 v1, v56;
	[tilespmem:s7+$0x8850] =	vst v14  }
0x57e: {  	v14 =	vadd.f32 v26, v51;
	[tilespmem:s8+$0x8040] =	vst v27;
	v27 =	vld [tilespmem:$0x7D60];
	v26 =	vmul.f32 v0, v11  }
0x57f: {  	v1 =	vadd.f32 v1, v10;
	v31 =	vld [tilespmem:$0x7C50];
	v59 =	vmul.f32 v28, v52  }
0x580: {  	v14 =	vmul.f32 v14, v58;
	v26 =	vadd.f32 v26, v13  }
0x581: {  	v60 =	vmul.f32 v21, v15;
	[tilespmem:s20+$0x8040] =	vst v1;
	v1 =	vadd.f32 v59, v23  }
0x582: {  	v14 =	vadd.f32 v14, v50;
	v61 =	vmul.f32 v30, v22;
	v62 =	vld [tilespmem:$0x7C50];
	v0 =	vmul.f32 v26, v0  }
0x583: {  	v26 =	vadd.f32 v60, v16;
	v1 =	vmul.f32 v1, v28;
	v28 =	vmul.f32 v27, v6  }
0x584: {  	[tilespmem:s12+$0x8870] =	vst v14;
	v14 =	vadd.f32 v61, v18;
	v63 =	vmul.f32 v31, v25;
	v0 =	vadd.f32 v0, v12  }
0x585: {  	v21 =	vmul.f32 v26, v21;
	v1 =	vadd.f32 v1, v24;
	v26 =	vadd.f32 v28, v5  }
0x586: {  	v14 =	vmul.f32 v14, v30;
	v28 =	vadd.f32 v63, v7;
	[tilespmem:s10+$0x8810] =	vst v0  }
0x587: {  	v35 =	vld [tilespmem:$0x7D80];
	v0 =	vadd.f32 v21, v17;
	v21 =	vmul.f32 v62, v29;
	[tilespmem:s6+$0x8420] =	vst v1;
	v1 =	vmul.f32 v26, v27  }
0x588: {  	v14 =	vadd.f32 v14, v20;
	v39 =	vld [tilespmem:$0x7D20];
	v27 =	vmul.f32 v28, v31  }
0x589: {  	v26 =	vld [tilespmem:$0x7CB0];
	[tilespmem:s14+$0x8800] =	vst v0;
	v0 =	vadd.f32 v21, v9;
	v1 =	vadd.f32 v1, v54  }
0x58a: {  	[tilespmem:s2+$0x8430] =	vst v14;
	v40 =	vld [tilespmem:$0x7D10];
	v14 =	vadd.f32 v27, v8  }
0x58b: {  	p5 =	por $0x1, $0x1;
	v30 =	vld [tilespmem:$0x7CC0];
	v27 =	vmul.f32 v0, v62;
	[tilespmem:s7+$0x8860] =	vst v1  }
.Ltmp14:
0x58c: {  	s26 =	simm.s32 $0x3;
	v21 =	vmul.f32 v35, v53;
	[tilespmem:s8+$0x8050] =	vst v14;
	v63 =	vld [tilespmem:$0x7D70];
	(pc) =	sbr.rel @!p5 .LBB2_27-.Ltmp14, $4  }
0x58d: {  	s0 =	sand.u32 $0x3, s26;
	v37 =	vadd.f32 v27, v10;
	v27 =	vld [tilespmem:$0x7C60];
	[tilespmem:$0x1FE90] =	vst v50  }
0x58e: {  	s28 =	sand.u32 $0x7, s18;
	s0 =	sshll.u32 s0, $0x8;
	v1 =	vadd.f32 v21, v51;
	[tilespmem:$0x1FEA0] =	vst v53  }
0x58f: {  	s4 =	sshll.u32 s28, $0x7;
	s0 =	sadd.s32 $0xC00, s0;
	v0 =	vmul.f32 v39, v11;
	[tilespmem:$0x1FEB0] =	vst v51  }
0x590: {  	p2 =	por $0x1, $0x1;
	s17 =	sor.u32 $0x8C00, s0;
	v33 =	vmul.f32 v26, v52;
	v61 =	vmul.f32 v1, v35;
	[tilespmem:$0x1FEC0] =	vst v54;
	[dreg:$0x10] =	wrdreg s4  }
0x591: {  	v0 =	vadd.f32 v0, v13;
	s0 =	sadd.s32 $0x0, s4  }
0x592: {  	v1 =	vld [tilespmem:$0x7C00];
	s3 =	simm.s32 $0x71B0;
	v21 =	vmul.f32 v30, v22;
	v28 =	vadd.f32 v61, v50;
	s0 =	sadd.s32 $0x80, s0  }
0x593: {  	v14 =	vld [tilespmem:s3+$0x20];
	v0 =	vmul.f32 v0, v39;
	s1 =	sor.u32 $0x8C00, s0  }
0x594: {  	v45 =	vld [tilespmem:s3+$0x10];
	v21 =	vadd.f32 v21, v18;
	[tilespmem:s1+$0x7E00] =	vst v28  }
0x595: {  	v28 =	vmul.f32 v27, v25;
	v0 =	vadd.f32 v0, v12;
	v31 =	vld [tilespmem:$0x7D90]  }
0x596: {  	v32 =	vadd.f32 v33, v23;
	v43 =	vld [tilespmem:s3+$0xFFFFFFF0];
	v21 =	vmul.f32 v21, v30  }
0x597: {  	v46 =	vld [tilespmem:s3+$0xFFFFFFE0];
	v30 =	vmul.f32 v40, v15;
	v28 =	vadd.f32 v28, v7;
	[tilespmem:s10+$0x8820] =	vst v0  }
0x598: {  	v0 =	vmul.f32 v32, v26;
	v26 =	vmul.f32 v14, v1;
	v21 =	vadd.f32 v21, v20;
	v60 =	vld [tilespmem:$0x7D30]  }
0x599: {  	v47 =	vld [tilespmem:s3+$0x0];
	v30 =	vadd.f32 v30, v16;
	v27 =	vmul.f32 v28, v27  }
0x59a: {  	v48 =	vld [tilespmem:s3+$0xFFFFFFD0];
	v0 =	vadd.f32 v0, v24;
	v26 =	vadd.f32 v26, v45;
	[tilespmem:s2+$0x8440] =	vst v21;
	v21 =	vmul.f32 v31, v53  }
0x59b: {  	[tilespmem:s20+$0x8050] =	vst v37;
	v28 =	vmul.f32 v30, v40;
	v30 =	vmul.f32 v1, v43;
	v27 =	vadd.f32 v27, v8;
	v62 =	vld [tilespmem:$0x7CD0]  }
0x59c: {  	v34 =	vmul.f32 v63, v6;
	s3 =	simm.s32 $0x1000;
	[tilespmem:s6+$0x8430] =	vst v0;
	v0 =	vmul.f32 v26, v1;
	v26 =	vld [tilespmem:$0x7C60];
	v21 =	vadd.f32 v21, v51  }
0x59d: {  	s24 =	simm.s32 $0x480;
	s22 =	sand.u32 $0x7000, s3;
	v28 =	vadd.f32 v28, v17;
	v30 =	vadd.f32 v30, v46;
	[tilespmem:s8+$0x8060] =	vst v27;
	v27 =	vld [tilespmem:$0x7CC0];
	v35 =	vmul.f32 v60, v11  }
0x59e: {  	s4 =	sand.u32 $0x380, s24;
	v34 =	vadd.f32 v34, v5;
	s0 =	sadd.s32 $0x7E00, s22;
	v0 =	vadd.f32 v0, v47;
	v36 =	vld [tilespmem:$0x7C70];
	v21 =	vmul.f32 v21, v31  }
0x59f: {  	s31 =	sadd.s32 s4, s0;
	[tilespmem:s14+$0x8810] =	vst v28;
	v1 =	vmul.f32 v30, v1;
	v28 =	vadd.f32 v35, v13  }
0x5a0: {  	s25 =	simm.s32 $0x400;
	v30 =	vmul.f32 v34, v63;
	v31 =	vld [tilespmem:$0x7D20];
	[tilespmem:s31+$0x8000] =	vst v0;
	v0 =	vmul.f32 v62, v22;
	v21 =	vadd.f32 v21, v50  }
0x5a1: {  	s4 =	sand.u32 $0x300, s25;
	v1 =	vadd.f32 v1, v48;
	v40 =	vld [tilespmem:$0x7C10];
	v41 =	vmul.f32 v26, v29;
	v28 =	vmul.f32 v28, v60  }
0x5a2: {  	s5 =	sadd.s32 s4, s0;
	v30 =	vadd.f32 v30, v54;
	v42 =	vmul.f32 v27, v52;
	v0 =	vadd.f32 v0, v18;
	[tilespmem:s1+$0x7E10] =	vst v21  }
0x5a3: {  	[tilespmem:s5+$0x8000] =	vst v1;
	v1 =	vadd.f32 v41, v9;
	v21 =	vmul.f32 v36, v25;
	v28 =	vadd.f32 v28, v12;
	v44 =	vld [tilespmem:$0x7DA0]  }
0x5a4: {  	[tilespmem:s7+$0x8870] =	vst v30;
	v30 =	vld [tilespmem:$0x7C10];
	v32 =	vadd.f32 v42, v23;
	v0 =	vmul.f32 v0, v62  }
0x5a5: {  	v49 =	vld [tilespmem:$0x7D80];
	v55 =	vmul.f32 v31, v15;
	v1 =	vmul.f32 v1, v26;
	v21 =	vadd.f32 v21, v7;
	[tilespmem:s10+$0x8830] =	vst v28  }
0x5a6: {  	v26 =	vmul.f32 v40, v14;
	v27 =	vmul.f32 v32, v27;
	v0 =	vadd.f32 v0, v20;
	v28 =	vld [tilespmem:$0x7D40]  }
0x5a7: {  	v56 =	vadd.f32 v55, v16;
	v1 =	vadd.f32 v1, v10;
	v21 =	vmul.f32 v21, v36  }
0x5a8: {  	v26 =	vadd.f32 v26, v45;
	v27 =	vadd.f32 v27, v24;
	[tilespmem:s2+$0x8450] =	vst v0;
	v0 =	vmul.f32 v44, v53  }
0x5a9: {  	v57 =	vmul.f32 v30, v43;
	v31 =	vmul.f32 v56, v31;
	[tilespmem:s20+$0x8060] =	vst v1;
	v1 =	vadd.f32 v21, v8;
	v21 =	vld [tilespmem:$0x7CE0]  }
0x5aa: {  	v58 =	vmul.f32 v49, v6;
	v26 =	vmul.f32 v26, v40;
	v59 =	vld [tilespmem:$0x7C70];
	[tilespmem:s6+$0x8440] =	vst v27;
	v0 =	vadd.f32 v0, v51  }
0x5ab: {  	v27 =	vadd.f32 v57, v46;
	v31 =	vadd.f32 v31, v17;
	[tilespmem:s8+$0x8070] =	vst v1;
	v1 =	vld [tilespmem:$0x7CD0];
	v60 =	vmul.f32 v28, v11  }
0x5ac: {  	v32 =	vadd.f32 v58, v5;
	v26 =	vadd.f32 v26, v47;
	v62 =	vld [tilespmem:$0x7C80];
	v0 =	vmul.f32 v0, v44  }
0x5ad: {  	v27 =	vmul.f32 v27, v30;
	[tilespmem:s14+$0x8820] =	vst v31;
	v30 =	vadd.f32 v60, v13  }
0x5ae: {  	v31 =	vmul.f32 v32, v49;
	v40 =	vld [tilespmem:$0x7D30];
	[tilespmem:s31+$0x8010] =	vst v26;
	v26 =	vmul.f32 v21, v22;
	v0 =	vadd.f32 v0, v50  }
0x5af: {  	v27 =	vadd.f32 v27, v48;
	v41 =	vld [tilespmem:$0x7C20];
	v42 =	vmul.f32 v59, v29;
	v28 =	vmul.f32 v30, v28  }
0x5b0: {  	v30 =	vadd.f32 v31, v54;
	v31 =	vmul.f32 v1, v52;
	v26 =	vadd.f32 v26, v18;
	[tilespmem:s1+$0x7E20] =	vst v0  }
0x5b1: {  	[tilespmem:s5+$0x8010] =	vst v27;
	v0 =	vadd.f32 v42, v9;
	v27 =	vmul.f32 v62, v25;
	v44 =	vld [tilespmem:$0x7DB0]  }
0x5b2: {  	v49 =	vld [tilespmem:$0x7C20];
	v28 =	vadd.f32 v28, v12;
	v31 =	vadd.f32 v31, v23;
	v21 =	vmul.f32 v26, v21  }
0x5b3: {  	[tilespmem:s23+$0x7E00] =	vst v30;
	v0 =	vmul.f32 v0, v59;
	v26 =	vadd.f32 v27, v7;
	v27 =	vmul.f32 v40, v15  }
0x5b4: {  	[tilespmem:s10+$0x8840] =	vst v28;
	v28 =	vld [tilespmem:$0x7D90];
	v30 =	vmul.f32 v41, v14;
	v1 =	vmul.f32 v31, v1;
	v21 =	vadd.f32 v21, v20  }
0x5b5: {  	v31 =	vld [tilespmem:$0x7D50];
	v0 =	vadd.f32 v0, v10;
	v26 =	vmul.f32 v26, v62;
	v27 =	vadd.f32 v27, v16  }
0x5b6: {  	v30 =	vadd.f32 v30, v45;
	v1 =	vadd.f32 v1, v24;
	[tilespmem:s2+$0x8460] =	vst v21;
	v21 =	vmul.f32 v44, v53  }
0x5b7: {  	v55 =	vmul.f32 v49, v43;
	[tilespmem:s20+$0x8070] =	vst v0;
	v0 =	vadd.f32 v26, v8;
	v26 =	vld [tilespmem:$0x7CF0];
	v27 =	vmul.f32 v27, v40  }
0x5b8: {  	v30 =	vmul.f32 v30, v41;
	v56 =	vld [tilespmem:$0x7C80];
	[tilespmem:s6+$0x8450] =	vst v1;
	v21 =	vadd.f32 v21, v51  }
0x5b9: {  	v57 =	vadd.f32 v55, v46;
	v1 =	vmul.f32 v28, v6;
	[tilespmem:s8+$0x8400] =	vst v0;
	v0 =	vld [tilespmem:$0x7CE0];
	v27 =	vadd.f32 v27, v17  }
0x5ba: {  	v58 =	vmul.f32 v31, v11;
	v30 =	vadd.f32 v30, v47;
	v59 =	vld [tilespmem:$0x7C90];
	v21 =	vmul.f32 v21, v44  }
0x5bb: {  	v33 =	vmul.f32 v57, v49;
	v1 =	vadd.f32 v1, v5;
	[tilespmem:s14+$0x8830] =	vst v27  }
0x5bc: {  	v27 =	vadd.f32 v58, v13;
	[tilespmem:s31+$0x8020] =	vst v30;
	v30 =	vmul.f32 v26, v22;
	v60 =	vld [tilespmem:$0x7D40];
	v21 =	vadd.f32 v21, v50  }
0x5bd: {  	v1 =	vmul.f32 v1, v28;
	v28 =	vadd.f32 v33, v48;
	v62 =	vld [tilespmem:$0x7C30];
	v40 =	vmul.f32 v56, v29  }
0x5be: {  	v27 =	vmul.f32 v27, v31;
	v31 =	vmul.f32 v0, v52;
	v30 =	vadd.f32 v30, v18;
	[tilespmem:s1+$0x7E30] =	vst v21  }
0x5bf: {  	v1 =	vadd.f32 v1, v54;
	[tilespmem:s5+$0x8020] =	vst v28;
	v21 =	vadd.f32 v40, v9;
	v28 =	vmul.f32 v59, v25;
	v41 =	vld [tilespmem:$0x7DC0]  }
0x5c0: {  	v27 =	vadd.f32 v27, v12;
	v42 =	vld [tilespmem:$0x7C30];
	v31 =	vadd.f32 v31, v23;
	v26 =	vmul.f32 v30, v26  }
0x5c1: {  	[tilespmem:s23+$0x7E10] =	vst v1;
	v1 =	vmul.f32 v21, v56;
	v21 =	vadd.f32 v28, v7;
	v28 =	vmul.f32 v60, v15  }
0x5c2: {  	[tilespmem:s10+$0x8850] =	vst v27;
	v27 =	vld [tilespmem:$0x7DA0];
	v30 =	vmul.f32 v62, v14;
	v0 =	vmul.f32 v31, v0;
	v26 =	vadd.f32 v26, v20  }
0x5c3: {  	v31 =	vld [tilespmem:$0x7D60];
	v1 =	vadd.f32 v1, v10;
	v21 =	vmul.f32 v21, v59;
	v28 =	vadd.f32 v28, v16  }
0x5c4: {  	v30 =	vadd.f32 v30, v45;
	v0 =	vadd.f32 v0, v24;
	[tilespmem:s2+$0x8470] =	vst v26;
	v26 =	vmul.f32 v41, v53  }
0x5c5: {  	v44 =	vmul.f32 v42, v43;
	[tilespmem:s20+$0x8400] =	vst v1;
	v1 =	vadd.f32 v21, v8;
	v21 =	vld [tilespmem:$0x7D00];
	v28 =	vmul.f32 v28, v60  }
0x5c6: {  	v30 =	vmul.f32 v30, v62;
	v49 =	vld [tilespmem:$0x7C90];
	[tilespmem:s6+$0x8460] =	vst v0;
	v26 =	vadd.f32 v26, v51  }
0x5c7: {  	v0 =	vmul.f32 v27, v6;
	v32 =	vadd.f32 v44, v46;
	[tilespmem:s8+$0x8410] =	vst v1;
	v1 =	vld [tilespmem:$0x7CF0];
	v28 =	vadd.f32 v28, v17  }
0x5c8: {  	v55 =	vmul.f32 v31, v11;
	v30 =	vadd.f32 v30, v47;
	v56 =	vld [tilespmem:$0x7CA0];
	v26 =	vmul.f32 v26, v41  }
0x5c9: {  	v0 =	vadd.f32 v0, v5;
	v32 =	vmul.f32 v32, v42;
	[tilespmem:s14+$0x8840] =	vst v28  }
0x5ca: {  	v28 =	vadd.f32 v55, v13;
	[tilespmem:s31+$0x8030] =	vst v30;
	v30 =	vmul.f32 v21, v22;
	v57 =	vld [tilespmem:$0x7D50];
	v26 =	vadd.f32 v26, v50  }
0x5cb: {  	v0 =	vmul.f32 v0, v27;
	v27 =	vadd.f32 v32, v48;
	v58 =	vld [tilespmem:$0x7C40];
	v59 =	vmul.f32 v49, v29  }
0x5cc: {  	v28 =	vmul.f32 v28, v31;
	v31 =	vmul.f32 v1, v52;
	v30 =	vadd.f32 v30, v18;
	[tilespmem:s1+$0x7E40] =	vst v26  }
0x5cd: {  	v0 =	vadd.f32 v0, v54;
	[tilespmem:s5+$0x8030] =	vst v27;
	v26 =	vadd.f32 v59, v9;
	v27 =	vmul.f32 v56, v25;
	v60 =	vld [tilespmem:$0x7DD0]  }
0x5ce: {  	v28 =	vadd.f32 v28, v12;
	v62 =	vld [tilespmem:$0x7C40];
	v31 =	vadd.f32 v31, v23;
	v21 =	vmul.f32 v30, v21  }
0x5cf: {  	[tilespmem:s23+$0x7E20] =	vst v0;
	v0 =	vmul.f32 v26, v49;
	v26 =	vadd.f32 v27, v7;
	v27 =	vmul.f32 v57, v15  }
0x5d0: {  	[tilespmem:s10+$0x8860] =	vst v28;
	v28 =	vld [tilespmem:$0x7DB0];
	v30 =	vmul.f32 v58, v14;
	v1 =	vmul.f32 v31, v1;
	v21 =	vadd.f32 v21, v20  }
0x5d1: {  	v31 =	vld [tilespmem:$0x7D70];
	v0 =	vadd.f32 v0, v10;
	v26 =	vmul.f32 v26, v56;
	v27 =	vadd.f32 v27, v16  }
0x5d2: {  	v30 =	vadd.f32 v30, v45;
	v1 =	vadd.f32 v1, v24;
	[tilespmem:s2+$0x8800] =	vst v21;
	v21 =	vmul.f32 v60, v53  }
0x5d3: {  	v40 =	vmul.f32 v62, v43;
	[tilespmem:s20+$0x8410] =	vst v0;
	v0 =	vadd.f32 v26, v8;
	v26 =	vld [tilespmem:$0x7D10];
	v27 =	vmul.f32 v27, v57  }
0x5d4: {  	v30 =	vmul.f32 v30, v58;
	v41 =	vld [tilespmem:$0x7CA0];
	[tilespmem:s6+$0x8470] =	vst v1;
	v21 =	vadd.f32 v21, v51  }
0x5d5: {  	v1 =	vmul.f32 v28, v6;
	v33 =	vadd.f32 v40, v46;
	[tilespmem:s8+$0x8420] =	vst v0;
	v0 =	vld [tilespmem:$0x7D00];
	v27 =	vadd.f32 v27, v17  }
0x5d6: {  	v42 =	vmul.f32 v31, v11;
	v30 =	vadd.f32 v30, v47;
	v44 =	vld [tilespmem:$0x7CB0];
	v21 =	vmul.f32 v21, v60  }
0x5d7: {  	v1 =	vadd.f32 v1, v5;
	v33 =	vmul.f32 v33, v62;
	[tilespmem:s14+$0x8850] =	vst v27  }
0x5d8: {  	v27 =	vadd.f32 v42, v13;
	[tilespmem:s31+$0x8040] =	vst v30;
	v30 =	vmul.f32 v26, v22;
	v49 =	vld [tilespmem:$0x7D60];
	v21 =	vadd.f32 v21, v50  }
0x5d9: {  	v1 =	vmul.f32 v1, v28;
	v28 =	vadd.f32 v33, v48;
	v55 =	vld [tilespmem:$0x7C50];
	v56 =	vmul.f32 v41, v29  }
0x5da: {  	v27 =	vmul.f32 v27, v31;
	v31 =	vmul.f32 v0, v52;
	v30 =	vadd.f32 v30, v18;
	[tilespmem:s1+$0x7E50] =	vst v21  }
0x5db: {  	v1 =	vadd.f32 v1, v54;
	[tilespmem:s5+$0x8040] =	vst v28;
	v21 =	vadd.f32 v56, v9;
	v28 =	vmul.f32 v44, v25  }
0x5dc: {  	v27 =	vadd.f32 v27, v12;
	v31 =	vadd.f32 v31, v23;
	v26 =	vmul.f32 v30, v26  }
0x5dd: {  	v57 =	vld [tilespmem:$0x7DE0];
	[tilespmem:s23+$0x7E30] =	vst v1;
	v1 =	vmul.f32 v21, v41;
	v21 =	vadd.f32 v28, v7;
	v28 =	vmul.f32 v49, v15  }
0x5de: {  	[tilespmem:s10+$0x8870] =	vst v27;
	v27 =	vld [tilespmem:$0x7DC0];
	v30 =	vmul.f32 v55, v14;
	v0 =	vmul.f32 v31, v0;
	v26 =	vadd.f32 v26, v20  }
0x5df: {  	v1 =	vadd.f32 v1, v10;
	v21 =	vmul.f32 v21, v44;
	v28 =	vadd.f32 v28, v16  }
0x5e0: {  	v58 =	vld [tilespmem:$0x7C50];
	v30 =	vadd.f32 v30, v45;
	[tilespmem:s2+$0x8810] =	vst v26  }
0x5e1: {  	v31 =	vld [tilespmem:$0x7D80];
	v0 =	vadd.f32 v0, v24;
	[tilespmem:s20+$0x8420] =	vst v1;
	v1 =	vadd.f32 v21, v8;
	v21 =	vmul.f32 v28, v49  }
0x5e2: {  	v59 =	vmul.f32 v57, v53;
	v39 =	vld [tilespmem:$0x7D20];
	v28 =	vmul.f32 v30, v55  }
0x5e3: {  	v26 =	vld [tilespmem:$0x7CB0];
	[tilespmem:s6+$0x8800] =	vst v0;
	v30 =	vmul.f32 v27, v6;
	v21 =	vadd.f32 v21, v17  }
0x5e4: {  	v32 =	vadd.f32 v59, v51;
	[tilespmem:s8+$0x8430] =	vst v1;
	v40 =	vld [tilespmem:$0x7D10];
	v1 =	vadd.f32 v28, v47  }
0x5e5: {  	v60 =	vmul.f32 v58, v43;
	v28 =	vadd.f32 v30, v5;
	v30 =	vld [tilespmem:$0x7CC0];
	[tilespmem:s14+$0x8860] =	vst v21  }
0x5e6: {  	v62 =	vmul.f32 v31, v11;
	v32 =	vmul.f32 v32, v57;
	[tilespmem:s31+$0x8050] =	vst v1;
	v2 =	vld [tilespmem:$0x7D70]  }
0x5e7: {  	v1 =	vmul.f32 v39, v22;
	v57 =	vmul.f32 v28, v27;
	v27 =	vld [tilespmem:$0x7C60];
	[tilespmem:$0x1FE20] =	vst v52  }
0x5e8: {  	p5 =	por $0x1, $0x1;
	v21 =	vadd.f32 v62, v13;
	[tilespmem:$0x1FE70] =	vst v39  }
.Ltmp15:
0x5e9: {  	s26 =	simm.s32 $0x4;
	v0 =	vadd.f32 v60, v46;
	[tilespmem:$0x1FE60] =	vst v1;
	(pc) =	sbr.rel @!p5 .LBB2_29-.Ltmp15, $4  }
0x5ea: {  	s0 =	sand.u32 $0x3, s26;
	s10 =	simm.s32 $0x2;
	v62 =	vadd.f32 v32, v50;
	[dreg:$0xc] =	wrdreg s14;
	v32 =	vmul.f32 v21, v31;
	[tilespmem:$0x1FE80] =	vst v40  }
0x5eb: {  	s0 =	sshll.u32 s0, $0x8;
	s28 =	sand.u32 $0x7, s10;
	v0 =	vmul.f32 v0, v58;
	[dreg:$0xd] =	wrdreg s30;
	[tilespmem:$0x1FE30] =	vst v57  }
0x5ec: {  	s0 =	sadd.s32 $0x1000, s0;
	s4 =	sshll.u32 s28, $0x7;
	[dreg:$0xe] =	wrdreg s1;
	[tilespmem:$0x1FE40] =	vst v32  }
0x5ed: {  	p3 =	por $0x1, $0x1;
	s22 =	sor.u32 $0x8C00, s0;
	v37 =	vadd.f32 v0, v48;
	v33 =	vmul.f32 v26, v29;
	[dreg:$0x11] =	wrdreg s4;
	[tilespmem:$0x1FE50] =	vst v2  }
0x5ee: {  	[tilespmem:$0x1FDF0] =	vst v63;
	[dreg:$0xb] =	wrdreg s7  }
0x5ef: {  	[tilespmem:$0x1FE00] =	vst v61;
	[dreg:$0x9] =	wrdreg s11  }
0x5f0: {  	v1 =	vadd.f32 v1, v18;
	s0 =	sadd.s32 $0x400, s4;
	s12 =	simm.s32 $0x7210;
	v0 =	vld [tilespmem:$0x7C00];
	[tilespmem:$0x1FE10] =	vst v62  }
0x5f1: {  	v21 =	vmul.f32 v30, v25;
	v28 =	vadd.f32 v32, v12;
	s0 =	sadd.s32 $0x80, s0;
	v60 =	vld [tilespmem:s12+$0x20]  }
0x5f2: {  	v34 =	vmul.f32 v27, v14;
	v1 =	vmul.f32 v1, v39;
	s28 =	sor.u32 $0x8C00, s0;
	v59 =	vld [tilespmem:s12+$0x10]  }
0x5f3: {  	v56 =	vmul.f32 v2, v15;
	v55 =	vadd.f32 v21, v7;
	v21 =	vld [tilespmem:s12+$0xFFFFFFF0];
	[tilespmem:s28+$0x7E00] =	vst v28  }
0x5f4: {  	[tilespmem:s1+$0x7E60] =	vst v62;
	v34 =	vadd.f32 v34, v45;
	v28 =	vmul.f32 v40, v52;
	v1 =	vadd.f32 v1, v20;
	v35 =	vld [tilespmem:$0x7D90]  }
0x5f5: {  	v33 =	vadd.f32 v33, v9;
	v31 =	vld [tilespmem:$0x7DF0];
	v30 =	vmul.f32 v55, v30  }
0x5f6: {  	v61 =	vld [tilespmem:s12+$0xFFFFFFE0];
	v32 =	vadd.f32 v56, v16;
	v27 =	vmul.f32 v34, v27;
	v28 =	vadd.f32 v28, v23;
	[tilespmem:s2+$0x8820] =	vst v1  }
0x5f7: {  	v1 =	vmul.f32 v33, v26;
	v30 =	vadd.f32 v30, v8;
	v26 =	vmul.f32 v60, v0;
	v58 =	vld [tilespmem:$0x7D30]  }
0x5f8: {  	v63 =	vld [tilespmem:s12+$0x0];
	v32 =	vmul.f32 v32, v2;
	v28 =	vmul.f32 v28, v40  }
0x5f9: {  	v62 =	vld [tilespmem:s12+$0xFFFFFFD0];
	v1 =	vadd.f32 v1, v10;
	[tilespmem:s8+$0x8440] =	vst v30;
	v26 =	vadd.f32 v26, v59;
	v30 =	vmul.f32 v35, v11  }
0x5fa: {  	[tilespmem:s5+$0x8050] =	vst v37;
	v27 =	vadd.f32 v27, v47;
	v42 =	vmul.f32 v0, v21;
	v38 =	vmul.f32 v31, v53;
	v36 =	vld [tilespmem:$0x7CD0]  }
0x5fb: {  	s26 =	simm.s32 $0x1400;
	v28 =	vadd.f32 v28, v24;
	[tilespmem:s20+$0x8430] =	vst v1;
	v1 =	vmul.f32 v26, v0;
	v26 =	vld [tilespmem:$0x7C60];
	v30 =	vadd.f32 v30, v13  }
0x5fc: {  	s15 =	simm.s32 $0x580;
	s13 =	sand.u32 $0x7000, s26;
	v32 =	vadd.f32 v32, v17;
	[tilespmem:s31+$0x8060] =	vst v27;
	v34 =	vadd.f32 v42, v61;
	v27 =	vld [tilespmem:$0x7CC0];
	v44 =	vmul.f32 v58, v22  }
0x5fd: {  	s4 =	sand.u32 $0x380, s15;
	s0 =	sadd.s32 $0x7E00, s13;
	v51 =	vadd.f32 v38, v51;
	[tilespmem:s6+$0x8810] =	vst v28;
	v28 =	vld [tilespmem:$0x7C70];
	v1 =	vadd.f32 v1, v63;
	v30 =	vmul.f32 v30, v35  }
0x5fe: {  	s29 =	sadd.s32 s4, s0;
	[tilespmem:s14+$0x8870] =	vst v32;
	v0 =	vmul.f32 v34, v0;
	v32 =	vld [tilespmem:$0x7D20];
	v49 =	vadd.f32 v44, v18  }
0x5ff: {  	s25 =	simm.s32 $0x500;
	v38 =	vld [tilespmem:$0x7D80];
	v31 =	vmul.f32 v51, v31;
	[tilespmem:s29+$0x8000] =	vst v1;
	v1 =	vmul.f32 v36, v25;
	v30 =	vadd.f32 v30, v12  }
0x600: {  	s16 =	sand.u32 $0x300, s25;
	v0 =	vadd.f32 v0, v62;
	v53 =	vld [tilespmem:$0x7C10];
	v55 =	vmul.f32 v26, v43;
	v33 =	vmul.f32 v49, v58  }
0x601: {  	s9 =	sadd.s32 s16, s0;
	v35 =	vadd.f32 v57, v54;
	v56 =	vmul.f32 v27, v29;
	v1 =	vadd.f32 v1, v7;
	[tilespmem:s28+$0x7E10] =	vst v30  }
0x602: {  	[tilespmem:s9+$0x8000] =	vst v0;
	v30 =	vmul.f32 v28, v14;
	v0 =	vadd.f32 v55, v46;
	v33 =	vadd.f32 v33, v20;
	v57 =	vld [tilespmem:$0x7DA0]  }
0x603: {  	v58 =	vld [tilespmem:$0x7C10];
	v42 =	vmul.f32 v32, v52;
	v34 =	vadd.f32 v56, v9;
	v1 =	vmul.f32 v1, v36  }
0x604: {  	v0 =	vmul.f32 v0, v26;
	v26 =	vadd.f32 v30, v45;
	[tilespmem:s2+$0x8830] =	vst v33;
	v30 =	vmul.f32 v38, v15  }
0x605: {  	v27 =	vmul.f32 v34, v27;
	v44 =	vmul.f32 v53, v60;
	v1 =	vadd.f32 v1, v8;
	v34 =	vld [tilespmem:$0x7D40]  }
0x606: {  	[tilespmem:s23+$0x7E40] =	vst v35;
	v0 =	vadd.f32 v0, v48;
	v26 =	vmul.f32 v26, v28;
	v28 =	vadd.f32 v42, v23  }
0x607: {  	v35 =	vld [tilespmem:$0x7DD0];
	v27 =	vadd.f32 v27, v10;
	v33 =	vadd.f32 v44, v59;
	[tilespmem:s8+$0x8450] =	vst v1;
	v1 =	vmul.f32 v57, v11  }
0x608: {  	v49 =	vmul.f32 v58, v21;
	[tilespmem:s5+$0x8060] =	vst v0;
	v0 =	vadd.f32 v26, v47;
	v26 =	vld [tilespmem:$0x7CE0];
	v28 =	vmul.f32 v28, v32  }
0x609: {  	[tilespmem:s20+$0x8440] =	vst v27;
	v27 =	vadd.f32 v30, v16;
	v51 =	vmul.f32 v33, v53;
	v53 =	vld [tilespmem:$0x7C70];
	v30 =	vadd.f32 v1, v13  }
0x60a: {  	v36 =	vadd.f32 v49, v61;
	[tilespmem:s31+$0x8070] =	vst v0;
	v0 =	vld [tilespmem:$0x7CD0];
	v28 =	vadd.f32 v28, v24;
	v55 =	vmul.f32 v34, v22  }
0x60b: {  	v1 =	vadd.f32 v31, v50;
	v31 =	vadd.f32 v51, v63;
	v56 =	vld [tilespmem:$0x7C80];
	v30 =	vmul.f32 v30, v57  }
0x60c: {  	v36 =	vmul.f32 v36, v58;
	v27 =	vmul.f32 v27, v38;
	[tilespmem:s6+$0x8820] =	vst v28;
	v28 =	vadd.f32 v55, v18  }
0x60d: {  	v57 =	vmul.f32 v35, v6;
	[tilespmem:s29+$0x8010] =	vst v31;
	v31 =	vmul.f32 v26, v25;
	v38 =	vld [tilespmem:$0x7D30];
	v30 =	vadd.f32 v30, v12  }
0x60e: {  	v36 =	vadd.f32 v36, v62;
	v58 =	vld [tilespmem:$0x7C20];
	v44 =	vmul.f32 v53, v43;
	v28 =	vmul.f32 v28, v34  }
0x60f: {  	v27 =	vadd.f32 v27, v17;
	v49 =	vmul.f32 v0, v29;
	v31 =	vadd.f32 v31, v7;
	[tilespmem:s28+$0x7E20] =	vst v30  }
0x610: {  	[tilespmem:s9+$0x8010] =	vst v36;
	v30 =	vadd.f32 v44, v46;
	v50 =	vmul.f32 v56, v14;
	v28 =	vadd.f32 v28, v20;
	v51 =	vld [tilespmem:$0x7DB0]  }
0x611: {  	v37 =	vadd.f32 v57, v5;
	v41 =	vld [tilespmem:$0x7C20];
	[tilespmem:s30+$0x7E00] =	vst v27;
	v34 =	vadd.f32 v49, v9;
	v26 =	vmul.f32 v31, v26  }
0x612: {  	v27 =	vmul.f32 v30, v53;
	v30 =	vadd.f32 v50, v45;
	v31 =	vmul.f32 v38, v52;
	[tilespmem:s2+$0x8840] =	vst v28;
	v28 =	vld [tilespmem:$0x7D90]  }
0x613: {  	v53 =	vmul.f32 v58, v60;
	v0 =	vmul.f32 v34, v0;
	v26 =	vadd.f32 v26, v8;
	v55 =	vld [tilespmem:$0x7D50]  }
0x614: {  	v27 =	vadd.f32 v27, v48;
	v30 =	vmul.f32 v30, v56;
	v31 =	vadd.f32 v31, v23  }
0x615: {  	v56 =	vadd.f32 v53, v59;
	v0 =	vadd.f32 v0, v10;
	[tilespmem:s8+$0x8460] =	vst v26;
	v26 =	vmul.f32 v51, v11  }
0x616: {  	v57 =	vmul.f32 v41, v21;
	[tilespmem:s5+$0x8070] =	vst v27;
	v27 =	vadd.f32 v30, v47;
	v30 =	vld [tilespmem:$0x7CF0];
	v31 =	vmul.f32 v31, v38  }
0x617: {  	v32 =	vmul.f32 v56, v58;
	v58 =	vld [tilespmem:$0x7C80];
	[tilespmem:s20+$0x8450] =	vst v0;
	v0 =	vmul.f32 v28, v15;
	v26 =	vadd.f32 v26, v13  }
0x618: {  	v33 =	vadd.f32 v57, v61;
	[tilespmem:s31+$0x8400] =	vst v27;
	v27 =	vld [tilespmem:$0x7CE0];
	v31 =	vadd.f32 v31, v24;
	v42 =	vmul.f32 v55, v22  }
0x619: {  	v32 =	vadd.f32 v32, v63;
	v39 =	vld [tilespmem:$0x7C90];
	v0 =	vadd.f32 v0, v16;
	v26 =	vmul.f32 v26, v51  }
0x61a: {  	v35 =	vmul.f32 v37, v35;
	v33 =	vmul.f32 v33, v41;
	[tilespmem:s6+$0x8830] =	vst v31;
	v31 =	vadd.f32 v42, v18  }
0x61b: {  	[tilespmem:s29+$0x8020] =	vst v32;
	v44 =	vmul.f32 v30, v25;
	v49 =	vld [tilespmem:$0x7D40];
	v0 =	vmul.f32 v0, v28;
	v26 =	vadd.f32 v26, v12  }
0x61c: {  	v28 =	vadd.f32 v33, v62;
	v50 =	vld [tilespmem:$0x7C30];
	v51 =	vmul.f32 v58, v43;
	v31 =	vmul.f32 v31, v55  }
0x61d: {  	v53 =	vmul.f32 v27, v29;
	v32 =	vadd.f32 v44, v7;
	v0 =	vadd.f32 v0, v17;
	[tilespmem:s28+$0x7E30] =	vst v26  }
0x61e: {  	[tilespmem:s9+$0x8020] =	vst v28;
	v26 =	vadd.f32 v51, v46;
	v28 =	vmul.f32 v39, v14;
	v31 =	vadd.f32 v31, v20;
	v55 =	vld [tilespmem:$0x7DC0]  }
0x61f: {  	v35 =	vadd.f32 v35, v54;
	v56 =	vld [tilespmem:$0x7C30];
	v34 =	vadd.f32 v53, v9;
	v30 =	vmul.f32 v32, v30;
	[tilespmem:s30+$0x7E10] =	vst v0  }
0x620: {  	v0 =	vmul.f32 v26, v58;
	v26 =	vadd.f32 v28, v45;
	v28 =	vmul.f32 v49, v52;
	[tilespmem:s2+$0x8850] =	vst v31;
	v31 =	vld [tilespmem:$0x7DA0]  }
0x621: {  	v57 =	vmul.f32 v50, v60;
	v27 =	vmul.f32 v34, v27;
	v30 =	vadd.f32 v30, v8;
	v58 =	vld [tilespmem:$0x7D60]  }
0x622: {  	[tilespmem:s23+$0x7E50] =	vst v35;
	v0 =	vadd.f32 v0, v48;
	v26 =	vmul.f32 v26, v39;
	v28 =	vadd.f32 v28, v23  }
0x623: {  	v35 =	vld [tilespmem:$0x7DE0];
	v32 =	vadd.f32 v57, v59;
	v27 =	vadd.f32 v27, v10;
	[tilespmem:s8+$0x8470] =	vst v30;
	v30 =	vmul.f32 v55, v11  }
0x624: {  	v42 =	vmul.f32 v56, v21;
	[tilespmem:s5+$0x8400] =	vst v0;
	v0 =	vadd.f32 v26, v47;
	v26 =	vld [tilespmem:$0x7D00];
	v28 =	vmul.f32 v28, v49  }
0x625: {  	v32 =	vmul.f32 v32, v50;
	v33 =	vld [tilespmem:$0x7C90];
	[tilespmem:s20+$0x8460] =	vst v27;
	v27 =	vmul.f32 v31, v15;
	v30 =	vadd.f32 v30, v13  }
0x626: {  	v36 =	vadd.f32 v42, v61;
	[tilespmem:s31+$0x8410] =	vst v0;
	v0 =	vld [tilespmem:$0x7CF0];
	v28 =	vadd.f32 v28, v24;
	v44 =	vmul.f32 v58, v22  }
0x627: {  	v32 =	vadd.f32 v32, v63;
	v39 =	vld [tilespmem:$0x7CA0];
	v27 =	vadd.f32 v27, v16;
	v30 =	vmul.f32 v30, v55  }
0x628: {  	v49 =	vmul.f32 v35, v6;
	v36 =	vmul.f32 v36, v56;
	[tilespmem:s6+$0x8840] =	vst v28;
	v28 =	vadd.f32 v44, v18  }
0x629: {  	[tilespmem:s29+$0x8030] =	vst v32;
	v50 =	vmul.f32 v26, v25;
	v51 =	vld [tilespmem:$0x7D50];
	v27 =	vmul.f32 v27, v31;
	v30 =	vadd.f32 v30, v12  }
0x62a: {  	v31 =	vadd.f32 v36, v62;
	v53 =	vld [tilespmem:$0x7C40];
	v55 =	vmul.f32 v33, v43;
	v28 =	vmul.f32 v28, v58  }
0x62b: {  	v56 =	vmul.f32 v0, v29;
	v32 =	vadd.f32 v50, v7;
	v27 =	vadd.f32 v27, v17;
	[tilespmem:s28+$0x7E40] =	vst v30  }
0x62c: {  	[tilespmem:s9+$0x8030] =	vst v31;
	v30 =	vadd.f32 v55, v46;
	v31 =	vmul.f32 v39, v14;
	v28 =	vadd.f32 v28, v20;
	v57 =	vld [tilespmem:$0x7DD0]  }
0x62d: {  	v58 =	vld [tilespmem:$0x7C40];
	v34 =	vadd.f32 v56, v9;
	v26 =	vmul.f32 v32, v26;
	[tilespmem:s30+$0x7E20] =	vst v27;
	v27 =	vadd.f32 v49, v5  }
0x62e: {  	v30 =	vmul.f32 v30, v33;
	v31 =	vadd.f32 v31, v45;
	v37 =	vmul.f32 v51, v52;
	[tilespmem:s2+$0x8860] =	vst v28;
	v28 =	vld [tilespmem:$0x7DB0]  }
0x62f: {  	v42 =	vmul.f32 v53, v60;
	v0 =	vmul.f32 v34, v0;
	v26 =	vadd.f32 v26, v8;
	v44 =	vld [tilespmem:$0x7D70]  }
0x630: {  	v30 =	vadd.f32 v30, v48;
	v31 =	vmul.f32 v31, v39;
	v32 =	vadd.f32 v37, v23  }
0x631: {  	v33 =	vadd.f32 v42, v59;
	v0 =	vadd.f32 v0, v10;
	[tilespmem:s8+$0x8800] =	vst v26;
	v26 =	vmul.f32 v57, v11  }
0x632: {  	v49 =	vmul.f32 v58, v21;
	[tilespmem:s5+$0x8410] =	vst v30;
	v30 =	vadd.f32 v31, v47;
	v31 =	vld [tilespmem:$0x7D10];
	v32 =	vmul.f32 v32, v51  }
0x633: {  	v33 =	vmul.f32 v33, v53;
	v50 =	vld [tilespmem:$0x7CA0];
	[tilespmem:s20+$0x8470] =	vst v0;
	v0 =	vmul.f32 v28, v15;
	v26 =	vadd.f32 v26, v13  }
0x634: {  	v37 =	vadd.f32 v49, v61;
	[tilespmem:s31+$0x8420] =	vst v30;
	v30 =	vld [tilespmem:$0x7D00];
	v32 =	vadd.f32 v32, v24;
	v51 =	vmul.f32 v44, v22  }
0x635: {  	v33 =	vadd.f32 v33, v63;
	v53 =	vld [tilespmem:$0x7CB0];
	v0 =	vadd.f32 v0, v16;
	v26 =	vmul.f32 v26, v57  }
0x636: {  	v27 =	vmul.f32 v27, v35;
	v37 =	vmul.f32 v37, v58;
	[tilespmem:s6+$0x8850] =	vst v32;
	v55 =	vadd.f32 v51, v18  }
0x637: {  	[tilespmem:s29+$0x8040] =	vst v33;
	v56 =	vmul.f32 v31, v25;
	v35 =	vld [tilespmem:$0x7D60];
	v0 =	vmul.f32 v0, v28;
	v26 =	vadd.f32 v26, v12  }
0x638: {  	v28 =	vadd.f32 v37, v62;
	v37 =	vld [tilespmem:$0x7C50];
	v57 =	vmul.f32 v50, v43;
	v32 =	vmul.f32 v55, v44  }
0x639: {  	v58 =	vmul.f32 v30, v29;
	v33 =	vadd.f32 v56, v7;
	v0 =	vadd.f32 v0, v17;
	[tilespmem:s28+$0x7E50] =	vst v26  }
0x63a: {  	[tilespmem:s9+$0x8040] =	vst v28;
	v26 =	vadd.f32 v57, v46;
	v28 =	vmul.f32 v53, v14;
	v32 =	vadd.f32 v32, v20;
	v38 =	vld [tilespmem:$0x7DE0]  }
0x63b: {  	v44 =	vld [tilespmem:$0x7C50];
	v34 =	vadd.f32 v58, v9;
	v31 =	vmul.f32 v33, v31;
	[tilespmem:s30+$0x7E30] =	vst v0;
	v0 =	vadd.f32 v27, v54  }
0x63c: {  	v26 =	vmul.f32 v26, v50;
	v27 =	vadd.f32 v28, v45;
	v28 =	vmul.f32 v35, v52;
	[tilespmem:s2+$0x8870] =	vst v32;
	v49 =	vld [tilespmem:$0x7DC0]  }
0x63d: {  	v50 =	vmul.f32 v37, v60;
	v30 =	vmul.f32 v34, v30;
	v31 =	vadd.f32 v31, v8;
	v51 =	vld [tilespmem:$0x7D80]  }
0x63e: {  	[tilespmem:s23+$0x7E60] =	vst v0;
	v0 =	vadd.f32 v26, v48;
	v26 =	vmul.f32 v27, v53;
	v27 =	vadd.f32 v28, v23  }
0x63f: {  	v28 =	vadd.f32 v50, v59;
	[tilespmem:s8+$0x8810] =	vst v31;
	v31 =	vmul.f32 v38, v11  }
0x640: {  	[tilespmem:s1+$0x7E70] =	vst v1;
	v55 =	vld [tilespmem:$0x7DF0];
	v30 =	vadd.f32 v30, v10;
	v56 =	vmul.f32 v44, v21;
	v27 =	vmul.f32 v27, v35  }
0x641: {  	[tilespmem:s5+$0x8420] =	vst v0;
	v0 =	vadd.f32 v26, v47;
	v39 =	vld [tilespmem:$0x7D20];
	v28 =	vmul.f32 v28, v37;
	v57 =	vmul.f32 v49, v15  }
0x642: {  	v26 =	vld [tilespmem:$0x7CB0];
	v31 =	vadd.f32 v31, v13;
	[tilespmem:s20+$0x8800] =	vst v30;
	v33 =	vadd.f32 v56, v61;
	v58 =	vmul.f32 v51, v22  }
0x643: {  	s10 =	simm.s32 $0x4;
	p5 =	por $0x1, $0x1;
	p4 =	por $0x1, $0x1;
	v41 =	vmovc v24;
	v42 =	vmov v16;
	v27 =	vadd.f32 v27, v24;
	[tilespmem:s31+$0x8430] =	vst v0;
	v0 =	vadd.f32 v28, v63  }
.Ltmp16:
0x644: {  	s15 =	simm.s32 $0xA;
	s16 =	simm.s32 $0x5;
	v53 =	vmovc v22;
	v40 =	vld [tilespmem:$0x7D10];
	v35 =	vadd.f32 v57, v16;
	v31 =	vmul.f32 v31, v38;
	v36 =	vadd.f32 v58, v18;
	(pc) =	sbr.rel @!p5 .LBB2_31-.Ltmp16, $4  }
0x645: {  	s24 =	sand.u32 $0x7, s10;
	s13 =	simm.s32 $0x800;
	s19 =	sand.u32 $0x3, s16;
	v34 =	vmovc v15;
	v50 =	vmov v12;
	v30 =	vld [tilespmem:$0x7CC0];
	v33 =	vmul.f32 v33, v44;
	v56 =	vmul.f32 v55, v6;
	[tilespmem:s6+$0x8860] =	vst v27  }
0x646: {  	s4 =	sshll.u32 s24, $0x7;
	s24 =	smov.u32 s30;
	s0 =	sshll.u32 s19, $0x8;
	v44 =	vmovc v5;
	v38 =	vmov v13;
	[tilespmem:s29+$0x8050] =	vst v0;
	v0 =	vmul.f32 v39, v25;
	v28 =	vld [tilespmem:$0x7D70];
	v57 =	vmul.f32 v35, v49  }
0x647: {  	s19 =	smov.u32 s23;
	s0 =	sadd.s32 $0x1400, s0;
	v58 =	vadd.f32 v31, v12;
	v37 =	vadd.f32 v33, v62;
	v49 =	vmovc v23;
	v27 =	vld [tilespmem:$0x7C60];
	v33 =	vmul.f32 v26, v43;
	[dreg:$0xa] =	wrdreg s23  }
0x648: {  	s14 =	sor.u32 $0x8C00, s0;
	s0 =	smov.u32 s6;
	v32 =	vmul.f32 v36, v51;
	v51 =	vmovc v18;
	s30 =	rddreg [dreg:$0xf];
	v31 =	vmovc v17;
	v35 =	vmov v20;
	v36 =	vmov v11  }
.LBB2_32:
0x649: {  	v2 =	vld [tilespmem:$0x7C00];
	v1 =	vmul.f32 v40, v29;
	v0 =	vadd.f32 v0, v7;
	s4 =	sadd.s32 s13, s4;
	v57 =	vadd.f32 v57, v31;
	[tilespmem:s28+$0x7E60] =	vst v58;
	s13 =	smov.u32 s21;
	s21 =	smov.u32 s3  }
0x64a: {  	s12 =	sadd.s32 $0x60, s12;
	s3 =	smov.u32 s26;
	[tilespmem:s9+$0x8050] =	vst v37;
	v33 =	vadd.f32 v33, v46;
	v37 =	vmul.f32 v30, v14;
	v32 =	vadd.f32 v32, v35;
	s4 =	sadd.s32 $0x80, s4;
	v58 =	vld [tilespmem:$0x7DF0]  }
0x64b: {  	s15 =	sadd.s32 $0x2, s15;
	v3 =	vld [tilespmem:s12+$0x20];
	v4 =	vadd.f32 v1, v9;
	v0 =	vmul.f32 v0, v39;
	s11 =	sor.u32 $0x8C00, s4;
	[tilespmem:s24+$0x7E40] =	vst v57;
	v39 =	vadd.f32 v56, v44  }
0x64c: {  	p5 =	slt.u32 s15, $0x3E;
	v44 =	vld [tilespmem:s12+$0x10];
	v26 =	vmul.f32 v33, v26;
	v33 =	vadd.f32 v37, v45;
	v37 =	vmul.f32 v28, v52;
	[tilespmem:s11+$0x7E00] =	vst v32  }
0x64d: {  	v56 =	vmul.f32 v27, v60;
	v40 =	vmul.f32 v4, v40;
	v0 =	vadd.f32 v0, v8;
	v57 =	vld [tilespmem:$0x7D90];
	v1 =	vmovc v52  }
0x64e: {  	v52 =	vmovc v29;
	v32 =	vld [tilespmem:s12+$0xFFFFFFF0];
	v26 =	vadd.f32 v26, v48;
	v33 =	vmul.f32 v33, v30;
	v37 =	vadd.f32 v37, v49  }
0x64f: {  	v30 =	vld [tilespmem:s12+$0xFFFFFFE0];
	v29 =	vadd.f32 v56, v59;
	v40 =	vadd.f32 v40, v10;
	[tilespmem:s8+$0x8820] =	vst v0;
	v0 =	vmul.f32 v58, v36  }
0x650: {  	v4 =	vmul.f32 v3, v2;
	[tilespmem:s5+$0x8430] =	vst v26;
	v33 =	vadd.f32 v33, v47;
	v56 =	vld [tilespmem:$0x7D30];
	v28 =	vmul.f32 v37, v28  }
0x651: {  	v37 =	vmul.f32 v39, v55;
	v26 =	vld [tilespmem:s12+$0x0];
	v27 =	vmul.f32 v29, v27;
	[tilespmem:s20+$0x8810] =	vst v40;
	v29 =	vadd.f32 v0, v38  }
0x652: {  	s16 =	sadd.s32 $0x1, s16;
	v0 =	vld [tilespmem:s12+$0xFFFFFFD0];
	v38 =	vadd.f32 v4, v44;
	[tilespmem:s31+$0x8440] =	vst v33;
	v28 =	vadd.f32 v28, v41;
	v33 =	vmul.f32 v57, v53  }
0x653: {  	s4 =	sand.u32 $0x3, s16;
	v36 =	vmovc v53;
	v39 =	vmul.f32 v2, v32;
	v27 =	vadd.f32 v27, v63;
	v40 =	vld [tilespmem:$0x7CD0];
	v29 =	vmul.f32 v29, v58  }
0x654: {  	s25 =	sadd.s32 $0x100, s25;
	s26 =	sadd.s32 $0x400, s26;
	s4 =	sshll.u32 s4, $0x8;
	v38 =	vmul.f32 v38, v2;
	v55 =	vld [tilespmem:$0x7C60];
	[tilespmem:s0+$0x8870] =	vst v28;
	v28 =	vadd.f32 v33, v51;
	v33 =	vadd.f32 v37, v54  }
0x655: {  	s1 =	sand.u32 $0x300, s25;
	s7 =	sadd.s32 $0x80, s25;
	s0 =	sand.u32 $0x7000, s26;
	v37 =	vadd.f32 v39, v30;
	[tilespmem:s29+$0x8060] =	vst v27;
	v27 =	vld [tilespmem:$0x7CC0];
	v39 =	vmul.f32 v56, v25;
	v29 =	vadd.f32 v29, v50  }
0x656: {  	s7 =	sand.u32 $0x380, s7;
	s4 =	sadd.s32 s4, s26;
	v53 =	vmovc v25;
	s0 =	sadd.s32 $0x7E00, s0;
	v25 =	vmov v14;
	v4 =	vadd.f32 v38, v26;
	v50 =	vld [tilespmem:$0x7C70];
	v28 =	vmul.f32 v28, v57;
	[tilespmem:s19+$0x7E70] =	vst v33  }
0x657: {  	s23 =	sor.u32 $0x8C00, s4;
	v14 =	vmovc v60;
	v60 =	vmov v3;
	s1 =	sadd.s32 s1, s0;
	s4 =	sadd.s32 s7, s0;
	v2 =	vmul.f32 v37, v2;
	v33 =	vld [tilespmem:$0x7D20];
	v37 =	vadd.f32 v39, v7;
	[tilespmem:s28+$0x7E70] =	vst v29  }
0x658: {  	s0 =	smov.u32 s20;
	s20 =	smov.u32 s5;
	s28 =	smov.u32 s11;
	[tilespmem:s4+$0x8000] =	vst v4;
	v3 =	vmul.f32 v40, v25;
	v39 =	vld [tilespmem:$0x7D80];
	v28 =	vadd.f32 v28, v35;
	v38 =	vmovc v51;
	v51 =	vmov v7  }
0x659: {  	s5 =	smov.u32 s9;
	s19 =	smov.u32 s24;
	s9 =	smov.u32 s1;
	v7 =	vmovc v45;
	v2 =	vadd.f32 v2, v0;
	v54 =	vld [tilespmem:$0x7C10];
	v4 =	vmul.f32 v55, v21;
	v37 =	vmul.f32 v37, v56  }
0x65a: {  	s24 =	smov.u32 s30;
	s30 =	smov.u32 s17;
	s17 =	smov.u32 s22;
	v45 =	vmovc v59;
	v59 =	vmov v44;
	v56 =	vmul.f32 v27, v43;
	v3 =	vadd.f32 v3, v7;
	[tilespmem:s28+$0x7E10] =	vst v28;
	v28 =	vld [tilespmem:$0x7DD0]  }
0x65b: {  	s22 =	smov.u32 s14;
	s14 =	smov.u32 s23;
	[tilespmem:s9+$0x8000] =	vst v2;
	v2 =	vadd.f32 v4, v61;
	v44 =	vmul.f32 v50, v14;
	v37 =	vadd.f32 v37, v8;
	v57 =	vld [tilespmem:$0x7DA0]  }
0x65c: {  	v29 =	vmovc v43;
	v58 =	vld [tilespmem:$0x7C10];
	v56 =	vadd.f32 v56, v46;
	v3 =	vmul.f32 v3, v40;
	v40 =	vmul.f32 v33, v52  }
0x65d: {  	v2 =	vmul.f32 v2, v55;
	v44 =	vadd.f32 v44, v45;
	[tilespmem:s8+$0x8830] =	vst v37;
	v37 =	vmul.f32 v39, v1  }
0x65e: {  	v43 =	vmovc v21;
	v55 =	vmul.f32 v54, v60;
	v27 =	vmul.f32 v56, v27;
	v3 =	vadd.f32 v3, v47;
	v56 =	vld [tilespmem:$0x7D40]  }
0x65f: {  	v21 =	vmovc v32;
	v40 =	vadd.f32 v40, v9;
	v2 =	vadd.f32 v2, v62;
	v44 =	vmul.f32 v44, v50  }
0x660: {  	v32 =	vadd.f32 v55, v59;
	v27 =	vadd.f32 v27, v48;
	[tilespmem:s31+$0x8450] =	vst v3;
	v3 =	vmul.f32 v57, v36  }
0x661: {  	v33 =	vmul.f32 v40, v33;
	v50 =	vmul.f32 v58, v21;
	[tilespmem:s5+$0x8060] =	vst v2;
	v2 =	vadd.f32 v44, v63;
	v55 =	vld [tilespmem:$0x7CE0]  }
0x662: {  	v32 =	vmul.f32 v32, v54;
	v40 =	vld [tilespmem:$0x7C70];
	[tilespmem:s20+$0x8440] =	vst v27;
	v27 =	vadd.f32 v37, v49;
	v3 =	vadd.f32 v3, v38  }
0x663: {  	v33 =	vadd.f32 v33, v10;
	v37 =	vadd.f32 v50, v30;
	[tilespmem:s29+$0x8070] =	vst v2;
	v2 =	vld [tilespmem:$0x7CD0];
	v50 =	vmul.f32 v56, v53  }
0x664: {  	v44 =	vmovc v42;
	v32 =	vadd.f32 v32, v26;
	v54 =	vld [tilespmem:$0x7C80];
	v27 =	vmul.f32 v27, v39;
	v3 =	vmul.f32 v3, v57  }
0x665: {  	v39 =	vmul.f32 v28, v34;
	v37 =	vmul.f32 v37, v58;
	[tilespmem:s0+$0x8820] =	vst v33;
	v33 =	vadd.f32 v50, v51  }
0x666: {  	[tilespmem:s4+$0x8010] =	vst v32;
	v32 =	vmul.f32 v55, v25;
	v50 =	vld [tilespmem:$0x7D30];
	v27 =	vadd.f32 v27, v41;
	v3 =	vadd.f32 v3, v35  }
0x667: {  	v42 =	vmovc v49;
	v37 =	vadd.f32 v37, v0;
	v57 =	vld [tilespmem:$0x7C20];
	v58 =	vmul.f32 v40, v43;
	v33 =	vmul.f32 v33, v56  }
0x668: {  	v49 =	vmul.f32 v2, v29;
	v32 =	vadd.f32 v32, v7;
	[tilespmem:s28+$0x7E20] =	vst v3;
	v3 =	vadd.f32 v39, v44  }
0x669: {  	[tilespmem:s9+$0x8010] =	vst v37;
	v37 =	vadd.f32 v58, v61;
	v39 =	vmul.f32 v54, v14;
	v33 =	vadd.f32 v33, v8;
	v56 =	vld [tilespmem:$0x7DB0]  }
0x66a: {  	v58 =	vld [tilespmem:$0x7C20];
	v4 =	vadd.f32 v49, v46;
	v32 =	vmul.f32 v32, v55;
	[tilespmem:s24+$0x7E00] =	vst v27;
	v3 =	vmul.f32 v3, v28  }
0x66b: {  	v27 =	vmul.f32 v37, v40;
	v28 =	vadd.f32 v39, v45;
	v37 =	vmul.f32 v50, v52;
	[tilespmem:s8+$0x8840] =	vst v33;
	v33 =	vld [tilespmem:$0x7D90]  }
0x66c: {  	v39 =	vmul.f32 v57, v60;
	v2 =	vmul.f32 v4, v2;
	v32 =	vadd.f32 v32, v47;
	v40 =	vld [tilespmem:$0x7D50];
	v49 =	vmovc v9  }
0x66d: {  	v9 =	vmovc v46;
	v27 =	vadd.f32 v27, v62;
	v28 =	vmul.f32 v28, v54;
	v37 =	vadd.f32 v37, v49  }
0x66e: {  	v39 =	vadd.f32 v39, v59;
	v2 =	vadd.f32 v2, v48;
	[tilespmem:s31+$0x8460] =	vst v32;
	v32 =	vmul.f32 v56, v36  }
0x66f: {  	v4 =	vmul.f32 v58, v21;
	[tilespmem:s5+$0x8070] =	vst v27;
	v27 =	vadd.f32 v28, v63;
	v28 =	vld [tilespmem:$0x7CF0];
	v37 =	vmul.f32 v37, v50  }
0x670: {  	v39 =	vmul.f32 v39, v57;
	v54 =	vld [tilespmem:$0x7C80];
	[tilespmem:s20+$0x8450] =	vst v2;
	v2 =	vmul.f32 v33, v1;
	v32 =	vadd.f32 v32, v38  }
0x671: {  	v50 =	vadd.f32 v4, v30;
	[tilespmem:s29+$0x8400] =	vst v27;
	v55 =	vld [tilespmem:$0x7CE0];
	v27 =	vadd.f32 v37, v10;
	v37 =	vmul.f32 v40, v53  }
0x672: {  	v46 =	vmovc v61;
	v39 =	vadd.f32 v39, v26;
	v57 =	vld [tilespmem:$0x7C90];
	v2 =	vadd.f32 v2, v42;
	v32 =	vmul.f32 v32, v56  }
0x673: {  	v3 =	vadd.f32 v3, v31;
	v50 =	vmul.f32 v50, v58;
	[tilespmem:s0+$0x8830] =	vst v27;
	v27 =	vadd.f32 v37, v51  }
0x674: {  	[tilespmem:s4+$0x8020] =	vst v39;
	v37 =	vmul.f32 v28, v25;
	v39 =	vld [tilespmem:$0x7D40];
	v2 =	vmul.f32 v2, v33;
	v32 =	vadd.f32 v32, v35  }
0x675: {  	v33 =	vadd.f32 v50, v0;
	v56 =	vld [tilespmem:$0x7C30];
	v4 =	vmul.f32 v54, v43;
	v40 =	vmul.f32 v27, v40;
	[tilespmem:s19+$0x7E50] =	vst v3  }
0x676: {  	v3 =	vmul.f32 v55, v29;
	v37 =	vadd.f32 v37, v7;
	v2 =	vadd.f32 v2, v41;
	[tilespmem:s28+$0x7E30] =	vst v32;
	v27 =	vld [tilespmem:$0x7DE0]  }
0x677: {  	[tilespmem:s9+$0x8020] =	vst v33;
	v32 =	vadd.f32 v4, v46;
	v33 =	vmul.f32 v57, v14;
	v40 =	vadd.f32 v40, v8;
	v58 =	vld [tilespmem:$0x7DC0]  }
0x678: {  	v61 =	vmovc v30;
	v50 =	vmov v35;
	v19 =	vld [tilespmem:$0x7C30];
	v3 =	vadd.f32 v3, v9;
	v28 =	vmul.f32 v37, v28;
	[tilespmem:s24+$0x7E10] =	vst v2  }
0x679: {  	v2 =	vmul.f32 v32, v54;
	v30 =	vadd.f32 v33, v45;
	v32 =	vmul.f32 v39, v52;
	[tilespmem:s8+$0x8850] =	vst v40;
	v33 =	vld [tilespmem:$0x7DA0]  }
0x67a: {  	v35 =	vmovc v8;
	v37 =	vmul.f32 v56, v60;
	v3 =	vmul.f32 v3, v55;
	v28 =	vadd.f32 v28, v47;
	v40 =	vld [tilespmem:$0x7D60]  }
0x67b: {  	v8 =	vmovc v47;
	v2 =	vadd.f32 v2, v62;
	v30 =	vmul.f32 v30, v57;
	v32 =	vadd.f32 v32, v49  }
0x67c: {  	v37 =	vadd.f32 v37, v59;
	v3 =	vadd.f32 v3, v48;
	[tilespmem:s31+$0x8470] =	vst v28;
	v28 =	vmul.f32 v58, v36  }
0x67d: {  	v4 =	vmul.f32 v19, v21;
	[tilespmem:s5+$0x8400] =	vst v2;
	v2 =	vadd.f32 v30, v63;
	v30 =	vld [tilespmem:$0x7D00];
	v32 =	vmul.f32 v32, v39  }
0x67e: {  	v37 =	vmul.f32 v37, v56;
	v39 =	vld [tilespmem:$0x7C90];
	[tilespmem:s20+$0x8460] =	vst v3;
	v3 =	vmul.f32 v33, v1;
	v28 =	vadd.f32 v28, v38  }
0x67f: {  	v54 =	vadd.f32 v4, v61;
	[tilespmem:s29+$0x8410] =	vst v2;
	v2 =	vld [tilespmem:$0x7CF0];
	v32 =	vadd.f32 v32, v10;
	v55 =	vmul.f32 v40, v53  }
0x680: {  	v47 =	vmovc v63;
	v37 =	vadd.f32 v37, v26;
	v56 =	vld [tilespmem:$0x7CA0];
	v3 =	vadd.f32 v3, v42;
	v28 =	vmul.f32 v28, v58  }
0x681: {  	v19 =	vmul.f32 v54, v19;
	[tilespmem:s0+$0x8840] =	vst v32;
	v32 =	vadd.f32 v55, v51;
	v54 =	vmul.f32 v27, v34  }
0x682: {  	[tilespmem:s4+$0x8030] =	vst v37;
	v37 =	vmul.f32 v30, v25;
	v55 =	vld [tilespmem:$0x7D50];
	v3 =	vmul.f32 v3, v33;
	v28 =	vadd.f32 v28, v50  }
0x683: {  	v63 =	vmovc v26;
	v19 =	vadd.f32 v19, v0;
	v33 =	vld [tilespmem:$0x7C40];
	v57 =	vmul.f32 v39, v43;
	v32 =	vmul.f32 v32, v40  }
0x684: {  	v26 =	vmul.f32 v2, v29;
	v37 =	vadd.f32 v37, v7;
	v3 =	vadd.f32 v3, v41;
	[tilespmem:s28+$0x7E40] =	vst v28  }
0x685: {  	[tilespmem:s9+$0x8030] =	vst v19;
	v19 =	vadd.f32 v57, v46;
	v28 =	vmul.f32 v56, v14;
	v32 =	vadd.f32 v32, v35;
	v40 =	vld [tilespmem:$0x7DD0]  }
0x686: {  	v57 =	vld [tilespmem:$0x7C40];
	v26 =	vadd.f32 v26, v9;
	v30 =	vmul.f32 v37, v30;
	[tilespmem:s24+$0x7E20] =	vst v3;
	v3 =	vadd.f32 v54, v44  }
0x687: {  	v19 =	vmul.f32 v19, v39;
	v28 =	vadd.f32 v28, v45;
	v37 =	vmul.f32 v55, v52;
	[tilespmem:s8+$0x8860] =	vst v32;
	v32 =	vld [tilespmem:$0x7DB0]  }
0x688: {  	v54 =	vmovc v31;
	v39 =	vmul.f32 v33, v60;
	v2 =	vmul.f32 v26, v2;
	v26 =	vadd.f32 v30, v8;
	v30 =	vld [tilespmem:$0x7D70]  }
0x689: {  	v31 =	vmovc v41;
	v19 =	vadd.f32 v19, v62;
	v28 =	vmul.f32 v28, v56;
	v37 =	vadd.f32 v37, v49  }
0x68a: {  	v39 =	vadd.f32 v39, v59;
	v2 =	vadd.f32 v2, v48;
	[tilespmem:s31+$0x8800] =	vst v26;
	v26 =	vmul.f32 v40, v36  }
0x68b: {  	v4 =	vmul.f32 v57, v21;
	[tilespmem:s5+$0x8410] =	vst v19;
	v19 =	vadd.f32 v28, v47;
	v28 =	vld [tilespmem:$0x7D10];
	v37 =	vmul.f32 v37, v55  }
0x68c: {  	v33 =	vmul.f32 v39, v33;
	v39 =	vld [tilespmem:$0x7CA0];
	[tilespmem:s20+$0x8470] =	vst v2;
	v2 =	vmul.f32 v32, v1;
	v26 =	vadd.f32 v26, v38  }
0x68d: {  	v55 =	vadd.f32 v4, v61;
	[tilespmem:s29+$0x8420] =	vst v19;
	v19 =	vld [tilespmem:$0x7D00];
	v37 =	vadd.f32 v37, v10;
	v56 =	vmul.f32 v30, v53  }
0x68e: {  	v41 =	vmovc v10;
	v33 =	vadd.f32 v33, v63;
	v58 =	vld [tilespmem:$0x7CB0];
	v2 =	vadd.f32 v2, v42;
	v26 =	vmul.f32 v26, v40  }
0x68f: {  	v3 =	vmul.f32 v3, v27;
	v4 =	vmul.f32 v55, v57;
	[tilespmem:s0+$0x8850] =	vst v37;
	v37 =	vadd.f32 v56, v51  }
0x690: {  	[tilespmem:s4+$0x8040] =	vst v33;
	v27 =	vmul.f32 v28, v25;
	v33 =	vld [tilespmem:$0x7D60];
	v2 =	vmul.f32 v2, v32;
	v26 =	vadd.f32 v26, v50  }
0x691: {  	v10 =	vmovc v48;
	v32 =	vadd.f32 v4, v0;
	v40 =	vld [tilespmem:$0x7C50];
	v55 =	vmul.f32 v39, v43;
	v30 =	vmul.f32 v37, v30  }
0x692: {  	v37 =	vmul.f32 v19, v29;
	v27 =	vadd.f32 v27, v7;
	v2 =	vadd.f32 v2, v31;
	[tilespmem:s28+$0x7E50] =	vst v26  }
0x693: {  	[tilespmem:s9+$0x8040] =	vst v32;
	v26 =	vadd.f32 v55, v46;
	v32 =	vmul.f32 v58, v14;
	v30 =	vadd.f32 v30, v35;
	v56 =	vld [tilespmem:$0x7DE0]  }
0x694: {  	v57 =	vld [tilespmem:$0x7C50];
	v37 =	vadd.f32 v37, v9;
	v27 =	vmul.f32 v27, v28;
	[tilespmem:s24+$0x7E30] =	vst v2;
	v2 =	vadd.f32 v3, v54  }
0x695: {  	v3 =	vmul.f32 v26, v39;
	v26 =	vadd.f32 v32, v45;
	v28 =	vmul.f32 v33, v52;
	[tilespmem:s8+$0x8870] =	vst v30;
	v32 =	vld [tilespmem:$0x7DC0];
	s8 =	smov.u32 s31;
	s31 =	smov.u32 s29;
	s29 =	smov.u32 s4  }
0x696: {  	v30 =	vmul.f32 v40, v60;
	v19 =	vmul.f32 v37, v19;
	v27 =	vadd.f32 v27, v8;
	v4 =	vld [tilespmem:$0x7D80];
	[tilespmem:s19+$0x7E60] =	vst v2  }
0x697: {  	v48 =	vmovc v62;
	v2 =	vadd.f32 v3, v62;
	v3 =	vmul.f32 v26, v58;
	v26 =	vadd.f32 v28, v49;
	v55 =	vld [tilespmem:$0x7DF0]  }
0x698: {  	v28 =	vadd.f32 v30, v59;
	v19 =	vadd.f32 v19, v10;
	[tilespmem:s8+$0x8810] =	vst v27;
	v27 =	vmul.f32 v56, v36  }
0x699: {  	v30 =	vmul.f32 v57, v21;
	[tilespmem:s5+$0x8420] =	vst v2;
	v2 =	vadd.f32 v3, v47;
	v39 =	vld [tilespmem:$0x7D20];
	v3 =	vmul.f32 v26, v33  }
0x69a: {  	v28 =	vmul.f32 v28, v40;
	v26 =	vld [tilespmem:$0x7CB0];
	[tilespmem:s20+$0x8800] =	vst v19;
	v19 =	vmul.f32 v32, v1;
	v27 =	vadd.f32 v27, v38  }
.Ltmp17:
0x69b: {  	v33 =	vadd.f32 v30, v61;
	[tilespmem:s31+$0x8430] =	vst v2;
	v40 =	vld [tilespmem:$0x7D10];
	v2 =	vadd.f32 v3, v41;
	v3 =	vmul.f32 v4, v53;
	(pc) =	sbr.rel @p5 .LBB2_32-.Ltmp17, $4  }
0x69c: {  	v62 =	vmovc v0;
	v28 =	vadd.f32 v28, v63;
	v30 =	vld [tilespmem:$0x7CC0];
	v19 =	vadd.f32 v19, v42;
	v27 =	vmul.f32 v27, v56  }
0x69d: {  	s10 =	sadd.s32 $0x2, s10;
	v56 =	vmul.f32 v55, v34;
	v33 =	vmul.f32 v33, v57;
	[tilespmem:s0+$0x8860] =	vst v2;
	v2 =	vadd.f32 v3, v51  }
0x69e: {  	s1 =	sand.u32 $0x7, s10;
	[tilespmem:s29+$0x8050] =	vst v28;
	v0 =	vmul.f32 v39, v25;
	v28 =	vld [tilespmem:$0x7D70];
	v57 =	vmul.f32 v19, v32;
	v58 =	vadd.f32 v27, v50  }
0x69f: {  	s4 =	sshll.u32 s1, $0x7;
	v34 =	vmovc v1;
	v37 =	vadd.f32 v33, v62;
	v27 =	vld [tilespmem:$0x7C60];
	v33 =	vmul.f32 v26, v43;
	v32 =	vmul.f32 v2, v4  }
0x6a0: {  	[dreg:$0x12] =	wrdreg s21  }
0x6a1: {  	s12 =	smov.u32 s8;
	s8 =	smov.u32 s29;
	s29 =	rddreg [dreg:$0x1]  }
0x6a2: {  	v1 =	vmov v7;
	[tilespmem:$0x1FED0] =	vst v9;
	s15 =	smov.u32 s31;
	s31 =	rddreg [dreg:$0x5]  }
0x6a3: {  	v2 =	vmovc v14;
	s25 =	smov.u32 s17;
	v19 =	vmovc v46;
	v46 =	vmov v10;
	s21 =	smov.u32 s26;
	[tilespmem:$0x1FEE0] =	vst v45;
	v45 =	vmov v8;
	v9 =	vmov v61;
	s11 =	rddreg [dreg:$0x9];
	v61 =	vld [tilespmem:$0x1FE00]  }
0x6a4: {  	v14 =	vmovc v60;
	v60 =	vmovc v48;
	v48 =	vmov v29;
	v7 =	vmov v59;
	s26 =	smov.u32 s22;
	s17 =	smov.u32 s14;
	v10 =	vmov v62;
	s23 =	rddreg [dreg:$0xa];
	v62 =	vld [tilespmem:$0x1FE10]  }
0x6a5: {  	v59 =	vmovc v47;
	v8 =	vmovc v63;
	v29 =	vmov v43;
	s7 =	rddreg [dreg:$0xb];
	s16 =	simm.s32 $0x400;
	s22 =	simm.s32 $0x800;
	v63 =	vld [tilespmem:$0x1FDF0];
	v47 =	vmov v1;
	v43 =	vmov v2  }
.LBB2_34:
0x6a6: {  	[tilespmem:s9+$0x8050] =	vst v37  }
0x6a7: {  	v1 =	vld [tilespmem:$0x7C60];
	_ =	sdelay $0x3  }
0x6a8: {  	v2 =	vmul.f32 v27, v14  }
0x6a9: {  	v3 =	vmul.f32 v1, v21  }
0x6aa: {  	v2 =	vadd.f32 v2, v7  }
0x6ab: {  	v3 =	vadd.f32 v3, v9  }
0x6ac: {  	v2 =	vmul.f32 v2, v27  }
0x6ad: {  	v1 =	vmul.f32 v3, v1  }
0x6ae: {  	v2 =	vadd.f32 v2, v8  }
0x6af: {  	v1 =	vadd.f32 v1, v10  }
0x6b0: {  	[tilespmem:s8+$0x8060] =	vst v2  }
0x6b1: {  	v2 =	vld [tilespmem:$0x7C70];
	[tilespmem:s9+$0x8060] =	vst v1  }
0x6b2: {  	v1 =	vld [tilespmem:$0x7C70];
	_ =	sdelay $0x3  }
0x6b3: {  	v27 =	vmul.f32 v2, v14  }
0x6b4: {  	v4 =	vmul.f32 v1, v21  }
0x6b5: {  	v3 =	vadd.f32 v27, v7  }
0x6b6: {  	v37 =	vadd.f32 v4, v9  }
0x6b7: {  	v2 =	vmul.f32 v3, v2  }
0x6b8: {  	v1 =	vmul.f32 v37, v1  }
0x6b9: {  	v2 =	vadd.f32 v2, v8  }
0x6ba: {  	v1 =	vadd.f32 v1, v10  }
0x6bb: {  	[tilespmem:s8+$0x8070] =	vst v2  }
0x6bc: {  	v2 =	vld [tilespmem:$0x7C80];
	[tilespmem:s9+$0x8070] =	vst v1  }
0x6bd: {  	v1 =	vld [tilespmem:$0x7C80];
	_ =	sdelay $0x3  }
0x6be: {  	v27 =	vmul.f32 v2, v14  }
0x6bf: {  	v37 =	vmul.f32 v1, v21  }
0x6c0: {  	v3 =	vadd.f32 v27, v7  }
0x6c1: {  	v27 =	vadd.f32 v37, v9  }
0x6c2: {  	v2 =	vmul.f32 v3, v2  }
0x6c3: {  	v1 =	vmul.f32 v27, v1  }
0x6c4: {  	v2 =	vadd.f32 v2, v8  }
0x6c5: {  	v1 =	vadd.f32 v1, v10  }
0x6c6: {  	[tilespmem:s8+$0x8400] =	vst v2  }
0x6c7: {  	v2 =	vld [tilespmem:$0x7C90];
	[tilespmem:s9+$0x8400] =	vst v1  }
0x6c8: {  	v1 =	vld [tilespmem:$0x7C90];
	_ =	sdelay $0x3  }
0x6c9: {  	v37 =	vmul.f32 v2, v14  }
0x6ca: {  	v27 =	vmul.f32 v1, v21  }
0x6cb: {  	v3 =	vadd.f32 v37, v7  }
0x6cc: {  	v37 =	vadd.f32 v27, v9  }
0x6cd: {  	v2 =	vmul.f32 v3, v2  }
0x6ce: {  	v1 =	vmul.f32 v37, v1  }
0x6cf: {  	v2 =	vadd.f32 v2, v8  }
0x6d0: {  	v1 =	vadd.f32 v1, v10  }
0x6d1: {  	[tilespmem:s8+$0x8410] =	vst v2  }
0x6d2: {  	v2 =	vld [tilespmem:$0x7CA0];
	[tilespmem:s9+$0x8410] =	vst v1  }
0x6d3: {  	v1 =	vld [tilespmem:$0x7CA0];
	_ =	sdelay $0x3  }
0x6d4: {  	v27 =	vmul.f32 v2, v14  }
0x6d5: {  	v37 =	vmul.f32 v1, v21  }
0x6d6: {  	v3 =	vadd.f32 v27, v7  }
0x6d7: {  	v27 =	vadd.f32 v37, v9  }
0x6d8: {  	v2 =	vmul.f32 v3, v2  }
0x6d9: {  	v1 =	vmul.f32 v27, v1  }
0x6da: {  	v2 =	vadd.f32 v2, v8  }
0x6db: {  	v1 =	vadd.f32 v1, v10  }
0x6dc: {  	[tilespmem:s8+$0x8420] =	vst v2  }
0x6dd: {  	v2 =	vld [tilespmem:$0x7CB0];
	[tilespmem:s9+$0x8420] =	vst v1  }
0x6de: {  	v1 =	vld [tilespmem:$0x7CB0];
	_ =	sdelay $0x2  }
0x6df: {  	v3 =	vadd.f32 @p0 v33, v19  }
0x6e0: {  	v37 =	vmul.f32 v2, v14  }
0x6e1: {  	v3 =	vmul.f32 @p0 v3, v26;
	v26 =	vmul.f32 v1, v21  }
0x6e2: {  	v4 =	vadd.f32 v37, v7  }
0x6e3: {  	v27 =	vadd.f32 v26, v9  }
0x6e4: {  	v2 =	vmul.f32 v4, v2  }
0x6e5: {  	v3 =	vadd.f32 @p0 v3, v60;
	v1 =	vmul.f32 v27, v1  }
0x6e6: {  	v2 =	vadd.f32 v2, v8  }
0x6e7: {  	[tilespmem:s5+$0x8430] =	vst @p0 v3;
	v1 =	vadd.f32 v1, v10  }
0x6e8: {  	[tilespmem:s8+$0x8430] =	vst v2  }
0x6e9: {  	[tilespmem:s9+$0x8430] =	vst v1  }
0x6ea: {  	v27 =	vld [tilespmem:$0x1FEE0]  }
0x6eb: {  	v4 =	vld @p0 [tilespmem:$0x7CC0]  }
0x6ec: {  	v3 =	vld [tilespmem:$0x7CC0]  }
0x6ed: {  	v2 =	vmul.f32 @p0 v30, v43;
	_ =	sdelay $0x1  }
0x6ee: {  	v1 =	vadd.f32 @p0 v2, v27  }
0x6ef: {  	v33 =	vmov v19;
	v19 =	vld [tilespmem:$0x7CC0];
	v2 =	vmul.f32 @p0 v4, v29  }
0x6f0: {  	v1 =	vmul.f32 @p0 v1, v30;
	v30 =	vmul.f32 v3, v14  }
0x6f1: {  	v2 =	vadd.f32 @p0 v2, v33  }
0x6f2: {  	v37 =	vadd.f32 v30, v7  }
0x6f3: {  	v2 =	vmul.f32 @p0 v2, v4;
	v1 =	vadd.f32 @p0 v1, v59  }
0x6f4: {  	v26 =	vmul.f32 v19, v21;
	v3 =	vmul.f32 v37, v3  }
0x6f5: {  	[tilespmem:s15+$0x8440] =	vst @p0 v1;
	v1 =	vadd.f32 @p0 v2, v60  }
0x6f6: {  	v30 =	vadd.f32 v26, v9;
	v4 =	vld @p0 [tilespmem:$0x7CD0];
	v37 =	vadd.f32 v3, v8  }
0x6f7: {  	[tilespmem:s5+$0x8440] =	vst @p0 v1  }
0x6f8: {  	v1 =	vmul.f32 v30, v19;
	v3 =	vld @p0 [tilespmem:$0x7CD0];
	[tilespmem:s8+$0x8440] =	vst v37  }
0x6f9: {  	v19 =	vld [tilespmem:$0x7CD0]  }
0x6fa: {  	v26 =	vmov @p0 v43;
	v1 =	vadd.f32 v1, v10  }
0x6fb: {  	v2 =	vmul.f32 @p0 v4, v26  }
0x6fc: {  	[tilespmem:s9+$0x8440] =	vst v1  }
0x6fd: {  	v30 =	vld [tilespmem:$0x7CD0];
	v1 =	vadd.f32 @p0 v2, v27;
	v2 =	vmul.f32 @p0 v3, v29  }
0x6fe: {  	v43 =	vmul.f32 v19, v14  }
0x6ff: {  	v1 =	vmul.f32 @p0 v1, v4;
	v2 =	vadd.f32 @p0 v2, v33  }
0x700: {  	v37 =	vadd.f32 v43, v7  }
0x701: {  	v2 =	vmul.f32 @p0 v2, v3;
	v1 =	vadd.f32 @p0 v1, v59  }
0x702: {  	v43 =	vmul.f32 v30, v21;
	v3 =	vmul.f32 v37, v19  }
0x703: {  	[tilespmem:s15+$0x8450] =	vst @p0 v1;
	v1 =	vadd.f32 @p0 v2, v60  }
0x704: {  	v19 =	vadd.f32 v43, v9;
	v4 =	vld @p0 [tilespmem:$0x7CE0];
	v37 =	vadd.f32 v3, v8  }
0x705: {  	[tilespmem:s5+$0x8450] =	vst @p0 v1  }
0x706: {  	v1 =	vmul.f32 v19, v30;
	v3 =	vld @p0 [tilespmem:$0x7CE0];
	[tilespmem:s8+$0x8450] =	vst v37  }
0x707: {  	v19 =	vld [tilespmem:$0x7CE0]  }
0x708: {  	v1 =	vadd.f32 v1, v10  }
0x709: {  	v2 =	vmul.f32 @p0 v4, v26  }
0x70a: {  	[tilespmem:s9+$0x8450] =	vst v1  }
0x70b: {  	v30 =	vmov @p0 v33;
	v33 =	vld [tilespmem:$0x7CE0];
	v1 =	vadd.f32 @p0 v2, v27;
	v2 =	vmul.f32 @p0 v3, v29  }
0x70c: {  	v43 =	vmul.f32 v19, v14  }
0x70d: {  	v1 =	vmul.f32 @p0 v1, v4;
	v2 =	vadd.f32 @p0 v2, v30  }
0x70e: {  	v37 =	vadd.f32 v43, v7  }
0x70f: {  	v2 =	vmul.f32 @p0 v2, v3;
	v1 =	vadd.f32 @p0 v1, v59  }
0x710: {  	v43 =	vmul.f32 v33, v21;
	v3 =	vmul.f32 v37, v19  }
0x711: {  	[tilespmem:s15+$0x8460] =	vst @p0 v1;
	v1 =	vadd.f32 @p0 v2, v60  }
0x712: {  	v19 =	vadd.f32 v43, v9;
	v4 =	vld @p0 [tilespmem:$0x7CF0];
	v37 =	vadd.f32 v3, v8  }
0x713: {  	[tilespmem:s5+$0x8460] =	vst @p0 v1  }
0x714: {  	v1 =	vmul.f32 v19, v33;
	v3 =	vld @p0 [tilespmem:$0x7CF0];
	[tilespmem:s8+$0x8460] =	vst v37  }
0x715: {  	v19 =	vld [tilespmem:$0x7CF0]  }
0x716: {  	v1 =	vadd.f32 v1, v10  }
0x717: {  	v2 =	vmul.f32 @p0 v4, v26  }
0x718: {  	[tilespmem:s9+$0x8460] =	vst v1  }
0x719: {  	v33 =	vld [tilespmem:$0x7CF0];
	v1 =	vadd.f32 @p0 v2, v27;
	v2 =	vmul.f32 @p0 v3, v29  }
0x71a: {  	v43 =	vmul.f32 v19, v14  }
0x71b: {  	v1 =	vmul.f32 @p0 v1, v4;
	v2 =	vadd.f32 @p0 v2, v30  }
0x71c: {  	v37 =	vadd.f32 v43, v7  }
0x71d: {  	v2 =	vmul.f32 @p0 v2, v3;
	v1 =	vadd.f32 @p0 v1, v59  }
0x71e: {  	v43 =	vmul.f32 v33, v21;
	v3 =	vmul.f32 v37, v19  }
0x71f: {  	[tilespmem:s15+$0x8470] =	vst @p0 v1;
	v1 =	vadd.f32 @p0 v2, v60  }
0x720: {  	v19 =	vadd.f32 v43, v9;
	v4 =	vld @p0 [tilespmem:$0x7D00];
	v37 =	vadd.f32 v3, v8  }
0x721: {  	[tilespmem:s5+$0x8470] =	vst @p0 v1  }
0x722: {  	v1 =	vmul.f32 v19, v33;
	v3 =	vld @p0 [tilespmem:$0x7D00];
	[tilespmem:s8+$0x8470] =	vst v37  }
0x723: {  	v19 =	vld [tilespmem:$0x7D00]  }
0x724: {  	v1 =	vadd.f32 v1, v10  }
0x725: {  	v2 =	vmul.f32 @p0 v4, v26  }
0x726: {  	[tilespmem:s9+$0x8470] =	vst v1  }
0x727: {  	v33 =	vld [tilespmem:$0x7D00];
	v1 =	vadd.f32 @p0 v2, v27;
	v2 =	vmul.f32 @p0 v3, v29  }
0x728: {  	v43 =	vmul.f32 v19, v14  }
0x729: {  	v1 =	vmul.f32 @p0 v1, v4;
	v2 =	vadd.f32 @p0 v2, v30  }
0x72a: {  	v4 =	vmov @p0 v59;
	v37 =	vadd.f32 v43, v7  }
0x72b: {  	v2 =	vmul.f32 @p0 v2, v3;
	v1 =	vadd.f32 @p0 v1, v4  }
0x72c: {  	v3 =	vmov @p0 v60;
	v59 =	vmul.f32 v33, v21;
	v19 =	vmul.f32 v37, v19  }
0x72d: {  	[tilespmem:s15+$0x8800] =	vst @p0 v1;
	v1 =	vadd.f32 @p0 v2, v3  }
0x72e: {  	v60 =	vadd.f32 v59, v9;
	v59 =	vadd.f32 v19, v8  }
0x72f: {  	[tilespmem:s5+$0x8800] =	vst @p0 v1  }
0x730: {  	[tilespmem:s8+$0x8800] =	vst v59  }
0x731: {  	v1 =	vmul.f32 v60, v33;
	v60 =	vld [tilespmem:$0x1FE20]  }
0x732: {  	v59 =	vld [tilespmem:$0x1FED0]  }
0x733: {  	v37 =	vld @p0 [tilespmem:$0x7D10];
	_ =	sdelay $0x1  }
0x734: {  	v19 =	vmul.f32 @p1 v40, v48;
	v43 =	vld @p0 [tilespmem:$0x7D10]  }
0x735: {  	v29 =	vpsel p0, v29, v60;
	v60 =	vld [tilespmem:$0x1FE80]  }
0x736: {  	v2 =	vadd.f32 @p1 v19, v59  }
0x737: {  	v1 =	vadd.f32 v1, v10;
	v33 =	vld [tilespmem:$0x7D10];
	v19 =	vmul.f32 @p0 v37, v26  }
0x738: {  	v2 =	vmul.f32 @p1 v2, v40  }
0x739: {  	[tilespmem:s9+$0x8800] =	vst v1;
	v1 =	vadd.f32 @p0 v19, v27  }
0x73a: {  	v2 =	vadd.f32 @p1 v2, v46;
	v40 =	vpsel p0, v43, v60;
	v43 =	vld [tilespmem:$0x7D10]  }
0x73b: {  	v1 =	vmul.f32 @p0 v1, v37  }
0x73c: {  	v60 =	vmul.f32 v33, v14;
	v19 =	vmul.f32 @p0 v40, v29;
	[tilespmem:s20+$0x8810] =	vst @p1 v2  }
0x73d: {  	v23 =	vpsel p0, v30, v23;
	v1 =	vadd.f32 @p0 v1, v4;
	v30 =	vld @p1 [tilespmem:$0x7D20]  }
0x73e: {  	v2 =	vadd.f32 @p0 v19, v23;
	v19 =	vadd.f32 v60, v7  }
0x73f: {  	v37 =	vmul.f32 v43, v21  }
0x740: {  	s1 =	smov.u32 @p0 s15;
	v0 =	vadd.f32 @p1 v0, v47;
	v2 =	vmul.f32 @p0 v2, v40;
	v19 =	vmul.f32 v19, v33  }
0x741: {  	v24 =	vpsel p0, v3, v24;
	[tilespmem:s1+$0x8810] =	vst @p0 v1;
	v1 =	vmov @p1 v48;
	v3 =	vadd.f32 v37, v9  }
0x742: {  	v2 =	vadd.f32 @p0 v2, v24;
	v40 =	vadd.f32 v19, v8;
	v19 =	vmul.f32 @p1 v30, v1  }
0x743: {  	s6 =	smov.u32 @p0 s5;
	v3 =	vmul.f32 v3, v43  }
0x744: {  	v0 =	vmul.f32 @p1 v0, v39;
	[tilespmem:s6+$0x8810] =	vst @p0 v2;
	v2 =	vadd.f32 @p1 v19, v59  }
0x745: {  	v33 =	vld @p0 [tilespmem:$0x7D20];
	v3 =	vadd.f32 v3, v10  }
0x746: {  	[tilespmem:s8+$0x8810] =	vst v40;
	v2 =	vmul.f32 @p1 v2, v30;
	v30 =	vadd.f32 @p1 v0, v45  }
0x747: {  	v48 =	vld [tilespmem:$0x1FE60];
	[tilespmem:s9+$0x8810] =	vst v3  }
0x748: {  	v37 =	vld @p0 [tilespmem:$0x7D20];
	[tilespmem:s12+$0x8820] =	vst @p1 v30  }
0x749: {  	v30 =	vld [tilespmem:$0x1FE70]  }
0x74a: {  	v19 =	vmul.f32 @p0 v33, v26  }
0x74b: {  	v39 =	vld [tilespmem:$0x7D20]  }
0x74c: {  	v40 =	vpsel p0, v27, v18;
	v60 =	vld [tilespmem:$0x7D20];
	v18 =	vpsel p0, v19, v48  }
0x74d: {  	v0 =	vmov @p0 v29;
	v3 =	vadd.f32 @p0 v18, v40  }
0x74e: {  	v2 =	vadd.f32 @p1 v2, v46;
	v18 =	vmul.f32 @p0 v37, v0;
	v27 =	vpsel p0, v33, v30  }
0x74f: {  	s14 =	smov.u32 @p1 s20;
	v29 =	vld @p1 [tilespmem:$0x7D30];
	v3 =	vmul.f32 @p0 v3, v27  }
0x750: {  	[tilespmem:s14+$0x8820] =	vst @p1 v2;
	v33 =	vmul.f32 v39, v14;
	v27 =	vadd.f32 @p0 v18, v23;
	v18 =	vpsel p0, v4, v20  }
0x751: {  	v43 =	vmul.f32 v60, v21;
	v4 =	vld @p1 [tilespmem:$0x7D30];
	v3 =	vadd.f32 @p0 v3, v18  }
0x752: {  	s2 =	smov.u32 @p0 s1;
	v2 =	vmul.f32 @p0 v27, v37;
	v37 =	vadd.f32 v33, v7  }
0x753: {  	v27 =	vadd.f32 v43, v9;
	[tilespmem:s2+$0x8820] =	vst @p0 v3  }
0x754: {  	v20 =	vmul.f32 @p1 v29, v25;
	v48 =	vmul.f32 v37, v39;
	v2 =	vadd.f32 @p0 v2, v24;
	v30 =	vld @p0 [tilespmem:$0x7D30];
	_ =	sdelay $0x1  }
0x755: {  	[tilespmem:s6+$0x8820] =	vst @p0 v2;
	v2 =	vadd.f32 @p1 v20, v47;
	v3 =	vadd.f32 v48, v8;
	v20 =	vmul.f32 @p1 v4, v1  }
0x756: {  	v19 =	vmul.f32 v27, v60;
	v27 =	vmov @p1 v59;
	v33 =	vld @p0 [tilespmem:$0x7D30]  }
0x757: {  	[tilespmem:s8+$0x8820] =	vst v3;
	v3 =	vadd.f32 @p1 v20, v27;
	v20 =	vpsel p0, v26, v22  }
0x758: {  	v19 =	vadd.f32 v19, v10;
	v2 =	vmul.f32 @p1 v2, v29;
	v26 =	vmul.f32 @p0 v30, v20  }
0x759: {  	v59 =	vld [tilespmem:$0x7D30]  }
0x75a: {  	[tilespmem:s9+$0x8820] =	vst v19;
	v2 =	vadd.f32 @p1 v2, v45  }
0x75b: {  	v60 =	vld [tilespmem:$0x7D30];
	v3 =	vmul.f32 @p1 v3, v4;
	v4 =	vadd.f32 @p0 v26, v40;
	v19 =	vmul.f32 @p0 v33, v0  }
0x75c: {  	[tilespmem:s12+$0x8830] =	vst @p1 v2;
	v26 =	vmov @p0 v23  }
0x75d: {  	v2 =	vadd.f32 @p1 v3, v46;
	v3 =	vld @p1 [tilespmem:$0x7D40];
	v4 =	vmul.f32 @p0 v4, v30;
	v19 =	vadd.f32 @p0 v19, v26  }
0x75e: {  	v30 =	vmul.f32 v59, v14  }
0x75f: {  	[tilespmem:s14+$0x8830] =	vst @p1 v2;
	v4 =	vadd.f32 @p0 v4, v18;
	v19 =	vmul.f32 @p0 v19, v33  }
0x760: {  	v39 =	vmul.f32 v60, v21;
	v2 =	vld @p1 [tilespmem:$0x7D40];
	v37 =	vadd.f32 v30, v7  }
0x761: {  	v23 =	vmov @p1 v25;
	[tilespmem:s2+$0x8830] =	vst @p0 v4;
	v4 =	vadd.f32 @p0 v19, v24  }
0x762: {  	v33 =	vadd.f32 v39, v9;
	v43 =	vmul.f32 v37, v59;
	v25 =	vmul.f32 @p1 v3, v23;
	v30 =	vld @p0 [tilespmem:$0x7D40]  }
0x763: {  	v22 =	vmov @p1 v47;
	[tilespmem:s6+$0x8830] =	vst @p0 v4  }
0x764: {  	v29 =	vmul.f32 v33, v60;
	v48 =	vadd.f32 v43, v8;
	v19 =	vadd.f32 @p1 v25, v22;
	v33 =	vld @p0 [tilespmem:$0x7D40]  }
0x765: {  	v25 =	vmul.f32 @p1 v2, v1  }
0x766: {  	[tilespmem:s8+$0x8830] =	vst v48;
	v3 =	vmul.f32 @p1 v19, v3  }
0x767: {  	v29 =	vadd.f32 v29, v10;
	v4 =	vadd.f32 @p1 v25, v27;
	v59 =	vld [tilespmem:$0x7D40];
	v37 =	vmul.f32 @p0 v30, v20  }
0x768: {  	v3 =	vadd.f32 @p1 v3, v45;
	v19 =	vmov @p0 v40  }
0x769: {  	[tilespmem:s9+$0x8830] =	vst v29;
	v2 =	vmul.f32 @p1 v4, v2;
	v4 =	vadd.f32 @p0 v37, v19;
	v29 =	vmul.f32 @p0 v33, v0  }
0x76a: {  	v60 =	vld [tilespmem:$0x7D40];
	[tilespmem:s12+$0x8840] =	vst @p1 v3  }
0x76b: {  	v2 =	vadd.f32 @p1 v2, v46;
	v3 =	vld @p1 [tilespmem:$0x7D50];
	v4 =	vmul.f32 @p0 v4, v30;
	v29 =	vadd.f32 @p0 v29, v26  }
0x76c: {  	v40 =	vmul.f32 v59, v14  }
0x76d: {  	[tilespmem:s14+$0x8840] =	vst @p1 v2;
	v4 =	vadd.f32 @p0 v4, v18;
	v29 =	vmul.f32 @p0 v29, v33  }
0x76e: {  	v2 =	vld @p1 [tilespmem:$0x7D50];
	v30 =	vadd.f32 v40, v7  }
0x76f: {  	v43 =	vmul.f32 v60, v21;
	[tilespmem:s2+$0x8840] =	vst @p0 v4;
	v4 =	vadd.f32 @p0 v29, v24  }
0x770: {  	v25 =	vmul.f32 v30, v59;
	v29 =	vmul.f32 @p1 v3, v23;
	v30 =	vld @p0 [tilespmem:$0x7D50]  }
0x771: {  	v33 =	vadd.f32 v43, v9;
	[tilespmem:s6+$0x8840] =	vst @p0 v4  }
0x772: {  	v47 =	vadd.f32 v25, v8;
	v25 =	vadd.f32 @p1 v29, v22;
	v37 =	vld @p0 [tilespmem:$0x7D50]  }
0x773: {  	v33 =	vmul.f32 v33, v60;
	v29 =	vmul.f32 @p1 v2, v1  }
0x774: {  	v3 =	vmul.f32 @p1 v25, v3  }
0x775: {  	v59 =	vadd.f32 v33, v10;
	[tilespmem:s8+$0x8840] =	vst v47;
	v4 =	vadd.f32 @p1 v29, v27;
	v33 =	vmul.f32 @p0 v30, v20  }
0x776: {  	v48 =	vld [tilespmem:$0x7D50];
	v3 =	vadd.f32 @p1 v3, v45  }
0x777: {  	v2 =	vmul.f32 @p1 v4, v2;
	v4 =	vadd.f32 @p0 v33, v19;
	v29 =	vmul.f32 @p0 v37, v0  }
0x778: {  	[tilespmem:s9+$0x8840] =	vst v59  }
0x779: {  	v60 =	vld [tilespmem:$0x7D50];
	[tilespmem:s12+$0x8850] =	vst @p1 v3;
	v2 =	vadd.f32 @p1 v2, v46;
	v4 =	vmul.f32 @p0 v4, v30;
	v29 =	vadd.f32 @p0 v29, v26  }
0x77a: {  	v3 =	vld @p1 [tilespmem:$0x7D60]  }
0x77b: {  	v43 =	vmul.f32 v48, v14;
	[tilespmem:s14+$0x8850] =	vst @p1 v2;
	v4 =	vadd.f32 @p0 v4, v18;
	v29 =	vmul.f32 @p0 v29, v37  }
0x77c: {  	v2 =	vmul.f32 @p2 v28, v52;
	v37 =	vld @p1 [tilespmem:$0x7D60]  }
0x77d: {  	v30 =	vadd.f32 v43, v7;
	[tilespmem:s2+$0x8850] =	vst @p0 v4;
	v4 =	vadd.f32 @p0 v29, v24  }
0x77e: {  	v47 =	vmul.f32 v60, v21;
	v2 =	vadd.f32 @p2 v2, v49;
	v39 =	vld @p0 [tilespmem:$0x7D60]  }
0x77f: {  	v25 =	vmul.f32 v30, v48;
	v29 =	vmul.f32 @p1 v3, v23;
	[tilespmem:s6+$0x8850] =	vst @p0 v4  }
0x780: {  	v48 =	vadd.f32 v47, v9;
	v2 =	vmul.f32 @p2 v2, v28;
	v28 =	vadd.f32 @p2 v32, v35;
	v32 =	vld @p0 [tilespmem:$0x7D60]  }
0x781: {  	v59 =	vadd.f32 v25, v8;
	v25 =	vadd.f32 @p1 v29, v22;
	v29 =	vmul.f32 @p1 v37, v1  }
0x782: {  	s1 =	sadd.s32 @p2 s13, s4;
	v30 =	vmul.f32 v48, v60  }
0x783: {  	s1 =	sadd.s32 @p2 $0x80, s1;
	v4 =	vadd.f32 @p1 v29, v27;
	v29 =	vmul.f32 @p0 v39, v20  }
0x784: {  	s4 =	sor.u32 @p2 $0x8C00, s1;
	[tilespmem:s8+$0x8850] =	vst v59;
	v47 =	vadd.f32 v30, v10  }
0x785: {  	[tilespmem:s4+$0x7E00] =	vst @p2 v28;
	v3 =	vmul.f32 @p1 v25, v3;
	v60 =	vld [tilespmem:$0x7D60];
	v28 =	vadd.f32 @p0 v29, v19;
	v29 =	vmul.f32 @p0 v32, v0  }
0x786: {  	v2 =	vadd.f32 @p2 v2, v41;
	v30 =	vmov @p1 v45;
	[tilespmem:s9+$0x8850] =	vst v47  }
0x787: {  	v3 =	vadd.f32 @p1 v3, v30;
	v40 =	vld [tilespmem:$0x7D60];
	v4 =	vmul.f32 @p1 v4, v37;
	v29 =	vadd.f32 @p0 v29, v26  }
0x788: {  	[tilespmem:s0+$0x8870] =	vst @p2 v2;
	v2 =	vld @p2 [tilespmem:$0x7D90];
	v37 =	vmov @p1 v46;
	v39 =	vmul.f32 @p0 v28, v39  }
0x789: {  	v33 =	vld @p2 [tilespmem:$0x7D80];
	[tilespmem:s12+$0x8860] =	vst @p1 v3;
	v3 =	vadd.f32 @p1 v4, v37;
	v28 =	vmov @p0 v18;
	v29 =	vmul.f32 @p0 v29, v32  }
0x78a: {  	v48 =	vmul.f32 v60, v14;
	v39 =	vadd.f32 @p0 v39, v28  }
0x78b: {  	v4 =	vld @p1 [tilespmem:$0x7D70];
	[tilespmem:s14+$0x8860] =	vst @p1 v3;
	v29 =	vadd.f32 @p0 v29, v24  }
0x78c: {  	v18 =	vmov @p2 v52;
	v52 =	vadd.f32 v48, v7;
	v59 =	vmul.f32 v40, v21;
	[tilespmem:s2+$0x8860] =	vst @p0 v39  }
0x78d: {  	v3 =	vmul.f32 @p2 v2, v53;
	v45 =	vld @p1 [tilespmem:$0x7D70];
	[tilespmem:s6+$0x8860] =	vst @p0 v29  }
0x78e: {  	v43 =	vmul.f32 @p2 v33, v18;
	v25 =	vmul.f32 v52, v60;
	v60 =	vadd.f32 v59, v9;
	v59 =	vld [tilespmem:$0x1FE50];
	_ =	sdelay $0x1  }
0x78f: {  	v3 =	vadd.f32 @p2 v3, v51;
	v32 =	vadd.f32 @p2 v43, v49;
	v43 =	vmul.f32 @p1 v4, v23;
	v46 =	vld @p0 [tilespmem:$0x7D70]  }
0x790: {  	v1 =	vpsel p1, v1, v15  }
0x791: {  	v2 =	vmul.f32 @p2 v3, v2;
	v48 =	vadd.f32 v25, v8;
	v29 =	vadd.f32 @p1 v43, v22  }
0x792: {  	v52 =	vmul.f32 v60, v40;
	v25 =	vmul.f32 @p2 v32, v33;
	v15 =	vpsel p1, v45, v59  }
0x793: {  	v3 =	vmul.f32 @p1 v29, v4;
	v4 =	vmul.f32 @p1 v15, v1  }
0x794: {  	v32 =	vadd.f32 v52, v10;
	v29 =	vpsel p1, v27, v16;
	v16 =	vmul.f32 @p0 v46, v20  }
0x795: {  	[tilespmem:s8+$0x8860] =	vst v48;
	v3 =	vadd.f32 @p1 v3, v30;
	v4 =	vadd.f32 @p1 v4, v29  }
0x796: {  	v33 =	vld @p0 [tilespmem:$0x7D70];
	v2 =	vadd.f32 @p2 v2, v35;
	[tilespmem:s9+$0x8860] =	vst v32;
	v16 =	vadd.f32 @p0 v16, v19  }
0x797: {  	v60 =	vld [tilespmem:$0x7D70];
	[tilespmem:s12+$0x8870] =	vst @p1 v3;
	v3 =	vmul.f32 @p1 v4, v15  }
0x798: {  	v40 =	vadd.f32 @p2 v25, v41;
	v25 =	vpsel p1, v37, v17;
	[tilespmem:s4+$0x7E10] =	vst @p2 v2;
	v15 =	vmul.f32 @p0 v16, v46  }
0x799: {  	s5 =	smov.u32 @p2 s30;
	s0 =	rddreg [dreg:$0xc];
	v2 =	vadd.f32 @p1 v3, v25  }
0x79a: {  	v45 =	vld [tilespmem:$0x7D70];
	[tilespmem:s5+$0x7E00] =	vst @p2 v40;
	s0 =	smov.u32 @p1 s14;
	v15 =	vadd.f32 @p0 v15, v28  }
0x79b: {  	[tilespmem:s0+$0x8870] =	vst @p1 v2  }
0x79c: {  	v32 =	vpsel p0, v0, v6;
	v0 =	vpsel p0, v33, v63;
	v46 =	vmul.f32 v60, v14;
	[tilespmem:s2+$0x8870] =	vst @p0 v15  }
0x79d: {  	v4 =	vmul.f32 @p0 v0, v32;
	v48 =	vld [tilespmem:$0x1FEC0]  }
0x79e: {  	v16 =	vpsel p0, v26, v5;
	v26 =	vadd.f32 v46, v7  }
0x79f: {  	v47 =	vmul.f32 v45, v21;
	v3 =	vadd.f32 @p0 v4, v16  }
0x7a0: {  	v52 =	vmul.f32 v26, v60  }
0x7a1: {  	v0 =	vmul.f32 @p0 v3, v0;
	v3 =	vadd.f32 v47, v9  }
0x7a2: {  	v17 =	vld @p1 [tilespmem:$0x7D80];
	v15 =	vadd.f32 v52, v8;
	v27 =	vpsel p0, v24, v48  }
0x7a3: {  	v4 =	vld @p2 [tilespmem:$0x7DA0];
	v3 =	vmul.f32 v3, v45;
	v0 =	vadd.f32 @p0 v0, v27  }
0x7a4: {  	s7 =	smov.u32 @p0 s6;
	[tilespmem:s8+$0x8870] =	vst v15  }
0x7a5: {  	v3 =	vadd.f32 v3, v10;
	[tilespmem:s7+$0x8870] =	vst @p0 v0  }
0x7a6: {  	v2 =	vld @p2 [tilespmem:$0x7D90];
	s2 =	rddreg [dreg:$0x12]  }
0x7a7: {  	v37 =	vld @p1 [tilespmem:$0x7D80];
	v24 =	vmul.f32 @p1 v17, v23;
	s6 =	rddreg [dreg:$0x11];
	[tilespmem:s9+$0x8870] =	vst v3;
	v0 =	vmov @p2 v53  }
0x7a8: {  	s1 =	smov.u32 s18;
	s0 =	sadd.s32 @p2 $0x2, s10;
	v3 =	vld [tilespmem:$0x1FE40];
	v26 =	vmul.f32 @p2 v4, v0  }
0x7a9: {  	v39 =	vld @p0 [tilespmem:$0x7D80];
	s1 =	smov.u32 @p2 s0;
	v24 =	vadd.f32 @p1 v24, v22  }
0x7aa: {  	s0 =	sand.u32 @p1 $0x7, s1;
	v15 =	vmov @p1 v1;
	v1 =	vmov @p2 v51  }
0x7ab: {  	s0 =	sshll.u32 @p1 s0, $0x7;
	v33 =	vmul.f32 @p2 v2, v18;
	v17 =	vmul.f32 @p1 v24, v17;
	v45 =	vadd.f32 @p2 v26, v1  }
0x7ac: {  	v40 =	vmul.f32 @p1 v37, v15;
	v24 =	vpsel p1, v30, v12;
	s6 =	smov.u32 @p1 s0;
	s16 =	smov.u32 @p1 s2;
	s0 =	sadd.s32 @p1 $0x2, s1;
	v26 =	vmov @p2 v49  }
0x7ad: {  	s1 =	smov.u32 s18;
	s7 =	rddreg [dreg:$0xd];
	s2 =	sadd.s32 @p1 s16, s6;
	v3 =	vpsel p1, v17, v3;
	v4 =	vmul.f32 @p2 v45, v4;
	v17 =	vadd.f32 @p2 v33, v26  }
0x7ae: {  	v43 =	vld @p0 [tilespmem:$0x7D80];
	v12 =	vmul.f32 @p0 v39, v20;
	s1 =	smov.u32 @p1 s0;
	s0 =	smov.u32 @p0 s3;
	s2 =	sadd.s32 @p1 $0x80, s2;
	v33 =	vadd.f32 @p1 v40, v29;
	v3 =	vadd.f32 @p1 v3, v24  }
0x7af: {  	v53 =	vld [tilespmem:$0x7D80];
	s3 =	smov.u32 @p1 s25;
	s6 =	smov.u32 s18;
	s2 =	sor.u32 @p1 $0x8C00, s2;
	v4 =	vadd.f32 @p2 v4, v35  }
0x7b0: {  	s22 =	smov.u32 @p0 s0;
	s0 =	sand.u32 @p0 $0x7, s1;
	s7 =	smov.u32 @p1 s3;
	v2 =	vmul.f32 @p2 v17, v2;
	v17 =	vmul.f32 @p1 v33, v37;
	[tilespmem:s2+$0x7E00] =	vst @p1 v3  }
0x7b1: {  	v59 =	vld [tilespmem:$0x7D80];
	s3 =	smov.u32 @p0 s22;
	s0 =	sshll.u32 @p0 s0, $0x7;
	s8 =	rddreg [dreg:$0x10];
	[tilespmem:s4+$0x7E20] =	vst @p2 v4  }
0x7b2: {  	s6 =	smov.u32 @p0 s3;
	v40 =	vadd.f32 @p0 v12, v19;
	v12 =	vmov @p0 v32;
	s8 =	smov.u32 @p0 s0;
	v17 =	vadd.f32 @p1 v17, v25;
	v46 =	vld [tilespmem:$0x1FE90]  }
0x7b3: {  	v32 =	vmul.f32 @p0 v43, v12;
	v2 =	vadd.f32 @p2 v2, v41;
	s0 =	sadd.s32 @p0 s6, s8;
	s6 =	smov.u32 @p1 s7  }
0x7b4: {  	v60 =	vmul.f32 v53, v14;
	[tilespmem:s6+$0x7E00] =	vst @p1 v17  }
0x7b5: {  	s1 =	sadd.s32 @p0 $0x2, s1;
	v3 =	vmul.f32 @p0 v40, v39;
	v4 =	vadd.f32 @p0 v32, v16;
	[tilespmem:s5+$0x7E10] =	vst @p2 v2  }
0x7b6: {  	s18 =	smov.u32 @p0 s1;
	s1 =	smov.u32 @p0 s26;
	v47 =	vmul.f32 v59, v21;
	v63 =	vadd.f32 v60, v7;
	v33 =	vld @p1 [tilespmem:$0x7D90];
	s8 =	rddreg [dreg:$0xf]  }
0x7b7: {  	s22 =	sand.u32 $0x7, s18;
	v3 =	vpsel p0, v3, v61;
	v4 =	vmul.f32 @p0 v4, v43;
	s0 =	sadd.s32 @p0 $0x80, s0;
	s8 =	smov.u32 @p0 s1;
	v28 =	vpsel p0, v28, v46  }
0x7b8: {  	v51 =	vadd.f32 v47, v9;
	v49 =	vmul.f32 v63, v53;
	s3 =	sor.u32 @p0 $0x8C00, s0;
	s0 =	sshll.u32 s22, $0x7;
	s1 =	smov.u32 @p0 s8;
	v3 =	vadd.f32 @p0 v3, v28  }
0x7b9: {  	s7 =	smov.u32 s23;
	v4 =	vadd.f32 @p0 v4, v27;
	s0 =	sadd.s32 s21, s0;
	s23 =	smov.u32 @p0 s1  }
0x7ba: {  	v11 =	vpsel p1, v23, v11;
	v17 =	vmul.f32 v51, v59;
	v39 =	vld @p2 [tilespmem:$0x7DA0];
	s0 =	sadd.s32 $0x80, s0;
	s8 =	smov.u32 @p0 s23;
	[tilespmem:s3+$0x7E00] =	vst @p0 v3;
	v3 =	vadd.f32 v49, v8  }
0x7bb: {  	v2 =	vld @p1 [tilespmem:$0x7D90];
	v23 =	vmul.f32 @p1 v33, v11;
	s0 =	sor.u32 $0x8C00, s0;
	[tilespmem:s8+$0x7E00] =	vst @p0 v4  }
0x7bc: {  	v13 =	vpsel p1, v22, v13;
	v32 =	vld @p2 [tilespmem:$0x7DB0];
	v52 =	vadd.f32 v17, v10;
	[tilespmem:s0+$0x7E00] =	vst v3  }
0x7bd: {  	v22 =	vadd.f32 @p1 v23, v13;
	v45 =	vld [tilespmem:$0x1FEA0]  }
0x7be: {  	v30 =	vld @p0 [tilespmem:$0x7D90];
	[tilespmem:s17+$0x7E00] =	vst v52  }
0x7bf: {  	v17 =	vmul.f32 @p2 v39, v18;
	v47 =	vld [tilespmem:$0x1FEB0]  }
0x7c0: {  	v4 =	vmul.f32 @p1 v2, v15;
	v33 =	vmul.f32 @p1 v22, v33;
	v23 =	vld @p0 [tilespmem:$0x7D90]  }
0x7c1: {  	v22 =	vmov @p1 v29;
	v3 =	vadd.f32 @p2 v17, v26;
	v53 =	vld [tilespmem:$0x7D90]  }
0x7c2: {  	v17 =	vadd.f32 @p1 v33, v24;
	v4 =	vadd.f32 @p1 v4, v22;
	v20 =	vpsel p0, v20, v45  }
0x7c3: {  	v37 =	vmul.f32 @p2 v32, v0;
	v59 =	vld [tilespmem:$0x7D90];
	v40 =	vmul.f32 @p0 v30, v20  }
0x7c4: {  	v3 =	vmul.f32 @p2 v3, v39;
	[tilespmem:s2+$0x7E10] =	vst @p1 v17;
	v2 =	vmul.f32 @p1 v4, v2;
	v33 =	vpsel p0, v19, v47  }
0x7c5: {  	v37 =	vadd.f32 @p2 v37, v1;
	v39 =	vld @p1 [tilespmem:$0x7DA0];
	v17 =	vmul.f32 @p0 v23, v12;
	v4 =	vadd.f32 @p0 v40, v33  }
0x7c6: {  	v3 =	vadd.f32 @p2 v3, v41;
	v2 =	vadd.f32 @p1 v2, v25;
	v60 =	vmul.f32 v53, v14;
	v19 =	vmovc @p0 v16  }
0x7c7: {  	v17 =	vadd.f32 @p0 v17, v19;
	v4 =	vmul.f32 @p0 v4, v30;
	v30 =	vmul.f32 @p2 v37, v32  }
0x7c8: {  	[tilespmem:s6+$0x7E10] =	vst @p1 v2;
	v63 =	vmul.f32 v59, v21  }
0x7c9: {  	[tilespmem:s5+$0x7E20] =	vst @p2 v3;
	v61 =	vadd.f32 v60, v7;
	v3 =	vld @p1 [tilespmem:$0x7DA0];
	v17 =	vmul.f32 @p0 v17, v23;
	v30 =	vadd.f32 @p2 v30, v35  }
0x7ca: {  	v16 =	vmul.f32 @p1 v39, v11;
	v23 =	vld @p2 [tilespmem:$0x7DB0];
	v2 =	vadd.f32 @p0 v4, v28  }
0x7cb: {  	v40 =	vadd.f32 v63, v9;
	v37 =	vmul.f32 v61, v53;
	v17 =	vadd.f32 @p0 v17, v27;
	[tilespmem:s4+$0x7E30] =	vst @p2 v30  }
0x7cc: {  	v16 =	vadd.f32 @p1 v16, v13;
	[tilespmem:s3+$0x7E10] =	vst @p0 v2;
	v30 =	vld @p2 [tilespmem:$0x7DC0]  }
0x7cd: {  	v4 =	vmul.f32 v40, v59;
	[tilespmem:s8+$0x7E10] =	vst @p0 v17;
	v2 =	vadd.f32 v37, v8;
	v29 =	vld @p0 [tilespmem:$0x7DA0]  }
0x7ce: {  	v17 =	vmul.f32 @p1 v3, v15;
	v32 =	vld @p0 [tilespmem:$0x7DA0]  }
0x7cf: {  	v49 =	vadd.f32 v4, v10;
	v4 =	vmul.f32 @p2 v23, v18;
	v37 =	vmul.f32 @p1 v16, v39;
	[tilespmem:s0+$0x7E10] =	vst v2  }
0x7d0: {  	v16 =	vmov @p0 v20;
	v20 =	vadd.f32 @p1 v17, v22;
	v51 =	vld [tilespmem:$0x7DA0]  }
0x7d1: {  	[tilespmem:s17+$0x7E10] =	vst v49;
	v4 =	vadd.f32 @p2 v4, v26;
	v37 =	vadd.f32 @p1 v37, v24;
	v2 =	vmul.f32 @p2 v30, v0  }
0x7d2: {  	v17 =	vmovc @p0 v33;
	v33 =	vadd.f32 @p3 v57, v31;
	v3 =	vmul.f32 @p1 v20, v3;
	v52 =	vld [tilespmem:$0x7DA0];
	v40 =	vmul.f32 @p0 v29, v16  }
0x7d3: {  	[tilespmem:s28+$0x7E60] =	vst @p3 v58;
	v4 =	vmul.f32 @p2 v4, v23;
	v23 =	vmul.f32 @p0 v32, v12;
	v2 =	vadd.f32 @p2 v2, v1  }
0x7d4: {  	[tilespmem:s2+$0x7E20] =	vst @p1 v37;
	v37 =	vld @p3 [tilespmem:$0x7DF0];
	v3 =	vadd.f32 @p1 v3, v25;
	v20 =	vadd.f32 @p0 v40, v17  }
0x7d5: {  	v23 =	vadd.f32 @p0 v23, v19;
	v53 =	vmul.f32 v51, v14;
	v2 =	vmul.f32 @p2 v2, v30;
	v30 =	vld @p1 [tilespmem:$0x7DB0]  }
0x7d6: {  	[tilespmem:s24+$0x7E40] =	vst @p3 v33;
	v4 =	vadd.f32 @p2 v4, v41;
	v29 =	vmul.f32 @p0 v20, v29  }
0x7d7: {  	[tilespmem:s6+$0x7E20] =	vst @p1 v3;
	v58 =	vmul.f32 v52, v21;
	v23 =	vmul.f32 @p0 v23, v32;
	v57 =	vadd.f32 v53, v7  }
0x7d8: {  	[tilespmem:s5+$0x7E30] =	vst @p2 v4;
	v29 =	vadd.f32 @p0 v29, v28  }
0x7d9: {  	v3 =	vld @p3 [tilespmem:$0x7DD0];
	v32 =	vadd.f32 v58, v9;
	v23 =	vadd.f32 @p0 v23, v27;
	v20 =	vmovc @p2 v35;
	v33 =	vmul.f32 v57, v51  }
0x7da: {  	v35 =	vmul.f32 @p3 v37, v36;
	v36 =	vadd.f32 @p4 v56, v44;
	[tilespmem:s3+$0x7E20] =	vst @p0 v29;
	v29 =	vld @p2 [tilespmem:$0x7DC0];
	v43 =	vmul.f32 @p1 v30, v11  }
0x7db: {  	v4 =	vld @p1 [tilespmem:$0x7DB0];
	v59 =	vmul.f32 v32, v52;
	v2 =	vadd.f32 @p2 v2, v20;
	v33 =	vadd.f32 v33, v8  }
0x7dc: {  	[tilespmem:s8+$0x7E20] =	vst @p0 v23;
	v35 =	vadd.f32 @p3 v35, v38;
	v32 =	vmul.f32 @p4 v36, v55;
	v36 =	vadd.f32 @p1 v43, v13  }
0x7dd: {  	v23 =	vadd.f32 v59, v10;
	[tilespmem:s4+$0x7E40] =	vst @p2 v2;
	v2 =	vld @p0 [tilespmem:$0x7DB0]  }
0x7de: {  	v40 =	vld @p0 [tilespmem:$0x7DB0];
	[tilespmem:s0+$0x7E20] =	vst v33;
	v33 =	vmul.f32 @p3 v35, v37;
	v30 =	vmul.f32 @p1 v36, v30  }
0x7df: {  	[tilespmem:s17+$0x7E20] =	vst v23;
	v60 =	vld [tilespmem:$0x7DB0];
	v43 =	vmul.f32 @p3 v3, v34;
	v35 =	vmul.f32 @p2 v29, v18  }
0x7e0: {  	v38 =	vmul.f32 @p1 v4, v15;
	v61 =	vld [tilespmem:$0x7DB0];
	v30 =	vadd.f32 @p1 v30, v24  }
0x7e1: {  	v23 =	vmov @p3 v42;
	v35 =	vadd.f32 @p2 v35, v26  }
0x7e2: {  	v39 =	vld @p2 [tilespmem:$0x7DD0];
	v36 =	vadd.f32 @p1 v38, v22;
	v42 =	vadd.f32 @p3 v43, v23;
	v38 =	vmul.f32 @p0 v2, v16;
	[tilespmem:s2+$0x7E30] =	vst @p1 v30  }
0x7e3: {  	v43 =	vmovc @p1 v25;
	v25 =	vmul.f32 @p0 v40, v12;
	v35 =	vmul.f32 @p2 v35, v29;
	v29 =	vpsel p2, v41, v48;
	v48 =	vld [tilespmem:$0x1FE30]  }
0x7e4: {  	v4 =	vmul.f32 @p1 v36, v4;
	v36 =	vadd.f32 @p0 v38, v17;
	v63 =	vmul.f32 v60, v14  }
0x7e5: {  	v51 =	vmul.f32 v61, v21;
	v25 =	vadd.f32 @p0 v25, v19  }
0x7e6: {  	v4 =	vadd.f32 @p1 v4, v43;
	v2 =	vmul.f32 @p0 v36, v2;
	v49 =	vadd.f32 v63, v7  }
0x7e7: {  	v44 =	vmul.f32 @p2 v39, v0;
	v41 =	vld @p1 [tilespmem:$0x7DC0];
	v53 =	vadd.f32 v51, v9;
	v25 =	vmul.f32 @p0 v25, v40  }
0x7e8: {  	[tilespmem:s6+$0x7E30] =	vst @p1 v4;
	v2 =	vadd.f32 @p0 v2, v28;
	v52 =	vmul.f32 v49, v60;
	v35 =	vpsel p2, v35, v48  }
0x7e9: {  	v25 =	vadd.f32 @p0 v25, v27;
	v30 =	vadd.f32 @p2 v35, v29;
	v35 =	vld @p1 [tilespmem:$0x7DC0]  }
0x7ea: {  	v36 =	vadd.f32 @p2 v44, v1;
	[tilespmem:s3+$0x7E30] =	vst @p0 v2;
	v2 =	vadd.f32 v52, v8  }
0x7eb: {  	v37 =	vmul.f32 v53, v61;
	[tilespmem:s8+$0x7E30] =	vst @p0 v25  }
0x7ec: {  	s7 =	smov.u32 @p2 s5;
	v36 =	vmul.f32 @p2 v36, v39;
	v39 =	vmul.f32 @p1 v41, v11;
	[tilespmem:s0+$0x7E30] =	vst v2;
	v2 =	vld @p0 [tilespmem:$0x7DC0]  }
0x7ed: {  	v3 =	vmul.f32 @p3 v42, v3;
	v4 =	vadd.f32 @p4 v32, v54;
	v56 =	vadd.f32 v37, v10;
	[tilespmem:s7+$0x7E40] =	vst @p2 v30;
	v30 =	vld @p0 [tilespmem:$0x7DC0]  }
0x7ee: {  	v36 =	vadd.f32 @p2 v36, v20;
	v38 =	vadd.f32 @p1 v39, v13;
	v32 =	vld @p2 [tilespmem:$0x7DD0];
	v39 =	vmul.f32 @p1 v35, v15  }
0x7ef: {  	v5 =	vpsel p2, v26, v5;
	v3 =	vadd.f32 @p3 v3, v31;
	[tilespmem:s17+$0x7E30] =	vst v56;
	v55 =	vld [tilespmem:$0x7DC0]  }
0x7f0: {  	s5 =	smov.u32 @p3 s24;
	[tilespmem:s4+$0x7E50] =	vst @p2 v36;
	v25 =	vmov @p2 v18;
	v57 =	vld [tilespmem:$0x7DC0];
	v36 =	vmul.f32 @p1 v38, v41;
	v38 =	vadd.f32 @p1 v39, v22  }
0x7f1: {  	[tilespmem:s5+$0x7E50] =	vst @p3 v3;
	v18 =	vadd.f32 @p3 v33, v50;
	v25 =	vpsel p2, v25, v6;
	v6 =	vmov @p1 v24  }
0x7f2: {  	v24 =	vmovc @p2 v5;
	v5 =	vadd.f32 @p1 v36, v6;
	v39 =	vmul.f32 @p0 v30, v16;
	v33 =	vmul.f32 @p1 v38, v35  }
0x7f3: {  	v27 =	vpsel p0, v27, v0;
	v37 =	vld @p3 [tilespmem:$0x7DE0];
	v26 =	vmul.f32 @p2 v32, v25  }
0x7f4: {  	v58 =	vmul.f32 v55, v14;
	[tilespmem:s2+$0x7E40] =	vst @p1 v5;
	v35 =	vadd.f32 @p0 v39, v17;
	v5 =	vpsel p1, v33, v0  }
0x7f5: {  	v40 =	vmul.f32 @p0 v2, v12;
	v59 =	vmul.f32 v57, v21;
	v38 =	vld @p2 [tilespmem:$0x7DE0];
	v39 =	vadd.f32 @p2 v26, v24  }
0x7f6: {  	v41 =	vld @p1 [tilespmem:$0x7DD0];
	v26 =	vpsel p1, v43, v0;
	v30 =	vmul.f32 @p0 v35, v30;
	v33 =	vadd.f32 v58, v7  }
0x7f7: {  	v42 =	vadd.f32 @p1 v5, v26;
	v32 =	vmul.f32 @p2 v39, v32;
	v5 =	vmovc @p0 v28;
	v28 =	vadd.f32 @p0 v40, v19  }
0x7f8: {  	s9 =	smov.u32 @p1 s6;
	v35 =	vmul.f32 @p3 v37, v34;
	v3 =	vmul.f32 v33, v55;
	v30 =	vadd.f32 @p0 v30, v5  }
0x7f9: {  	[tilespmem:s9+$0x7E40] =	vst @p1 v42;
	v32 =	vadd.f32 @p2 v32, v29;
	v2 =	vmul.f32 @p0 v28, v2;
	v28 =	vadd.f32 v59, v9  }
0x7fa: {  	s6 =	smov.u32 @p2 s7;
	v35 =	vadd.f32 @p3 v35, v23;
	v39 =	vmul.f32 @p2 v38, v0;
	v3 =	vadd.f32 v3, v8;
	[tilespmem:s3+$0x7E40] =	vst @p0 v30;
	v30 =	vld @p1 [tilespmem:$0x7DD0]  }
0x7fb: {  	[tilespmem:s6+$0x7E50] =	vst @p2 v32;
	v32 =	vmul.f32 @p1 v41, v11;
	v33 =	vld @p0 [tilespmem:$0x7DD0];
	v2 =	vpsel p0, v2, v0;
	v28 =	vmul.f32 v28, v57  }
0x7fc: {  	v39 =	vadd.f32 @p2 v39, v1;
	[tilespmem:s0+$0x7E40] =	vst v3;
	v2 =	vadd.f32 @p0 v2, v27  }
0x7fd: {  	s7 =	smov.u32 @p0 s8;
	v15 =	vpsel p1, v15, v0;
	v32 =	vadd.f32 @p1 v32, v13;
	v61 =	vld [tilespmem:$0x7DD0]  }
0x7fe: {  	v35 =	vmul.f32 @p3 v35, v37;
	v37 =	vld @p2 [tilespmem:$0x7DE0];
	v36 =	vmul.f32 @p2 v39, v38;
	v60 =	vadd.f32 v28, v10;
	[tilespmem:s7+$0x7E40] =	vst @p0 v2  }
0x7ff: {  	v32 =	vmul.f32 @p1 v32, v41;
	v2 =	vpsel p1, v22, v0;
	v22 =	vmul.f32 @p1 v30, v15;
	v38 =	vld @p0 [tilespmem:$0x7DD0];
	v28 =	vmovc @p3 v31  }
0x800: {  	v31 =	vadd.f32 @p2 v36, v20;
	[tilespmem:s17+$0x7E40] =	vst v60;
	v36 =	vmul.f32 @p0 v33, v16;
	v35 =	vadd.f32 @p3 v35, v28  }
0x801: {  	v12 =	vpsel p0, v12, v0;
	v63 =	vld [tilespmem:$0x7DD0];
	v22 =	vadd.f32 @p1 v22, v2  }
0x802: {  	v32 =	vadd.f32 @p1 v32, v6;
	v44 =	vmul.f32 v61, v14;
	v36 =	vadd.f32 @p0 v36, v17;
	[tilespmem:s5+$0x7E60] =	vst @p3 v35  }
0x803: {  	v3 =	vpsel p2, v31, v62;
	v31 =	vmul.f32 @p2 v37, v25;
	v22 =	vmul.f32 @p1 v22, v30;
	s8 =	rddreg [dreg:$0xe]  }
0x804: {  	v48 =	vadd.f32 v44, v7;
	v35 =	vld @p3 [tilespmem:$0x7DF0];
	[tilespmem:s2+$0x7E50] =	vst @p1 v32;
	v30 =	vmul.f32 @p0 v36, v33;
	v33 =	vmul.f32 @p0 v38, v12;
	s8 =	smov.u32 @p2 s4  }
0x805: {  	v19 =	vpsel p0, v19, v0;
	v31 =	vadd.f32 @p2 v31, v24;
	v22 =	vadd.f32 @p1 v22, v26;
	[tilespmem:s8+$0x7E60] =	vst @p2 v3;
	v3 =	vld @p1 [tilespmem:$0x7DE0]  }
0x806: {  	s4 =	smov.u32 @p1 s9;
	v49 =	vmul.f32 v63, v21;
	v30 =	vadd.f32 @p0 v30, v5;
	v33 =	vadd.f32 @p0 v33, v19;
	v36 =	vld @p2 [tilespmem:$0x7DF0]  }
0x807: {  	v0 =	vpsel p2, v0, v45;
	[tilespmem:s4+$0x7E50] =	vst @p1 v22;
	v22 =	vmul.f32 v48, v61  }
0x808: {  	v31 =	vmul.f32 @p2 v31, v37;
	v32 =	vadd.f32 v49, v9;
	[tilespmem:s3+$0x7E50] =	vst @p0 v30;
	v30 =	vmul.f32 @p0 v33, v38;
	v33 =	vld @p1 [tilespmem:$0x7DE0]  }
0x809: {  	v23 =	vpsel p3, v23, v0;
	v34 =	vmul.f32 @p3 v35, v34;
	v37 =	vld @p0 [tilespmem:$0x7DE0];
	v22 =	vadd.f32 v22, v8  }
0x80a: {  	v31 =	vadd.f32 @p2 v31, v29;
	v32 =	vmul.f32 v32, v63;
	v30 =	vadd.f32 @p0 v30, v27  }
0x80b: {  	v38 =	vmul.f32 @p1 v3, v11;
	v34 =	vpsel p3, v34, v0;
	v0 =	vmul.f32 @p2 v36, v0;
	[tilespmem:s0+$0x7E50] =	vst v22  }
0x80c: {  	v1 =	vpsel p2, v1, v47;
	v32 =	vadd.f32 v32, v10;
	[tilespmem:s7+$0x7E50] =	vst @p0 v30;
	v50 =	vld [tilespmem:$0x7DE0]  }
0x80d: {  	[tilespmem:s6+$0x7E60] =	vst @p2 v31;
	v30 =	vadd.f32 @p1 v38, v13;
	v31 =	vmul.f32 @p1 v33, v15;
	v38 =	vld @p0 [tilespmem:$0x7DE0];
	v0 =	vadd.f32 @p2 v0, v1  }
0x80e: {  	v20 =	vpsel p2, v20, v46;
	v23 =	vadd.f32 @p3 v34, v23;
	[tilespmem:s17+$0x7E50] =	vst v32;
	v22 =	vmul.f32 @p0 v37, v16  }
0x80f: {  	v3 =	vmul.f32 @p1 v30, v3;
	v51 =	vld [tilespmem:$0x7DE0];
	v30 =	vpsel p3, v35, v0;
	v31 =	vadd.f32 @p1 v31, v2  }
0x810: {  	v0 =	vmul.f32 @p2 v0, v36;
	v23 =	vmul.f32 @p3 v23, v30;
	v22 =	vadd.f32 @p0 v22, v17  }
0x811: {  	v1 =	vld @p2 [tilespmem:$0x7DF0];
	v3 =	vadd.f32 @p1 v3, v6;
	v31 =	vmul.f32 @p1 v31, v33;
	v52 =	vmul.f32 v50, v14  }
0x812: {  	v28 =	vpsel p3, v28, v0;
	v22 =	vmul.f32 @p0 v22, v37;
	v33 =	vmul.f32 @p0 v38, v12  }
0x813: {  	v23 =	vadd.f32 @p3 v23, v28;
	v3 =	vpsel p1, v3, v0;
	v0 =	vadd.f32 @p2 v0, v20  }
0x814: {  	v28 =	vadd.f32 @p1 v31, v26;
	v53 =	vmul.f32 v51, v21;
	v31 =	vadd.f32 @p0 v33, v19  }
0x815: {  	s2 =	smov.u32 @p1 s2;
	v54 =	vadd.f32 v52, v7;
	v22 =	vadd.f32 @p0 v22, v5  }
0x816: {  	v20 =	vmul.f32 @p2 v1, v25;
	[tilespmem:s2+$0x7E60] =	vst @p1 v3;
	v3 =	vadd.f32 v53, v9;
	v25 =	vmul.f32 @p0 v31, v38  }
0x817: {  	s3 =	smov.u32 @p0 s3;
	v24 =	vpsel p2, v24, v0;
	[tilespmem:s4+$0x7E60] =	vst @p1 v28;
	v28 =	vld @p1 [tilespmem:$0x7DF0];
	v22 =	vpsel p0, v22, v0;
	v31 =	vmul.f32 v54, v50  }
0x818: {  	v20 =	vpsel p2, v20, v0;
	[tilespmem:s3+$0x7E60] =	vst @p0 v22;
	v22 =	vld @p1 [tilespmem:$0x7DF0];
	v3 =	vmul.f32 v3, v51;
	v25 =	vadd.f32 @p0 v25, v27  }
0x819: {  	v20 =	vadd.f32 @p2 v20, v24;
	v32 =	vld @p0 [tilespmem:$0x7DF0];
	v55 =	vadd.f32 v31, v8  }
0x81a: {  	v1 =	vpsel p2, v1, v0;
	v3 =	vadd.f32 v3, v10;
	[tilespmem:s7+$0x7E60] =	vst @p0 v25  }
0x81b: {  	v11 =	vpsel p1, v11, v0;
	v1 =	vmul.f32 @p2 v20, v1;
	[tilespmem:s0+$0x7E60] =	vst v55;
	v20 =	vld @p0 [tilespmem:$0x7DF0]  }
0x81c: {  	v13 =	vpsel p1, v13, v0;
	v16 =	vpsel p0, v16, v0;
	v11 =	vmul.f32 @p1 v28, v11;
	v56 =	vld [tilespmem:$0x7DF0];
	[tilespmem:s17+$0x7E60] =	vst v3  }
0x81d: {  	v2 =	vpsel p1, v2, v0;
	v6 =	vpsel p1, v6, v0;
	v15 =	vmul.f32 @p1 v22, v15;
	v57 =	vld [tilespmem:$0x7DF0]  }
0x81e: {  	v24 =	vpsel p2, v29, v0;
	v11 =	vadd.f32 @p1 v11, v13;
	v13 =	vmul.f32 @p0 v32, v16  }
0x81f: {  	v1 =	vadd.f32 @p2 v1, v24;
	v3 =	vpsel p1, v15, v0;
	v15 =	vpsel p0, v17, v0  }
0x820: {  	v11 =	vmul.f32 @p1 v11, v28;
	v2 =	vadd.f32 @p1 v3, v2;
	v3 =	vadd.f32 @p0 v13, v15  }
0x821: {  	v13 =	vpsel p1, v22, v0;
	v12 =	vmul.f32 @p0 v20, v12;
	v58 =	vmul.f32 v56, v14  }
0x822: {  	[tilespmem:s19+$0x7E70] =	vst @p4 v4;
	v4 =	vadd.f32 @p1 v11, v6;
	v6 =	vpsel p0, v19, v0;
	v59 =	vmul.f32 v57, v21  }
0x823: {  	s1 =	smov.u32 @p3 s5;
	[tilespmem:s28+$0x7E70] =	vst @p3 v18;
	v2 =	vmul.f32 @p1 v2, v13;
	v11 =	vpsel p0, v12, v0;
	v60 =	vadd.f32 v58, v7  }
0x824: {  	[tilespmem:s1+$0x7E70] =	vst @p3 v23;
	v6 =	vadd.f32 @p0 v11, v6;
	v11 =	vpsel p1, v26, v0;
	v61 =	vadd.f32 v59, v9  }
0x825: {  	[tilespmem:s8+$0x7E70] =	vst @p2 v0;
	s1 =	smov.u32 @p2 s6;
	v0 =	vadd.f32 @p1 v2, v11;
	v2 =	vmul.f32 v60, v56  }
0x826: {  	[tilespmem:s1+$0x7E70] =	vst @p2 v1;
	v3 =	vmul.f32 @p0 v3, v32;
	v62 =	vmul.f32 v61, v57  }
0x827: {  	s1 =	smov.u32 @p1 s4;
	[tilespmem:s2+$0x7E70] =	vst @p1 v4;
	v7 =	vpsel p0, v20, v0;
	v5 =	vpsel p0, v5, v0;
	v2 =	vadd.f32 v2, v8  }
0x828: {  	[tilespmem:s1+$0x7E70] =	vst @p1 v0;
	v1 =	vmul.f32 @p0 v6, v7;
	v3 =	vadd.f32 @p0 v3, v5  }
0x829: {  	v4 =	vpsel p0, v27, v0;
	v63 =	vadd.f32 v62, v10;
	[tilespmem:s0+$0x7E70] =	vst v2  }
0x82a: {  	v0 =	vadd.f32 @p0 v1, v4;
	[tilespmem:s3+$0x7E70] =	vst @p0 v3  }
0x82b: {  	s1 =	smov.u32 @p0 s7;
	[tilespmem:s17+$0x7E70] =	vst v63  }
0x82c: {  	[tilespmem:s1+$0x7E70] =	vst @p0 v0  }
0x82d: {  	s28 =	rddreg [dreg:$0x8]  }
0x82e: {  	s28 =	sadd.s32 $0x1, s28  }
0x82f: {  	p0 =	sne.s32 s28, $0x19  }
.Ltmp18:
0x830: {  	s24 =	sshll.u32 s11, $0x14;
	(pc) =	sbr.rel @p0 .LBB2_2-.Ltmp18, $4  }
.Ltmp19:
0x831: {  	s25 =	sor.u32 s31, s24;
	(pc) =	sbr.rel @!p0 .LBB2_35-.Ltmp19, $4  }
0x832: {  	s30 =	simm.s32 $0xFE00;
	s26 =	sshrl.u32 s25, $0x3  }
0x833: {  	s25 =	simm.s32 $0x1000;
	s0 =	sadd.s32 s29, s26;
	s26 =	simm.s32 $0x20000  }
0x834: {  	[hbm4b:s0+s25] =	stream.strided.scatter [tilespmem:s30], [sflag:$0x1], $0x8000, s26, s25, $0x38;
	[tilespmem:$0x17E00] =	vst v63  }
0x835: {  	_ = 	snop  }
.LBB2_5:
0x836: {  	_ = 	snop  }
0x837: {  	_ = 	snop  }
0x838: {  	_ = 	snop  }
0x839: {  	_ = 	snop  }
0x83a: {  	_ = 	snop  }
0x83b: {  	_ = 	snop  }
0x83c: {  	_ = 	snop  }
.Ltmp20:
0x83d: {  	(pc) =	sbr.rel .LBB2_18-.Ltmp20, $4  }
0x83e: {  	_ = 	snop  }
0x83f: {  	_ = 	snop  }
0x840: {  	v15 =	vmov v53  }
0x841: {  	s1 =	smov.u32 s19;
	v7 =	vmovc v52;
	v8 =	vmovc v51;
	s20 =	smov.u32 s18;
	v24 =	vmov v5;
	v9 =	vmov v6;
	v10 =	vmov v54  }
.LBB2_21:
0x842: {  	_ = 	snop  }
0x843: {  	_ = 	snop  }
0x844: {  	_ = 	snop  }
0x845: {  	_ = 	snop  }
0x846: {  	_ = 	snop  }
0x847: {  	_ = 	snop  }
0x848: {  	_ = 	snop  }
0x849: {  	_ = 	snop  }
.Ltmp21:
0x84a: {  	(pc) =	sbr.rel .LBB2_34-.Ltmp21, $4  }
0x84b: {  	_ = 	snop  }
0x84c: {  	_ = 	snop  }
0x84d: {  	s9 =	smov.u32 s7;
	v14 =	vmov v53;
	s17 =	smov.u32 s23  }
0x84e: {  	v7 =	vmovc v51;
	v8 =	vmovc v50;
	v21 =	vmov v6;
	v9 =	vmov v5;
	v10 =	vmov v54;
	s21 =	simm.s32 $0x0;
	s8 =	smov.u32 s12;
	s10 =	simm.s32 $0x0  }
.LBB2_7:
0x84f: {  	_ = 	snop  }
0x850: {  	_ = 	snop  }
0x851: {  	_ = 	snop  }
0x852: {  	_ = 	snop  }
0x853: {  	_ = 	snop  }
0x854: {  	_ = 	snop  }
0x855: {  	_ = 	snop  }
.Ltmp22:
0x856: {  	(pc) =	sbr.rel .LBB2_18-.Ltmp22, $4  }
0x857: {  	_ = 	snop  }
0x858: {  	v21 =	vmov v6  }
0x859: {  	s1 =	smov.u32 s22;
	v1 =	vmovc v52;
	v15 =	vmovc v12;
	v60 =	vmov v54;
	v7 =	vmov v13;
	v59 =	vmov v51  }
0x85a: {  	[tilespmem:$0x1FFE0] =	vst v53;
	s5 =	smov.u32 s19;
	s12 =	smov.u32 s18;
	v8 =	vmovc v11;
	s20 =	smov.u32 s21;
	v24 =	vmovc v14;
	v30 =	vmov v5;
	v9 =	vmov v16;
	v10 =	vmov v17  }
.LBB2_23:
0x85b: {  	_ = 	snop  }
0x85c: {  	_ = 	snop  }
0x85d: {  	_ = 	snop  }
0x85e: {  	_ = 	snop  }
0x85f: {  	_ = 	snop  }
0x860: {  	_ = 	snop  }
0x861: {  	_ = 	snop  }
.Ltmp23:
0x862: {  	(pc) =	sbr.rel .LBB2_34-.Ltmp23, $4  }
0x863: {  	_ = 	snop  }
0x864: {  	s9 =	smov.u32 s14;
	v19 =	vmov v5;
	s5 =	smov.u32 s7;
	s26 =	smov.u32 s23  }
0x865: {  	v43 =	vmovc v53;
	v14 =	vmovc v11;
	v60 =	vmov v54;
	v7 =	vmov v13;
	v59 =	vmov v50;
	s17 =	smov.u32 s30;
	s3 =	simm.s32 $0x0;
	s21 =	simm.s32 $0x400  }
0x866: {  	[tilespmem:$0x1FEE0] =	vst v51;
	v8 =	vmovc v12;
	v21 =	vmovc v15;
	v29 =	vmov v6;
	v9 =	vmov v16;
	v10 =	vmov v17;
	s15 =	smov.u32 s12;
	s8 =	smov.u32 s10;
	s10 =	simm.s32 $0x0  }
.LBB2_9:
0x867: {  	_ = 	snop  }
0x868: {  	_ = 	snop  }
0x869: {  	_ = 	snop  }
0x86a: {  	_ = 	snop  }
0x86b: {  	_ = 	snop  }
0x86c: {  	_ = 	snop  }
0x86d: {  	_ = 	snop  }
.Ltmp24:
0x86e: {  	(pc) =	sbr.rel .LBB2_18-.Ltmp24, $4  }
0x86f: {  	v48 =	vmov v5;
	v46 =	vmov v52  }
0x870: {  	v21 =	vmovc v16;
	v47 =	vmovc v6;
	v1 =	vmov v13;
	v15 =	vmov v22;
	v42 =	vmov v51  }
0x871: {  	s1 =	smov.u32 s23;
	v60 =	vmovc v17;
	v7 =	vmovc v18;
	v43 =	vmov v54;
	s6 =	smov.u32 s18;
	s5 =	smov.u32 s22;
	v59 =	vmov v11;
	v8 =	vmov v20  }
0x872: {  	[tilespmem:$0x1FFE0] =	vst v12;
	s3 =	smov.u32 s19;
	s12 =	smov.u32 s21;
	s20 =	smov.u32 s0;
	v25 =	vmovc v53;
	v24 =	vmovc v50;
	v30 =	vmov v14;
	v9 =	vmov v49;
	v10 =	vmov v23  }
.LBB2_25:
0x873: {  	_ = 	snop  }
0x874: {  	_ = 	snop  }
0x875: {  	_ = 	snop  }
0x876: {  	_ = 	snop  }
0x877: {  	_ = 	snop  }
0x878: {  	_ = 	snop  }
.Ltmp25:
0x879: {  	s0 =	simm.s32 $0x0;
	(pc) =	sbr.rel .LBB2_34-.Ltmp25, $4  }
0x87a: {  	v48 =	vmov v6;
	s9 =	smov.u32 s6;
	s5 =	smov.u32 s14;
	s20 =	smov.u32 s7  }
0x87b: {  	v47 =	vmovc v51;
	v19 =	vmovc v16;
	v43 =	vmov v11;
	v14 =	vmov v22;
	v45 =	vmov v50;
	s8 =	smov.u32 s2;
	s25 =	smov.u32 s23;
	s26 =	smov.u32 s30  }
0x87c: {  	[tilespmem:$0x1FED0] =	vst v5;
	v60 =	vmovc v17;
	v7 =	vmovc v18;
	v46 =	vmov v54;
	v59 =	vmov v12;
	v8 =	vmov v20;
	s17 =	rddreg [dreg:$0xf];
	s3 =	simm.s32 $0x400;
	s21 =	simm.s32 $0x800  }
0x87d: {  	[tilespmem:$0x1FEE0] =	vst v13;
	v25 =	vmovc v53;
	v21 =	vmovc v52;
	v29 =	vmov v15;
	v9 =	vmov v23;
	v10 =	vmov v24;
	s15 =	smov.u32 s10;
	s10 =	simm.s32 $0x0;
	[dreg:$0x12] =	wrdreg s0  }
.LBB2_11:
0x87e: {  	_ = 	snop  }
0x87f: {  	_ = 	snop  }
0x880: {  	_ = 	snop  }
.Ltmp26:
0x881: {  	(pc) =	sbr.rel .LBB2_18-.Ltmp26, $4  }
0x882: {  	v15 =	vmovc v25;
	v24 =	vmov v30;
	v48 =	vmov v14;
	v46 =	vmov v13  }
0x883: {  	s1 =	smov.u32 s3;
	v21 =	vmovc v49;
	v47 =	vmovc v16;
	v1 =	vmov v18;
	v42 =	vmov v11;
	v60 =	vmov v23  }
0x884: {  	v43 =	vmovc v17;
	s6 =	smov.u32 s21;
	s5 =	smov.u32 s23;
	v59 =	vmovc v20;
	s3 =	smov.u32 s22;
	v25 =	vmov v12;
	v30 =	vmov v50;
	v35 =	vmov v51  }
0x885: {  	[tilespmem:$0x1FFE0] =	vst v22;
	s12 =	smov.u32 s0;
	v50 =	vmovc v5;
	v28 =	vmovc v63;
	s9 =	smov.u32 s18;
	v49 =	vmov v6;
	v40 =	vmov v54;
	s10 =	smov.u32 s19;
	v32 =	vmov v61  }
.LBB2_27:
0x886: {  	_ = 	snop  }
0x887: {  	_ = 	snop  }
.Ltmp27:
0x888: {  	s9 =	smov.u32 s20;
	s13 =	simm.s32 $0x0;
	(pc) =	sbr.rel .LBB2_34-.Ltmp27, $4  }
0x889: {  	v14 =	vmov v25;
	v21 =	vmov v29;
	v48 =	vmov v15;
	s5 =	smov.u32 s6;
	s20 =	smov.u32 s14;
	s15 =	smov.u32 s2  }
0x88a: {  	v47 =	vmovc v13;
	v19 =	vmovc v23;
	v43 =	vmov v22;
	v45 =	vmov v12;
	v60 =	vmov v24;
	s25 =	smov.u32 s30;
	s26 =	rddreg [dreg:$0xf];
	s0 =	simm.s32 $0x400  }
0x88b: {  	[tilespmem:$0x1FED0] =	vst v16;
	v46 =	vmovc v17;
	v59 =	vmovc v20;
	v25 =	vmov v11;
	v29 =	vmov v52;
	s3 =	simm.s32 $0x800;
	v35 =	vmov v50;
	s12 =	smov.u32 s10;
	s30 =	smov.u32 s23  }
0x88c: {  	[tilespmem:$0x1FEE0] =	vst v18;
	v52 =	vmovc v6;
	v28 =	vmovc v63;
	v49 =	vmov v5;
	v41 =	vmov v54;
	s10 =	simm.s32 $0x0;
	[dreg:$0x12] =	wrdreg s0;
	v32 =	vmov v61;
	s0 =	smov.u32 s7  }
.LBB2_13:
0x88d: {  	v21 =	vmov v9  }
0x88e: {  	v1 =	vmovc v7;
	v60 =	vmovc v10;
	v59 =	vmov v8;
	v19 =	vmov v50;
	v0 =	vmov v3  }
.Ltmp28:
0x88f: {  	v31 =	vmovc v54;
	v35 =	vmovc v11;
	v4 =	vmov v49;
	v50 =	vmov v14;
	v28 =	vmov v2;
	(pc) =	sbr.rel .LBB2_18-.Ltmp28, $4  }
0x890: {  	s1 =	smov.u32 s5;
	v49 =	vmovc v16;
	v7 =	vmovc v43;
	v43 =	vmov v23;
	v36 =	vmov v53;
	v41 =	vmov v52  }
0x891: {  	[tilespmem:$0x1FFE0] =	vst v25;
	s5 =	smov.u32 s3;
	s12 =	smov.u32 s20;
	s4 =	smov.u32 s18;
	v40 =	vmovc v17;
	v53 =	vmovc v12;
	v8 =	vmov v47;
	v52 =	vmov v13;
	v25 =	vmov v22  }
0x892: {  	s8 =	smov.u32 s19;
	s9 =	smov.u32 s21;
	s6 =	smov.u32 s0;
	v24 =	vmovc v42;
	v42 =	vmovc v20;
	v9 =	vmov v46;
	v46 =	vmov v18;
	v10 =	vmov v48  }
0x893: {  	s3 =	smov.u32 s23;
	s10 =	smov.u32 s22;
	s20 =	smov.u32 s2;
	v44 =	vmovc v6;
	v34 =	vmovc v5;
	v57 =	vmov v62;
	v47 =	vmov v4;
	v48 =	vmov v19  }
.LBB2_29:
0x894: {  	s9 =	smov.u32 s5;
	s13 =	simm.s32 $0x400  }
0x895: {  	v19 =	vmovc v9;
	v9 =	vmovc v25;
	v60 =	vmov v10;
	s5 =	smov.u32 s20;
	v59 =	vmov v8;
	s15 =	smov.u32 s8;
	s26 =	smov.u32 s17;
	v4 =	vmov v52  }
.Ltmp29:
0x896: {  	v0 =	vmovc v1;
	v31 =	vmovc v54;
	v58 =	vmov v62;
	s28 =	smov.u32 s1;
	s0 =	simm.s32 $0x800;
	v35 =	vmov v12;
	v52 =	vmov v15;
	(pc) =	sbr.rel .LBB2_34-.Ltmp29, $4  }
0x897: {  	[tilespmem:$0x1FEE0] =	vst v7;
	s3 =	simm.s32 $0xC00;
	s21 =	simm.s32 $0x1000;
	s24 =	smov.u32 s23;
	v28 =	vmovc v2;
	v49 =	vmovc v16;
	v7 =	vmov v45;
	v45 =	vmov v20;
	v36 =	vmov v53  }
0x898: {  	s12 =	smov.u32 s2;
	s20 =	smov.u32 s6;
	v38 =	vmovc v51;
	v41 =	vmovc v17;
	v53 =	vmov v11;
	v8 =	vmov v47;
	v47 =	vmov v18;
	s25 =	rddreg [dreg:$0xf]  }
0x899: {  	v51 =	vmovc v13;
	s8 =	smov.u32 s31;
	v25 =	vmovc v22;
	v21 =	vmov v43;
	s17 =	smov.u32 s22;
	v10 =	vmov v48;
	v42 =	vmov v5;
	s31 =	rddreg [dreg:$0x5]  }
0x89a: {  	[tilespmem:$0x1FED0] =	vst v23;
	v34 =	vmovc v6;
	s22 =	simm.s32 $0x800;
	[dreg:$0x12] =	wrdreg s0;
	s0 =	smov.u32 s14;
	v43 =	vmovc v9;
	v48 =	vmov v4;
	v9 =	vmov v46;
	v46 =	vmov v24  }
.LBB2_15:
0x89b: {  	v2 =	vmov v8;
	v31 =	vmov v17;
	v50 =	vld [tilespmem:$0x1FF20]  }
.Ltmp30:
0x89c: {  	v21 =	vmovc v46;
	v46 =	vmovc v7;
	v35 =	vmov v20;
	v45 =	vmov v6;
	v1 =	vmov v43;
	v49 =	vld [tilespmem:$0x1FF30];
	(pc) =	sbr.rel .LBB2_18-.Ltmp30, $4  }
0x89d: {  	[tilespmem:$0x1FFE0] =	vst v15;
	v43 =	vmovc v10;
	v15 =	vmovc v60;
	v60 =	vmov v48;
	v48 =	vmov v30;
	v7 =	vmov v59;
	v54 =	vld [tilespmem:$0x1FFD0]  }
0x89e: {  	s6 =	smov.u32 s20;
	s4 =	smov.u32 s21;
	v36 =	vmovc v12;
	v59 =	vmovc v47;
	v47 =	vmov v9;
	v41 =	vmov v13;
	v9 =	vmov v61;
	v61 =	vld [tilespmem:$0x1FF00]  }
0x89f: {  	s8 =	smov.u32 s22;
	s9 =	smov.u32 s0;
	s12 =	smov.u32 s2;
	v40 =	vmovc v23;
	v53 =	vmovc v22;
	v8 =	vmov v62;
	v52 =	vmov v18;
	v51 =	vmov v11;
	v62 =	vld [tilespmem:$0x1FF10]  }
0x8a0: {  	s10 =	smov.u32 s23;
	s20 =	smov.u32 s11;
	s7 =	smov.u32 s19;
	v30 =	vmovc v42;
	v10 =	vmovc v63;
	v44 =	vmov v16;
	v34 =	vmov v14;
	v63 =	vld [tilespmem:$0x1FEF0];
	v42 =	vmov v2  }
.LBB2_31:
0x8a1: {  	s24 =	rddreg [dreg:$0xd]  }
0x8a2: {  	s12 =	smov.u32 s8;
	s25 =	smov.u32 s17;
	s23 =	rddreg [dreg:$0xa]  }
0x8a3: {  	v1 =	vmov v7;
	v2 =	vmov v14;
	s13 =	simm.s32 $0x800;
	v31 =	vmov v17;
	s0 =	simm.s32 $0xC00;
	s30 =	rddreg [dreg:$0xf]  }
.Ltmp31:
0x8a4: {  	v19 =	vmovc v46;
	v46 =	vmovc v10;
	v35 =	vmov v20;
	v44 =	vmov v5;
	[tilespmem:$0x1FEE0] =	vst v45;
	v45 =	vmov v8;
	v52 =	vld [tilespmem:$0x1FE20];
	s8 =	smov.u32 s29;
	s29 =	rddreg [dreg:$0x1];
	(pc) =	sbr.rel .LBB2_34-.Ltmp31, $4  }
0x8a5: {  	s21 =	simm.s32 $0x1400;
	v14 =	vmovc v60;
	v60 =	vmovc v48;
	v48 =	vmov v29;
	v49 =	vmov v23;
	v7 =	vmov v59;
	s15 =	smov.u32 s31;
	v54 =	vld [tilespmem:$0x1FEC0];
	s31 =	rddreg [dreg:$0x5]  }
0x8a6: {  	[tilespmem:$0x1FED0] =	vst v9;
	v36 =	vmovc v11;
	v59 =	vmovc v47;
	v38 =	vmov v13;
	v41 =	vmov v24;
	s26 =	smov.u32 s22;
	v9 =	vmov v61;
	s17 =	smov.u32 s14;
	s11 =	rddreg [dreg:$0x9];
	v61 =	vld [tilespmem:$0x1FE00]  }
0x8a7: {  	v53 =	vmovc v22;
	v8 =	vmovc v63;
	v51 =	vmov v18;
	v50 =	vmov v12;
	v10 =	vmov v62;
	s7 =	rddreg [dreg:$0xb];
	s16 =	simm.s32 $0x400;
	s22 =	simm.s32 $0x800;
	v62 =	vld [tilespmem:$0x1FE10]  }
0x8a8: {  	v29 =	vmovc v43;
	v42 =	vmovc v16;
	v34 =	vmov v15;
	v63 =	vld [tilespmem:$0x1FDF0];
	[dreg:$0x12] =	wrdreg s0;
	v47 =	vmov v1;
	s0 =	smov.u32 s6;
	s19 =	smov.u32 s23;
	v43 =	vmov v2  }
.LBB2_36:
0x8a9: {  	_ =	sfence.sel $0x180000  }
0x8aa: {  	[bflag:$0x0] =	sbarrier.arrive $0xFFFF  }
0x8ab: {  	_ =	strace $0x90000047  }
0x8ac: {  	s0 =	stileid.u32;
	[bflag:$0x2] =	sbarrier.arrive $0xFFFF  }
0x8ad: {  	p0 =	sne.s32 s0, $0x0;
	s0 =	rddreg [dreg:$0x2]  }
0x8ae: {  	s0 =	sadd.s32 @!p0 $0x100000, s0  }
0x8af: {  	[sflag:s0] =	ssyncadd.tile.s32 @!p0 $0x1;
	_ =	shalt  }
.Lfunc_end2:
_tile_overlayer_lowered:
.L_overlay_start_2:
0x8b0: {  	(tag) =	ssettag $0x2  }
0x8b1: {  	s0 =	rddreg [dreg:$0x0];
	s2 =	stileid.u32  }
0x8b2: {  	s1 =	rddreg [dreg:$0x1];
	p0 =	sne.s32 s2, $0x0  }
0x8b3: {  	s3 =	rddreg [dreg:$0x2];
	[bflag:$0x3] =	sbarrier.arrive $0xFFFF;
	s2 =	simm.s32 @!p0 $0x1C02  }
0x8b4: {  	[timem:s3], [sflag:s2] =	dma.local @!p0 [hbm:s0], s1  }
0x8b5: {  	s0 =	simm.s32 @!p0 $0x2  }
0x8b6: {  	_ =	swait.ge @!p0 [sflag:s0], s1  }
0x8b7: {  	s1 =	ssub.s32 @!p0 $0x0, s1;
	[sflag:s0] =	ssyncset.done @!p0 $0x0  }
0x8b8: {  	[sflag:s0] =	ssyncadd.s32 @!p0 s1  }
0x8b9: {  	[bflag:$0x3] =	sbarrier.arrive $0xFFFF  }
0x8ba: {  	_ =	shalt  }

</sc_bundles>
